<compile_context>
chip_gen: v7x
topology: tpu7x:2x2x1
jax: 0.10.2.dev20260603
libtpu: 0.0.44.dev20260713+nightly
codegen_flags: <defaults>
</compile_context>

<pallas_src>
import functools

import jax
import jax.numpy as jnp
from jax import lax
from jax.experimental import pallas as pl
from jax.experimental.pallas import tpu as pltpu
from jax.experimental.pallas import tpu_sc as plsc

_BATCH = 16384
_HIST = 50
_DIM = 64
_LANES = 16
_NBINS = 512
_QS = _NBINS // 128
_NCORES = 2
_NSUB = 16
_NW = _NCORES * _NSUB
_CHUNK = 64
_GPC = _CHUNK // _LANES
_NSPLIT = 1


def _sc_counts(x_flat, lut, nb, off):
    bpw = nb // _NW
    nchunk = bpw // _CHUNK
    mesh = plsc.VectorSubcoreMesh(
        core_axis_name="c", subcore_axis_name="s",
        num_cores=_NCORES, num_subcores=_NSUB)

    @functools.partial(
        pl.kernel,
        out_type=jax.ShapeDtypeStruct((_QS * nb * 128,), jnp.float32),
        mesh=mesh,
        scratch_types=[
            pltpu.VMEM((_CHUNK, _HIST), jnp.int32),
            pltpu.VMEM((_CHUNK, _HIST), jnp.int32),
            pltpu.VMEM((_NBINS,), jnp.int32),
            pltpu.VMEM((_CHUNK * _NBINS,), jnp.float32),
            pltpu.VMEM((_CHUNK * _NBINS,), jnp.float32),
            pltpu.SemaphoreType.DMA,
            pltpu.SemaphoreType.DMA,
            pltpu.SemaphoreType.DMA,
        ],
        compiler_params=pltpu.CompilerParams(needs_layout_passes=False),
    )
    def k(x_hbm, lut_hbm, counts_hbm, xv0, xv1, lutv, hist0, hist1,
          sem0, sem1, xsem):
        wid = lax.axis_index("s") * _NCORES + lax.axis_index("c")
        pltpu.sync_copy(lut_hbm, lutv)
        xvs = (xv0, xv1)
        xpend = pltpu.async_copy(
            x_hbm.at[pl.ds(off + wid * bpw, _CHUNK)], xv0, xsem)

        lanes = lax.broadcasted_iota(jnp.int32, (_LANES,), 0)
        zeros16 = jnp.zeros((_LANES,), jnp.float32)
        ones16 = jnp.ones((_LANES,), jnp.float32)
        hists = (hist0, hist1)
        sems = (sem0, sem1)
        pending = [None, None]

        for c in range(nchunk):
            hist = hists[c % 2]
            xv = xvs[c % 2]
            xpend.wait()
            if c + 1 < nchunk:
                xpend = pltpu.async_copy(
                    x_hbm.at[pl.ds(off + wid * bpw + (c + 1) * _CHUNK, _CHUNK)],
                    xvs[(c + 1) % 2], xsem)
            if pending[c % 2] is not None:
                for p in pending[c % 2]:
                    p.wait()

            _ZUNROLL = 32
            def zero_body(i, _):
                for z in range(_ZUNROLL):
                    hist[pl.ds((i * _ZUNROLL + z) * _LANES, _LANES)] = zeros16
                return _
            lax.fori_loop(0, _CHUNK * _NBINS // (_LANES * _ZUNROLL),
                          zero_body, None)

            @plsc.parallel_loop(0, _HIST * _GPC, step=1, unroll=4)
            def _scatter(i):
                g = i & (_GPC - 1)
                l = lax.shift_right_logical(i, 2)
                bag_local = lax.shift_left(g, 4) + lanes
                idx = plsc.load_gather(
                    xv, [bag_local, jnp.full((_LANES,), l, jnp.int32)])
                row = plsc.load_gather(lutv, [idx])
                q = lax.shift_right_logical(row, 7)
                r = row & 127
                pos = (lax.shift_left(q, 13) + lax.shift_left(bag_local, 7)) + r
                plsc.addupdate_scatter(hist, [pos], ones16)

            bagbase = wid * bpw + c * _CHUNK
            ps = []
            for q in range(_QS):
                dst = counts_hbm.at[pl.ds(
                    (q * nb + bagbase) * 128, _CHUNK * 128)]
                src = hist.at[pl.ds(q * _CHUNK * 128, _CHUNK * 128)]
                ps.append(pltpu.async_copy(src, dst, sems[c % 2]))
            pending[c % 2] = ps

        for p in pending[0] + pending[1]:
            p.wait()

    return k(x_flat, lut)


def _tc_matmul(counts3, w3, nb):
    bb = 2048

    def body(c_ref, w_ref, o_ref):
        acc = jnp.dot(c_ref[0], w_ref[0], preferred_element_type=jnp.float32)
        for q in range(1, _QS):
            acc += jnp.dot(c_ref[q], w_ref[q],
                           preferred_element_type=jnp.float32)
        o_ref[...] = acc

    return pl.pallas_call(
        body,
        grid=(nb // bb,),
        in_specs=[
            pl.BlockSpec((_QS, bb, 128), lambda i: (0, i, 0)),
            pl.BlockSpec((_QS, 128, _DIM), lambda i: (0, 0, 0)),
        ],
        out_specs=pl.BlockSpec((bb, _DIM), lambda i: (i, 0)),
        out_shape=jax.ShapeDtypeStruct((nb, _DIM), jnp.float32),
    )(counts3, w3)


def kernel(x, weight):
    r = jnp.arange(_NBINS, dtype=jnp.int32)
    lut = jnp.clip(
        r.astype(jnp.float32).astype(jnp.float8_e4m3fn).astype(jnp.float32)
        .astype(jnp.int32), 0, _NBINS - 1)
    w3 = weight[:_NBINS].reshape(_QS, 128, _DIM)
    nb = _BATCH // _NSPLIT
    outs = []
    for h in range(_NSPLIT):
        counts = _sc_counts(x, lut, nb, h * nb)
        outs.append(_tc_matmul(counts.reshape(_QS, nb, 128), w3, nb))
    return outs[0] if _NSPLIT == 1 else jnp.concatenate(outs, axis=0)

# --- scband reference (transcript-rebuilt; emitter-appended) ---
"""Pipeline reference for scband-fp8-embedding-bag-34093450395866 (READ-ONLY COPY).

The authoritative reference and input builder live on the scoring server;
editing this copy changes nothing except your own understanding.
"""

import jax, jax.numpy as jnp
import numpy as np

VOCAB = 100000
DIM = 64
BATCH = 16384
HIST = 50
IDX_MAX = 448


def qdq_fp8(x):
    # Faithful emulation of torch's x.to(torch.float8_e4m3fn).to(torch.float32)
    return x.astype(jnp.float8_e4m3fn).astype(jnp.float32)


def setup_inputs(seed: int = 0) -> dict:
    key = jax.random.key(seed)
    k1, k2 = jax.random.split(key)
    # Indices must be <= 448 (fp8 e4m3 max) or the original module raises.
    # int32 used to avoid requiring jax_enable_x64; values identical to int64 spec.
    x = jax.random.randint(k1, (BATCH, HIST), 0, IDX_MAX, dtype=jnp.int32)
    w = jax.random.normal(k2, (VOCAB, DIM), dtype=jnp.float32) * 0.05
    # __init__ applies qdq_fp8 to the original weight; materialize post-qdq param.
    weight = qdq_fp8(w)
    return {"x": x, "weight": weight}


def reference(x, weight):
    # Forward quantize-dequantizes the indices through fp8 (quirk of the module),
    # then performs embedding_bag with mode='sum' over the bag (last) dimension.
    qdq_x = qdq_fp8(x.astype(jnp.float32))
    idx = qdq_x.astype(jnp.int32)
    emb = jnp.take(weight, idx, axis=0)  # [B, L, D]
    return jnp.sum(emb, axis=1)  # [B, D]

if __name__ == "__main__":
    import jax
    _d = setup_inputs()
    print(jax.jit(kernel)(*tuple(_d.values())))

</pallas_src>

<mosaic_0001>
#map = affine_map<(d0, d1) -> (0, 0)>
#map1 = affine_map<(d0, d1) -> (0)>
module attributes {stable_mosaic.version = 14 : i64} {
  func.func @k(%arg0: i32, %arg1: i32, %arg2: memref<16384x50xi32, #tpu.memory_space<hbm>>, %arg3: memref<512xi32, #tpu.memory_space<hbm>>, %arg4: memref<8388608xf32, #tpu.memory_space<hbm>>, %arg5: memref<64x50xi32, #tpu.memory_space<vmem>>, %arg6: memref<64x50xi32, #tpu.memory_space<vmem>>, %arg7: memref<512xi32, #tpu.memory_space<vmem>>, %arg8: memref<32768xf32, #tpu.memory_space<vmem>>, %arg9: memref<32768xf32, #tpu.memory_space<vmem>>, %arg10: memref<!tpu.dma_semaphore, #tpu.memory_space<semaphore_mem>>, %arg11: memref<!tpu.dma_semaphore, #tpu.memory_space<semaphore_mem>>, %arg12: memref<!tpu.dma_semaphore, #tpu.memory_space<semaphore_mem>>) attributes {dimension_semantics = [#tpu.dimension_semantics<core_parallel>, #tpu.dimension_semantics<subcore_parallel>], iteration_bounds = array<i64: 2, 16>, scalar_prefetch = 0 : i64, scratch_operands = 8 : i64, tpu.core_type = #tpu.core_type<sc_vector_subcore>, window_params = [{transform_indices = #map}, {transform_indices = #map1}, {transform_indices = #map1}]} {
    %mul3A = arith.constant 2 : i32
    %mul3A_0 = arith.muli %arg1, %mul3A : i32
    %add3A = arith.addi %mul3A_0, %arg0 : i32
    "tpu.region"() ({
      %run_scoped3A = tpu.sem_alloc : memref<!tpu.dma_semaphore, #tpu.memory_space<semaphore_mem>>
      tpu.enqueue_dma source(%arg3 : memref<512xi32, #tpu.memory_space<hbm>>) target(%arg7 : memref<512xi32, #tpu.memory_space<vmem>>) target_semaphore(%run_scoped3A : memref<!tpu.dma_semaphore, #tpu.memory_space<semaphore_mem>>)
      tpu.wait_dma2 semaphore(%run_scoped3A : memref<!tpu.dma_semaphore, #tpu.memory_space<semaphore_mem>>) src(%arg3 : memref<512xi32, #tpu.memory_space<hbm>>) dst(%arg7 : memref<512xi32, #tpu.memory_space<vmem>>)
      tpu.yield
    }) : () -> ()
    %mul3A_1 = arith.constant 512 : i32
    %mul3A_2 = arith.muli %add3A, %mul3A_1 : i32
    %add3A_3 = arith.constant 0 : i32
    %add3A_4 = arith.addi %add3A_3, %mul3A_2 : i32
    %dma_start3A = arith.constant 0 : i32
    %dma_start3A_5 = tpu.memref_slice %arg2[%add3A_4, %dma_start3A] : memref<16384x50xi32, #tpu.memory_space<hbm>> -> memref<64x50xi32, #tpu.memory_space<hbm>>
    %dma_start3A_6 = arith.constant 0 : i32
    %dma_start3A_7 = tpu.memref_slice %arg2[%add3A_4, %dma_start3A_6] : memref<16384x50xi32, #tpu.memory_space<hbm>> -> memref<64x50xi32, #tpu.memory_space<hbm>>
    tpu.enqueue_dma source(%dma_start3A_7 : memref<64x50xi32, #tpu.memory_space<hbm>>) target(%arg5 : memref<64x50xi32, #tpu.memory_space<vmem>>) target_semaphore(%arg12 : memref<!tpu.dma_semaphore, #tpu.memory_space<semaphore_mem>>)
    %iota3A = tpu.iota {dimensions = array<i32: 0>} : vector<16xi32>
    %broadcast_in_dim3A = arith.constant 0.000000e+00 : f32
    %broadcast_in_dim3A_8 = vector.broadcast %broadcast_in_dim3A : f32 to vector<16xf32>
    %broadcast_in_dim3A_9 = arith.constant 1.000000e+00 : f32
    %broadcast_in_dim3A_10 = vector.broadcast %broadcast_in_dim3A_9 : f32 to vector<16xf32>
    %dma_wait3A = arith.constant 0 : i32
    %dma_wait3A_11 = tpu.memref_slice %arg2[%add3A_4, %dma_wait3A] : memref<16384x50xi32, #tpu.memory_space<hbm>> -> memref<64x50xi32, #tpu.memory_space<hbm>>
    %dma_wait3A_12 = arith.constant 0 : i32
    %dma_wait3A_13 = tpu.memref_slice %arg2[%add3A_4, %dma_wait3A_12] : memref<16384x50xi32, #tpu.memory_space<hbm>> -> memref<64x50xi32, #tpu.memory_space<hbm>>
    tpu.wait_dma2 semaphore(%arg12 : memref<!tpu.dma_semaphore, #tpu.memory_space<semaphore_mem>>) src(%dma_wait3A_13 : memref<64x50xi32, #tpu.memory_space<hbm>>) dst(%arg5 : memref<64x50xi32, #tpu.memory_space<vmem>>)
    %mul3A_14 = arith.constant 512 : i32
    %mul3A_15 = arith.muli %add3A, %mul3A_14 : i32
    %add3A_16 = arith.constant 0 : i32
    %add3A_17 = arith.addi %add3A_16, %mul3A_15 : i32
    %add3A_18 = arith.constant 64 : i32
    %add3A_19 = arith.addi %add3A_17, %add3A_18 : i32
    %dma_start3A_20 = arith.constant 0 : i32
    %dma_start3A_21 = tpu.memref_slice %arg2[%add3A_19, %dma_start3A_20] : memref<16384x50xi32, #tpu.memory_space<hbm>> -> memref<64x50xi32, #tpu.memory_space<hbm>>
    %dma_start3A_22 = arith.constant 0 : i32
    %dma_start3A_23 = tpu.memref_slice %arg2[%add3A_19, %dma_start3A_22] : memref<16384x50xi32, #tpu.memory_space<hbm>> -> memref<64x50xi32, #tpu.memory_space<hbm>>
    tpu.enqueue_dma source(%dma_start3A_23 : memref<64x50xi32, #tpu.memory_space<hbm>>) target(%arg6 : memref<64x50xi32, #tpu.memory_space<vmem>>) target_semaphore(%arg12 : memref<!tpu.dma_semaphore, #tpu.memory_space<semaphore_mem>>)
    %scan3A = arith.constant 0 : i32
    %scan3A_24 = arith.constant 64 : i32
    %scan3A_25 = arith.addi %scan3A, %scan3A_24 : i32
    %scan3A_26 = arith.constant 1 : i32
    scf.for %scan3A_718 = %scan3A to %scan3A_25 step %scan3A_26  : i32 {
      %mul3A_719 = arith.constant 32 : i32
      %mul3A_720 = arith.muli %scan3A_718, %mul3A_719 : i32
      %add3A_721 = arith.constant 0 : i32
      %add3A_722 = arith.addi %mul3A_720, %add3A_721 : i32
      %mul3A_723 = arith.constant 16 : i32
      %mul3A_724 = arith.muli %add3A_722, %mul3A_723 : i32
      %swap3A = arith.index_cast %mul3A_724 : i32 to index
      %swap3A_725 = tpu.vector_load %arg8[%swap3A] {strides = array<i32>} : memref<32768xf32, #tpu.memory_space<vmem>>, vector<16xf32>,
      tpu.vector_store %arg8[%swap3A], %broadcast_in_dim3A_8 {strides = array<i32>} : memref<32768xf32, #tpu.memory_space<vmem>>, vector<16xf32>,
      %mul3A_726 = arith.constant 32 : i32
      %mul3A_727 = arith.muli %scan3A_718, %mul3A_726 : i32
      %add3A_728 = arith.constant 1 : i32
      %add3A_729 = arith.addi %mul3A_727, %add3A_728 : i32
      %mul3A_730 = arith.constant 16 : i32
      %mul3A_731 = arith.muli %add3A_729, %mul3A_730 : i32
      %swap3A_732 = arith.index_cast %mul3A_731 : i32 to index
      %swap3A_733 = tpu.vector_load %arg8[%swap3A_732] {strides = array<i32>} : memref<32768xf32, #tpu.memory_space<vmem>>, vector<16xf32>,
      tpu.vector_store %arg8[%swap3A_732], %broadcast_in_dim3A_8 {strides = array<i32>} : memref<32768xf32, #tpu.memory_space<vmem>>, vector<16xf32>,
      %mul3A_734 = arith.constant 32 : i32
      %mul3A_735 = arith.muli %scan3A_718, %mul3A_734 : i32
      %add3A_736 = arith.constant 2 : i32
      %add3A_737 = arith.addi %mul3A_735, %add3A_736 : i32
      %mul3A_738 = arith.constant 16 : i32
      %mul3A_739 = arith.muli %add3A_737, %mul3A_738 : i32
      %swap3A_740 = arith.index_cast %mul3A_739 : i32 to index
      %swap3A_741 = tpu.vector_load %arg8[%swap3A_740] {strides = array<i32>} : memref<32768xf32, #tpu.memory_space<vmem>>, vector<16xf32>,
      tpu.vector_store %arg8[%swap3A_740], %broadcast_in_dim3A_8 {strides = array<i32>} : memref<32768xf32, #tpu.memory_space<vmem>>, vector<16xf32>,
      %mul3A_742 = arith.constant 32 : i32
      %mul3A_743 = arith.muli %scan3A_718, %mul3A_742 : i32
      %add3A_744 = arith.constant 3 : i32
      %add3A_745 = arith.addi %mul3A_743, %add3A_744 : i32
      %mul3A_746 = arith.constant 16 : i32
      %mul3A_747 = arith.muli %add3A_745, %mul3A_746 : i32
      %swap3A_748 = arith.index_cast %mul3A_747 : i32 to index
      %swap3A_749 = tpu.vector_load %arg8[%swap3A_748] {strides = array<i32>} : memref<32768xf32, #tpu.memory_space<vmem>>, vector<16xf32>,
      tpu.vector_store %arg8[%swap3A_748], %broadcast_in_dim3A_8 {strides = array<i32>} : memref<32768xf32, #tpu.memory_space<vmem>>, vector<16xf32>,
      %mul3A_750 = arith.constant 32 : i32
      %mul3A_751 = arith.muli %scan3A_718, %mul3A_750 : i32
      %add3A_752 = arith.constant 4 : i32
      %add3A_753 = arith.addi %mul3A_751, %add3A_752 : i32
      %mul3A_754 = arith.constant 16 : i32
      %mul3A_755 = arith.muli %add3A_753, %mul3A_754 : i32
      %swap3A_756 = arith.index_cast %mul3A_755 : i32 to index
      %swap3A_757 = tpu.vector_load %arg8[%swap3A_756] {strides = array<i32>} : memref<32768xf32, #tpu.memory_space<vmem>>, vector<16xf32>,
      tpu.vector_store %arg8[%swap3A_756], %broadcast_in_dim3A_8 {strides = array<i32>} : memref<32768xf32, #tpu.memory_space<vmem>>, vector<16xf32>,
      %mul3A_758 = arith.constant 32 : i32
      %mul3A_759 = arith.muli %scan3A_718, %mul3A_758 : i32
      %add3A_760 = arith.constant 5 : i32
      %add3A_761 = arith.addi %mul3A_759, %add3A_760 : i32
      %mul3A_762 = arith.constant 16 : i32
      %mul3A_763 = arith.muli %add3A_761, %mul3A_762 : i32
      %swap3A_764 = arith.index_cast %mul3A_763 : i32 to index
      %swap3A_765 = tpu.vector_load %arg8[%swap3A_764] {strides = array<i32>} : memref<32768xf32, #tpu.memory_space<vmem>>, vector<16xf32>,
      tpu.vector_store %arg8[%swap3A_764], %broadcast_in_dim3A_8 {strides = array<i32>} : memref<32768xf32, #tpu.memory_space<vmem>>, vector<16xf32>,
      %mul3A_766 = arith.constant 32 : i32
      %mul3A_767 = arith.muli %scan3A_718, %mul3A_766 : i32
      %add3A_768 = arith.constant 6 : i32
      %add3A_769 = arith.addi %mul3A_767, %add3A_768 : i32
      %mul3A_770 = arith.constant 16 : i32
      %mul3A_771 = arith.muli %add3A_769, %mul3A_770 : i32
      %swap3A_772 = arith.index_cast %mul3A_771 : i32 to index
      %swap3A_773 = tpu.vector_load %arg8[%swap3A_772] {strides = array<i32>} : memref<32768xf32, #tpu.memory_space<vmem>>, vector<16xf32>,
      tpu.vector_store %arg8[%swap3A_772], %broadcast_in_dim3A_8 {strides = array<i32>} : memref<32768xf32, #tpu.memory_space<vmem>>, vector<16xf32>,
      %mul3A_774 = arith.constant 32 : i32
      %mul3A_775 = arith.muli %scan3A_718, %mul3A_774 : i32
      %add3A_776 = arith.constant 7 : i32
      %add3A_777 = arith.addi %mul3A_775, %add3A_776 : i32
      %mul3A_778 = arith.constant 16 : i32
      %mul3A_779 = arith.muli %add3A_777, %mul3A_778 : i32
      %swap3A_780 = arith.index_cast %mul3A_779 : i32 to index
      %swap3A_781 = tpu.vector_load %arg8[%swap3A_780] {strides = array<i32>} : memref<32768xf32, #tpu.memory_space<vmem>>, vector<16xf32>,
      tpu.vector_store %arg8[%swap3A_780], %broadcast_in_dim3A_8 {strides = array<i32>} : memref<32768xf32, #tpu.memory_space<vmem>>, vector<16xf32>,
      %mul3A_782 = arith.constant 32 : i32
      %mul3A_783 = arith.muli %scan3A_718, %mul3A_782 : i32
      %add3A_784 = arith.constant 8 : i32
      %add3A_785 = arith.addi %mul3A_783, %add3A_784 : i32
      %mul3A_786 = arith.constant 16 : i32
      %mul3A_787 = arith.muli %add3A_785, %mul3A_786 : i32
      %swap3A_788 = arith.index_cast %mul3A_787 : i32 to index
      %swap3A_789 = tpu.vector_load %arg8[%swap3A_788] {strides = array<i32>} : memref<32768xf32, #tpu.memory_space<vmem>>, vector<16xf32>,
      tpu.vector_store %arg8[%swap3A_788], %broadcast_in_dim3A_8 {strides = array<i32>} : memref<32768xf32, #tpu.memory_space<vmem>>, vector<16xf32>,
      %mul3A_790 = arith.constant 32 : i32
      %mul3A_791 = arith.muli %scan3A_718, %mul3A_790 : i32
      %add3A_792 = arith.constant 9 : i32
      %add3A_793 = arith.addi %mul3A_791, %add3A_792 : i32
      %mul3A_794 = arith.constant 16 : i32
      %mul3A_795 = arith.muli %add3A_793, %mul3A_794 : i32
      %swap3A_796 = arith.index_cast %mul3A_795 : i32 to index
      %swap3A_797 = tpu.vector_load %arg8[%swap3A_796] {strides = array<i32>} : memref<32768xf32, #tpu.memory_space<vmem>>, vector<16xf32>,
      tpu.vector_store %arg8[%swap3A_796], %broadcast_in_dim3A_8 {strides = array<i32>} : memref<32768xf32, #tpu.memory_space<vmem>>, vector<16xf32>,
      %mul3A_798 = arith.constant 32 : i32
      %mul3A_799 = arith.muli %scan3A_718, %mul3A_798 : i32
      %add3A_800 = arith.constant 10 : i32
      %add3A_801 = arith.addi %mul3A_799, %add3A_800 : i32
      %mul3A_802 = arith.constant 16 : i32
      %mul3A_803 = arith.muli %add3A_801, %mul3A_802 : i32
      %swap3A_804 = arith.index_cast %mul3A_803 : i32 to index
      %swap3A_805 = tpu.vector_load %arg8[%swap3A_804] {strides = array<i32>} : memref<32768xf32, #tpu.memory_space<vmem>>, vector<16xf32>,
      tpu.vector_store %arg8[%swap3A_804], %broadcast_in_dim3A_8 {strides = array<i32>} : memref<32768xf32, #tpu.memory_space<vmem>>, vector<16xf32>,
      %mul3A_806 = arith.constant 32 : i32
      %mul3A_807 = arith.muli %scan3A_718, %mul3A_806 : i32
      %add3A_808 = arith.constant 11 : i32
      %add3A_809 = arith.addi %mul3A_807, %add3A_808 : i32
      %mul3A_810 = arith.constant 16 : i32
      %mul3A_811 = arith.muli %add3A_809, %mul3A_810 : i32
      %swap3A_812 = arith.index_cast %mul3A_811 : i32 to index
      %swap3A_813 = tpu.vector_load %arg8[%swap3A_812] {strides = array<i32>} : memref<32768xf32, #tpu.memory_space<vmem>>, vector<16xf32>,
      tpu.vector_store %arg8[%swap3A_812], %broadcast_in_dim3A_8 {strides = array<i32>} : memref<32768xf32, #tpu.memory_space<vmem>>, vector<16xf32>,
      %mul3A_814 = arith.constant 32 : i32
      %mul3A_815 = arith.muli %scan3A_718, %mul3A_814 : i32
      %add3A_816 = arith.constant 12 : i32
      %add3A_817 = arith.addi %mul3A_815, %add3A_816 : i32
      %mul3A_818 = arith.constant 16 : i32
      %mul3A_819 = arith.muli %add3A_817, %mul3A_818 : i32
      %swap3A_820 = arith.index_cast %mul3A_819 : i32 to index
      %swap3A_821 = tpu.vector_load %arg8[%swap3A_820] {strides = array<i32>} : memref<32768xf32, #tpu.memory_space<vmem>>, vector<16xf32>,
      tpu.vector_store %arg8[%swap3A_820], %broadcast_in_dim3A_8 {strides = array<i32>} : memref<32768xf32, #tpu.memory_space<vmem>>, vector<16xf32>,
      %mul3A_822 = arith.constant 32 : i32
      %mul3A_823 = arith.muli %scan3A_718, %mul3A_822 : i32
      %add3A_824 = arith.constant 13 : i32
      %add3A_825 = arith.addi %mul3A_823, %add3A_824 : i32
      %mul3A_826 = arith.constant 16 : i32
      %mul3A_827 = arith.muli %add3A_825, %mul3A_826 : i32
      %swap3A_828 = arith.index_cast %mul3A_827 : i32 to index
      %swap3A_829 = tpu.vector_load %arg8[%swap3A_828] {strides = array<i32>} : memref<32768xf32, #tpu.memory_space<vmem>>, vector<16xf32>,
      tpu.vector_store %arg8[%swap3A_828], %broadcast_in_dim3A_8 {strides = array<i32>} : memref<32768xf32, #tpu.memory_space<vmem>>, vector<16xf32>,
      %mul3A_830 = arith.constant 32 : i32
      %mul3A_831 = arith.muli %scan3A_718, %mul3A_830 : i32
      %add3A_832 = arith.constant 14 : i32
      %add3A_833 = arith.addi %mul3A_831, %add3A_832 : i32
      %mul3A_834 = arith.constant 16 : i32
      %mul3A_835 = arith.muli %add3A_833, %mul3A_834 : i32
      %swap3A_836 = arith.index_cast %mul3A_835 : i32 to index
      %swap3A_837 = tpu.vector_load %arg8[%swap3A_836] {strides = array<i32>} : memref<32768xf32, #tpu.memory_space<vmem>>, vector<16xf32>,
      tpu.vector_store %arg8[%swap3A_836], %broadcast_in_dim3A_8 {strides = array<i32>} : memref<32768xf32, #tpu.memory_space<vmem>>, vector<16xf32>,
      %mul3A_838 = arith.constant 32 : i32
      %mul3A_839 = arith.muli %scan3A_718, %mul3A_838 : i32
      %add3A_840 = arith.constant 15 : i32
      %add3A_841 = arith.addi %mul3A_839, %add3A_840 : i32
      %mul3A_842 = arith.constant 16 : i32
      %mul3A_843 = arith.muli %add3A_841, %mul3A_842 : i32
      %swap3A_844 = arith.index_cast %mul3A_843 : i32 to index
      %swap3A_845 = tpu.vector_load %arg8[%swap3A_844] {strides = array<i32>} : memref<32768xf32, #tpu.memory_space<vmem>>, vector<16xf32>,
      tpu.vector_store %arg8[%swap3A_844], %broadcast_in_dim3A_8 {strides = array<i32>} : memref<32768xf32, #tpu.memory_space<vmem>>, vector<16xf32>,
      %mul3A_846 = arith.constant 32 : i32
      %mul3A_847 = arith.muli %scan3A_718, %mul3A_846 : i32
      %add3A_848 = arith.constant 16 : i32
      %add3A_849 = arith.addi %mul3A_847, %add3A_848 : i32
      %mul3A_850 = arith.constant 16 : i32
      %mul3A_851 = arith.muli %add3A_849, %mul3A_850 : i32
      %swap3A_852 = arith.index_cast %mul3A_851 : i32 to index
      %swap3A_853 = tpu.vector_load %arg8[%swap3A_852] {strides = array<i32>} : memref<32768xf32, #tpu.memory_space<vmem>>, vector<16xf32>,
      tpu.vector_store %arg8[%swap3A_852], %broadcast_in_dim3A_8 {strides = array<i32>} : memref<32768xf32, #tpu.memory_space<vmem>>, vector<16xf32>,
      %mul3A_854 = arith.constant 32 : i32
      %mul3A_855 = arith.muli %scan3A_718, %mul3A_854 : i32
      %add3A_856 = arith.constant 17 : i32
      %add3A_857 = arith.addi %mul3A_855, %add3A_856 : i32
      %mul3A_858 = arith.constant 16 : i32
      %mul3A_859 = arith.muli %add3A_857, %mul3A_858 : i32
      %swap3A_860 = arith.index_cast %mul3A_859 : i32 to index
      %swap3A_861 = tpu.vector_load %arg8[%swap3A_860] {strides = array<i32>} : memref<32768xf32, #tpu.memory_space<vmem>>, vector<16xf32>,
      tpu.vector_store %arg8[%swap3A_860], %broadcast_in_dim3A_8 {strides = array<i32>} : memref<32768xf32, #tpu.memory_space<vmem>>, vector<16xf32>,
      %mul3A_862 = arith.constant 32 : i32
      %mul3A_863 = arith.muli %scan3A_718, %mul3A_862 : i32
      %add3A_864 = arith.constant 18 : i32
      %add3A_865 = arith.addi %mul3A_863, %add3A_864 : i32
      %mul3A_866 = arith.constant 16 : i32
      %mul3A_867 = arith.muli %add3A_865, %mul3A_866 : i32
      %swap3A_868 = arith.index_cast %mul3A_867 : i32 to index
      %swap3A_869 = tpu.vector_load %arg8[%swap3A_868] {strides = array<i32>} : memref<32768xf32, #tpu.memory_space<vmem>>, vector<16xf32>,
      tpu.vector_store %arg8[%swap3A_868], %broadcast_in_dim3A_8 {strides = array<i32>} : memref<32768xf32, #tpu.memory_space<vmem>>, vector<16xf32>,
      %mul3A_870 = arith.constant 32 : i32
      %mul3A_871 = arith.muli %scan3A_718, %mul3A_870 : i32
      %add3A_872 = arith.constant 19 : i32
      %add3A_873 = arith.addi %mul3A_871, %add3A_872 : i32
      %mul3A_874 = arith.constant 16 : i32
      %mul3A_875 = arith.muli %add3A_873, %mul3A_874 : i32
      %swap3A_876 = arith.index_cast %mul3A_875 : i32 to index
      %swap3A_877 = tpu.vector_load %arg8[%swap3A_876] {strides = array<i32>} : memref<32768xf32, #tpu.memory_space<vmem>>, vector<16xf32>,
      tpu.vector_store %arg8[%swap3A_876], %broadcast_in_dim3A_8 {strides = array<i32>} : memref<32768xf32, #tpu.memory_space<vmem>>, vector<16xf32>,
      %mul3A_878 = arith.constant 32 : i32
      %mul3A_879 = arith.muli %scan3A_718, %mul3A_878 : i32
      %add3A_880 = arith.constant 20 : i32
      %add3A_881 = arith.addi %mul3A_879, %add3A_880 : i32
      %mul3A_882 = arith.constant 16 : i32
      %mul3A_883 = arith.muli %add3A_881, %mul3A_882 : i32
      %swap3A_884 = arith.index_cast %mul3A_883 : i32 to index
      %swap3A_885 = tpu.vector_load %arg8[%swap3A_884] {strides = array<i32>} : memref<32768xf32, #tpu.memory_space<vmem>>, vector<16xf32>,
      tpu.vector_store %arg8[%swap3A_884], %broadcast_in_dim3A_8 {strides = array<i32>} : memref<32768xf32, #tpu.memory_space<vmem>>, vector<16xf32>,
      %mul3A_886 = arith.constant 32 : i32
      %mul3A_887 = arith.muli %scan3A_718, %mul3A_886 : i32
      %add3A_888 = arith.constant 21 : i32
      %add3A_889 = arith.addi %mul3A_887, %add3A_888 : i32
      %mul3A_890 = arith.constant 16 : i32
      %mul3A_891 = arith.muli %add3A_889, %mul3A_890 : i32
      %swap3A_892 = arith.index_cast %mul3A_891 : i32 to index
      %swap3A_893 = tpu.vector_load %arg8[%swap3A_892] {strides = array<i32>} : memref<32768xf32, #tpu.memory_space<vmem>>, vector<16xf32>,
      tpu.vector_store %arg8[%swap3A_892], %broadcast_in_dim3A_8 {strides = array<i32>} : memref<32768xf32, #tpu.memory_space<vmem>>, vector<16xf32>,
      %mul3A_894 = arith.constant 32 : i32
      %mul3A_895 = arith.muli %scan3A_718, %mul3A_894 : i32
      %add3A_896 = arith.constant 22 : i32
      %add3A_897 = arith.addi %mul3A_895, %add3A_896 : i32
      %mul3A_898 = arith.constant 16 : i32
      %mul3A_899 = arith.muli %add3A_897, %mul3A_898 : i32
      %swap3A_900 = arith.index_cast %mul3A_899 : i32 to index
      %swap3A_901 = tpu.vector_load %arg8[%swap3A_900] {strides = array<i32>} : memref<32768xf32, #tpu.memory_space<vmem>>, vector<16xf32>,
      tpu.vector_store %arg8[%swap3A_900], %broadcast_in_dim3A_8 {strides = array<i32>} : memref<32768xf32, #tpu.memory_space<vmem>>, vector<16xf32>,
      %mul3A_902 = arith.constant 32 : i32
      %mul3A_903 = arith.muli %scan3A_718, %mul3A_902 : i32
      %add3A_904 = arith.constant 23 : i32
      %add3A_905 = arith.addi %mul3A_903, %add3A_904 : i32
      %mul3A_906 = arith.constant 16 : i32
      %mul3A_907 = arith.muli %add3A_905, %mul3A_906 : i32
      %swap3A_908 = arith.index_cast %mul3A_907 : i32 to index
      %swap3A_909 = tpu.vector_load %arg8[%swap3A_908] {strides = array<i32>} : memref<32768xf32, #tpu.memory_space<vmem>>, vector<16xf32>,
      tpu.vector_store %arg8[%swap3A_908], %broadcast_in_dim3A_8 {strides = array<i32>} : memref<32768xf32, #tpu.memory_space<vmem>>, vector<16xf32>,
      %mul3A_910 = arith.constant 32 : i32
      %mul3A_911 = arith.muli %scan3A_718, %mul3A_910 : i32
      %add3A_912 = arith.constant 24 : i32
      %add3A_913 = arith.addi %mul3A_911, %add3A_912 : i32
      %mul3A_914 = arith.constant 16 : i32
      %mul3A_915 = arith.muli %add3A_913, %mul3A_914 : i32
      %swap3A_916 = arith.index_cast %mul3A_915 : i32 to index
      %swap3A_917 = tpu.vector_load %arg8[%swap3A_916] {strides = array<i32>} : memref<32768xf32, #tpu.memory_space<vmem>>, vector<16xf32>,
      tpu.vector_store %arg8[%swap3A_916], %broadcast_in_dim3A_8 {strides = array<i32>} : memref<32768xf32, #tpu.memory_space<vmem>>, vector<16xf32>,
      %mul3A_918 = arith.constant 32 : i32
      %mul3A_919 = arith.muli %scan3A_718, %mul3A_918 : i32
      %add3A_920 = arith.constant 25 : i32
      %add3A_921 = arith.addi %mul3A_919, %add3A_920 : i32
      %mul3A_922 = arith.constant 16 : i32
      %mul3A_923 = arith.muli %add3A_921, %mul3A_922 : i32
      %swap3A_924 = arith.index_cast %mul3A_923 : i32 to index
      %swap3A_925 = tpu.vector_load %arg8[%swap3A_924] {strides = array<i32>} : memref<32768xf32, #tpu.memory_space<vmem>>, vector<16xf32>,
      tpu.vector_store %arg8[%swap3A_924], %broadcast_in_dim3A_8 {strides = array<i32>} : memref<32768xf32, #tpu.memory_space<vmem>>, vector<16xf32>,
      %mul3A_926 = arith.constant 32 : i32
      %mul3A_927 = arith.muli %scan3A_718, %mul3A_926 : i32
      %add3A_928 = arith.constant 26 : i32
      %add3A_929 = arith.addi %mul3A_927, %add3A_928 : i32
      %mul3A_930 = arith.constant 16 : i32
      %mul3A_931 = arith.muli %add3A_929, %mul3A_930 : i32
      %swap3A_932 = arith.index_cast %mul3A_931 : i32 to index
      %swap3A_933 = tpu.vector_load %arg8[%swap3A_932] {strides = array<i32>} : memref<32768xf32, #tpu.memory_space<vmem>>, vector<16xf32>,
      tpu.vector_store %arg8[%swap3A_932], %broadcast_in_dim3A_8 {strides = array<i32>} : memref<32768xf32, #tpu.memory_space<vmem>>, vector<16xf32>,
      %mul3A_934 = arith.constant 32 : i32
      %mul3A_935 = arith.muli %scan3A_718, %mul3A_934 : i32
      %add3A_936 = arith.constant 27 : i32
      %add3A_937 = arith.addi %mul3A_935, %add3A_936 : i32
      %mul3A_938 = arith.constant 16 : i32
      %mul3A_939 = arith.muli %add3A_937, %mul3A_938 : i32
      %swap3A_940 = arith.index_cast %mul3A_939 : i32 to index
      %swap3A_941 = tpu.vector_load %arg8[%swap3A_940] {strides = array<i32>} : memref<32768xf32, #tpu.memory_space<vmem>>, vector<16xf32>,
      tpu.vector_store %arg8[%swap3A_940], %broadcast_in_dim3A_8 {strides = array<i32>} : memref<32768xf32, #tpu.memory_space<vmem>>, vector<16xf32>,
      %mul3A_942 = arith.constant 32 : i32
      %mul3A_943 = arith.muli %scan3A_718, %mul3A_942 : i32
      %add3A_944 = arith.constant 28 : i32
      %add3A_945 = arith.addi %mul3A_943, %add3A_944 : i32
      %mul3A_946 = arith.constant 16 : i32
      %mul3A_947 = arith.muli %add3A_945, %mul3A_946 : i32
      %swap3A_948 = arith.index_cast %mul3A_947 : i32 to index
      %swap3A_949 = tpu.vector_load %arg8[%swap3A_948] {strides = array<i32>} : memref<32768xf32, #tpu.memory_space<vmem>>, vector<16xf32>,
      tpu.vector_store %arg8[%swap3A_948], %broadcast_in_dim3A_8 {strides = array<i32>} : memref<32768xf32, #tpu.memory_space<vmem>>, vector<16xf32>,
      %mul3A_950 = arith.constant 32 : i32
      %mul3A_951 = arith.muli %scan3A_718, %mul3A_950 : i32
      %add3A_952 = arith.constant 29 : i32
      %add3A_953 = arith.addi %mul3A_951, %add3A_952 : i32
      %mul3A_954 = arith.constant 16 : i32
      %mul3A_955 = arith.muli %add3A_953, %mul3A_954 : i32
      %swap3A_956 = arith.index_cast %mul3A_955 : i32 to index
      %swap3A_957 = tpu.vector_load %arg8[%swap3A_956] {strides = array<i32>} : memref<32768xf32, #tpu.memory_space<vmem>>, vector<16xf32>,
      tpu.vector_store %arg8[%swap3A_956], %broadcast_in_dim3A_8 {strides = array<i32>} : memref<32768xf32, #tpu.memory_space<vmem>>, vector<16xf32>,
      %mul3A_958 = arith.constant 32 : i32
      %mul3A_959 = arith.muli %scan3A_718, %mul3A_958 : i32
      %add3A_960 = arith.constant 30 : i32
      %add3A_961 = arith.addi %mul3A_959, %add3A_960 : i32
      %mul3A_962 = arith.constant 16 : i32
      %mul3A_963 = arith.muli %add3A_961, %mul3A_962 : i32
      %swap3A_964 = arith.index_cast %mul3A_963 : i32 to index
      %swap3A_965 = tpu.vector_load %arg8[%swap3A_964] {strides = array<i32>} : memref<32768xf32, #tpu.memory_space<vmem>>, vector<16xf32>,
      tpu.vector_store %arg8[%swap3A_964], %broadcast_in_dim3A_8 {strides = array<i32>} : memref<32768xf32, #tpu.memory_space<vmem>>, vector<16xf32>,
      %mul3A_966 = arith.constant 32 : i32
      %mul3A_967 = arith.muli %scan3A_718, %mul3A_966 : i32
      %add3A_968 = arith.constant 31 : i32
      %add3A_969 = arith.addi %mul3A_967, %add3A_968 : i32
      %mul3A_970 = arith.constant 16 : i32
      %mul3A_971 = arith.muli %add3A_969, %mul3A_970 : i32
      %swap3A_972 = arith.index_cast %mul3A_971 : i32 to index
      %swap3A_973 = tpu.vector_load %arg8[%swap3A_972] {strides = array<i32>} : memref<32768xf32, #tpu.memory_space<vmem>>, vector<16xf32>,
      tpu.vector_store %arg8[%swap3A_972], %broadcast_in_dim3A_8 {strides = array<i32>} : memref<32768xf32, #tpu.memory_space<vmem>>, vector<16xf32>,
    }
    %scan3A_27 = arith.constant 64 : i32
    %parallel_loop3A = arith.constant 0 : i32
    %parallel_loop3A_28 = arith.constant 200 : i32
    %parallel_loop3A_29 = arith.constant 1 : i32
    scf.for %parallel_loop3A_718 = %parallel_loop3A to %parallel_loop3A_28 step %parallel_loop3A_29  : i32 {
      %parallel_loop3A_719 = arith.constant 3 : i32
      %parallel_loop3A_720 = arith.andi %parallel_loop3A_718, %parallel_loop3A_719 : i32
      %parallel_loop3A_721 = arith.constant 2 : i32
      %parallel_loop3A_722 = arith.shrui %parallel_loop3A_718, %parallel_loop3A_721 : i32
      %parallel_loop3A_723 = arith.constant 4 : i32
      %parallel_loop3A_724 = arith.shli %parallel_loop3A_720, %parallel_loop3A_723 : i32
      %parallel_loop3A_725 = vector.broadcast %parallel_loop3A_724 : i32 to vector<16xi32>
      %parallel_loop3A_726 = arith.addi %parallel_loop3A_725, %iota3A : vector<16xi32>
      %parallel_loop3A_727 = vector.broadcast %parallel_loop3A_722 : i32 to vector<16xi32>
      %parallel_loop3A_728 = tpu.vector_load_idx %arg5[%parallel_loop3A_726, %parallel_loop3A_727] : memref<64x50xi32, #tpu.memory_space<vmem>>[vector<16xi32>, vector<16xi32>], vector<16xi32>,
      %parallel_loop3A_729 = tpu.vector_load_idx %arg7[%parallel_loop3A_728] : memref<512xi32, #tpu.memory_space<vmem>>[vector<16xi32>], vector<16xi32>,
      %parallel_loop3A_730 = arith.constant 7 : i32
      %parallel_loop3A_731 = vector.broadcast %parallel_loop3A_730 : i32 to vector<16xi32>
      %parallel_loop3A_732 = arith.shrui %parallel_loop3A_729, %parallel_loop3A_731 : vector<16xi32>
      %parallel_loop3A_733 = arith.constant 127 : i32
      %parallel_loop3A_734 = vector.broadcast %parallel_loop3A_733 : i32 to vector<16xi32>
      %parallel_loop3A_735 = arith.andi %parallel_loop3A_729, %parallel_loop3A_734 : vector<16xi32>
      %parallel_loop3A_736 = arith.constant 13 : i32
      %parallel_loop3A_737 = vector.broadcast %parallel_loop3A_736 : i32 to vector<16xi32>
      %parallel_loop3A_738 = arith.shli %parallel_loop3A_732, %parallel_loop3A_737 : vector<16xi32>
      %parallel_loop3A_739 = arith.constant 7 : i32
      %parallel_loop3A_740 = vector.broadcast %parallel_loop3A_739 : i32 to vector<16xi32>
      %parallel_loop3A_741 = arith.shli %parallel_loop3A_726, %parallel_loop3A_740 : vector<16xi32>
      %parallel_loop3A_742 = arith.addi %parallel_loop3A_738, %parallel_loop3A_741 : vector<16xi32>
      %parallel_loop3A_743 = arith.addi %parallel_loop3A_742, %parallel_loop3A_735 : vector<16xi32>
      tpu.vector_store_idx %arg8[%parallel_loop3A_743], %broadcast_in_dim3A_10 {add = true} : memref<32768xf32, #tpu.memory_space<vmem>>[vector<16xi32>], vector<16xf32>,
    } {sc.loop_unroll_factor = 4 : i64, sc.parallel_access}
    %mul3A_30 = arith.constant 512 : i32
    %mul3A_31 = arith.muli %add3A, %mul3A_30 : i32
    %add3A_32 = arith.constant 0 : i32
    %add3A_33 = arith.addi %mul3A_31, %add3A_32 : i32
    %add3A_34 = arith.constant 0 : i32
    %add3A_35 = arith.addi %add3A_34, %add3A_33 : i32
    %mul3A_36 = arith.constant 128 : i32
    %mul3A_37 = arith.muli %add3A_35, %mul3A_36 : i32
    %dma_start3A_38 = arith.constant 0 : i32
    %dma_start3A_39 = tpu.memref_slice %arg8[%dma_start3A_38] : memref<32768xf32, #tpu.memory_space<vmem>> -> memref<8192xf32, #tpu.memory_space<vmem>>
    %dma_start3A_40 = tpu.memref_slice %arg4[%mul3A_37] : memref<8388608xf32, #tpu.memory_space<hbm>> -> memref<8192xf32, #tpu.memory_space<hbm>>
    %dma_start3A_41 = tpu.memref_slice %arg4[%mul3A_37] : memref<8388608xf32, #tpu.memory_space<hbm>> -> memref<8192xf32, #tpu.memory_space<hbm>>
    %dma_start3A_42 = arith.constant 0 : i32
    %dma_start3A_43 = tpu.memref_slice %arg8[%dma_start3A_42] : memref<32768xf32, #tpu.memory_space<vmem>> -> memref<8192xf32, #tpu.memory_space<vmem>>
    tpu.enqueue_dma source(%dma_start3A_43 : memref<8192xf32, #tpu.memory_space<vmem>>) target(%dma_start3A_41 : memref<8192xf32, #tpu.memory_space<hbm>>) target_semaphore(%arg10 : memref<!tpu.dma_semaphore, #tpu.memory_space<semaphore_mem>>)
    %add3A_44 = arith.constant 16384 : i32
    %add3A_45 = arith.addi %add3A_44, %add3A_33 : i32
    %mul3A_46 = arith.constant 128 : i32
    %mul3A_47 = arith.muli %add3A_45, %mul3A_46 : i32
    %dma_start3A_48 = arith.constant 8192 : i32
    %dma_start3A_49 = tpu.memref_slice %arg8[%dma_start3A_48] : memref<32768xf32, #tpu.memory_space<vmem>> -> memref<8192xf32, #tpu.memory_space<vmem>>
    %dma_start3A_50 = tpu.memref_slice %arg4[%mul3A_47] : memref<8388608xf32, #tpu.memory_space<hbm>> -> memref<8192xf32, #tpu.memory_space<hbm>>
    %dma_start3A_51 = tpu.memref_slice %arg4[%mul3A_47] : memref<8388608xf32, #tpu.memory_space<hbm>> -> memref<8192xf32, #tpu.memory_space<hbm>>
    %dma_start3A_52 = arith.constant 8192 : i32
    %dma_start3A_53 = tpu.memref_slice %arg8[%dma_start3A_52] : memref<32768xf32, #tpu.memory_space<vmem>> -> memref<8192xf32, #tpu.memory_space<vmem>>
    tpu.enqueue_dma source(%dma_start3A_53 : memref<8192xf32, #tpu.memory_space<vmem>>) target(%dma_start3A_51 : memref<8192xf32, #tpu.memory_space<hbm>>) target_semaphore(%arg10 : memref<!tpu.dma_semaphore, #tpu.memory_space<semaphore_mem>>)
    %add3A_54 = arith.constant 32768 : i32
    %add3A_55 = arith.addi %add3A_54, %add3A_33 : i32
    %mul3A_56 = arith.constant 128 : i32
    %mul3A_57 = arith.muli %add3A_55, %mul3A_56 : i32
    %dma_start3A_58 = arith.constant 16384 : i32
    %dma_start3A_59 = tpu.memref_slice %arg8[%dma_start3A_58] : memref<32768xf32, #tpu.memory_space<vmem>> -> memref<8192xf32, #tpu.memory_space<vmem>>
    %dma_start3A_60 = tpu.memref_slice %arg4[%mul3A_57] : memref<8388608xf32, #tpu.memory_space<hbm>> -> memref<8192xf32, #tpu.memory_space<hbm>>
    %dma_start3A_61 = tpu.memref_slice %arg4[%mul3A_57] : memref<8388608xf32, #tpu.memory_space<hbm>> -> memref<8192xf32, #tpu.memory_space<hbm>>
    %dma_start3A_62 = arith.constant 16384 : i32
    %dma_start3A_63 = tpu.memref_slice %arg8[%dma_start3A_62] : memref<32768xf32, #tpu.memory_space<vmem>> -> memref<8192xf32, #tpu.memory_space<vmem>>
    tpu.enqueue_dma source(%dma_start3A_63 : memref<8192xf32, #tpu.memory_space<vmem>>) target(%dma_start3A_61 : memref<8192xf32, #tpu.memory_space<hbm>>) target_semaphore(%arg10 : memref<!tpu.dma_semaphore, #tpu.memory_space<semaphore_mem>>)
    %add3A_64 = arith.constant 49152 : i32
    %add3A_65 = arith.addi %add3A_64, %add3A_33 : i32
    %mul3A_66 = arith.constant 128 : i32
    %mul3A_67 = arith.muli %add3A_65, %mul3A_66 : i32
    %dma_start3A_68 = arith.constant 24576 : i32
    %dma_start3A_69 = tpu.memref_slice %arg8[%dma_start3A_68] : memref<32768xf32, #tpu.memory_space<vmem>> -> memref<8192xf32, #tpu.memory_space<vmem>>
    %dma_start3A_70 = tpu.memref_slice %arg4[%mul3A_67] : memref<8388608xf32, #tpu.memory_space<hbm>> -> memref<8192xf32, #tpu.memory_space<hbm>>
    %dma_start3A_71 = tpu.memref_slice %arg4[%mul3A_67] : memref<8388608xf32, #tpu.memory_space<hbm>> -> memref<8192xf32, #tpu.memory_space<hbm>>
    %dma_start3A_72 = arith.constant 24576 : i32
    %dma_start3A_73 = tpu.memref_slice %arg8[%dma_start3A_72] : memref<32768xf32, #tpu.memory_space<vmem>> -> memref<8192xf32, #tpu.memory_space<vmem>>
    tpu.enqueue_dma source(%dma_start3A_73 : memref<8192xf32, #tpu.memory_space<vmem>>) target(%dma_start3A_71 : memref<8192xf32, #tpu.memory_space<hbm>>) target_semaphore(%arg10 : memref<!tpu.dma_semaphore, #tpu.memory_space<semaphore_mem>>)
    %dma_wait3A_74 = arith.constant 0 : i32
    %dma_wait3A_75 = tpu.memref_slice %arg2[%add3A_19, %dma_wait3A_74] : memref<16384x50xi32, #tpu.memory_space<hbm>> -> memref<64x50xi32, #tpu.memory_space<hbm>>
    %dma_wait3A_76 = arith.constant 0 : i32
    %dma_wait3A_77 = tpu.memref_slice %arg2[%add3A_19, %dma_wait3A_76] : memref<16384x50xi32, #tpu.memory_space<hbm>> -> memref<64x50xi32, #tpu.memory_space<hbm>>
    tpu.wait_dma2 semaphore(%arg12 : memref<!tpu.dma_semaphore, #tpu.memory_space<semaphore_mem>>) src(%dma_wait3A_77 : memref<64x50xi32, #tpu.memory_space<hbm>>) dst(%arg6 : memref<64x50xi32, #tpu.memory_space<vmem>>)
    %mul3A_78 = arith.constant 512 : i32
    %mul3A_79 = arith.muli %add3A, %mul3A_78 : i32
    %add3A_80 = arith.constant 0 : i32
    %add3A_81 = arith.addi %add3A_80, %mul3A_79 : i32
    %add3A_82 = arith.constant 128 : i32
    %add3A_83 = arith.addi %add3A_81, %add3A_82 : i32
    %dma_start3A_84 = arith.constant 0 : i32
    %dma_start3A_85 = tpu.memref_slice %arg2[%add3A_83, %dma_start3A_84] : memref<16384x50xi32, #tpu.memory_space<hbm>> -> memref<64x50xi32, #tpu.memory_space<hbm>>
    %dma_start3A_86 = arith.constant 0 : i32
    %dma_start3A_87 = tpu.memref_slice %arg2[%add3A_83, %dma_start3A_86] : memref<16384x50xi32, #tpu.memory_space<hbm>> -> memref<64x50xi32, #tpu.memory_space<hbm>>
    tpu.enqueue_dma source(%dma_start3A_87 : memref<64x50xi32, #tpu.memory_space<hbm>>) target(%arg5 : memref<64x50xi32, #tpu.memory_space<vmem>>) target_semaphore(%arg12 : memref<!tpu.dma_semaphore, #tpu.memory_space<semaphore_mem>>)
    %scan3A_88 = arith.constant 0 : i32
    %scan3A_89 = arith.constant 64 : i32
    %scan3A_90 = arith.addi %scan3A_88, %scan3A_89 : i32
    %scan3A_91 = arith.constant 1 : i32
    scf.for %scan3A_718 = %scan3A_88 to %scan3A_90 step %scan3A_91  : i32 {
      %mul3A_719 = arith.constant 32 : i32
      %mul3A_720 = arith.muli %scan3A_718, %mul3A_719 : i32
      %add3A_721 = arith.constant 0 : i32
      %add3A_722 = arith.addi %mul3A_720, %add3A_721 : i32
      %mul3A_723 = arith.constant 16 : i32
      %mul3A_724 = arith.muli %add3A_722, %mul3A_723 : i32
      %swap3A = arith.index_cast %mul3A_724 : i32 to index
      %swap3A_725 = tpu.vector_load %arg9[%swap3A] {strides = array<i32>} : memref<32768xf32, #tpu.memory_space<vmem>>, vector<16xf32>,
      tpu.vector_store %arg9[%swap3A], %broadcast_in_dim3A_8 {strides = array<i32>} : memref<32768xf32, #tpu.memory_space<vmem>>, vector<16xf32>,
      %mul3A_726 = arith.constant 32 : i32
      %mul3A_727 = arith.muli %scan3A_718, %mul3A_726 : i32
      %add3A_728 = arith.constant 1 : i32
      %add3A_729 = arith.addi %mul3A_727, %add3A_728 : i32
      %mul3A_730 = arith.constant 16 : i32
      %mul3A_731 = arith.muli %add3A_729, %mul3A_730 : i32
      %swap3A_732 = arith.index_cast %mul3A_731 : i32 to index
      %swap3A_733 = tpu.vector_load %arg9[%swap3A_732] {strides = array<i32>} : memref<32768xf32, #tpu.memory_space<vmem>>, vector<16xf32>,
      tpu.vector_store %arg9[%swap3A_732], %broadcast_in_dim3A_8 {strides = array<i32>} : memref<32768xf32, #tpu.memory_space<vmem>>, vector<16xf32>,
      %mul3A_734 = arith.constant 32 : i32
      %mul3A_735 = arith.muli %scan3A_718, %mul3A_734 : i32
      %add3A_736 = arith.constant 2 : i32
      %add3A_737 = arith.addi %mul3A_735, %add3A_736 : i32
      %mul3A_738 = arith.constant 16 : i32
      %mul3A_739 = arith.muli %add3A_737, %mul3A_738 : i32
      %swap3A_740 = arith.index_cast %mul3A_739 : i32 to index
      %swap3A_741 = tpu.vector_load %arg9[%swap3A_740] {strides = array<i32>} : memref<32768xf32, #tpu.memory_space<vmem>>, vector<16xf32>,
      tpu.vector_store %arg9[%swap3A_740], %broadcast_in_dim3A_8 {strides = array<i32>} : memref<32768xf32, #tpu.memory_space<vmem>>, vector<16xf32>,
      %mul3A_742 = arith.constant 32 : i32
      %mul3A_743 = arith.muli %scan3A_718, %mul3A_742 : i32
      %add3A_744 = arith.constant 3 : i32
      %add3A_745 = arith.addi %mul3A_743, %add3A_744 : i32
      %mul3A_746 = arith.constant 16 : i32
      %mul3A_747 = arith.muli %add3A_745, %mul3A_746 : i32
      %swap3A_748 = arith.index_cast %mul3A_747 : i32 to index
      %swap3A_749 = tpu.vector_load %arg9[%swap3A_748] {strides = array<i32>} : memref<32768xf32, #tpu.memory_space<vmem>>, vector<16xf32>,
      tpu.vector_store %arg9[%swap3A_748], %broadcast_in_dim3A_8 {strides = array<i32>} : memref<32768xf32, #tpu.memory_space<vmem>>, vector<16xf32>,
      %mul3A_750 = arith.constant 32 : i32
      %mul3A_751 = arith.muli %scan3A_718, %mul3A_750 : i32
      %add3A_752 = arith.constant 4 : i32
      %add3A_753 = arith.addi %mul3A_751, %add3A_752 : i32
      %mul3A_754 = arith.constant 16 : i32
      %mul3A_755 = arith.muli %add3A_753, %mul3A_754 : i32
      %swap3A_756 = arith.index_cast %mul3A_755 : i32 to index
      %swap3A_757 = tpu.vector_load %arg9[%swap3A_756] {strides = array<i32>} : memref<32768xf32, #tpu.memory_space<vmem>>, vector<16xf32>,
      tpu.vector_store %arg9[%swap3A_756], %broadcast_in_dim3A_8 {strides = array<i32>} : memref<32768xf32, #tpu.memory_space<vmem>>, vector<16xf32>,
      %mul3A_758 = arith.constant 32 : i32
      %mul3A_759 = arith.muli %scan3A_718, %mul3A_758 : i32
      %add3A_760 = arith.constant 5 : i32
      %add3A_761 = arith.addi %mul3A_759, %add3A_760 : i32
      %mul3A_762 = arith.constant 16 : i32
      %mul3A_763 = arith.muli %add3A_761, %mul3A_762 : i32
      %swap3A_764 = arith.index_cast %mul3A_763 : i32 to index
      %swap3A_765 = tpu.vector_load %arg9[%swap3A_764] {strides = array<i32>} : memref<32768xf32, #tpu.memory_space<vmem>>, vector<16xf32>,
      tpu.vector_store %arg9[%swap3A_764], %broadcast_in_dim3A_8 {strides = array<i32>} : memref<32768xf32, #tpu.memory_space<vmem>>, vector<16xf32>,
      %mul3A_766 = arith.constant 32 : i32
      %mul3A_767 = arith.muli %scan3A_718, %mul3A_766 : i32
      %add3A_768 = arith.constant 6 : i32
      %add3A_769 = arith.addi %mul3A_767, %add3A_768 : i32
      %mul3A_770 = arith.constant 16 : i32
      %mul3A_771 = arith.muli %add3A_769, %mul3A_770 : i32
      %swap3A_772 = arith.index_cast %mul3A_771 : i32 to index
      %swap3A_773 = tpu.vector_load %arg9[%swap3A_772] {strides = array<i32>} : memref<32768xf32, #tpu.memory_space<vmem>>, vector<16xf32>,
      tpu.vector_store %arg9[%swap3A_772], %broadcast_in_dim3A_8 {strides = array<i32>} : memref<32768xf32, #tpu.memory_space<vmem>>, vector<16xf32>,
      %mul3A_774 = arith.constant 32 : i32
      %mul3A_775 = arith.muli %scan3A_718, %mul3A_774 : i32
      %add3A_776 = arith.constant 7 : i32
      %add3A_777 = arith.addi %mul3A_775, %add3A_776 : i32
      %mul3A_778 = arith.constant 16 : i32
      %mul3A_779 = arith.muli %add3A_777, %mul3A_778 : i32
      %swap3A_780 = arith.index_cast %mul3A_779 : i32 to index
      %swap3A_781 = tpu.vector_load %arg9[%swap3A_780] {strides = array<i32>} : memref<32768xf32, #tpu.memory_space<vmem>>, vector<16xf32>,
      tpu.vector_store %arg9[%swap3A_780], %broadcast_in_dim3A_8 {strides = array<i32>} : memref<32768xf32, #tpu.memory_space<vmem>>, vector<16xf32>,
      %mul3A_782 = arith.constant 32 : i32
      %mul3A_783 = arith.muli %scan3A_718, %mul3A_782 : i32
      %add3A_784 = arith.constant 8 : i32
      %add3A_785 = arith.addi %mul3A_783, %add3A_784 : i32
      %mul3A_786 = arith.constant 16 : i32
      %mul3A_787 = arith.muli %add3A_785, %mul3A_786 : i32
      %swap3A_788 = arith.index_cast %mul3A_787 : i32 to index
      %swap3A_789 = tpu.vector_load %arg9[%swap3A_788] {strides = array<i32>} : memref<32768xf32, #tpu.memory_space<vmem>>, vector<16xf32>,
      tpu.vector_store %arg9[%swap3A_788], %broadcast_in_dim3A_8 {strides = array<i32>} : memref<32768xf32, #tpu.memory_space<vmem>>, vector<16xf32>,
      %mul3A_790 = arith.constant 32 : i32
      %mul3A_791 = arith.muli %scan3A_718, %mul3A_790 : i32
      %add3A_792 = arith.constant 9 : i32
      %add3A_793 = arith.addi %mul3A_791, %add3A_792 : i32
      %mul3A_794 = arith.constant 16 : i32
      %mul3A_795 = arith.muli %add3A_793, %mul3A_794 : i32
      %swap3A_796 = arith.index_cast %mul3A_795 : i32 to index
      %swap3A_797 = tpu.vector_load %arg9[%swap3A_796] {strides = array<i32>} : memref<32768xf32, #tpu.memory_space<vmem>>, vector<16xf32>,
      tpu.vector_store %arg9[%swap3A_796], %broadcast_in_dim3A_8 {strides = array<i32>} : memref<32768xf32, #tpu.memory_space<vmem>>, vector<16xf32>,
      %mul3A_798 = arith.constant 32 : i32
      %mul3A_799 = arith.muli %scan3A_718, %mul3A_798 : i32
      %add3A_800 = arith.constant 10 : i32
      %add3A_801 = arith.addi %mul3A_799, %add3A_800 : i32
      %mul3A_802 = arith.constant 16 : i32
      %mul3A_803 = arith.muli %add3A_801, %mul3A_802 : i32
      %swap3A_804 = arith.index_cast %mul3A_803 : i32 to index
      %swap3A_805 = tpu.vector_load %arg9[%swap3A_804] {strides = array<i32>} : memref<32768xf32, #tpu.memory_space<vmem>>, vector<16xf32>,
      tpu.vector_store %arg9[%swap3A_804], %broadcast_in_dim3A_8 {strides = array<i32>} : memref<32768xf32, #tpu.memory_space<vmem>>, vector<16xf32>,
      %mul3A_806 = arith.constant 32 : i32
      %mul3A_807 = arith.muli %scan3A_718, %mul3A_806 : i32
      %add3A_808 = arith.constant 11 : i32
      %add3A_809 = arith.addi %mul3A_807, %add3A_808 : i32
      %mul3A_810 = arith.constant 16 : i32
      %mul3A_811 = arith.muli %add3A_809, %mul3A_810 : i32
      %swap3A_812 = arith.index_cast %mul3A_811 : i32 to index
      %swap3A_813 = tpu.vector_load %arg9[%swap3A_812] {strides = array<i32>} : memref<32768xf32, #tpu.memory_space<vmem>>, vector<16xf32>,
      tpu.vector_store %arg9[%swap3A_812], %broadcast_in_dim3A_8 {strides = array<i32>} : memref<32768xf32, #tpu.memory_space<vmem>>, vector<16xf32>,
      %mul3A_814 = arith.constant 32 : i32
      %mul3A_815 = arith.muli %scan3A_718, %mul3A_814 : i32
      %add3A_816 = arith.constant 12 : i32
      %add3A_817 = arith.addi %mul3A_815, %add3A_816 : i32
      %mul3A_818 = arith.constant 16 : i32
      %mul3A_819 = arith.muli %add3A_817, %mul3A_818 : i32
      %swap3A_820 = arith.index_cast %mul3A_819 : i32 to index
      %swap3A_821 = tpu.vector_load %arg9[%swap3A_820] {strides = array<i32>} : memref<32768xf32, #tpu.memory_space<vmem>>, vector<16xf32>,
      tpu.vector_store %arg9[%swap3A_820], %broadcast_in_dim3A_8 {strides = array<i32>} : memref<32768xf32, #tpu.memory_space<vmem>>, vector<16xf32>,
      %mul3A_822 = arith.constant 32 : i32
      %mul3A_823 = arith.muli %scan3A_718, %mul3A_822 : i32
      %add3A_824 = arith.constant 13 : i32
      %add3A_825 = arith.addi %mul3A_823, %add3A_824 : i32
      %mul3A_826 = arith.constant 16 : i32
      %mul3A_827 = arith.muli %add3A_825, %mul3A_826 : i32
      %swap3A_828 = arith.index_cast %mul3A_827 : i32 to index
      %swap3A_829 = tpu.vector_load %arg9[%swap3A_828] {strides = array<i32>} : memref<32768xf32, #tpu.memory_space<vmem>>, vector<16xf32>,
      tpu.vector_store %arg9[%swap3A_828], %broadcast_in_dim3A_8 {strides = array<i32>} : memref<32768xf32, #tpu.memory_space<vmem>>, vector<16xf32>,
      %mul3A_830 = arith.constant 32 : i32
      %mul3A_831 = arith.muli %scan3A_718, %mul3A_830 : i32
      %add3A_832 = arith.constant 14 : i32
      %add3A_833 = arith.addi %mul3A_831, %add3A_832 : i32
      %mul3A_834 = arith.constant 16 : i32
      %mul3A_835 = arith.muli %add3A_833, %mul3A_834 : i32
      %swap3A_836 = arith.index_cast %mul3A_835 : i32 to index
      %swap3A_837 = tpu.vector_load %arg9[%swap3A_836] {strides = array<i32>} : memref<32768xf32, #tpu.memory_space<vmem>>, vector<16xf32>,
      tpu.vector_store %arg9[%swap3A_836], %broadcast_in_dim3A_8 {strides = array<i32>} : memref<32768xf32, #tpu.memory_space<vmem>>, vector<16xf32>,
      %mul3A_838 = arith.constant 32 : i32
      %mul3A_839 = arith.muli %scan3A_718, %mul3A_838 : i32
      %add3A_840 = arith.constant 15 : i32
      %add3A_841 = arith.addi %mul3A_839, %add3A_840 : i32
      %mul3A_842 = arith.constant 16 : i32
      %mul3A_843 = arith.muli %add3A_841, %mul3A_842 : i32
      %swap3A_844 = arith.index_cast %mul3A_843 : i32 to index
      %swap3A_845 = tpu.vector_load %arg9[%swap3A_844] {strides = array<i32>} : memref<32768xf32, #tpu.memory_space<vmem>>, vector<16xf32>,
      tpu.vector_store %arg9[%swap3A_844], %broadcast_in_dim3A_8 {strides = array<i32>} : memref<32768xf32, #tpu.memory_space<vmem>>, vector<16xf32>,
      %mul3A_846 = arith.constant 32 : i32
      %mul3A_847 = arith.muli %scan3A_718, %mul3A_846 : i32
      %add3A_848 = arith.constant 16 : i32
      %add3A_849 = arith.addi %mul3A_847, %add3A_848 : i32
      %mul3A_850 = arith.constant 16 : i32
      %mul3A_851 = arith.muli %add3A_849, %mul3A_850 : i32
      %swap3A_852 = arith.index_cast %mul3A_851 : i32 to index
      %swap3A_853 = tpu.vector_load %arg9[%swap3A_852] {strides = array<i32>} : memref<32768xf32, #tpu.memory_space<vmem>>, vector<16xf32>,
      tpu.vector_store %arg9[%swap3A_852], %broadcast_in_dim3A_8 {strides = array<i32>} : memref<32768xf32, #tpu.memory_space<vmem>>, vector<16xf32>,
      %mul3A_854 = arith.constant 32 : i32
      %mul3A_855 = arith.muli %scan3A_718, %mul3A_854 : i32
      %add3A_856 = arith.constant 17 : i32
      %add3A_857 = arith.addi %mul3A_855, %add3A_856 : i32
      %mul3A_858 = arith.constant 16 : i32
      %mul3A_859 = arith.muli %add3A_857, %mul3A_858 : i32
      %swap3A_860 = arith.index_cast %mul3A_859 : i32 to index
      %swap3A_861 = tpu.vector_load %arg9[%swap3A_860] {strides = array<i32>} : memref<32768xf32, #tpu.memory_space<vmem>>, vector<16xf32>,
      tpu.vector_store %arg9[%swap3A_860], %broadcast_in_dim3A_8 {strides = array<i32>} : memref<32768xf32, #tpu.memory_space<vmem>>, vector<16xf32>,
      %mul3A_862 = arith.constant 32 : i32
      %mul3A_863 = arith.muli %scan3A_718, %mul3A_862 : i32
      %add3A_864 = arith.constant 18 : i32
      %add3A_865 = arith.addi %mul3A_863, %add3A_864 : i32
      %mul3A_866 = arith.constant 16 : i32
      %mul3A_867 = arith.muli %add3A_865, %mul3A_866 : i32
      %swap3A_868 = arith.index_cast %mul3A_867 : i32 to index
      %swap3A_869 = tpu.vector_load %arg9[%swap3A_868] {strides = array<i32>} : memref<32768xf32, #tpu.memory_space<vmem>>, vector<16xf32>,
      tpu.vector_store %arg9[%swap3A_868], %broadcast_in_dim3A_8 {strides = array<i32>} : memref<32768xf32, #tpu.memory_space<vmem>>, vector<16xf32>,
      %mul3A_870 = arith.constant 32 : i32
      %mul3A_871 = arith.muli %scan3A_718, %mul3A_870 : i32
      %add3A_872 = arith.constant 19 : i32
      %add3A_873 = arith.addi %mul3A_871, %add3A_872 : i32
      %mul3A_874 = arith.constant 16 : i32
      %mul3A_875 = arith.muli %add3A_873, %mul3A_874 : i32
      %swap3A_876 = arith.index_cast %mul3A_875 : i32 to index
      %swap3A_877 = tpu.vector_load %arg9[%swap3A_876] {strides = array<i32>} : memref<32768xf32, #tpu.memory_space<vmem>>, vector<16xf32>,
      tpu.vector_store %arg9[%swap3A_876], %broadcast_in_dim3A_8 {strides = array<i32>} : memref<32768xf32, #tpu.memory_space<vmem>>, vector<16xf32>,
      %mul3A_878 = arith.constant 32 : i32
      %mul3A_879 = arith.muli %scan3A_718, %mul3A_878 : i32
      %add3A_880 = arith.constant 20 : i32
      %add3A_881 = arith.addi %mul3A_879, %add3A_880 : i32
      %mul3A_882 = arith.constant 16 : i32
      %mul3A_883 = arith.muli %add3A_881, %mul3A_882 : i32
      %swap3A_884 = arith.index_cast %mul3A_883 : i32 to index
      %swap3A_885 = tpu.vector_load %arg9[%swap3A_884] {strides = array<i32>} : memref<32768xf32, #tpu.memory_space<vmem>>, vector<16xf32>,
      tpu.vector_store %arg9[%swap3A_884], %broadcast_in_dim3A_8 {strides = array<i32>} : memref<32768xf32, #tpu.memory_space<vmem>>, vector<16xf32>,
      %mul3A_886 = arith.constant 32 : i32
      %mul3A_887 = arith.muli %scan3A_718, %mul3A_886 : i32
      %add3A_888 = arith.constant 21 : i32
      %add3A_889 = arith.addi %mul3A_887, %add3A_888 : i32
      %mul3A_890 = arith.constant 16 : i32
      %mul3A_891 = arith.muli %add3A_889, %mul3A_890 : i32
      %swap3A_892 = arith.index_cast %mul3A_891 : i32 to index
      %swap3A_893 = tpu.vector_load %arg9[%swap3A_892] {strides = array<i32>} : memref<32768xf32, #tpu.memory_space<vmem>>, vector<16xf32>,
      tpu.vector_store %arg9[%swap3A_892], %broadcast_in_dim3A_8 {strides = array<i32>} : memref<32768xf32, #tpu.memory_space<vmem>>, vector<16xf32>,
      %mul3A_894 = arith.constant 32 : i32
      %mul3A_895 = arith.muli %scan3A_718, %mul3A_894 : i32
      %add3A_896 = arith.constant 22 : i32
      %add3A_897 = arith.addi %mul3A_895, %add3A_896 : i32
      %mul3A_898 = arith.constant 16 : i32
      %mul3A_899 = arith.muli %add3A_897, %mul3A_898 : i32
      %swap3A_900 = arith.index_cast %mul3A_899 : i32 to index
      %swap3A_901 = tpu.vector_load %arg9[%swap3A_900] {strides = array<i32>} : memref<32768xf32, #tpu.memory_space<vmem>>, vector<16xf32>,
      tpu.vector_store %arg9[%swap3A_900], %broadcast_in_dim3A_8 {strides = array<i32>} : memref<32768xf32, #tpu.memory_space<vmem>>, vector<16xf32>,
      %mul3A_902 = arith.constant 32 : i32
      %mul3A_903 = arith.muli %scan3A_718, %mul3A_902 : i32
      %add3A_904 = arith.constant 23 : i32
      %add3A_905 = arith.addi %mul3A_903, %add3A_904 : i32
      %mul3A_906 = arith.constant 16 : i32
      %mul3A_907 = arith.muli %add3A_905, %mul3A_906 : i32
      %swap3A_908 = arith.index_cast %mul3A_907 : i32 to index
      %swap3A_909 = tpu.vector_load %arg9[%swap3A_908] {strides = array<i32>} : memref<32768xf32, #tpu.memory_space<vmem>>, vector<16xf32>,
      tpu.vector_store %arg9[%swap3A_908], %broadcast_in_dim3A_8 {strides = array<i32>} : memref<32768xf32, #tpu.memory_space<vmem>>, vector<16xf32>,
      %mul3A_910 = arith.constant 32 : i32
      %mul3A_911 = arith.muli %scan3A_718, %mul3A_910 : i32
      %add3A_912 = arith.constant 24 : i32
      %add3A_913 = arith.addi %mul3A_911, %add3A_912 : i32
      %mul3A_914 = arith.constant 16 : i32
      %mul3A_915 = arith.muli %add3A_913, %mul3A_914 : i32
      %swap3A_916 = arith.index_cast %mul3A_915 : i32 to index
      %swap3A_917 = tpu.vector_load %arg9[%swap3A_916] {strides = array<i32>} : memref<32768xf32, #tpu.memory_space<vmem>>, vector<16xf32>,
      tpu.vector_store %arg9[%swap3A_916], %broadcast_in_dim3A_8 {strides = array<i32>} : memref<32768xf32, #tpu.memory_space<vmem>>, vector<16xf32>,
      %mul3A_918 = arith.constant 32 : i32
      %mul3A_919 = arith.muli %scan3A_718, %mul3A_918 : i32
      %add3A_920 = arith.constant 25 : i32
      %add3A_921 = arith.addi %mul3A_919, %add3A_920 : i32
      %mul3A_922 = arith.constant 16 : i32
      %mul3A_923 = arith.muli %add3A_921, %mul3A_922 : i32
      %swap3A_924 = arith.index_cast %mul3A_923 : i32 to index
      %swap3A_925 = tpu.vector_load %arg9[%swap3A_924] {strides = array<i32>} : memref<32768xf32, #tpu.memory_space<vmem>>, vector<16xf32>,
      tpu.vector_store %arg9[%swap3A_924], %broadcast_in_dim3A_8 {strides = array<i32>} : memref<32768xf32, #tpu.memory_space<vmem>>, vector<16xf32>,
      %mul3A_926 = arith.constant 32 : i32
      %mul3A_927 = arith.muli %scan3A_718, %mul3A_926 : i32
      %add3A_928 = arith.constant 26 : i32
      %add3A_929 = arith.addi %mul3A_927, %add3A_928 : i32
      %mul3A_930 = arith.constant 16 : i32
      %mul3A_931 = arith.muli %add3A_929, %mul3A_930 : i32
      %swap3A_932 = arith.index_cast %mul3A_931 : i32 to index
      %swap3A_933 = tpu.vector_load %arg9[%swap3A_932] {strides = array<i32>} : memref<32768xf32, #tpu.memory_space<vmem>>, vector<16xf32>,
      tpu.vector_store %arg9[%swap3A_932], %broadcast_in_dim3A_8 {strides = array<i32>} : memref<32768xf32, #tpu.memory_space<vmem>>, vector<16xf32>,
      %mul3A_934 = arith.constant 32 : i32
      %mul3A_935 = arith.muli %scan3A_718, %mul3A_934 : i32
      %add3A_936 = arith.constant 27 : i32
      %add3A_937 = arith.addi %mul3A_935, %add3A_936 : i32
      %mul3A_938 = arith.constant 16 : i32
      %mul3A_939 = arith.muli %add3A_937, %mul3A_938 : i32
      %swap3A_940 = arith.index_cast %mul3A_939 : i32 to index
      %swap3A_941 = tpu.vector_load %arg9[%swap3A_940] {strides = array<i32>} : memref<32768xf32, #tpu.memory_space<vmem>>, vector<16xf32>,
      tpu.vector_store %arg9[%swap3A_940], %broadcast_in_dim3A_8 {strides = array<i32>} : memref<32768xf32, #tpu.memory_space<vmem>>, vector<16xf32>,
      %mul3A_942 = arith.constant 32 : i32
      %mul3A_943 = arith.muli %scan3A_718, %mul3A_942 : i32
      %add3A_944 = arith.constant 28 : i32
      %add3A_945 = arith.addi %mul3A_943, %add3A_944 : i32
      %mul3A_946 = arith.constant 16 : i32
      %mul3A_947 = arith.muli %add3A_945, %mul3A_946 : i32
      %swap3A_948 = arith.index_cast %mul3A_947 : i32 to index
      %swap3A_949 = tpu.vector_load %arg9[%swap3A_948] {strides = array<i32>} : memref<32768xf32, #tpu.memory_space<vmem>>, vector<16xf32>,
      tpu.vector_store %arg9[%swap3A_948], %broadcast_in_dim3A_8 {strides = array<i32>} : memref<32768xf32, #tpu.memory_space<vmem>>, vector<16xf32>,
      %mul3A_950 = arith.constant 32 : i32
      %mul3A_951 = arith.muli %scan3A_718, %mul3A_950 : i32
      %add3A_952 = arith.constant 29 : i32
      %add3A_953 = arith.addi %mul3A_951, %add3A_952 : i32
      %mul3A_954 = arith.constant 16 : i32
      %mul3A_955 = arith.muli %add3A_953, %mul3A_954 : i32
      %swap3A_956 = arith.index_cast %mul3A_955 : i32 to index
      %swap3A_957 = tpu.vector_load %arg9[%swap3A_956] {strides = array<i32>} : memref<32768xf32, #tpu.memory_space<vmem>>, vector<16xf32>,
      tpu.vector_store %arg9[%swap3A_956], %broadcast_in_dim3A_8 {strides = array<i32>} : memref<32768xf32, #tpu.memory_space<vmem>>, vector<16xf32>,
      %mul3A_958 = arith.constant 32 : i32
      %mul3A_959 = arith.muli %scan3A_718, %mul3A_958 : i32
      %add3A_960 = arith.constant 30 : i32
      %add3A_961 = arith.addi %mul3A_959, %add3A_960 : i32
      %mul3A_962 = arith.constant 16 : i32
      %mul3A_963 = arith.muli %add3A_961, %mul3A_962 : i32
      %swap3A_964 = arith.index_cast %mul3A_963 : i32 to index
      %swap3A_965 = tpu.vector_load %arg9[%swap3A_964] {strides = array<i32>} : memref<32768xf32, #tpu.memory_space<vmem>>, vector<16xf32>,
      tpu.vector_store %arg9[%swap3A_964], %broadcast_in_dim3A_8 {strides = array<i32>} : memref<32768xf32, #tpu.memory_space<vmem>>, vector<16xf32>,
      %mul3A_966 = arith.constant 32 : i32
      %mul3A_967 = arith.muli %scan3A_718, %mul3A_966 : i32
      %add3A_968 = arith.constant 31 : i32
      %add3A_969 = arith.addi %mul3A_967, %add3A_968 : i32
      %mul3A_970 = arith.constant 16 : i32
      %mul3A_971 = arith.muli %add3A_969, %mul3A_970 : i32
      %swap3A_972 = arith.index_cast %mul3A_971 : i32 to index
      %swap3A_973 = tpu.vector_load %arg9[%swap3A_972] {strides = array<i32>} : memref<32768xf32, #tpu.memory_space<vmem>>, vector<16xf32>,
      tpu.vector_store %arg9[%swap3A_972], %broadcast_in_dim3A_8 {strides = array<i32>} : memref<32768xf32, #tpu.memory_space<vmem>>, vector<16xf32>,
    }
    %scan3A_92 = arith.constant 64 : i32
    %parallel_loop3A_93 = arith.constant 0 : i32
    %parallel_loop3A_94 = arith.constant 200 : i32
    %parallel_loop3A_95 = arith.constant 1 : i32
    scf.for %parallel_loop3A_718 = %parallel_loop3A_93 to %parallel_loop3A_94 step %parallel_loop3A_95  : i32 {
      %parallel_loop3A_719 = arith.constant 3 : i32
      %parallel_loop3A_720 = arith.andi %parallel_loop3A_718, %parallel_loop3A_719 : i32
      %parallel_loop3A_721 = arith.constant 2 : i32
      %parallel_loop3A_722 = arith.shrui %parallel_loop3A_718, %parallel_loop3A_721 : i32
      %parallel_loop3A_723 = arith.constant 4 : i32
      %parallel_loop3A_724 = arith.shli %parallel_loop3A_720, %parallel_loop3A_723 : i32
      %parallel_loop3A_725 = vector.broadcast %parallel_loop3A_724 : i32 to vector<16xi32>
      %parallel_loop3A_726 = arith.addi %parallel_loop3A_725, %iota3A : vector<16xi32>
      %parallel_loop3A_727 = vector.broadcast %parallel_loop3A_722 : i32 to vector<16xi32>
      %parallel_loop3A_728 = tpu.vector_load_idx %arg6[%parallel_loop3A_726, %parallel_loop3A_727] : memref<64x50xi32, #tpu.memory_space<vmem>>[vector<16xi32>, vector<16xi32>], vector<16xi32>,
      %parallel_loop3A_729 = tpu.vector_load_idx %arg7[%parallel_loop3A_728] : memref<512xi32, #tpu.memory_space<vmem>>[vector<16xi32>], vector<16xi32>,
      %parallel_loop3A_730 = arith.constant 7 : i32
      %parallel_loop3A_731 = vector.broadcast %parallel_loop3A_730 : i32 to vector<16xi32>
      %parallel_loop3A_732 = arith.shrui %parallel_loop3A_729, %parallel_loop3A_731 : vector<16xi32>
      %parallel_loop3A_733 = arith.constant 127 : i32
      %parallel_loop3A_734 = vector.broadcast %parallel_loop3A_733 : i32 to vector<16xi32>
      %parallel_loop3A_735 = arith.andi %parallel_loop3A_729, %parallel_loop3A_734 : vector<16xi32>
      %parallel_loop3A_736 = arith.constant 13 : i32
      %parallel_loop3A_737 = vector.broadcast %parallel_loop3A_736 : i32 to vector<16xi32>
      %parallel_loop3A_738 = arith.shli %parallel_loop3A_732, %parallel_loop3A_737 : vector<16xi32>
      %parallel_loop3A_739 = arith.constant 7 : i32
      %parallel_loop3A_740 = vector.broadcast %parallel_loop3A_739 : i32 to vector<16xi32>
      %parallel_loop3A_741 = arith.shli %parallel_loop3A_726, %parallel_loop3A_740 : vector<16xi32>
      %parallel_loop3A_742 = arith.addi %parallel_loop3A_738, %parallel_loop3A_741 : vector<16xi32>
      %parallel_loop3A_743 = arith.addi %parallel_loop3A_742, %parallel_loop3A_735 : vector<16xi32>
      tpu.vector_store_idx %arg9[%parallel_loop3A_743], %broadcast_in_dim3A_10 {add = true} : memref<32768xf32, #tpu.memory_space<vmem>>[vector<16xi32>], vector<16xf32>,
    } {sc.loop_unroll_factor = 4 : i64, sc.parallel_access}
    %mul3A_96 = arith.constant 512 : i32
    %mul3A_97 = arith.muli %add3A, %mul3A_96 : i32
    %add3A_98 = arith.constant 64 : i32
    %add3A_99 = arith.addi %mul3A_97, %add3A_98 : i32
    %add3A_100 = arith.constant 0 : i32
    %add3A_101 = arith.addi %add3A_100, %add3A_99 : i32
    %mul3A_102 = arith.constant 128 : i32
    %mul3A_103 = arith.muli %add3A_101, %mul3A_102 : i32
    %dma_start3A_104 = arith.constant 0 : i32
    %dma_start3A_105 = tpu.memref_slice %arg9[%dma_start3A_104] : memref<32768xf32, #tpu.memory_space<vmem>> -> memref<8192xf32, #tpu.memory_space<vmem>>
    %dma_start3A_106 = tpu.memref_slice %arg4[%mul3A_103] : memref<8388608xf32, #tpu.memory_space<hbm>> -> memref<8192xf32, #tpu.memory_space<hbm>>
    %dma_start3A_107 = tpu.memref_slice %arg4[%mul3A_103] : memref<8388608xf32, #tpu.memory_space<hbm>> -> memref<8192xf32, #tpu.memory_space<hbm>>
    %dma_start3A_108 = arith.constant 0 : i32
    %dma_start3A_109 = tpu.memref_slice %arg9[%dma_start3A_108] : memref<32768xf32, #tpu.memory_space<vmem>> -> memref<8192xf32, #tpu.memory_space<vmem>>
    tpu.enqueue_dma source(%dma_start3A_109 : memref<8192xf32, #tpu.memory_space<vmem>>) target(%dma_start3A_107 : memref<8192xf32, #tpu.memory_space<hbm>>) target_semaphore(%arg11 : memref<!tpu.dma_semaphore, #tpu.memory_space<semaphore_mem>>)
    %add3A_110 = arith.constant 16384 : i32
    %add3A_111 = arith.addi %add3A_110, %add3A_99 : i32
    %mul3A_112 = arith.constant 128 : i32
    %mul3A_113 = arith.muli %add3A_111, %mul3A_112 : i32
    %dma_start3A_114 = arith.constant 8192 : i32
    %dma_start3A_115 = tpu.memref_slice %arg9[%dma_start3A_114] : memref<32768xf32, #tpu.memory_space<vmem>> -> memref<8192xf32, #tpu.memory_space<vmem>>
    %dma_start3A_116 = tpu.memref_slice %arg4[%mul3A_113] : memref<8388608xf32, #tpu.memory_space<hbm>> -> memref<8192xf32, #tpu.memory_space<hbm>>
    %dma_start3A_117 = tpu.memref_slice %arg4[%mul3A_113] : memref<8388608xf32, #tpu.memory_space<hbm>> -> memref<8192xf32, #tpu.memory_space<hbm>>
    %dma_start3A_118 = arith.constant 8192 : i32
    %dma_start3A_119 = tpu.memref_slice %arg9[%dma_start3A_118] : memref<32768xf32, #tpu.memory_space<vmem>> -> memref<8192xf32, #tpu.memory_space<vmem>>
    tpu.enqueue_dma source(%dma_start3A_119 : memref<8192xf32, #tpu.memory_space<vmem>>) target(%dma_start3A_117 : memref<8192xf32, #tpu.memory_space<hbm>>) target_semaphore(%arg11 : memref<!tpu.dma_semaphore, #tpu.memory_space<semaphore_mem>>)
    %add3A_120 = arith.constant 32768 : i32
    %add3A_121 = arith.addi %add3A_120, %add3A_99 : i32
    %mul3A_122 = arith.constant 128 : i32
    %mul3A_123 = arith.muli %add3A_121, %mul3A_122 : i32
    %dma_start3A_124 = arith.constant 16384 : i32
    %dma_start3A_125 = tpu.memref_slice %arg9[%dma_start3A_124] : memref<32768xf32, #tpu.memory_space<vmem>> -> memref<8192xf32, #tpu.memory_space<vmem>>
    %dma_start3A_126 = tpu.memref_slice %arg4[%mul3A_123] : memref<8388608xf32, #tpu.memory_space<hbm>> -> memref<8192xf32, #tpu.memory_space<hbm>>
    %dma_start3A_127 = tpu.memref_slice %arg4[%mul3A_123] : memref<8388608xf32, #tpu.memory_space<hbm>> -> memref<8192xf32, #tpu.memory_space<hbm>>
    %dma_start3A_128 = arith.constant 16384 : i32
    %dma_start3A_129 = tpu.memref_slice %arg9[%dma_start3A_128] : memref<32768xf32, #tpu.memory_space<vmem>> -> memref<8192xf32, #tpu.memory_space<vmem>>
    tpu.enqueue_dma source(%dma_start3A_129 : memref<8192xf32, #tpu.memory_space<vmem>>) target(%dma_start3A_127 : memref<8192xf32, #tpu.memory_space<hbm>>) target_semaphore(%arg11 : memref<!tpu.dma_semaphore, #tpu.memory_space<semaphore_mem>>)
    %add3A_130 = arith.constant 49152 : i32
    %add3A_131 = arith.addi %add3A_130, %add3A_99 : i32
    %mul3A_132 = arith.constant 128 : i32
    %mul3A_133 = arith.muli %add3A_131, %mul3A_132 : i32
    %dma_start3A_134 = arith.constant 24576 : i32
    %dma_start3A_135 = tpu.memref_slice %arg9[%dma_start3A_134] : memref<32768xf32, #tpu.memory_space<vmem>> -> memref<8192xf32, #tpu.memory_space<vmem>>
    %dma_start3A_136 = tpu.memref_slice %arg4[%mul3A_133] : memref<8388608xf32, #tpu.memory_space<hbm>> -> memref<8192xf32, #tpu.memory_space<hbm>>
    %dma_start3A_137 = tpu.memref_slice %arg4[%mul3A_133] : memref<8388608xf32, #tpu.memory_space<hbm>> -> memref<8192xf32, #tpu.memory_space<hbm>>
    %dma_start3A_138 = arith.constant 24576 : i32
    %dma_start3A_139 = tpu.memref_slice %arg9[%dma_start3A_138] : memref<32768xf32, #tpu.memory_space<vmem>> -> memref<8192xf32, #tpu.memory_space<vmem>>
    tpu.enqueue_dma source(%dma_start3A_139 : memref<8192xf32, #tpu.memory_space<vmem>>) target(%dma_start3A_137 : memref<8192xf32, #tpu.memory_space<hbm>>) target_semaphore(%arg11 : memref<!tpu.dma_semaphore, #tpu.memory_space<semaphore_mem>>)
    %dma_wait3A_140 = arith.constant 0 : i32
    %dma_wait3A_141 = tpu.memref_slice %arg2[%add3A_83, %dma_wait3A_140] : memref<16384x50xi32, #tpu.memory_space<hbm>> -> memref<64x50xi32, #tpu.memory_space<hbm>>
    %dma_wait3A_142 = arith.constant 0 : i32
    %dma_wait3A_143 = tpu.memref_slice %arg2[%add3A_83, %dma_wait3A_142] : memref<16384x50xi32, #tpu.memory_space<hbm>> -> memref<64x50xi32, #tpu.memory_space<hbm>>
    tpu.wait_dma2 semaphore(%arg12 : memref<!tpu.dma_semaphore, #tpu.memory_space<semaphore_mem>>) src(%dma_wait3A_143 : memref<64x50xi32, #tpu.memory_space<hbm>>) dst(%arg5 : memref<64x50xi32, #tpu.memory_space<vmem>>)
    %mul3A_144 = arith.constant 512 : i32
    %mul3A_145 = arith.muli %add3A, %mul3A_144 : i32
    %add3A_146 = arith.constant 0 : i32
    %add3A_147 = arith.addi %add3A_146, %mul3A_145 : i32
    %add3A_148 = arith.constant 192 : i32
    %add3A_149 = arith.addi %add3A_147, %add3A_148 : i32
    %dma_start3A_150 = arith.constant 0 : i32
    %dma_start3A_151 = tpu.memref_slice %arg2[%add3A_149, %dma_start3A_150] : memref<16384x50xi32, #tpu.memory_space<hbm>> -> memref<64x50xi32, #tpu.memory_space<hbm>>
    %dma_start3A_152 = arith.constant 0 : i32
    %dma_start3A_153 = tpu.memref_slice %arg2[%add3A_149, %dma_start3A_152] : memref<16384x50xi32, #tpu.memory_space<hbm>> -> memref<64x50xi32, #tpu.memory_space<hbm>>
    tpu.enqueue_dma source(%dma_start3A_153 : memref<64x50xi32, #tpu.memory_space<hbm>>) target(%arg6 : memref<64x50xi32, #tpu.memory_space<vmem>>) target_semaphore(%arg12 : memref<!tpu.dma_semaphore, #tpu.memory_space<semaphore_mem>>)
    %dma_wait3A_154 = arith.constant 0 : i32
    %dma_wait3A_155 = tpu.memref_slice %arg8[%dma_wait3A_154] : memref<32768xf32, #tpu.memory_space<vmem>> -> memref<8192xf32, #tpu.memory_space<vmem>>
    %dma_wait3A_156 = tpu.memref_slice %arg4[%mul3A_37] : memref<8388608xf32, #tpu.memory_space<hbm>> -> memref<8192xf32, #tpu.memory_space<hbm>>
    %dma_wait3A_157 = tpu.memref_slice %arg4[%mul3A_37] : memref<8388608xf32, #tpu.memory_space<hbm>> -> memref<8192xf32, #tpu.memory_space<hbm>>
    %dma_wait3A_158 = arith.constant 0 : i32
    %dma_wait3A_159 = tpu.memref_slice %arg8[%dma_wait3A_158] : memref<32768xf32, #tpu.memory_space<vmem>> -> memref<8192xf32, #tpu.memory_space<vmem>>
    tpu.wait_dma2 semaphore(%arg10 : memref<!tpu.dma_semaphore, #tpu.memory_space<semaphore_mem>>) src(%dma_wait3A_159 : memref<8192xf32, #tpu.memory_space<vmem>>) dst(%dma_wait3A_157 : memref<8192xf32, #tpu.memory_space<hbm>>)
    %dma_wait3A_160 = arith.constant 8192 : i32
    %dma_wait3A_161 = tpu.memref_slice %arg8[%dma_wait3A_160] : memref<32768xf32, #tpu.memory_space<vmem>> -> memref<8192xf32, #tpu.memory_space<vmem>>
    %dma_wait3A_162 = tpu.memref_slice %arg4[%mul3A_47] : memref<8388608xf32, #tpu.memory_space<hbm>> -> memref<8192xf32, #tpu.memory_space<hbm>>
    %dma_wait3A_163 = tpu.memref_slice %arg4[%mul3A_47] : memref<8388608xf32, #tpu.memory_space<hbm>> -> memref<8192xf32, #tpu.memory_space<hbm>>
    %dma_wait3A_164 = arith.constant 8192 : i32
    %dma_wait3A_165 = tpu.memref_slice %arg8[%dma_wait3A_164] : memref<32768xf32, #tpu.memory_space<vmem>> -> memref<8192xf32, #tpu.memory_space<vmem>>
    tpu.wait_dma2 semaphore(%arg10 : memref<!tpu.dma_semaphore, #tpu.memory_space<semaphore_mem>>) src(%dma_wait3A_165 : memref<8192xf32, #tpu.memory_space<vmem>>) dst(%dma_wait3A_163 : memref<8192xf32, #tpu.memory_space<hbm>>)
    %dma_wait3A_166 = arith.constant 16384 : i32
    %dma_wait3A_167 = tpu.memref_slice %arg8[%dma_wait3A_166] : memref<32768xf32, #tpu.memory_space<vmem>> -> memref<8192xf32, #tpu.memory_space<vmem>>
    %dma_wait3A_168 = tpu.memref_slice %arg4[%mul3A_57] : memref<8388608xf32, #tpu.memory_space<hbm>> -> memref<8192xf32, #tpu.memory_space<hbm>>
    %dma_wait3A_169 = tpu.memref_slice %arg4[%mul3A_57] : memref<8388608xf32, #tpu.memory_space<hbm>> -> memref<8192xf32, #tpu.memory_space<hbm>>
    %dma_wait3A_170 = arith.constant 16384 : i32
    %dma_wait3A_171 = tpu.memref_slice %arg8[%dma_wait3A_170] : memref<32768xf32, #tpu.memory_space<vmem>> -> memref<8192xf32, #tpu.memory_space<vmem>>
    tpu.wait_dma2 semaphore(%arg10 : memref<!tpu.dma_semaphore, #tpu.memory_space<semaphore_mem>>) src(%dma_wait3A_171 : memref<8192xf32, #tpu.memory_space<vmem>>) dst(%dma_wait3A_169 : memref<8192xf32, #tpu.memory_space<hbm>>)
    %dma_wait3A_172 = arith.constant 24576 : i32
    %dma_wait3A_173 = tpu.memref_slice %arg8[%dma_wait3A_172] : memref<32768xf32, #tpu.memory_space<vmem>> -> memref<8192xf32, #tpu.memory_space<vmem>>
    %dma_wait3A_174 = tpu.memref_slice %arg4[%mul3A_67] : memref<8388608xf32, #tpu.memory_space<hbm>> -> memref<8192xf32, #tpu.memory_space<hbm>>
    %dma_wait3A_175 = tpu.memref_slice %arg4[%mul3A_67] : memref<8388608xf32, #tpu.memory_space<hbm>> -> memref<8192xf32, #tpu.memory_space<hbm>>
    %dma_wait3A_176 = arith.constant 24576 : i32
    %dma_wait3A_177 = tpu.memref_slice %arg8[%dma_wait3A_176] : memref<32768xf32, #tpu.memory_space<vmem>> -> memref<8192xf32, #tpu.memory_space<vmem>>
    tpu.wait_dma2 semaphore(%arg10 : memref<!tpu.dma_semaphore, #tpu.memory_space<semaphore_mem>>) src(%dma_wait3A_177 : memref<8192xf32, #tpu.memory_space<vmem>>) dst(%dma_wait3A_175 : memref<8192xf32, #tpu.memory_space<hbm>>)
    %scan3A_178 = arith.constant 0 : i32
    %scan3A_179 = arith.constant 64 : i32
    %scan3A_180 = arith.addi %scan3A_178, %scan3A_179 : i32
    %scan3A_181 = arith.constant 1 : i32
    scf.for %scan3A_718 = %scan3A_178 to %scan3A_180 step %scan3A_181  : i32 {
      %mul3A_719 = arith.constant 32 : i32
      %mul3A_720 = arith.muli %scan3A_718, %mul3A_719 : i32
      %add3A_721 = arith.constant 0 : i32
      %add3A_722 = arith.addi %mul3A_720, %add3A_721 : i32
      %mul3A_723 = arith.constant 16 : i32
      %mul3A_724 = arith.muli %add3A_722, %mul3A_723 : i32
      %swap3A = arith.index_cast %mul3A_724 : i32 to index
      %swap3A_725 = tpu.vector_load %arg8[%swap3A] {strides = array<i32>} : memref<32768xf32, #tpu.memory_space<vmem>>, vector<16xf32>,
      tpu.vector_store %arg8[%swap3A], %broadcast_in_dim3A_8 {strides = array<i32>} : memref<32768xf32, #tpu.memory_space<vmem>>, vector<16xf32>,
      %mul3A_726 = arith.constant 32 : i32
      %mul3A_727 = arith.muli %scan3A_718, %mul3A_726 : i32
      %add3A_728 = arith.constant 1 : i32
      %add3A_729 = arith.addi %mul3A_727, %add3A_728 : i32
      %mul3A_730 = arith.constant 16 : i32
      %mul3A_731 = arith.muli %add3A_729, %mul3A_730 : i32
      %swap3A_732 = arith.index_cast %mul3A_731 : i32 to index
      %swap3A_733 = tpu.vector_load %arg8[%swap3A_732] {strides = array<i32>} : memref<32768xf32, #tpu.memory_space<vmem>>, vector<16xf32>,
      tpu.vector_store %arg8[%swap3A_732], %broadcast_in_dim3A_8 {strides = array<i32>} : memref<32768xf32, #tpu.memory_space<vmem>>, vector<16xf32>,
      %mul3A_734 = arith.constant 32 : i32
      %mul3A_735 = arith.muli %scan3A_718, %mul3A_734 : i32
      %add3A_736 = arith.constant 2 : i32
      %add3A_737 = arith.addi %mul3A_735, %add3A_736 : i32
      %mul3A_738 = arith.constant 16 : i32
      %mul3A_739 = arith.muli %add3A_737, %mul3A_738 : i32
      %swap3A_740 = arith.index_cast %mul3A_739 : i32 to index
      %swap3A_741 = tpu.vector_load %arg8[%swap3A_740] {strides = array<i32>} : memref<32768xf32, #tpu.memory_space<vmem>>, vector<16xf32>,
      tpu.vector_store %arg8[%swap3A_740], %broadcast_in_dim3A_8 {strides = array<i32>} : memref<32768xf32, #tpu.memory_space<vmem>>, vector<16xf32>,
      %mul3A_742 = arith.constant 32 : i32
      %mul3A_743 = arith.muli %scan3A_718, %mul3A_742 : i32
      %add3A_744 = arith.constant 3 : i32
      %add3A_745 = arith.addi %mul3A_743, %add3A_744 : i32
      %mul3A_746 = arith.constant 16 : i32
      %mul3A_747 = arith.muli %add3A_745, %mul3A_746 : i32
      %swap3A_748 = arith.index_cast %mul3A_747 : i32 to index
      %swap3A_749 = tpu.vector_load %arg8[%swap3A_748] {strides = array<i32>} : memref<32768xf32, #tpu.memory_space<vmem>>, vector<16xf32>,
      tpu.vector_store %arg8[%swap3A_748], %broadcast_in_dim3A_8 {strides = array<i32>} : memref<32768xf32, #tpu.memory_space<vmem>>, vector<16xf32>,
      %mul3A_750 = arith.constant 32 : i32
      %mul3A_751 = arith.muli %scan3A_718, %mul3A_750 : i32
      %add3A_752 = arith.constant 4 : i32
      %add3A_753 = arith.addi %mul3A_751, %add3A_752 : i32
      %mul3A_754 = arith.constant 16 : i32
      %mul3A_755 = arith.muli %add3A_753, %mul3A_754 : i32
      %swap3A_756 = arith.index_cast %mul3A_755 : i32 to index
      %swap3A_757 = tpu.vector_load %arg8[%swap3A_756] {strides = array<i32>} : memref<32768xf32, #tpu.memory_space<vmem>>, vector<16xf32>,
      tpu.vector_store %arg8[%swap3A_756], %broadcast_in_dim3A_8 {strides = array<i32>} : memref<32768xf32, #tpu.memory_space<vmem>>, vector<16xf32>,
      %mul3A_758 = arith.constant 32 : i32
      %mul3A_759 = arith.muli %scan3A_718, %mul3A_758 : i32
      %add3A_760 = arith.constant 5 : i32
      %add3A_761 = arith.addi %mul3A_759, %add3A_760 : i32
      %mul3A_762 = arith.constant 16 : i32
      %mul3A_763 = arith.muli %add3A_761, %mul3A_762 : i32
      %swap3A_764 = arith.index_cast %mul3A_763 : i32 to index
      %swap3A_765 = tpu.vector_load %arg8[%swap3A_764] {strides = array<i32>} : memref<32768xf32, #tpu.memory_space<vmem>>, vector<16xf32>,
      tpu.vector_store %arg8[%swap3A_764], %broadcast_in_dim3A_8 {strides = array<i32>} : memref<32768xf32, #tpu.memory_space<vmem>>, vector<16xf32>,
      %mul3A_766 = arith.constant 32 : i32
      %mul3A_767 = arith.muli %scan3A_718, %mul3A_766 : i32
      %add3A_768 = arith.constant 6 : i32
      %add3A_769 = arith.addi %mul3A_767, %add3A_768 : i32
      %mul3A_770 = arith.constant 16 : i32
      %mul3A_771 = arith.muli %add3A_769, %mul3A_770 : i32
      %swap3A_772 = arith.index_cast %mul3A_771 : i32 to index
      %swap3A_773 = tpu.vector_load %arg8[%swap3A_772] {strides = array<i32>} : memref<32768xf32, #tpu.memory_space<vmem>>, vector<16xf32>,
      tpu.vector_store %arg8[%swap3A_772], %broadcast_in_dim3A_8 {strides = array<i32>} : memref<32768xf32, #tpu.memory_space<vmem>>, vector<16xf32>,
      %mul3A_774 = arith.constant 32 : i32
      %mul3A_775 = arith.muli %scan3A_718, %mul3A_774 : i32
      %add3A_776 = arith.constant 7 : i32
      %add3A_777 = arith.addi %mul3A_775, %add3A_776 : i32
      %mul3A_778 = arith.constant 16 : i32
      %mul3A_779 = arith.muli %add3A_777, %mul3A_778 : i32
      %swap3A_780 = arith.index_cast %mul3A_779 : i32 to index
      %swap3A_781 = tpu.vector_load %arg8[%swap3A_780] {strides = array<i32>} : memref<32768xf32, #tpu.memory_space<vmem>>, vector<16xf32>,
      tpu.vector_store %arg8[%swap3A_780], %broadcast_in_dim3A_8 {strides = array<i32>} : memref<32768xf32, #tpu.memory_space<vmem>>, vector<16xf32>,
      %mul3A_782 = arith.constant 32 : i32
      %mul3A_783 = arith.muli %scan3A_718, %mul3A_782 : i32
      %add3A_784 = arith.constant 8 : i32
      %add3A_785 = arith.addi %mul3A_783, %add3A_784 : i32
      %mul3A_786 = arith.constant 16 : i32
      %mul3A_787 = arith.muli %add3A_785, %mul3A_786 : i32
      %swap3A_788 = arith.index_cast %mul3A_787 : i32 to index
      %swap3A_789 = tpu.vector_load %arg8[%swap3A_788] {strides = array<i32>} : memref<32768xf32, #tpu.memory_space<vmem>>, vector<16xf32>,
      tpu.vector_store %arg8[%swap3A_788], %broadcast_in_dim3A_8 {strides = array<i32>} : memref<32768xf32, #tpu.memory_space<vmem>>, vector<16xf32>,
      %mul3A_790 = arith.constant 32 : i32
      %mul3A_791 = arith.muli %scan3A_718, %mul3A_790 : i32
      %add3A_792 = arith.constant 9 : i32
      %add3A_793 = arith.addi %mul3A_791, %add3A_792 : i32
      %mul3A_794 = arith.constant 16 : i32
      %mul3A_795 = arith.muli %add3A_793, %mul3A_794 : i32
      %swap3A_796 = arith.index_cast %mul3A_795 : i32 to index
      %swap3A_797 = tpu.vector_load %arg8[%swap3A_796] {strides = array<i32>} : memref<32768xf32, #tpu.memory_space<vmem>>, vector<16xf32>,
      tpu.vector_store %arg8[%swap3A_796], %broadcast_in_dim3A_8 {strides = array<i32>} : memref<32768xf32, #tpu.memory_space<vmem>>, vector<16xf32>,
      %mul3A_798 = arith.constant 32 : i32
      %mul3A_799 = arith.muli %scan3A_718, %mul3A_798 : i32
      %add3A_800 = arith.constant 10 : i32
      %add3A_801 = arith.addi %mul3A_799, %add3A_800 : i32
      %mul3A_802 = arith.constant 16 : i32
      %mul3A_803 = arith.muli %add3A_801, %mul3A_802 : i32
      %swap3A_804 = arith.index_cast %mul3A_803 : i32 to index
      %swap3A_805 = tpu.vector_load %arg8[%swap3A_804] {strides = array<i32>} : memref<32768xf32, #tpu.memory_space<vmem>>, vector<16xf32>,
      tpu.vector_store %arg8[%swap3A_804], %broadcast_in_dim3A_8 {strides = array<i32>} : memref<32768xf32, #tpu.memory_space<vmem>>, vector<16xf32>,
      %mul3A_806 = arith.constant 32 : i32
      %mul3A_807 = arith.muli %scan3A_718, %mul3A_806 : i32
      %add3A_808 = arith.constant 11 : i32
      %add3A_809 = arith.addi %mul3A_807, %add3A_808 : i32
      %mul3A_810 = arith.constant 16 : i32
      %mul3A_811 = arith.muli %add3A_809, %mul3A_810 : i32
      %swap3A_812 = arith.index_cast %mul3A_811 : i32 to index
      %swap3A_813 = tpu.vector_load %arg8[%swap3A_812] {strides = array<i32>} : memref<32768xf32, #tpu.memory_space<vmem>>, vector<16xf32>,
      tpu.vector_store %arg8[%swap3A_812], %broadcast_in_dim3A_8 {strides = array<i32>} : memref<32768xf32, #tpu.memory_space<vmem>>, vector<16xf32>,
      %mul3A_814 = arith.constant 32 : i32
      %mul3A_815 = arith.muli %scan3A_718, %mul3A_814 : i32
      %add3A_816 = arith.constant 12 : i32
      %add3A_817 = arith.addi %mul3A_815, %add3A_816 : i32
      %mul3A_818 = arith.constant 16 : i32
      %mul3A_819 = arith.muli %add3A_817, %mul3A_818 : i32
      %swap3A_820 = arith.index_cast %mul3A_819 : i32 to index
      %swap3A_821 = tpu.vector_load %arg8[%swap3A_820] {strides = array<i32>} : memref<32768xf32, #tpu.memory_space<vmem>>, vector<16xf32>,
      tpu.vector_store %arg8[%swap3A_820], %broadcast_in_dim3A_8 {strides = array<i32>} : memref<32768xf32, #tpu.memory_space<vmem>>, vector<16xf32>,
      %mul3A_822 = arith.constant 32 : i32
      %mul3A_823 = arith.muli %scan3A_718, %mul3A_822 : i32
      %add3A_824 = arith.constant 13 : i32
      %add3A_825 = arith.addi %mul3A_823, %add3A_824 : i32
      %mul3A_826 = arith.constant 16 : i32
      %mul3A_827 = arith.muli %add3A_825, %mul3A_826 : i32
      %swap3A_828 = arith.index_cast %mul3A_827 : i32 to index
      %swap3A_829 = tpu.vector_load %arg8[%swap3A_828] {strides = array<i32>} : memref<32768xf32, #tpu.memory_space<vmem>>, vector<16xf32>,
      tpu.vector_store %arg8[%swap3A_828], %broadcast_in_dim3A_8 {strides = array<i32>} : memref<32768xf32, #tpu.memory_space<vmem>>, vector<16xf32>,
      %mul3A_830 = arith.constant 32 : i32
      %mul3A_831 = arith.muli %scan3A_718, %mul3A_830 : i32
      %add3A_832 = arith.constant 14 : i32
      %add3A_833 = arith.addi %mul3A_831, %add3A_832 : i32
      %mul3A_834 = arith.constant 16 : i32
      %mul3A_835 = arith.muli %add3A_833, %mul3A_834 : i32
      %swap3A_836 = arith.index_cast %mul3A_835 : i32 to index
      %swap3A_837 = tpu.vector_load %arg8[%swap3A_836] {strides = array<i32>} : memref<32768xf32, #tpu.memory_space<vmem>>, vector<16xf32>,
      tpu.vector_store %arg8[%swap3A_836], %broadcast_in_dim3A_8 {strides = array<i32>} : memref<32768xf32, #tpu.memory_space<vmem>>, vector<16xf32>,
      %mul3A_838 = arith.constant 32 : i32
      %mul3A_839 = arith.muli %scan3A_718, %mul3A_838 : i32
      %add3A_840 = arith.constant 15 : i32
      %add3A_841 = arith.addi %mul3A_839, %add3A_840 : i32
      %mul3A_842 = arith.constant 16 : i32
      %mul3A_843 = arith.muli %add3A_841, %mul3A_842 : i32
      %swap3A_844 = arith.index_cast %mul3A_843 : i32 to index
      %swap3A_845 = tpu.vector_load %arg8[%swap3A_844] {strides = array<i32>} : memref<32768xf32, #tpu.memory_space<vmem>>, vector<16xf32>,
      tpu.vector_store %arg8[%swap3A_844], %broadcast_in_dim3A_8 {strides = array<i32>} : memref<32768xf32, #tpu.memory_space<vmem>>, vector<16xf32>,
      %mul3A_846 = arith.constant 32 : i32
      %mul3A_847 = arith.muli %scan3A_718, %mul3A_846 : i32
      %add3A_848 = arith.constant 16 : i32
      %add3A_849 = arith.addi %mul3A_847, %add3A_848 : i32
      %mul3A_850 = arith.constant 16 : i32
      %mul3A_851 = arith.muli %add3A_849, %mul3A_850 : i32
      %swap3A_852 = arith.index_cast %mul3A_851 : i32 to index
      %swap3A_853 = tpu.vector_load %arg8[%swap3A_852] {strides = array<i32>} : memref<32768xf32, #tpu.memory_space<vmem>>, vector<16xf32>,
      tpu.vector_store %arg8[%swap3A_852], %broadcast_in_dim3A_8 {strides = array<i32>} : memref<32768xf32, #tpu.memory_space<vmem>>, vector<16xf32>,
      %mul3A_854 = arith.constant 32 : i32
      %mul3A_855 = arith.muli %scan3A_718, %mul3A_854 : i32
      %add3A_856 = arith.constant 17 : i32
      %add3A_857 = arith.addi %mul3A_855, %add3A_856 : i32
      %mul3A_858 = arith.constant 16 : i32
      %mul3A_859 = arith.muli %add3A_857, %mul3A_858 : i32
      %swap3A_860 = arith.index_cast %mul3A_859 : i32 to index
      %swap3A_861 = tpu.vector_load %arg8[%swap3A_860] {strides = array<i32>} : memref<32768xf32, #tpu.memory_space<vmem>>, vector<16xf32>,
      tpu.vector_store %arg8[%swap3A_860], %broadcast_in_dim3A_8 {strides = array<i32>} : memref<32768xf32, #tpu.memory_space<vmem>>, vector<16xf32>,
      %mul3A_862 = arith.constant 32 : i32
      %mul3A_863 = arith.muli %scan3A_718, %mul3A_862 : i32
      %add3A_864 = arith.constant 18 : i32
      %add3A_865 = arith.addi %mul3A_863, %add3A_864 : i32
      %mul3A_866 = arith.constant 16 : i32
      %mul3A_867 = arith.muli %add3A_865, %mul3A_866 : i32
      %swap3A_868 = arith.index_cast %mul3A_867 : i32 to index
      %swap3A_869 = tpu.vector_load %arg8[%swap3A_868] {strides = array<i32>} : memref<32768xf32, #tpu.memory_space<vmem>>, vector<16xf32>,
      tpu.vector_store %arg8[%swap3A_868], %broadcast_in_dim3A_8 {strides = array<i32>} : memref<32768xf32, #tpu.memory_space<vmem>>, vector<16xf32>,
      %mul3A_870 = arith.constant 32 : i32
      %mul3A_871 = arith.muli %scan3A_718, %mul3A_870 : i32
      %add3A_872 = arith.constant 19 : i32
      %add3A_873 = arith.addi %mul3A_871, %add3A_872 : i32
      %mul3A_874 = arith.constant 16 : i32
      %mul3A_875 = arith.muli %add3A_873, %mul3A_874 : i32
      %swap3A_876 = arith.index_cast %mul3A_875 : i32 to index
      %swap3A_877 = tpu.vector_load %arg8[%swap3A_876] {strides = array<i32>} : memref<32768xf32, #tpu.memory_space<vmem>>, vector<16xf32>,
      tpu.vector_store %arg8[%swap3A_876], %broadcast_in_dim3A_8 {strides = array<i32>} : memref<32768xf32, #tpu.memory_space<vmem>>, vector<16xf32>,
      %mul3A_878 = arith.constant 32 : i32
      %mul3A_879 = arith.muli %scan3A_718, %mul3A_878 : i32
      %add3A_880 = arith.constant 20 : i32
      %add3A_881 = arith.addi %mul3A_879, %add3A_880 : i32
      %mul3A_882 = arith.constant 16 : i32
      %mul3A_883 = arith.muli %add3A_881, %mul3A_882 : i32
      %swap3A_884 = arith.index_cast %mul3A_883 : i32 to index
      %swap3A_885 = tpu.vector_load %arg8[%swap3A_884] {strides = array<i32>} : memref<32768xf32, #tpu.memory_space<vmem>>, vector<16xf32>,
      tpu.vector_store %arg8[%swap3A_884], %broadcast_in_dim3A_8 {strides = array<i32>} : memref<32768xf32, #tpu.memory_space<vmem>>, vector<16xf32>,
      %mul3A_886 = arith.constant 32 : i32
      %mul3A_887 = arith.muli %scan3A_718, %mul3A_886 : i32
      %add3A_888 = arith.constant 21 : i32
      %add3A_889 = arith.addi %mul3A_887, %add3A_888 : i32
      %mul3A_890 = arith.constant 16 : i32
      %mul3A_891 = arith.muli %add3A_889, %mul3A_890 : i32
      %swap3A_892 = arith.index_cast %mul3A_891 : i32 to index
      %swap3A_893 = tpu.vector_load %arg8[%swap3A_892] {strides = array<i32>} : memref<32768xf32, #tpu.memory_space<vmem>>, vector<16xf32>,
      tpu.vector_store %arg8[%swap3A_892], %broadcast_in_dim3A_8 {strides = array<i32>} : memref<32768xf32, #tpu.memory_space<vmem>>, vector<16xf32>,
      %mul3A_894 = arith.constant 32 : i32
      %mul3A_895 = arith.muli %scan3A_718, %mul3A_894 : i32
      %add3A_896 = arith.constant 22 : i32
      %add3A_897 = arith.addi %mul3A_895, %add3A_896 : i32
      %mul3A_898 = arith.constant 16 : i32
      %mul3A_899 = arith.muli %add3A_897, %mul3A_898 : i32
      %swap3A_900 = arith.index_cast %mul3A_899 : i32 to index
      %swap3A_901 = tpu.vector_load %arg8[%swap3A_900] {strides = array<i32>} : memref<32768xf32, #tpu.memory_space<vmem>>, vector<16xf32>,
      tpu.vector_store %arg8[%swap3A_900], %broadcast_in_dim3A_8 {strides = array<i32>} : memref<32768xf32, #tpu.memory_space<vmem>>, vector<16xf32>,
      %mul3A_902 = arith.constant 32 : i32
      %mul3A_903 = arith.muli %scan3A_718, %mul3A_902 : i32
      %add3A_904 = arith.constant 23 : i32
      %add3A_905 = arith.addi %mul3A_903, %add3A_904 : i32
      %mul3A_906 = arith.constant 16 : i32
      %mul3A_907 = arith.muli %add3A_905, %mul3A_906 : i32
      %swap3A_908 = arith.index_cast %mul3A_907 : i32 to index
      %swap3A_909 = tpu.vector_load %arg8[%swap3A_908] {strides = array<i32>} : memref<32768xf32, #tpu.memory_space<vmem>>, vector<16xf32>,
      tpu.vector_store %arg8[%swap3A_908], %broadcast_in_dim3A_8 {strides = array<i32>} : memref<32768xf32, #tpu.memory_space<vmem>>, vector<16xf32>,
      %mul3A_910 = arith.constant 32 : i32
      %mul3A_911 = arith.muli %scan3A_718, %mul3A_910 : i32
      %add3A_912 = arith.constant 24 : i32
      %add3A_913 = arith.addi %mul3A_911, %add3A_912 : i32
      %mul3A_914 = arith.constant 16 : i32
      %mul3A_915 = arith.muli %add3A_913, %mul3A_914 : i32
      %swap3A_916 = arith.index_cast %mul3A_915 : i32 to index
      %swap3A_917 = tpu.vector_load %arg8[%swap3A_916] {strides = array<i32>} : memref<32768xf32, #tpu.memory_space<vmem>>, vector<16xf32>,
      tpu.vector_store %arg8[%swap3A_916], %broadcast_in_dim3A_8 {strides = array<i32>} : memref<32768xf32, #tpu.memory_space<vmem>>, vector<16xf32>,
      %mul3A_918 = arith.constant 32 : i32
      %mul3A_919 = arith.muli %scan3A_718, %mul3A_918 : i32
      %add3A_920 = arith.constant 25 : i32
      %add3A_921 = arith.addi %mul3A_919, %add3A_920 : i32
      %mul3A_922 = arith.constant 16 : i32
      %mul3A_923 = arith.muli %add3A_921, %mul3A_922 : i32
      %swap3A_924 = arith.index_cast %mul3A_923 : i32 to index
      %swap3A_925 = tpu.vector_load %arg8[%swap3A_924] {strides = array<i32>} : memref<32768xf32, #tpu.memory_space<vmem>>, vector<16xf32>,
      tpu.vector_store %arg8[%swap3A_924], %broadcast_in_dim3A_8 {strides = array<i32>} : memref<32768xf32, #tpu.memory_space<vmem>>, vector<16xf32>,
      %mul3A_926 = arith.constant 32 : i32
      %mul3A_927 = arith.muli %scan3A_718, %mul3A_926 : i32
      %add3A_928 = arith.constant 26 : i32
      %add3A_929 = arith.addi %mul3A_927, %add3A_928 : i32
      %mul3A_930 = arith.constant 16 : i32
      %mul3A_931 = arith.muli %add3A_929, %mul3A_930 : i32
      %swap3A_932 = arith.index_cast %mul3A_931 : i32 to index
      %swap3A_933 = tpu.vector_load %arg8[%swap3A_932] {strides = array<i32>} : memref<32768xf32, #tpu.memory_space<vmem>>, vector<16xf32>,
      tpu.vector_store %arg8[%swap3A_932], %broadcast_in_dim3A_8 {strides = array<i32>} : memref<32768xf32, #tpu.memory_space<vmem>>, vector<16xf32>,
      %mul3A_934 = arith.constant 32 : i32
      %mul3A_935 = arith.muli %scan3A_718, %mul3A_934 : i32
      %add3A_936 = arith.constant 27 : i32
      %add3A_937 = arith.addi %mul3A_935, %add3A_936 : i32
      %mul3A_938 = arith.constant 16 : i32
      %mul3A_939 = arith.muli %add3A_937, %mul3A_938 : i32
      %swap3A_940 = arith.index_cast %mul3A_939 : i32 to index
      %swap3A_941 = tpu.vector_load %arg8[%swap3A_940] {strides = array<i32>} : memref<32768xf32, #tpu.memory_space<vmem>>, vector<16xf32>,
      tpu.vector_store %arg8[%swap3A_940], %broadcast_in_dim3A_8 {strides = array<i32>} : memref<32768xf32, #tpu.memory_space<vmem>>, vector<16xf32>,
      %mul3A_942 = arith.constant 32 : i32
      %mul3A_943 = arith.muli %scan3A_718, %mul3A_942 : i32
      %add3A_944 = arith.constant 28 : i32
      %add3A_945 = arith.addi %mul3A_943, %add3A_944 : i32
      %mul3A_946 = arith.constant 16 : i32
      %mul3A_947 = arith.muli %add3A_945, %mul3A_946 : i32
      %swap3A_948 = arith.index_cast %mul3A_947 : i32 to index
      %swap3A_949 = tpu.vector_load %arg8[%swap3A_948] {strides = array<i32>} : memref<32768xf32, #tpu.memory_space<vmem>>, vector<16xf32>,
      tpu.vector_store %arg8[%swap3A_948], %broadcast_in_dim3A_8 {strides = array<i32>} : memref<32768xf32, #tpu.memory_space<vmem>>, vector<16xf32>,
      %mul3A_950 = arith.constant 32 : i32
      %mul3A_951 = arith.muli %scan3A_718, %mul3A_950 : i32
      %add3A_952 = arith.constant 29 : i32
      %add3A_953 = arith.addi %mul3A_951, %add3A_952 : i32
      %mul3A_954 = arith.constant 16 : i32
      %mul3A_955 = arith.muli %add3A_953, %mul3A_954 : i32
      %swap3A_956 = arith.index_cast %mul3A_955 : i32 to index
      %swap3A_957 = tpu.vector_load %arg8[%swap3A_956] {strides = array<i32>} : memref<32768xf32, #tpu.memory_space<vmem>>, vector<16xf32>,
      tpu.vector_store %arg8[%swap3A_956], %broadcast_in_dim3A_8 {strides = array<i32>} : memref<32768xf32, #tpu.memory_space<vmem>>, vector<16xf32>,
      %mul3A_958 = arith.constant 32 : i32
      %mul3A_959 = arith.muli %scan3A_718, %mul3A_958 : i32
      %add3A_960 = arith.constant 30 : i32
      %add3A_961 = arith.addi %mul3A_959, %add3A_960 : i32
      %mul3A_962 = arith.constant 16 : i32
      %mul3A_963 = arith.muli %add3A_961, %mul3A_962 : i32
      %swap3A_964 = arith.index_cast %mul3A_963 : i32 to index
      %swap3A_965 = tpu.vector_load %arg8[%swap3A_964] {strides = array<i32>} : memref<32768xf32, #tpu.memory_space<vmem>>, vector<16xf32>,
      tpu.vector_store %arg8[%swap3A_964], %broadcast_in_dim3A_8 {strides = array<i32>} : memref<32768xf32, #tpu.memory_space<vmem>>, vector<16xf32>,
      %mul3A_966 = arith.constant 32 : i32
      %mul3A_967 = arith.muli %scan3A_718, %mul3A_966 : i32
      %add3A_968 = arith.constant 31 : i32
      %add3A_969 = arith.addi %mul3A_967, %add3A_968 : i32
      %mul3A_970 = arith.constant 16 : i32
      %mul3A_971 = arith.muli %add3A_969, %mul3A_970 : i32
      %swap3A_972 = arith.index_cast %mul3A_971 : i32 to index
      %swap3A_973 = tpu.vector_load %arg8[%swap3A_972] {strides = array<i32>} : memref<32768xf32, #tpu.memory_space<vmem>>, vector<16xf32>,
      tpu.vector_store %arg8[%swap3A_972], %broadcast_in_dim3A_8 {strides = array<i32>} : memref<32768xf32, #tpu.memory_space<vmem>>, vector<16xf32>,
    }
    %scan3A_182 = arith.constant 64 : i32
    %parallel_loop3A_183 = arith.constant 0 : i32
    %parallel_loop3A_184 = arith.constant 200 : i32
    %parallel_loop3A_185 = arith.constant 1 : i32
    scf.for %parallel_loop3A_718 = %parallel_loop3A_183 to %parallel_loop3A_184 step %parallel_loop3A_185  : i32 {
      %parallel_loop3A_719 = arith.constant 3 : i32
      %parallel_loop3A_720 = arith.andi %parallel_loop3A_718, %parallel_loop3A_719 : i32
      %parallel_loop3A_721 = arith.constant 2 : i32
      %parallel_loop3A_722 = arith.shrui %parallel_loop3A_718, %parallel_loop3A_721 : i32
      %parallel_loop3A_723 = arith.constant 4 : i32
      %parallel_loop3A_724 = arith.shli %parallel_loop3A_720, %parallel_loop3A_723 : i32
      %parallel_loop3A_725 = vector.broadcast %parallel_loop3A_724 : i32 to vector<16xi32>
      %parallel_loop3A_726 = arith.addi %parallel_loop3A_725, %iota3A : vector<16xi32>
      %parallel_loop3A_727 = vector.broadcast %parallel_loop3A_722 : i32 to vector<16xi32>
      %parallel_loop3A_728 = tpu.vector_load_idx %arg5[%parallel_loop3A_726, %parallel_loop3A_727] : memref<64x50xi32, #tpu.memory_space<vmem>>[vector<16xi32>, vector<16xi32>], vector<16xi32>,
      %parallel_loop3A_729 = tpu.vector_load_idx %arg7[%parallel_loop3A_728] : memref<512xi32, #tpu.memory_space<vmem>>[vector<16xi32>], vector<16xi32>,
      %parallel_loop3A_730 = arith.constant 7 : i32
      %parallel_loop3A_731 = vector.broadcast %parallel_loop3A_730 : i32 to vector<16xi32>
      %parallel_loop3A_732 = arith.shrui %parallel_loop3A_729, %parallel_loop3A_731 : vector<16xi32>
      %parallel_loop3A_733 = arith.constant 127 : i32
      %parallel_loop3A_734 = vector.broadcast %parallel_loop3A_733 : i32 to vector<16xi32>
      %parallel_loop3A_735 = arith.andi %parallel_loop3A_729, %parallel_loop3A_734 : vector<16xi32>
      %parallel_loop3A_736 = arith.constant 13 : i32
      %parallel_loop3A_737 = vector.broadcast %parallel_loop3A_736 : i32 to vector<16xi32>
      %parallel_loop3A_738 = arith.shli %parallel_loop3A_732, %parallel_loop3A_737 : vector<16xi32>
      %parallel_loop3A_739 = arith.constant 7 : i32
      %parallel_loop3A_740 = vector.broadcast %parallel_loop3A_739 : i32 to vector<16xi32>
      %parallel_loop3A_741 = arith.shli %parallel_loop3A_726, %parallel_loop3A_740 : vector<16xi32>
      %parallel_loop3A_742 = arith.addi %parallel_loop3A_738, %parallel_loop3A_741 : vector<16xi32>
      %parallel_loop3A_743 = arith.addi %parallel_loop3A_742, %parallel_loop3A_735 : vector<16xi32>
      tpu.vector_store_idx %arg8[%parallel_loop3A_743], %broadcast_in_dim3A_10 {add = true} : memref<32768xf32, #tpu.memory_space<vmem>>[vector<16xi32>], vector<16xf32>,
    } {sc.loop_unroll_factor = 4 : i64, sc.parallel_access}
    %mul3A_186 = arith.constant 512 : i32
    %mul3A_187 = arith.muli %add3A, %mul3A_186 : i32
    %add3A_188 = arith.constant 128 : i32
    %add3A_189 = arith.addi %mul3A_187, %add3A_188 : i32
    %add3A_190 = arith.constant 0 : i32
    %add3A_191 = arith.addi %add3A_190, %add3A_189 : i32
    %mul3A_192 = arith.constant 128 : i32
    %mul3A_193 = arith.muli %add3A_191, %mul3A_192 : i32
    %dma_start3A_194 = arith.constant 0 : i32
    %dma_start3A_195 = tpu.memref_slice %arg8[%dma_start3A_194] : memref<32768xf32, #tpu.memory_space<vmem>> -> memref<8192xf32, #tpu.memory_space<vmem>>
    %dma_start3A_196 = tpu.memref_slice %arg4[%mul3A_193] : memref<8388608xf32, #tpu.memory_space<hbm>> -> memref<8192xf32, #tpu.memory_space<hbm>>
    %dma_start3A_197 = tpu.memref_slice %arg4[%mul3A_193] : memref<8388608xf32, #tpu.memory_space<hbm>> -> memref<8192xf32, #tpu.memory_space<hbm>>
    %dma_start3A_198 = arith.constant 0 : i32
    %dma_start3A_199 = tpu.memref_slice %arg8[%dma_start3A_198] : memref<32768xf32, #tpu.memory_space<vmem>> -> memref<8192xf32, #tpu.memory_space<vmem>>
    tpu.enqueue_dma source(%dma_start3A_199 : memref<8192xf32, #tpu.memory_space<vmem>>) target(%dma_start3A_197 : memref<8192xf32, #tpu.memory_space<hbm>>) target_semaphore(%arg10 : memref<!tpu.dma_semaphore, #tpu.memory_space<semaphore_mem>>)
    %add3A_200 = arith.constant 16384 : i32
    %add3A_201 = arith.addi %add3A_200, %add3A_189 : i32
    %mul3A_202 = arith.constant 128 : i32
    %mul3A_203 = arith.muli %add3A_201, %mul3A_202 : i32
    %dma_start3A_204 = arith.constant 8192 : i32
    %dma_start3A_205 = tpu.memref_slice %arg8[%dma_start3A_204] : memref<32768xf32, #tpu.memory_space<vmem>> -> memref<8192xf32, #tpu.memory_space<vmem>>
    %dma_start3A_206 = tpu.memref_slice %arg4[%mul3A_203] : memref<8388608xf32, #tpu.memory_space<hbm>> -> memref<8192xf32, #tpu.memory_space<hbm>>
    %dma_start3A_207 = tpu.memref_slice %arg4[%mul3A_203] : memref<8388608xf32, #tpu.memory_space<hbm>> -> memref<8192xf32, #tpu.memory_space<hbm>>
    %dma_start3A_208 = arith.constant 8192 : i32
    %dma_start3A_209 = tpu.memref_slice %arg8[%dma_start3A_208] : memref<32768xf32, #tpu.memory_space<vmem>> -> memref<8192xf32, #tpu.memory_space<vmem>>
    tpu.enqueue_dma source(%dma_start3A_209 : memref<8192xf32, #tpu.memory_space<vmem>>) target(%dma_start3A_207 : memref<8192xf32, #tpu.memory_space<hbm>>) target_semaphore(%arg10 : memref<!tpu.dma_semaphore, #tpu.memory_space<semaphore_mem>>)
    %add3A_210 = arith.constant 32768 : i32
    %add3A_211 = arith.addi %add3A_210, %add3A_189 : i32
    %mul3A_212 = arith.constant 128 : i32
    %mul3A_213 = arith.muli %add3A_211, %mul3A_212 : i32
    %dma_start3A_214 = arith.constant 16384 : i32
    %dma_start3A_215 = tpu.memref_slice %arg8[%dma_start3A_214] : memref<32768xf32, #tpu.memory_space<vmem>> -> memref<8192xf32, #tpu.memory_space<vmem>>
    %dma_start3A_216 = tpu.memref_slice %arg4[%mul3A_213] : memref<8388608xf32, #tpu.memory_space<hbm>> -> memref<8192xf32, #tpu.memory_space<hbm>>
    %dma_start3A_217 = tpu.memref_slice %arg4[%mul3A_213] : memref<8388608xf32, #tpu.memory_space<hbm>> -> memref<8192xf32, #tpu.memory_space<hbm>>
    %dma_start3A_218 = arith.constant 16384 : i32
    %dma_start3A_219 = tpu.memref_slice %arg8[%dma_start3A_218] : memref<32768xf32, #tpu.memory_space<vmem>> -> memref<8192xf32, #tpu.memory_space<vmem>>
    tpu.enqueue_dma source(%dma_start3A_219 : memref<8192xf32, #tpu.memory_space<vmem>>) target(%dma_start3A_217 : memref<8192xf32, #tpu.memory_space<hbm>>) target_semaphore(%arg10 : memref<!tpu.dma_semaphore, #tpu.memory_space<semaphore_mem>>)
    %add3A_220 = arith.constant 49152 : i32
    %add3A_221 = arith.addi %add3A_220, %add3A_189 : i32
    %mul3A_222 = arith.constant 128 : i32
    %mul3A_223 = arith.muli %add3A_221, %mul3A_222 : i32
    %dma_start3A_224 = arith.constant 24576 : i32
    %dma_start3A_225 = tpu.memref_slice %arg8[%dma_start3A_224] : memref<32768xf32, #tpu.memory_space<vmem>> -> memref<8192xf32, #tpu.memory_space<vmem>>
    %dma_start3A_226 = tpu.memref_slice %arg4[%mul3A_223] : memref<8388608xf32, #tpu.memory_space<hbm>> -> memref<8192xf32, #tpu.memory_space<hbm>>
    %dma_start3A_227 = tpu.memref_slice %arg4[%mul3A_223] : memref<8388608xf32, #tpu.memory_space<hbm>> -> memref<8192xf32, #tpu.memory_space<hbm>>
    %dma_start3A_228 = arith.constant 24576 : i32
    %dma_start3A_229 = tpu.memref_slice %arg8[%dma_start3A_228] : memref<32768xf32, #tpu.memory_space<vmem>> -> memref<8192xf32, #tpu.memory_space<vmem>>
    tpu.enqueue_dma source(%dma_start3A_229 : memref<8192xf32, #tpu.memory_space<vmem>>) target(%dma_start3A_227 : memref<8192xf32, #tpu.memory_space<hbm>>) target_semaphore(%arg10 : memref<!tpu.dma_semaphore, #tpu.memory_space<semaphore_mem>>)
    %dma_wait3A_230 = arith.constant 0 : i32
    %dma_wait3A_231 = tpu.memref_slice %arg2[%add3A_149, %dma_wait3A_230] : memref<16384x50xi32, #tpu.memory_space<hbm>> -> memref<64x50xi32, #tpu.memory_space<hbm>>
    %dma_wait3A_232 = arith.constant 0 : i32
    %dma_wait3A_233 = tpu.memref_slice %arg2[%add3A_149, %dma_wait3A_232] : memref<16384x50xi32, #tpu.memory_space<hbm>> -> memref<64x50xi32, #tpu.memory_space<hbm>>
    tpu.wait_dma2 semaphore(%arg12 : memref<!tpu.dma_semaphore, #tpu.memory_space<semaphore_mem>>) src(%dma_wait3A_233 : memref<64x50xi32, #tpu.memory_space<hbm>>) dst(%arg6 : memref<64x50xi32, #tpu.memory_space<vmem>>)
    %mul3A_234 = arith.constant 512 : i32
    %mul3A_235 = arith.muli %add3A, %mul3A_234 : i32
    %add3A_236 = arith.constant 0 : i32
    %add3A_237 = arith.addi %add3A_236, %mul3A_235 : i32
    %add3A_238 = arith.constant 256 : i32
    %add3A_239 = arith.addi %add3A_237, %add3A_238 : i32
    %dma_start3A_240 = arith.constant 0 : i32
    %dma_start3A_241 = tpu.memref_slice %arg2[%add3A_239, %dma_start3A_240] : memref<16384x50xi32, #tpu.memory_space<hbm>> -> memref<64x50xi32, #tpu.memory_space<hbm>>
    %dma_start3A_242 = arith.constant 0 : i32
    %dma_start3A_243 = tpu.memref_slice %arg2[%add3A_239, %dma_start3A_242] : memref<16384x50xi32, #tpu.memory_space<hbm>> -> memref<64x50xi32, #tpu.memory_space<hbm>>
    tpu.enqueue_dma source(%dma_start3A_243 : memref<64x50xi32, #tpu.memory_space<hbm>>) target(%arg5 : memref<64x50xi32, #tpu.memory_space<vmem>>) target_semaphore(%arg12 : memref<!tpu.dma_semaphore, #tpu.memory_space<semaphore_mem>>)
    %dma_wait3A_244 = arith.constant 0 : i32
    %dma_wait3A_245 = tpu.memref_slice %arg9[%dma_wait3A_244] : memref<32768xf32, #tpu.memory_space<vmem>> -> memref<8192xf32, #tpu.memory_space<vmem>>
    %dma_wait3A_246 = tpu.memref_slice %arg4[%mul3A_103] : memref<8388608xf32, #tpu.memory_space<hbm>> -> memref<8192xf32, #tpu.memory_space<hbm>>
    %dma_wait3A_247 = tpu.memref_slice %arg4[%mul3A_103] : memref<8388608xf32, #tpu.memory_space<hbm>> -> memref<8192xf32, #tpu.memory_space<hbm>>
    %dma_wait3A_248 = arith.constant 0 : i32
    %dma_wait3A_249 = tpu.memref_slice %arg9[%dma_wait3A_248] : memref<32768xf32, #tpu.memory_space<vmem>> -> memref<8192xf32, #tpu.memory_space<vmem>>
    tpu.wait_dma2 semaphore(%arg11 : memref<!tpu.dma_semaphore, #tpu.memory_space<semaphore_mem>>) src(%dma_wait3A_249 : memref<8192xf32, #tpu.memory_space<vmem>>) dst(%dma_wait3A_247 : memref<8192xf32, #tpu.memory_space<hbm>>)
    %dma_wait3A_250 = arith.constant 8192 : i32
    %dma_wait3A_251 = tpu.memref_slice %arg9[%dma_wait3A_250] : memref<32768xf32, #tpu.memory_space<vmem>> -> memref<8192xf32, #tpu.memory_space<vmem>>
    %dma_wait3A_252 = tpu.memref_slice %arg4[%mul3A_113] : memref<8388608xf32, #tpu.memory_space<hbm>> -> memref<8192xf32, #tpu.memory_space<hbm>>
    %dma_wait3A_253 = tpu.memref_slice %arg4[%mul3A_113] : memref<8388608xf32, #tpu.memory_space<hbm>> -> memref<8192xf32, #tpu.memory_space<hbm>>
    %dma_wait3A_254 = arith.constant 8192 : i32
    %dma_wait3A_255 = tpu.memref_slice %arg9[%dma_wait3A_254] : memref<32768xf32, #tpu.memory_space<vmem>> -> memref<8192xf32, #tpu.memory_space<vmem>>
    tpu.wait_dma2 semaphore(%arg11 : memref<!tpu.dma_semaphore, #tpu.memory_space<semaphore_mem>>) src(%dma_wait3A_255 : memref<8192xf32, #tpu.memory_space<vmem>>) dst(%dma_wait3A_253 : memref<8192xf32, #tpu.memory_space<hbm>>)
    %dma_wait3A_256 = arith.constant 16384 : i32
    %dma_wait3A_257 = tpu.memref_slice %arg9[%dma_wait3A_256] : memref<32768xf32, #tpu.memory_space<vmem>> -> memref<8192xf32, #tpu.memory_space<vmem>>
    %dma_wait3A_258 = tpu.memref_slice %arg4[%mul3A_123] : memref<8388608xf32, #tpu.memory_space<hbm>> -> memref<8192xf32, #tpu.memory_space<hbm>>
    %dma_wait3A_259 = tpu.memref_slice %arg4[%mul3A_123] : memref<8388608xf32, #tpu.memory_space<hbm>> -> memref<8192xf32, #tpu.memory_space<hbm>>
    %dma_wait3A_260 = arith.constant 16384 : i32
    %dma_wait3A_261 = tpu.memref_slice %arg9[%dma_wait3A_260] : memref<32768xf32, #tpu.memory_space<vmem>> -> memref<8192xf32, #tpu.memory_space<vmem>>
    tpu.wait_dma2 semaphore(%arg11 : memref<!tpu.dma_semaphore, #tpu.memory_space<semaphore_mem>>) src(%dma_wait3A_261 : memref<8192xf32, #tpu.memory_space<vmem>>) dst(%dma_wait3A_259 : memref<8192xf32, #tpu.memory_space<hbm>>)
    %dma_wait3A_262 = arith.constant 24576 : i32
    %dma_wait3A_263 = tpu.memref_slice %arg9[%dma_wait3A_262] : memref<32768xf32, #tpu.memory_space<vmem>> -> memref<8192xf32, #tpu.memory_space<vmem>>
    %dma_wait3A_264 = tpu.memref_slice %arg4[%mul3A_133] : memref<8388608xf32, #tpu.memory_space<hbm>> -> memref<8192xf32, #tpu.memory_space<hbm>>
    %dma_wait3A_265 = tpu.memref_slice %arg4[%mul3A_133] : memref<8388608xf32, #tpu.memory_space<hbm>> -> memref<8192xf32, #tpu.memory_space<hbm>>
    %dma_wait3A_266 = arith.constant 24576 : i32
    %dma_wait3A_267 = tpu.memref_slice %arg9[%dma_wait3A_266] : memref<32768xf32, #tpu.memory_space<vmem>> -> memref<8192xf32, #tpu.memory_space<vmem>>
    tpu.wait_dma2 semaphore(%arg11 : memref<!tpu.dma_semaphore, #tpu.memory_space<semaphore_mem>>) src(%dma_wait3A_267 : memref<8192xf32, #tpu.memory_space<vmem>>) dst(%dma_wait3A_265 : memref<8192xf32, #tpu.memory_space<hbm>>)
    %scan3A_268 = arith.constant 0 : i32
    %scan3A_269 = arith.constant 64 : i32
    %scan3A_270 = arith.addi %scan3A_268, %scan3A_269 : i32
    %scan3A_271 = arith.constant 1 : i32
    scf.for %scan3A_718 = %scan3A_268 to %scan3A_270 step %scan3A_271  : i32 {
      %mul3A_719 = arith.constant 32 : i32
      %mul3A_720 = arith.muli %scan3A_718, %mul3A_719 : i32
      %add3A_721 = arith.constant 0 : i32
      %add3A_722 = arith.addi %mul3A_720, %add3A_721 : i32
      %mul3A_723 = arith.constant 16 : i32
      %mul3A_724 = arith.muli %add3A_722, %mul3A_723 : i32
      %swap3A = arith.index_cast %mul3A_724 : i32 to index
      %swap3A_725 = tpu.vector_load %arg9[%swap3A] {strides = array<i32>} : memref<32768xf32, #tpu.memory_space<vmem>>, vector<16xf32>,
      tpu.vector_store %arg9[%swap3A], %broadcast_in_dim3A_8 {strides = array<i32>} : memref<32768xf32, #tpu.memory_space<vmem>>, vector<16xf32>,
      %mul3A_726 = arith.constant 32 : i32
      %mul3A_727 = arith.muli %scan3A_718, %mul3A_726 : i32
      %add3A_728 = arith.constant 1 : i32
      %add3A_729 = arith.addi %mul3A_727, %add3A_728 : i32
      %mul3A_730 = arith.constant 16 : i32
      %mul3A_731 = arith.muli %add3A_729, %mul3A_730 : i32
      %swap3A_732 = arith.index_cast %mul3A_731 : i32 to index
      %swap3A_733 = tpu.vector_load %arg9[%swap3A_732] {strides = array<i32>} : memref<32768xf32, #tpu.memory_space<vmem>>, vector<16xf32>,
      tpu.vector_store %arg9[%swap3A_732], %broadcast_in_dim3A_8 {strides = array<i32>} : memref<32768xf32, #tpu.memory_space<vmem>>, vector<16xf32>,
      %mul3A_734 = arith.constant 32 : i32
      %mul3A_735 = arith.muli %scan3A_718, %mul3A_734 : i32
      %add3A_736 = arith.constant 2 : i32
      %add3A_737 = arith.addi %mul3A_735, %add3A_736 : i32
      %mul3A_738 = arith.constant 16 : i32
      %mul3A_739 = arith.muli %add3A_737, %mul3A_738 : i32
      %swap3A_740 = arith.index_cast %mul3A_739 : i32 to index
      %swap3A_741 = tpu.vector_load %arg9[%swap3A_740] {strides = array<i32>} : memref<32768xf32, #tpu.memory_space<vmem>>, vector<16xf32>,
      tpu.vector_store %arg9[%swap3A_740], %broadcast_in_dim3A_8 {strides = array<i32>} : memref<32768xf32, #tpu.memory_space<vmem>>, vector<16xf32>,
      %mul3A_742 = arith.constant 32 : i32
      %mul3A_743 = arith.muli %scan3A_718, %mul3A_742 : i32
      %add3A_744 = arith.constant 3 : i32
      %add3A_745 = arith.addi %mul3A_743, %add3A_744 : i32
      %mul3A_746 = arith.constant 16 : i32
      %mul3A_747 = arith.muli %add3A_745, %mul3A_746 : i32
      %swap3A_748 = arith.index_cast %mul3A_747 : i32 to index
      %swap3A_749 = tpu.vector_load %arg9[%swap3A_748] {strides = array<i32>} : memref<32768xf32, #tpu.memory_space<vmem>>, vector<16xf32>,
      tpu.vector_store %arg9[%swap3A_748], %broadcast_in_dim3A_8 {strides = array<i32>} : memref<32768xf32, #tpu.memory_space<vmem>>, vector<16xf32>,
      %mul3A_750 = arith.constant 32 : i32
      %mul3A_751 = arith.muli %scan3A_718, %mul3A_750 : i32
      %add3A_752 = arith.constant 4 : i32
      %add3A_753 = arith.addi %mul3A_751, %add3A_752 : i32
      %mul3A_754 = arith.constant 16 : i32
      %mul3A_755 = arith.muli %add3A_753, %mul3A_754 : i32
      %swap3A_756 = arith.index_cast %mul3A_755 : i32 to index
      %swap3A_757 = tpu.vector_load %arg9[%swap3A_756] {strides = array<i32>} : memref<32768xf32, #tpu.memory_space<vmem>>, vector<16xf32>,
      tpu.vector_store %arg9[%swap3A_756], %broadcast_in_dim3A_8 {strides = array<i32>} : memref<32768xf32, #tpu.memory_space<vmem>>, vector<16xf32>,
      %mul3A_758 = arith.constant 32 : i32
      %mul3A_759 = arith.muli %scan3A_718, %mul3A_758 : i32
      %add3A_760 = arith.constant 5 : i32
      %add3A_761 = arith.addi %mul3A_759, %add3A_760 : i32
      %mul3A_762 = arith.constant 16 : i32
      %mul3A_763 = arith.muli %add3A_761, %mul3A_762 : i32
      %swap3A_764 = arith.index_cast %mul3A_763 : i32 to index
      %swap3A_765 = tpu.vector_load %arg9[%swap3A_764] {strides = array<i32>} : memref<32768xf32, #tpu.memory_space<vmem>>, vector<16xf32>,
      tpu.vector_store %arg9[%swap3A_764], %broadcast_in_dim3A_8 {strides = array<i32>} : memref<32768xf32, #tpu.memory_space<vmem>>, vector<16xf32>,
      %mul3A_766 = arith.constant 32 : i32
      %mul3A_767 = arith.muli %scan3A_718, %mul3A_766 : i32
      %add3A_768 = arith.constant 6 : i32
      %add3A_769 = arith.addi %mul3A_767, %add3A_768 : i32
      %mul3A_770 = arith.constant 16 : i32
      %mul3A_771 = arith.muli %add3A_769, %mul3A_770 : i32
      %swap3A_772 = arith.index_cast %mul3A_771 : i32 to index
      %swap3A_773 = tpu.vector_load %arg9[%swap3A_772] {strides = array<i32>} : memref<32768xf32, #tpu.memory_space<vmem>>, vector<16xf32>,
      tpu.vector_store %arg9[%swap3A_772], %broadcast_in_dim3A_8 {strides = array<i32>} : memref<32768xf32, #tpu.memory_space<vmem>>, vector<16xf32>,
      %mul3A_774 = arith.constant 32 : i32
      %mul3A_775 = arith.muli %scan3A_718, %mul3A_774 : i32
      %add3A_776 = arith.constant 7 : i32
      %add3A_777 = arith.addi %mul3A_775, %add3A_776 : i32
      %mul3A_778 = arith.constant 16 : i32
      %mul3A_779 = arith.muli %add3A_777, %mul3A_778 : i32
      %swap3A_780 = arith.index_cast %mul3A_779 : i32 to index
      %swap3A_781 = tpu.vector_load %arg9[%swap3A_780] {strides = array<i32>} : memref<32768xf32, #tpu.memory_space<vmem>>, vector<16xf32>,
      tpu.vector_store %arg9[%swap3A_780], %broadcast_in_dim3A_8 {strides = array<i32>} : memref<32768xf32, #tpu.memory_space<vmem>>, vector<16xf32>,
      %mul3A_782 = arith.constant 32 : i32
      %mul3A_783 = arith.muli %scan3A_718, %mul3A_782 : i32
      %add3A_784 = arith.constant 8 : i32
      %add3A_785 = arith.addi %mul3A_783, %add3A_784 : i32
      %mul3A_786 = arith.constant 16 : i32
      %mul3A_787 = arith.muli %add3A_785, %mul3A_786 : i32
      %swap3A_788 = arith.index_cast %mul3A_787 : i32 to index
      %swap3A_789 = tpu.vector_load %arg9[%swap3A_788] {strides = array<i32>} : memref<32768xf32, #tpu.memory_space<vmem>>, vector<16xf32>,
      tpu.vector_store %arg9[%swap3A_788], %broadcast_in_dim3A_8 {strides = array<i32>} : memref<32768xf32, #tpu.memory_space<vmem>>, vector<16xf32>,
      %mul3A_790 = arith.constant 32 : i32
      %mul3A_791 = arith.muli %scan3A_718, %mul3A_790 : i32
      %add3A_792 = arith.constant 9 : i32
      %add3A_793 = arith.addi %mul3A_791, %add3A_792 : i32
      %mul3A_794 = arith.constant 16 : i32
      %mul3A_795 = arith.muli %add3A_793, %mul3A_794 : i32
      %swap3A_796 = arith.index_cast %mul3A_795 : i32 to index
      %swap3A_797 = tpu.vector_load %arg9[%swap3A_796] {strides = array<i32>} : memref<32768xf32, #tpu.memory_space<vmem>>, vector<16xf32>,
      tpu.vector_store %arg9[%swap3A_796], %broadcast_in_dim3A_8 {strides = array<i32>} : memref<32768xf32, #tpu.memory_space<vmem>>, vector<16xf32>,
      %mul3A_798 = arith.constant 32 : i32
      %mul3A_799 = arith.muli %scan3A_718, %mul3A_798 : i32
      %add3A_800 = arith.constant 10 : i32
      %add3A_801 = arith.addi %mul3A_799, %add3A_800 : i32
      %mul3A_802 = arith.constant 16 : i32
      %mul3A_803 = arith.muli %add3A_801, %mul3A_802 : i32
      %swap3A_804 = arith.index_cast %mul3A_803 : i32 to index
      %swap3A_805 = tpu.vector_load %arg9[%swap3A_804] {strides = array<i32>} : memref<32768xf32, #tpu.memory_space<vmem>>, vector<16xf32>,
      tpu.vector_store %arg9[%swap3A_804], %broadcast_in_dim3A_8 {strides = array<i32>} : memref<32768xf32, #tpu.memory_space<vmem>>, vector<16xf32>,
      %mul3A_806 = arith.constant 32 : i32
      %mul3A_807 = arith.muli %scan3A_718, %mul3A_806 : i32
      %add3A_808 = arith.constant 11 : i32
      %add3A_809 = arith.addi %mul3A_807, %add3A_808 : i32
      %mul3A_810 = arith.constant 16 : i32
      %mul3A_811 = arith.muli %add3A_809, %mul3A_810 : i32
      %swap3A_812 = arith.index_cast %mul3A_811 : i32 to index
      %swap3A_813 = tpu.vector_load %arg9[%swap3A_812] {strides = array<i32>} : memref<32768xf32, #tpu.memory_space<vmem>>, vector<16xf32>,
      tpu.vector_store %arg9[%swap3A_812], %broadcast_in_dim3A_8 {strides = array<i32>} : memref<32768xf32, #tpu.memory_space<vmem>>, vector<16xf32>,
      %mul3A_814 = arith.constant 32 : i32
      %mul3A_815 = arith.muli %scan3A_718, %mul3A_814 : i32
      %add3A_816 = arith.constant 12 : i32
      %add3A_817 = arith.addi %mul3A_815, %add3A_816 : i32
      %mul3A_818 = arith.constant 16 : i32
      %mul3A_819 = arith.muli %add3A_817, %mul3A_818 : i32
      %swap3A_820 = arith.index_cast %mul3A_819 : i32 to index
      %swap3A_821 = tpu.vector_load %arg9[%swap3A_820] {strides = array<i32>} : memref<32768xf32, #tpu.memory_space<vmem>>, vector<16xf32>,
      tpu.vector_store %arg9[%swap3A_820], %broadcast_in_dim3A_8 {strides = array<i32>} : memref<32768xf32, #tpu.memory_space<vmem>>, vector<16xf32>,
      %mul3A_822 = arith.constant 32 : i32
      %mul3A_823 = arith.muli %scan3A_718, %mul3A_822 : i32
      %add3A_824 = arith.constant 13 : i32
      %add3A_825 = arith.addi %mul3A_823, %add3A_824 : i32
      %mul3A_826 = arith.constant 16 : i32
      %mul3A_827 = arith.muli %add3A_825, %mul3A_826 : i32
      %swap3A_828 = arith.index_cast %mul3A_827 : i32 to index
      %swap3A_829 = tpu.vector_load %arg9[%swap3A_828] {strides = array<i32>} : memref<32768xf32, #tpu.memory_space<vmem>>, vector<16xf32>,
      tpu.vector_store %arg9[%swap3A_828], %broadcast_in_dim3A_8 {strides = array<i32>} : memref<32768xf32, #tpu.memory_space<vmem>>, vector<16xf32>,
      %mul3A_830 = arith.constant 32 : i32
      %mul3A_831 = arith.muli %scan3A_718, %mul3A_830 : i32
      %add3A_832 = arith.constant 14 : i32
      %add3A_833 = arith.addi %mul3A_831, %add3A_832 : i32
      %mul3A_834 = arith.constant 16 : i32
      %mul3A_835 = arith.muli %add3A_833, %mul3A_834 : i32
      %swap3A_836 = arith.index_cast %mul3A_835 : i32 to index
      %swap3A_837 = tpu.vector_load %arg9[%swap3A_836] {strides = array<i32>} : memref<32768xf32, #tpu.memory_space<vmem>>, vector<16xf32>,
      tpu.vector_store %arg9[%swap3A_836], %broadcast_in_dim3A_8 {strides = array<i32>} : memref<32768xf32, #tpu.memory_space<vmem>>, vector<16xf32>,
      %mul3A_838 = arith.constant 32 : i32
      %mul3A_839 = arith.muli %scan3A_718, %mul3A_838 : i32
      %add3A_840 = arith.constant 15 : i32
      %add3A_841 = arith.addi %mul3A_839, %add3A_840 : i32
      %mul3A_842 = arith.constant 16 : i32
      %mul3A_843 = arith.muli %add3A_841, %mul3A_842 : i32
      %swap3A_844 = arith.index_cast %mul3A_843 : i32 to index
      %swap3A_845 = tpu.vector_load %arg9[%swap3A_844] {strides = array<i32>} : memref<32768xf32, #tpu.memory_space<vmem>>, vector<16xf32>,
      tpu.vector_store %arg9[%swap3A_844], %broadcast_in_dim3A_8 {strides = array<i32>} : memref<32768xf32, #tpu.memory_space<vmem>>, vector<16xf32>,
      %mul3A_846 = arith.constant 32 : i32
      %mul3A_847 = arith.muli %scan3A_718, %mul3A_846 : i32
      %add3A_848 = arith.constant 16 : i32
      %add3A_849 = arith.addi %mul3A_847, %add3A_848 : i32
      %mul3A_850 = arith.constant 16 : i32
      %mul3A_851 = arith.muli %add3A_849, %mul3A_850 : i32
      %swap3A_852 = arith.index_cast %mul3A_851 : i32 to index
      %swap3A_853 = tpu.vector_load %arg9[%swap3A_852] {strides = array<i32>} : memref<32768xf32, #tpu.memory_space<vmem>>, vector<16xf32>,
      tpu.vector_store %arg9[%swap3A_852], %broadcast_in_dim3A_8 {strides = array<i32>} : memref<32768xf32, #tpu.memory_space<vmem>>, vector<16xf32>,
      %mul3A_854 = arith.constant 32 : i32
      %mul3A_855 = arith.muli %scan3A_718, %mul3A_854 : i32
      %add3A_856 = arith.constant 17 : i32
      %add3A_857 = arith.addi %mul3A_855, %add3A_856 : i32
      %mul3A_858 = arith.constant 16 : i32
      %mul3A_859 = arith.muli %add3A_857, %mul3A_858 : i32
      %swap3A_860 = arith.index_cast %mul3A_859 : i32 to index
      %swap3A_861 = tpu.vector_load %arg9[%swap3A_860] {strides = array<i32>} : memref<32768xf32, #tpu.memory_space<vmem>>, vector<16xf32>,
      tpu.vector_store %arg9[%swap3A_860], %broadcast_in_dim3A_8 {strides = array<i32>} : memref<32768xf32, #tpu.memory_space<vmem>>, vector<16xf32>,
      %mul3A_862 = arith.constant 32 : i32
      %mul3A_863 = arith.muli %scan3A_718, %mul3A_862 : i32
      %add3A_864 = arith.constant 18 : i32
      %add3A_865 = arith.addi %mul3A_863, %add3A_864 : i32
      %mul3A_866 = arith.constant 16 : i32
      %mul3A_867 = arith.muli %add3A_865, %mul3A_866 : i32
      %swap3A_868 = arith.index_cast %mul3A_867 : i32 to index
      %swap3A_869 = tpu.vector_load %arg9[%swap3A_868] {strides = array<i32>} : memref<32768xf32, #tpu.memory_space<vmem>>, vector<16xf32>,
      tpu.vector_store %arg9[%swap3A_868], %broadcast_in_dim3A_8 {strides = array<i32>} : memref<32768xf32, #tpu.memory_space<vmem>>, vector<16xf32>,
      %mul3A_870 = arith.constant 32 : i32
      %mul3A_871 = arith.muli %scan3A_718, %mul3A_870 : i32
      %add3A_872 = arith.constant 19 : i32
      %add3A_873 = arith.addi %mul3A_871, %add3A_872 : i32
      %mul3A_874 = arith.constant 16 : i32
      %mul3A_875 = arith.muli %add3A_873, %mul3A_874 : i32
      %swap3A_876 = arith.index_cast %mul3A_875 : i32 to index
      %swap3A_877 = tpu.vector_load %arg9[%swap3A_876] {strides = array<i32>} : memref<32768xf32, #tpu.memory_space<vmem>>, vector<16xf32>,
      tpu.vector_store %arg9[%swap3A_876], %broadcast_in_dim3A_8 {strides = array<i32>} : memref<32768xf32, #tpu.memory_space<vmem>>, vector<16xf32>,
      %mul3A_878 = arith.constant 32 : i32
      %mul3A_879 = arith.muli %scan3A_718, %mul3A_878 : i32
      %add3A_880 = arith.constant 20 : i32
      %add3A_881 = arith.addi %mul3A_879, %add3A_880 : i32
      %mul3A_882 = arith.constant 16 : i32
      %mul3A_883 = arith.muli %add3A_881, %mul3A_882 : i32
      %swap3A_884 = arith.index_cast %mul3A_883 : i32 to index
      %swap3A_885 = tpu.vector_load %arg9[%swap3A_884] {strides = array<i32>} : memref<32768xf32, #tpu.memory_space<vmem>>, vector<16xf32>,
      tpu.vector_store %arg9[%swap3A_884], %broadcast_in_dim3A_8 {strides = array<i32>} : memref<32768xf32, #tpu.memory_space<vmem>>, vector<16xf32>,
      %mul3A_886 = arith.constant 32 : i32
      %mul3A_887 = arith.muli %scan3A_718, %mul3A_886 : i32
      %add3A_888 = arith.constant 21 : i32
      %add3A_889 = arith.addi %mul3A_887, %add3A_888 : i32
      %mul3A_890 = arith.constant 16 : i32
      %mul3A_891 = arith.muli %add3A_889, %mul3A_890 : i32
      %swap3A_892 = arith.index_cast %mul3A_891 : i32 to index
      %swap3A_893 = tpu.vector_load %arg9[%swap3A_892] {strides = array<i32>} : memref<32768xf32, #tpu.memory_space<vmem>>, vector<16xf32>,
      tpu.vector_store %arg9[%swap3A_892], %broadcast_in_dim3A_8 {strides = array<i32>} : memref<32768xf32, #tpu.memory_space<vmem>>, vector<16xf32>,
      %mul3A_894 = arith.constant 32 : i32
      %mul3A_895 = arith.muli %scan3A_718, %mul3A_894 : i32
      %add3A_896 = arith.constant 22 : i32
      %add3A_897 = arith.addi %mul3A_895, %add3A_896 : i32
      %mul3A_898 = arith.constant 16 : i32
      %mul3A_899 = arith.muli %add3A_897, %mul3A_898 : i32
      %swap3A_900 = arith.index_cast %mul3A_899 : i32 to index
      %swap3A_901 = tpu.vector_load %arg9[%swap3A_900] {strides = array<i32>} : memref<32768xf32, #tpu.memory_space<vmem>>, vector<16xf32>,
      tpu.vector_store %arg9[%swap3A_900], %broadcast_in_dim3A_8 {strides = array<i32>} : memref<32768xf32, #tpu.memory_space<vmem>>, vector<16xf32>,
      %mul3A_902 = arith.constant 32 : i32
      %mul3A_903 = arith.muli %scan3A_718, %mul3A_902 : i32
      %add3A_904 = arith.constant 23 : i32
      %add3A_905 = arith.addi %mul3A_903, %add3A_904 : i32
      %mul3A_906 = arith.constant 16 : i32
      %mul3A_907 = arith.muli %add3A_905, %mul3A_906 : i32
      %swap3A_908 = arith.index_cast %mul3A_907 : i32 to index
      %swap3A_909 = tpu.vector_load %arg9[%swap3A_908] {strides = array<i32>} : memref<32768xf32, #tpu.memory_space<vmem>>, vector<16xf32>,
      tpu.vector_store %arg9[%swap3A_908], %broadcast_in_dim3A_8 {strides = array<i32>} : memref<32768xf32, #tpu.memory_space<vmem>>, vector<16xf32>,
      %mul3A_910 = arith.constant 32 : i32
      %mul3A_911 = arith.muli %scan3A_718, %mul3A_910 : i32
      %add3A_912 = arith.constant 24 : i32
      %add3A_913 = arith.addi %mul3A_911, %add3A_912 : i32
      %mul3A_914 = arith.constant 16 : i32
      %mul3A_915 = arith.muli %add3A_913, %mul3A_914 : i32
      %swap3A_916 = arith.index_cast %mul3A_915 : i32 to index
      %swap3A_917 = tpu.vector_load %arg9[%swap3A_916] {strides = array<i32>} : memref<32768xf32, #tpu.memory_space<vmem>>, vector<16xf32>,
      tpu.vector_store %arg9[%swap3A_916], %broadcast_in_dim3A_8 {strides = array<i32>} : memref<32768xf32, #tpu.memory_space<vmem>>, vector<16xf32>,
      %mul3A_918 = arith.constant 32 : i32
      %mul3A_919 = arith.muli %scan3A_718, %mul3A_918 : i32
      %add3A_920 = arith.constant 25 : i32
      %add3A_921 = arith.addi %mul3A_919, %add3A_920 : i32
      %mul3A_922 = arith.constant 16 : i32
      %mul3A_923 = arith.muli %add3A_921, %mul3A_922 : i32
      %swap3A_924 = arith.index_cast %mul3A_923 : i32 to index
      %swap3A_925 = tpu.vector_load %arg9[%swap3A_924] {strides = array<i32>} : memref<32768xf32, #tpu.memory_space<vmem>>, vector<16xf32>,
      tpu.vector_store %arg9[%swap3A_924], %broadcast_in_dim3A_8 {strides = array<i32>} : memref<32768xf32, #tpu.memory_space<vmem>>, vector<16xf32>,
      %mul3A_926 = arith.constant 32 : i32
      %mul3A_927 = arith.muli %scan3A_718, %mul3A_926 : i32
      %add3A_928 = arith.constant 26 : i32
      %add3A_929 = arith.addi %mul3A_927, %add3A_928 : i32
      %mul3A_930 = arith.constant 16 : i32
      %mul3A_931 = arith.muli %add3A_929, %mul3A_930 : i32
      %swap3A_932 = arith.index_cast %mul3A_931 : i32 to index
      %swap3A_933 = tpu.vector_load %arg9[%swap3A_932] {strides = array<i32>} : memref<32768xf32, #tpu.memory_space<vmem>>, vector<16xf32>,
      tpu.vector_store %arg9[%swap3A_932], %broadcast_in_dim3A_8 {strides = array<i32>} : memref<32768xf32, #tpu.memory_space<vmem>>, vector<16xf32>,
      %mul3A_934 = arith.constant 32 : i32
      %mul3A_935 = arith.muli %scan3A_718, %mul3A_934 : i32
      %add3A_936 = arith.constant 27 : i32
      %add3A_937 = arith.addi %mul3A_935, %add3A_936 : i32
      %mul3A_938 = arith.constant 16 : i32
      %mul3A_939 = arith.muli %add3A_937, %mul3A_938 : i32
      %swap3A_940 = arith.index_cast %mul3A_939 : i32 to index
      %swap3A_941 = tpu.vector_load %arg9[%swap3A_940] {strides = array<i32>} : memref<32768xf32, #tpu.memory_space<vmem>>, vector<16xf32>,
      tpu.vector_store %arg9[%swap3A_940], %broadcast_in_dim3A_8 {strides = array<i32>} : memref<32768xf32, #tpu.memory_space<vmem>>, vector<16xf32>,
      %mul3A_942 = arith.constant 32 : i32
      %mul3A_943 = arith.muli %scan3A_718, %mul3A_942 : i32
      %add3A_944 = arith.constant 28 : i32
      %add3A_945 = arith.addi %mul3A_943, %add3A_944 : i32
      %mul3A_946 = arith.constant 16 : i32
      %mul3A_947 = arith.muli %add3A_945, %mul3A_946 : i32
      %swap3A_948 = arith.index_cast %mul3A_947 : i32 to index
      %swap3A_949 = tpu.vector_load %arg9[%swap3A_948] {strides = array<i32>} : memref<32768xf32, #tpu.memory_space<vmem>>, vector<16xf32>,
      tpu.vector_store %arg9[%swap3A_948], %broadcast_in_dim3A_8 {strides = array<i32>} : memref<32768xf32, #tpu.memory_space<vmem>>, vector<16xf32>,
      %mul3A_950 = arith.constant 32 : i32
      %mul3A_951 = arith.muli %scan3A_718, %mul3A_950 : i32
      %add3A_952 = arith.constant 29 : i32
      %add3A_953 = arith.addi %mul3A_951, %add3A_952 : i32
      %mul3A_954 = arith.constant 16 : i32
      %mul3A_955 = arith.muli %add3A_953, %mul3A_954 : i32
      %swap3A_956 = arith.index_cast %mul3A_955 : i32 to index
      %swap3A_957 = tpu.vector_load %arg9[%swap3A_956] {strides = array<i32>} : memref<32768xf32, #tpu.memory_space<vmem>>, vector<16xf32>,
      tpu.vector_store %arg9[%swap3A_956], %broadcast_in_dim3A_8 {strides = array<i32>} : memref<32768xf32, #tpu.memory_space<vmem>>, vector<16xf32>,
      %mul3A_958 = arith.constant 32 : i32
      %mul3A_959 = arith.muli %scan3A_718, %mul3A_958 : i32
      %add3A_960 = arith.constant 30 : i32
      %add3A_961 = arith.addi %mul3A_959, %add3A_960 : i32
      %mul3A_962 = arith.constant 16 : i32
      %mul3A_963 = arith.muli %add3A_961, %mul3A_962 : i32
      %swap3A_964 = arith.index_cast %mul3A_963 : i32 to index
      %swap3A_965 = tpu.vector_load %arg9[%swap3A_964] {strides = array<i32>} : memref<32768xf32, #tpu.memory_space<vmem>>, vector<16xf32>,
      tpu.vector_store %arg9[%swap3A_964], %broadcast_in_dim3A_8 {strides = array<i32>} : memref<32768xf32, #tpu.memory_space<vmem>>, vector<16xf32>,
      %mul3A_966 = arith.constant 32 : i32
      %mul3A_967 = arith.muli %scan3A_718, %mul3A_966 : i32
      %add3A_968 = arith.constant 31 : i32
      %add3A_969 = arith.addi %mul3A_967, %add3A_968 : i32
      %mul3A_970 = arith.constant 16 : i32
      %mul3A_971 = arith.muli %add3A_969, %mul3A_970 : i32
      %swap3A_972 = arith.index_cast %mul3A_971 : i32 to index
      %swap3A_973 = tpu.vector_load %arg9[%swap3A_972] {strides = array<i32>} : memref<32768xf32, #tpu.memory_space<vmem>>, vector<16xf32>,
      tpu.vector_store %arg9[%swap3A_972], %broadcast_in_dim3A_8 {strides = array<i32>} : memref<32768xf32, #tpu.memory_space<vmem>>, vector<16xf32>,
    }
    %scan3A_272 = arith.constant 64 : i32
    %parallel_loop3A_273 = arith.constant 0 : i32
    %parallel_loop3A_274 = arith.constant 200 : i32
    %parallel_loop3A_275 = arith.constant 1 : i32
    scf.for %parallel_loop3A_718 = %parallel_loop3A_273 to %parallel_loop3A_274 step %parallel_loop3A_275  : i32 {
      %parallel_loop3A_719 = arith.constant 3 : i32
      %parallel_loop3A_720 = arith.andi %parallel_loop3A_718, %parallel_loop3A_719 : i32
      %parallel_loop3A_721 = arith.constant 2 : i32
      %parallel_loop3A_722 = arith.shrui %parallel_loop3A_718, %parallel_loop3A_721 : i32
      %parallel_loop3A_723 = arith.constant 4 : i32
      %parallel_loop3A_724 = arith.shli %parallel_loop3A_720, %parallel_loop3A_723 : i32
      %parallel_loop3A_725 = vector.broadcast %parallel_loop3A_724 : i32 to vector<16xi32>
      %parallel_loop3A_726 = arith.addi %parallel_loop3A_725, %iota3A : vector<16xi32>
      %parallel_loop3A_727 = vector.broadcast %parallel_loop3A_722 : i32 to vector<16xi32>
      %parallel_loop3A_728 = tpu.vector_load_idx %arg6[%parallel_loop3A_726, %parallel_loop3A_727] : memref<64x50xi32, #tpu.memory_space<vmem>>[vector<16xi32>, vector<16xi32>], vector<16xi32>,
      %parallel_loop3A_729 = tpu.vector_load_idx %arg7[%parallel_loop3A_728] : memref<512xi32, #tpu.memory_space<vmem>>[vector<16xi32>], vector<16xi32>,
      %parallel_loop3A_730 = arith.constant 7 : i32
      %parallel_loop3A_731 = vector.broadcast %parallel_loop3A_730 : i32 to vector<16xi32>
      %parallel_loop3A_732 = arith.shrui %parallel_loop3A_729, %parallel_loop3A_731 : vector<16xi32>
      %parallel_loop3A_733 = arith.constant 127 : i32
      %parallel_loop3A_734 = vector.broadcast %parallel_loop3A_733 : i32 to vector<16xi32>
      %parallel_loop3A_735 = arith.andi %parallel_loop3A_729, %parallel_loop3A_734 : vector<16xi32>
      %parallel_loop3A_736 = arith.constant 13 : i32
      %parallel_loop3A_737 = vector.broadcast %parallel_loop3A_736 : i32 to vector<16xi32>
      %parallel_loop3A_738 = arith.shli %parallel_loop3A_732, %parallel_loop3A_737 : vector<16xi32>
      %parallel_loop3A_739 = arith.constant 7 : i32
      %parallel_loop3A_740 = vector.broadcast %parallel_loop3A_739 : i32 to vector<16xi32>
      %parallel_loop3A_741 = arith.shli %parallel_loop3A_726, %parallel_loop3A_740 : vector<16xi32>
      %parallel_loop3A_742 = arith.addi %parallel_loop3A_738, %parallel_loop3A_741 : vector<16xi32>
      %parallel_loop3A_743 = arith.addi %parallel_loop3A_742, %parallel_loop3A_735 : vector<16xi32>
      tpu.vector_store_idx %arg9[%parallel_loop3A_743], %broadcast_in_dim3A_10 {add = true} : memref<32768xf32, #tpu.memory_space<vmem>>[vector<16xi32>], vector<16xf32>,
    } {sc.loop_unroll_factor = 4 : i64, sc.parallel_access}
    %mul3A_276 = arith.constant 512 : i32
    %mul3A_277 = arith.muli %add3A, %mul3A_276 : i32
    %add3A_278 = arith.constant 192 : i32
    %add3A_279 = arith.addi %mul3A_277, %add3A_278 : i32
    %add3A_280 = arith.constant 0 : i32
    %add3A_281 = arith.addi %add3A_280, %add3A_279 : i32
    %mul3A_282 = arith.constant 128 : i32
    %mul3A_283 = arith.muli %add3A_281, %mul3A_282 : i32
    %dma_start3A_284 = arith.constant 0 : i32
    %dma_start3A_285 = tpu.memref_slice %arg9[%dma_start3A_284] : memref<32768xf32, #tpu.memory_space<vmem>> -> memref<8192xf32, #tpu.memory_space<vmem>>
    %dma_start3A_286 = tpu.memref_slice %arg4[%mul3A_283] : memref<8388608xf32, #tpu.memory_space<hbm>> -> memref<8192xf32, #tpu.memory_space<hbm>>
    %dma_start3A_287 = tpu.memref_slice %arg4[%mul3A_283] : memref<8388608xf32, #tpu.memory_space<hbm>> -> memref<8192xf32, #tpu.memory_space<hbm>>
    %dma_start3A_288 = arith.constant 0 : i32
    %dma_start3A_289 = tpu.memref_slice %arg9[%dma_start3A_288] : memref<32768xf32, #tpu.memory_space<vmem>> -> memref<8192xf32, #tpu.memory_space<vmem>>
    tpu.enqueue_dma source(%dma_start3A_289 : memref<8192xf32, #tpu.memory_space<vmem>>) target(%dma_start3A_287 : memref<8192xf32, #tpu.memory_space<hbm>>) target_semaphore(%arg11 : memref<!tpu.dma_semaphore, #tpu.memory_space<semaphore_mem>>)
    %add3A_290 = arith.constant 16384 : i32
    %add3A_291 = arith.addi %add3A_290, %add3A_279 : i32
    %mul3A_292 = arith.constant 128 : i32
    %mul3A_293 = arith.muli %add3A_291, %mul3A_292 : i32
    %dma_start3A_294 = arith.constant 8192 : i32
    %dma_start3A_295 = tpu.memref_slice %arg9[%dma_start3A_294] : memref<32768xf32, #tpu.memory_space<vmem>> -> memref<8192xf32, #tpu.memory_space<vmem>>
    %dma_start3A_296 = tpu.memref_slice %arg4[%mul3A_293] : memref<8388608xf32, #tpu.memory_space<hbm>> -> memref<8192xf32, #tpu.memory_space<hbm>>
    %dma_start3A_297 = tpu.memref_slice %arg4[%mul3A_293] : memref<8388608xf32, #tpu.memory_space<hbm>> -> memref<8192xf32, #tpu.memory_space<hbm>>
    %dma_start3A_298 = arith.constant 8192 : i32
    %dma_start3A_299 = tpu.memref_slice %arg9[%dma_start3A_298] : memref<32768xf32, #tpu.memory_space<vmem>> -> memref<8192xf32, #tpu.memory_space<vmem>>
    tpu.enqueue_dma source(%dma_start3A_299 : memref<8192xf32, #tpu.memory_space<vmem>>) target(%dma_start3A_297 : memref<8192xf32, #tpu.memory_space<hbm>>) target_semaphore(%arg11 : memref<!tpu.dma_semaphore, #tpu.memory_space<semaphore_mem>>)
    %add3A_300 = arith.constant 32768 : i32
    %add3A_301 = arith.addi %add3A_300, %add3A_279 : i32
    %mul3A_302 = arith.constant 128 : i32
    %mul3A_303 = arith.muli %add3A_301, %mul3A_302 : i32
    %dma_start3A_304 = arith.constant 16384 : i32
    %dma_start3A_305 = tpu.memref_slice %arg9[%dma_start3A_304] : memref<32768xf32, #tpu.memory_space<vmem>> -> memref<8192xf32, #tpu.memory_space<vmem>>
    %dma_start3A_306 = tpu.memref_slice %arg4[%mul3A_303] : memref<8388608xf32, #tpu.memory_space<hbm>> -> memref<8192xf32, #tpu.memory_space<hbm>>
    %dma_start3A_307 = tpu.memref_slice %arg4[%mul3A_303] : memref<8388608xf32, #tpu.memory_space<hbm>> -> memref<8192xf32, #tpu.memory_space<hbm>>
    %dma_start3A_308 = arith.constant 16384 : i32
    %dma_start3A_309 = tpu.memref_slice %arg9[%dma_start3A_308] : memref<32768xf32, #tpu.memory_space<vmem>> -> memref<8192xf32, #tpu.memory_space<vmem>>
    tpu.enqueue_dma source(%dma_start3A_309 : memref<8192xf32, #tpu.memory_space<vmem>>) target(%dma_start3A_307 : memref<8192xf32, #tpu.memory_space<hbm>>) target_semaphore(%arg11 : memref<!tpu.dma_semaphore, #tpu.memory_space<semaphore_mem>>)
    %add3A_310 = arith.constant 49152 : i32
    %add3A_311 = arith.addi %add3A_310, %add3A_279 : i32
    %mul3A_312 = arith.constant 128 : i32
    %mul3A_313 = arith.muli %add3A_311, %mul3A_312 : i32
    %dma_start3A_314 = arith.constant 24576 : i32
    %dma_start3A_315 = tpu.memref_slice %arg9[%dma_start3A_314] : memref<32768xf32, #tpu.memory_space<vmem>> -> memref<8192xf32, #tpu.memory_space<vmem>>
    %dma_start3A_316 = tpu.memref_slice %arg4[%mul3A_313] : memref<8388608xf32, #tpu.memory_space<hbm>> -> memref<8192xf32, #tpu.memory_space<hbm>>
    %dma_start3A_317 = tpu.memref_slice %arg4[%mul3A_313] : memref<8388608xf32, #tpu.memory_space<hbm>> -> memref<8192xf32, #tpu.memory_space<hbm>>
    %dma_start3A_318 = arith.constant 24576 : i32
    %dma_start3A_319 = tpu.memref_slice %arg9[%dma_start3A_318] : memref<32768xf32, #tpu.memory_space<vmem>> -> memref<8192xf32, #tpu.memory_space<vmem>>
    tpu.enqueue_dma source(%dma_start3A_319 : memref<8192xf32, #tpu.memory_space<vmem>>) target(%dma_start3A_317 : memref<8192xf32, #tpu.memory_space<hbm>>) target_semaphore(%arg11 : memref<!tpu.dma_semaphore, #tpu.memory_space<semaphore_mem>>)
    %dma_wait3A_320 = arith.constant 0 : i32
    %dma_wait3A_321 = tpu.memref_slice %arg2[%add3A_239, %dma_wait3A_320] : memref<16384x50xi32, #tpu.memory_space<hbm>> -> memref<64x50xi32, #tpu.memory_space<hbm>>
    %dma_wait3A_322 = arith.constant 0 : i32
    %dma_wait3A_323 = tpu.memref_slice %arg2[%add3A_239, %dma_wait3A_322] : memref<16384x50xi32, #tpu.memory_space<hbm>> -> memref<64x50xi32, #tpu.memory_space<hbm>>
    tpu.wait_dma2 semaphore(%arg12 : memref<!tpu.dma_semaphore, #tpu.memory_space<semaphore_mem>>) src(%dma_wait3A_323 : memref<64x50xi32, #tpu.memory_space<hbm>>) dst(%arg5 : memref<64x50xi32, #tpu.memory_space<vmem>>)
    %mul3A_324 = arith.constant 512 : i32
    %mul3A_325 = arith.muli %add3A, %mul3A_324 : i32
    %add3A_326 = arith.constant 0 : i32
    %add3A_327 = arith.addi %add3A_326, %mul3A_325 : i32
    %add3A_328 = arith.constant 320 : i32
    %add3A_329 = arith.addi %add3A_327, %add3A_328 : i32
    %dma_start3A_330 = arith.constant 0 : i32
    %dma_start3A_331 = tpu.memref_slice %arg2[%add3A_329, %dma_start3A_330] : memref<16384x50xi32, #tpu.memory_space<hbm>> -> memref<64x50xi32, #tpu.memory_space<hbm>>
    %dma_start3A_332 = arith.constant 0 : i32
    %dma_start3A_333 = tpu.memref_slice %arg2[%add3A_329, %dma_start3A_332] : memref<16384x50xi32, #tpu.memory_space<hbm>> -> memref<64x50xi32, #tpu.memory_space<hbm>>
    tpu.enqueue_dma source(%dma_start3A_333 : memref<64x50xi32, #tpu.memory_space<hbm>>) target(%arg6 : memref<64x50xi32, #tpu.memory_space<vmem>>) target_semaphore(%arg12 : memref<!tpu.dma_semaphore, #tpu.memory_space<semaphore_mem>>)
    %dma_wait3A_334 = arith.constant 0 : i32
    %dma_wait3A_335 = tpu.memref_slice %arg8[%dma_wait3A_334] : memref<32768xf32, #tpu.memory_space<vmem>> -> memref<8192xf32, #tpu.memory_space<vmem>>
    %dma_wait3A_336 = tpu.memref_slice %arg4[%mul3A_193] : memref<8388608xf32, #tpu.memory_space<hbm>> -> memref<8192xf32, #tpu.memory_space<hbm>>
    %dma_wait3A_337 = tpu.memref_slice %arg4[%mul3A_193] : memref<8388608xf32, #tpu.memory_space<hbm>> -> memref<8192xf32, #tpu.memory_space<hbm>>
    %dma_wait3A_338 = arith.constant 0 : i32
    %dma_wait3A_339 = tpu.memref_slice %arg8[%dma_wait3A_338] : memref<32768xf32, #tpu.memory_space<vmem>> -> memref<8192xf32, #tpu.memory_space<vmem>>
    tpu.wait_dma2 semaphore(%arg10 : memref<!tpu.dma_semaphore, #tpu.memory_space<semaphore_mem>>) src(%dma_wait3A_339 : memref<8192xf32, #tpu.memory_space<vmem>>) dst(%dma_wait3A_337 : memref<8192xf32, #tpu.memory_space<hbm>>)
    %dma_wait3A_340 = arith.constant 8192 : i32
    %dma_wait3A_341 = tpu.memref_slice %arg8[%dma_wait3A_340] : memref<32768xf32, #tpu.memory_space<vmem>> -> memref<8192xf32, #tpu.memory_space<vmem>>
    %dma_wait3A_342 = tpu.memref_slice %arg4[%mul3A_203] : memref<8388608xf32, #tpu.memory_space<hbm>> -> memref<8192xf32, #tpu.memory_space<hbm>>
    %dma_wait3A_343 = tpu.memref_slice %arg4[%mul3A_203] : memref<8388608xf32, #tpu.memory_space<hbm>> -> memref<8192xf32, #tpu.memory_space<hbm>>
    %dma_wait3A_344 = arith.constant 8192 : i32
    %dma_wait3A_345 = tpu.memref_slice %arg8[%dma_wait3A_344] : memref<32768xf32, #tpu.memory_space<vmem>> -> memref<8192xf32, #tpu.memory_space<vmem>>
    tpu.wait_dma2 semaphore(%arg10 : memref<!tpu.dma_semaphore, #tpu.memory_space<semaphore_mem>>) src(%dma_wait3A_345 : memref<8192xf32, #tpu.memory_space<vmem>>) dst(%dma_wait3A_343 : memref<8192xf32, #tpu.memory_space<hbm>>)
    %dma_wait3A_346 = arith.constant 16384 : i32
    %dma_wait3A_347 = tpu.memref_slice %arg8[%dma_wait3A_346] : memref<32768xf32, #tpu.memory_space<vmem>> -> memref<8192xf32, #tpu.memory_space<vmem>>
    %dma_wait3A_348 = tpu.memref_slice %arg4[%mul3A_213] : memref<8388608xf32, #tpu.memory_space<hbm>> -> memref<8192xf32, #tpu.memory_space<hbm>>
    %dma_wait3A_349 = tpu.memref_slice %arg4[%mul3A_213] : memref<8388608xf32, #tpu.memory_space<hbm>> -> memref<8192xf32, #tpu.memory_space<hbm>>
    %dma_wait3A_350 = arith.constant 16384 : i32
    %dma_wait3A_351 = tpu.memref_slice %arg8[%dma_wait3A_350] : memref<32768xf32, #tpu.memory_space<vmem>> -> memref<8192xf32, #tpu.memory_space<vmem>>
    tpu.wait_dma2 semaphore(%arg10 : memref<!tpu.dma_semaphore, #tpu.memory_space<semaphore_mem>>) src(%dma_wait3A_351 : memref<8192xf32, #tpu.memory_space<vmem>>) dst(%dma_wait3A_349 : memref<8192xf32, #tpu.memory_space<hbm>>)
    %dma_wait3A_352 = arith.constant 24576 : i32
    %dma_wait3A_353 = tpu.memref_slice %arg8[%dma_wait3A_352] : memref<32768xf32, #tpu.memory_space<vmem>> -> memref<8192xf32, #tpu.memory_space<vmem>>
    %dma_wait3A_354 = tpu.memref_slice %arg4[%mul3A_223] : memref<8388608xf32, #tpu.memory_space<hbm>> -> memref<8192xf32, #tpu.memory_space<hbm>>
    %dma_wait3A_355 = tpu.memref_slice %arg4[%mul3A_223] : memref<8388608xf32, #tpu.memory_space<hbm>> -> memref<8192xf32, #tpu.memory_space<hbm>>
    %dma_wait3A_356 = arith.constant 24576 : i32
    %dma_wait3A_357 = tpu.memref_slice %arg8[%dma_wait3A_356] : memref<32768xf32, #tpu.memory_space<vmem>> -> memref<8192xf32, #tpu.memory_space<vmem>>
    tpu.wait_dma2 semaphore(%arg10 : memref<!tpu.dma_semaphore, #tpu.memory_space<semaphore_mem>>) src(%dma_wait3A_357 : memref<8192xf32, #tpu.memory_space<vmem>>) dst(%dma_wait3A_355 : memref<8192xf32, #tpu.memory_space<hbm>>)
    %scan3A_358 = arith.constant 0 : i32
    %scan3A_359 = arith.constant 64 : i32
    %scan3A_360 = arith.addi %scan3A_358, %scan3A_359 : i32
    %scan3A_361 = arith.constant 1 : i32
    scf.for %scan3A_718 = %scan3A_358 to %scan3A_360 step %scan3A_361  : i32 {
      %mul3A_719 = arith.constant 32 : i32
      %mul3A_720 = arith.muli %scan3A_718, %mul3A_719 : i32
      %add3A_721 = arith.constant 0 : i32
      %add3A_722 = arith.addi %mul3A_720, %add3A_721 : i32
      %mul3A_723 = arith.constant 16 : i32
      %mul3A_724 = arith.muli %add3A_722, %mul3A_723 : i32
      %swap3A = arith.index_cast %mul3A_724 : i32 to index
      %swap3A_725 = tpu.vector_load %arg8[%swap3A] {strides = array<i32>} : memref<32768xf32, #tpu.memory_space<vmem>>, vector<16xf32>,
      tpu.vector_store %arg8[%swap3A], %broadcast_in_dim3A_8 {strides = array<i32>} : memref<32768xf32, #tpu.memory_space<vmem>>, vector<16xf32>,
      %mul3A_726 = arith.constant 32 : i32
      %mul3A_727 = arith.muli %scan3A_718, %mul3A_726 : i32
      %add3A_728 = arith.constant 1 : i32
      %add3A_729 = arith.addi %mul3A_727, %add3A_728 : i32
      %mul3A_730 = arith.constant 16 : i32
      %mul3A_731 = arith.muli %add3A_729, %mul3A_730 : i32
      %swap3A_732 = arith.index_cast %mul3A_731 : i32 to index
      %swap3A_733 = tpu.vector_load %arg8[%swap3A_732] {strides = array<i32>} : memref<32768xf32, #tpu.memory_space<vmem>>, vector<16xf32>,
      tpu.vector_store %arg8[%swap3A_732], %broadcast_in_dim3A_8 {strides = array<i32>} : memref<32768xf32, #tpu.memory_space<vmem>>, vector<16xf32>,
      %mul3A_734 = arith.constant 32 : i32
      %mul3A_735 = arith.muli %scan3A_718, %mul3A_734 : i32
      %add3A_736 = arith.constant 2 : i32
      %add3A_737 = arith.addi %mul3A_735, %add3A_736 : i32
      %mul3A_738 = arith.constant 16 : i32
      %mul3A_739 = arith.muli %add3A_737, %mul3A_738 : i32
      %swap3A_740 = arith.index_cast %mul3A_739 : i32 to index
      %swap3A_741 = tpu.vector_load %arg8[%swap3A_740] {strides = array<i32>} : memref<32768xf32, #tpu.memory_space<vmem>>, vector<16xf32>,
      tpu.vector_store %arg8[%swap3A_740], %broadcast_in_dim3A_8 {strides = array<i32>} : memref<32768xf32, #tpu.memory_space<vmem>>, vector<16xf32>,
      %mul3A_742 = arith.constant 32 : i32
      %mul3A_743 = arith.muli %scan3A_718, %mul3A_742 : i32
      %add3A_744 = arith.constant 3 : i32
      %add3A_745 = arith.addi %mul3A_743, %add3A_744 : i32
      %mul3A_746 = arith.constant 16 : i32
      %mul3A_747 = arith.muli %add3A_745, %mul3A_746 : i32
      %swap3A_748 = arith.index_cast %mul3A_747 : i32 to index
      %swap3A_749 = tpu.vector_load %arg8[%swap3A_748] {strides = array<i32>} : memref<32768xf32, #tpu.memory_space<vmem>>, vector<16xf32>,
      tpu.vector_store %arg8[%swap3A_748], %broadcast_in_dim3A_8 {strides = array<i32>} : memref<32768xf32, #tpu.memory_space<vmem>>, vector<16xf32>,
      %mul3A_750 = arith.constant 32 : i32
      %mul3A_751 = arith.muli %scan3A_718, %mul3A_750 : i32
      %add3A_752 = arith.constant 4 : i32
      %add3A_753 = arith.addi %mul3A_751, %add3A_752 : i32
      %mul3A_754 = arith.constant 16 : i32
      %mul3A_755 = arith.muli %add3A_753, %mul3A_754 : i32
      %swap3A_756 = arith.index_cast %mul3A_755 : i32 to index
      %swap3A_757 = tpu.vector_load %arg8[%swap3A_756] {strides = array<i32>} : memref<32768xf32, #tpu.memory_space<vmem>>, vector<16xf32>,
      tpu.vector_store %arg8[%swap3A_756], %broadcast_in_dim3A_8 {strides = array<i32>} : memref<32768xf32, #tpu.memory_space<vmem>>, vector<16xf32>,
      %mul3A_758 = arith.constant 32 : i32
      %mul3A_759 = arith.muli %scan3A_718, %mul3A_758 : i32
      %add3A_760 = arith.constant 5 : i32
      %add3A_761 = arith.addi %mul3A_759, %add3A_760 : i32
      %mul3A_762 = arith.constant 16 : i32
      %mul3A_763 = arith.muli %add3A_761, %mul3A_762 : i32
      %swap3A_764 = arith.index_cast %mul3A_763 : i32 to index
      %swap3A_765 = tpu.vector_load %arg8[%swap3A_764] {strides = array<i32>} : memref<32768xf32, #tpu.memory_space<vmem>>, vector<16xf32>,
      tpu.vector_store %arg8[%swap3A_764], %broadcast_in_dim3A_8 {strides = array<i32>} : memref<32768xf32, #tpu.memory_space<vmem>>, vector<16xf32>,
      %mul3A_766 = arith.constant 32 : i32
      %mul3A_767 = arith.muli %scan3A_718, %mul3A_766 : i32
      %add3A_768 = arith.constant 6 : i32
      %add3A_769 = arith.addi %mul3A_767, %add3A_768 : i32
      %mul3A_770 = arith.constant 16 : i32
      %mul3A_771 = arith.muli %add3A_769, %mul3A_770 : i32
      %swap3A_772 = arith.index_cast %mul3A_771 : i32 to index
      %swap3A_773 = tpu.vector_load %arg8[%swap3A_772] {strides = array<i32>} : memref<32768xf32, #tpu.memory_space<vmem>>, vector<16xf32>,
      tpu.vector_store %arg8[%swap3A_772], %broadcast_in_dim3A_8 {strides = array<i32>} : memref<32768xf32, #tpu.memory_space<vmem>>, vector<16xf32>,
      %mul3A_774 = arith.constant 32 : i32
      %mul3A_775 = arith.muli %scan3A_718, %mul3A_774 : i32
      %add3A_776 = arith.constant 7 : i32
      %add3A_777 = arith.addi %mul3A_775, %add3A_776 : i32
      %mul3A_778 = arith.constant 16 : i32
      %mul3A_779 = arith.muli %add3A_777, %mul3A_778 : i32
      %swap3A_780 = arith.index_cast %mul3A_779 : i32 to index
      %swap3A_781 = tpu.vector_load %arg8[%swap3A_780] {strides = array<i32>} : memref<32768xf32, #tpu.memory_space<vmem>>, vector<16xf32>,
      tpu.vector_store %arg8[%swap3A_780], %broadcast_in_dim3A_8 {strides = array<i32>} : memref<32768xf32, #tpu.memory_space<vmem>>, vector<16xf32>,
      %mul3A_782 = arith.constant 32 : i32
      %mul3A_783 = arith.muli %scan3A_718, %mul3A_782 : i32
      %add3A_784 = arith.constant 8 : i32
      %add3A_785 = arith.addi %mul3A_783, %add3A_784 : i32
      %mul3A_786 = arith.constant 16 : i32
      %mul3A_787 = arith.muli %add3A_785, %mul3A_786 : i32
      %swap3A_788 = arith.index_cast %mul3A_787 : i32 to index
      %swap3A_789 = tpu.vector_load %arg8[%swap3A_788] {strides = array<i32>} : memref<32768xf32, #tpu.memory_space<vmem>>, vector<16xf32>,
      tpu.vector_store %arg8[%swap3A_788], %broadcast_in_dim3A_8 {strides = array<i32>} : memref<32768xf32, #tpu.memory_space<vmem>>, vector<16xf32>,
      %mul3A_790 = arith.constant 32 : i32
      %mul3A_791 = arith.muli %scan3A_718, %mul3A_790 : i32
      %add3A_792 = arith.constant 9 : i32
      %add3A_793 = arith.addi %mul3A_791, %add3A_792 : i32
      %mul3A_794 = arith.constant 16 : i32
      %mul3A_795 = arith.muli %add3A_793, %mul3A_794 : i32
      %swap3A_796 = arith.index_cast %mul3A_795 : i32 to index
      %swap3A_797 = tpu.vector_load %arg8[%swap3A_796] {strides = array<i32>} : memref<32768xf32, #tpu.memory_space<vmem>>, vector<16xf32>,
      tpu.vector_store %arg8[%swap3A_796], %broadcast_in_dim3A_8 {strides = array<i32>} : memref<32768xf32, #tpu.memory_space<vmem>>, vector<16xf32>,
      %mul3A_798 = arith.constant 32 : i32
      %mul3A_799 = arith.muli %scan3A_718, %mul3A_798 : i32
      %add3A_800 = arith.constant 10 : i32
      %add3A_801 = arith.addi %mul3A_799, %add3A_800 : i32
      %mul3A_802 = arith.constant 16 : i32
      %mul3A_803 = arith.muli %add3A_801, %mul3A_802 : i32
      %swap3A_804 = arith.index_cast %mul3A_803 : i32 to index
      %swap3A_805 = tpu.vector_load %arg8[%swap3A_804] {strides = array<i32>} : memref<32768xf32, #tpu.memory_space<vmem>>, vector<16xf32>,
      tpu.vector_store %arg8[%swap3A_804], %broadcast_in_dim3A_8 {strides = array<i32>} : memref<32768xf32, #tpu.memory_space<vmem>>, vector<16xf32>,
      %mul3A_806 = arith.constant 32 : i32
      %mul3A_807 = arith.muli %scan3A_718, %mul3A_806 : i32
      %add3A_808 = arith.constant 11 : i32
      %add3A_809 = arith.addi %mul3A_807, %add3A_808 : i32
      %mul3A_810 = arith.constant 16 : i32
      %mul3A_811 = arith.muli %add3A_809, %mul3A_810 : i32
      %swap3A_812 = arith.index_cast %mul3A_811 : i32 to index
      %swap3A_813 = tpu.vector_load %arg8[%swap3A_812] {strides = array<i32>} : memref<32768xf32, #tpu.memory_space<vmem>>, vector<16xf32>,
      tpu.vector_store %arg8[%swap3A_812], %broadcast_in_dim3A_8 {strides = array<i32>} : memref<32768xf32, #tpu.memory_space<vmem>>, vector<16xf32>,
      %mul3A_814 = arith.constant 32 : i32
      %mul3A_815 = arith.muli %scan3A_718, %mul3A_814 : i32
      %add3A_816 = arith.constant 12 : i32
      %add3A_817 = arith.addi %mul3A_815, %add3A_816 : i32
      %mul3A_818 = arith.constant 16 : i32
      %mul3A_819 = arith.muli %add3A_817, %mul3A_818 : i32
      %swap3A_820 = arith.index_cast %mul3A_819 : i32 to index
      %swap3A_821 = tpu.vector_load %arg8[%swap3A_820] {strides = array<i32>} : memref<32768xf32, #tpu.memory_space<vmem>>, vector<16xf32>,
      tpu.vector_store %arg8[%swap3A_820], %broadcast_in_dim3A_8 {strides = array<i32>} : memref<32768xf32, #tpu.memory_space<vmem>>, vector<16xf32>,
      %mul3A_822 = arith.constant 32 : i32
      %mul3A_823 = arith.muli %scan3A_718, %mul3A_822 : i32
      %add3A_824 = arith.constant 13 : i32
      %add3A_825 = arith.addi %mul3A_823, %add3A_824 : i32
      %mul3A_826 = arith.constant 16 : i32
      %mul3A_827 = arith.muli %add3A_825, %mul3A_826 : i32
      %swap3A_828 = arith.index_cast %mul3A_827 : i32 to index
      %swap3A_829 = tpu.vector_load %arg8[%swap3A_828] {strides = array<i32>} : memref<32768xf32, #tpu.memory_space<vmem>>, vector<16xf32>,
      tpu.vector_store %arg8[%swap3A_828], %broadcast_in_dim3A_8 {strides = array<i32>} : memref<32768xf32, #tpu.memory_space<vmem>>, vector<16xf32>,
      %mul3A_830 = arith.constant 32 : i32
      %mul3A_831 = arith.muli %scan3A_718, %mul3A_830 : i32
      %add3A_832 = arith.constant 14 : i32
      %add3A_833 = arith.addi %mul3A_831, %add3A_832 : i32
      %mul3A_834 = arith.constant 16 : i32
      %mul3A_835 = arith.muli %add3A_833, %mul3A_834 : i32
      %swap3A_836 = arith.index_cast %mul3A_835 : i32 to index
      %swap3A_837 = tpu.vector_load %arg8[%swap3A_836] {strides = array<i32>} : memref<32768xf32, #tpu.memory_space<vmem>>, vector<16xf32>,
      tpu.vector_store %arg8[%swap3A_836], %broadcast_in_dim3A_8 {strides = array<i32>} : memref<32768xf32, #tpu.memory_space<vmem>>, vector<16xf32>,
      %mul3A_838 = arith.constant 32 : i32
      %mul3A_839 = arith.muli %scan3A_718, %mul3A_838 : i32
      %add3A_840 = arith.constant 15 : i32
      %add3A_841 = arith.addi %mul3A_839, %add3A_840 : i32
      %mul3A_842 = arith.constant 16 : i32
      %mul3A_843 = arith.muli %add3A_841, %mul3A_842 : i32
      %swap3A_844 = arith.index_cast %mul3A_843 : i32 to index
      %swap3A_845 = tpu.vector_load %arg8[%swap3A_844] {strides = array<i32>} : memref<32768xf32, #tpu.memory_space<vmem>>, vector<16xf32>,
      tpu.vector_store %arg8[%swap3A_844], %broadcast_in_dim3A_8 {strides = array<i32>} : memref<32768xf32, #tpu.memory_space<vmem>>, vector<16xf32>,
      %mul3A_846 = arith.constant 32 : i32
      %mul3A_847 = arith.muli %scan3A_718, %mul3A_846 : i32
      %add3A_848 = arith.constant 16 : i32
      %add3A_849 = arith.addi %mul3A_847, %add3A_848 : i32
      %mul3A_850 = arith.constant 16 : i32
      %mul3A_851 = arith.muli %add3A_849, %mul3A_850 : i32
      %swap3A_852 = arith.index_cast %mul3A_851 : i32 to index
      %swap3A_853 = tpu.vector_load %arg8[%swap3A_852] {strides = array<i32>} : memref<32768xf32, #tpu.memory_space<vmem>>, vector<16xf32>,
      tpu.vector_store %arg8[%swap3A_852], %broadcast_in_dim3A_8 {strides = array<i32>} : memref<32768xf32, #tpu.memory_space<vmem>>, vector<16xf32>,
      %mul3A_854 = arith.constant 32 : i32
      %mul3A_855 = arith.muli %scan3A_718, %mul3A_854 : i32
      %add3A_856 = arith.constant 17 : i32
      %add3A_857 = arith.addi %mul3A_855, %add3A_856 : i32
      %mul3A_858 = arith.constant 16 : i32
      %mul3A_859 = arith.muli %add3A_857, %mul3A_858 : i32
      %swap3A_860 = arith.index_cast %mul3A_859 : i32 to index
      %swap3A_861 = tpu.vector_load %arg8[%swap3A_860] {strides = array<i32>} : memref<32768xf32, #tpu.memory_space<vmem>>, vector<16xf32>,
      tpu.vector_store %arg8[%swap3A_860], %broadcast_in_dim3A_8 {strides = array<i32>} : memref<32768xf32, #tpu.memory_space<vmem>>, vector<16xf32>,
      %mul3A_862 = arith.constant 32 : i32
      %mul3A_863 = arith.muli %scan3A_718, %mul3A_862 : i32
      %add3A_864 = arith.constant 18 : i32
      %add3A_865 = arith.addi %mul3A_863, %add3A_864 : i32
      %mul3A_866 = arith.constant 16 : i32
      %mul3A_867 = arith.muli %add3A_865, %mul3A_866 : i32
      %swap3A_868 = arith.index_cast %mul3A_867 : i32 to index
      %swap3A_869 = tpu.vector_load %arg8[%swap3A_868] {strides = array<i32>} : memref<32768xf32, #tpu.memory_space<vmem>>, vector<16xf32>,
      tpu.vector_store %arg8[%swap3A_868], %broadcast_in_dim3A_8 {strides = array<i32>} : memref<32768xf32, #tpu.memory_space<vmem>>, vector<16xf32>,
      %mul3A_870 = arith.constant 32 : i32
      %mul3A_871 = arith.muli %scan3A_718, %mul3A_870 : i32
      %add3A_872 = arith.constant 19 : i32
      %add3A_873 = arith.addi %mul3A_871, %add3A_872 : i32
      %mul3A_874 = arith.constant 16 : i32
      %mul3A_875 = arith.muli %add3A_873, %mul3A_874 : i32
      %swap3A_876 = arith.index_cast %mul3A_875 : i32 to index
      %swap3A_877 = tpu.vector_load %arg8[%swap3A_876] {strides = array<i32>} : memref<32768xf32, #tpu.memory_space<vmem>>, vector<16xf32>,
      tpu.vector_store %arg8[%swap3A_876], %broadcast_in_dim3A_8 {strides = array<i32>} : memref<32768xf32, #tpu.memory_space<vmem>>, vector<16xf32>,
      %mul3A_878 = arith.constant 32 : i32
      %mul3A_879 = arith.muli %scan3A_718, %mul3A_878 : i32
      %add3A_880 = arith.constant 20 : i32
      %add3A_881 = arith.addi %mul3A_879, %add3A_880 : i32
      %mul3A_882 = arith.constant 16 : i32
      %mul3A_883 = arith.muli %add3A_881, %mul3A_882 : i32
      %swap3A_884 = arith.index_cast %mul3A_883 : i32 to index
      %swap3A_885 = tpu.vector_load %arg8[%swap3A_884] {strides = array<i32>} : memref<32768xf32, #tpu.memory_space<vmem>>, vector<16xf32>,
      tpu.vector_store %arg8[%swap3A_884], %broadcast_in_dim3A_8 {strides = array<i32>} : memref<32768xf32, #tpu.memory_space<vmem>>, vector<16xf32>,
      %mul3A_886 = arith.constant 32 : i32
      %mul3A_887 = arith.muli %scan3A_718, %mul3A_886 : i32
      %add3A_888 = arith.constant 21 : i32
      %add3A_889 = arith.addi %mul3A_887, %add3A_888 : i32
      %mul3A_890 = arith.constant 16 : i32
      %mul3A_891 = arith.muli %add3A_889, %mul3A_890 : i32
      %swap3A_892 = arith.index_cast %mul3A_891 : i32 to index
      %swap3A_893 = tpu.vector_load %arg8[%swap3A_892] {strides = array<i32>} : memref<32768xf32, #tpu.memory_space<vmem>>, vector<16xf32>,
      tpu.vector_store %arg8[%swap3A_892], %broadcast_in_dim3A_8 {strides = array<i32>} : memref<32768xf32, #tpu.memory_space<vmem>>, vector<16xf32>,
      %mul3A_894 = arith.constant 32 : i32
      %mul3A_895 = arith.muli %scan3A_718, %mul3A_894 : i32
      %add3A_896 = arith.constant 22 : i32
      %add3A_897 = arith.addi %mul3A_895, %add3A_896 : i32
      %mul3A_898 = arith.constant 16 : i32
      %mul3A_899 = arith.muli %add3A_897, %mul3A_898 : i32
      %swap3A_900 = arith.index_cast %mul3A_899 : i32 to index
      %swap3A_901 = tpu.vector_load %arg8[%swap3A_900] {strides = array<i32>} : memref<32768xf32, #tpu.memory_space<vmem>>, vector<16xf32>,
      tpu.vector_store %arg8[%swap3A_900], %broadcast_in_dim3A_8 {strides = array<i32>} : memref<32768xf32, #tpu.memory_space<vmem>>, vector<16xf32>,
      %mul3A_902 = arith.constant 32 : i32
      %mul3A_903 = arith.muli %scan3A_718, %mul3A_902 : i32
      %add3A_904 = arith.constant 23 : i32
      %add3A_905 = arith.addi %mul3A_903, %add3A_904 : i32
      %mul3A_906 = arith.constant 16 : i32
      %mul3A_907 = arith.muli %add3A_905, %mul3A_906 : i32
      %swap3A_908 = arith.index_cast %mul3A_907 : i32 to index
      %swap3A_909 = tpu.vector_load %arg8[%swap3A_908] {strides = array<i32>} : memref<32768xf32, #tpu.memory_space<vmem>>, vector<16xf32>,
      tpu.vector_store %arg8[%swap3A_908], %broadcast_in_dim3A_8 {strides = array<i32>} : memref<32768xf32, #tpu.memory_space<vmem>>, vector<16xf32>,
      %mul3A_910 = arith.constant 32 : i32
      %mul3A_911 = arith.muli %scan3A_718, %mul3A_910 : i32
      %add3A_912 = arith.constant 24 : i32
      %add3A_913 = arith.addi %mul3A_911, %add3A_912 : i32
      %mul3A_914 = arith.constant 16 : i32
      %mul3A_915 = arith.muli %add3A_913, %mul3A_914 : i32
      %swap3A_916 = arith.index_cast %mul3A_915 : i32 to index
      %swap3A_917 = tpu.vector_load %arg8[%swap3A_916] {strides = array<i32>} : memref<32768xf32, #tpu.memory_space<vmem>>, vector<16xf32>,
      tpu.vector_store %arg8[%swap3A_916], %broadcast_in_dim3A_8 {strides = array<i32>} : memref<32768xf32, #tpu.memory_space<vmem>>, vector<16xf32>,
      %mul3A_918 = arith.constant 32 : i32
      %mul3A_919 = arith.muli %scan3A_718, %mul3A_918 : i32
      %add3A_920 = arith.constant 25 : i32
      %add3A_921 = arith.addi %mul3A_919, %add3A_920 : i32
      %mul3A_922 = arith.constant 16 : i32
      %mul3A_923 = arith.muli %add3A_921, %mul3A_922 : i32
      %swap3A_924 = arith.index_cast %mul3A_923 : i32 to index
      %swap3A_925 = tpu.vector_load %arg8[%swap3A_924] {strides = array<i32>} : memref<32768xf32, #tpu.memory_space<vmem>>, vector<16xf32>,
      tpu.vector_store %arg8[%swap3A_924], %broadcast_in_dim3A_8 {strides = array<i32>} : memref<32768xf32, #tpu.memory_space<vmem>>, vector<16xf32>,
      %mul3A_926 = arith.constant 32 : i32
      %mul3A_927 = arith.muli %scan3A_718, %mul3A_926 : i32
      %add3A_928 = arith.constant 26 : i32
      %add3A_929 = arith.addi %mul3A_927, %add3A_928 : i32
      %mul3A_930 = arith.constant 16 : i32
      %mul3A_931 = arith.muli %add3A_929, %mul3A_930 : i32
      %swap3A_932 = arith.index_cast %mul3A_931 : i32 to index
      %swap3A_933 = tpu.vector_load %arg8[%swap3A_932] {strides = array<i32>} : memref<32768xf32, #tpu.memory_space<vmem>>, vector<16xf32>,
      tpu.vector_store %arg8[%swap3A_932], %broadcast_in_dim3A_8 {strides = array<i32>} : memref<32768xf32, #tpu.memory_space<vmem>>, vector<16xf32>,
      %mul3A_934 = arith.constant 32 : i32
      %mul3A_935 = arith.muli %scan3A_718, %mul3A_934 : i32
      %add3A_936 = arith.constant 27 : i32
      %add3A_937 = arith.addi %mul3A_935, %add3A_936 : i32
      %mul3A_938 = arith.constant 16 : i32
      %mul3A_939 = arith.muli %add3A_937, %mul3A_938 : i32
      %swap3A_940 = arith.index_cast %mul3A_939 : i32 to index
      %swap3A_941 = tpu.vector_load %arg8[%swap3A_940] {strides = array<i32>} : memref<32768xf32, #tpu.memory_space<vmem>>, vector<16xf32>,
      tpu.vector_store %arg8[%swap3A_940], %broadcast_in_dim3A_8 {strides = array<i32>} : memref<32768xf32, #tpu.memory_space<vmem>>, vector<16xf32>,
      %mul3A_942 = arith.constant 32 : i32
      %mul3A_943 = arith.muli %scan3A_718, %mul3A_942 : i32
      %add3A_944 = arith.constant 28 : i32
      %add3A_945 = arith.addi %mul3A_943, %add3A_944 : i32
      %mul3A_946 = arith.constant 16 : i32
      %mul3A_947 = arith.muli %add3A_945, %mul3A_946 : i32
      %swap3A_948 = arith.index_cast %mul3A_947 : i32 to index
      %swap3A_949 = tpu.vector_load %arg8[%swap3A_948] {strides = array<i32>} : memref<32768xf32, #tpu.memory_space<vmem>>, vector<16xf32>,
      tpu.vector_store %arg8[%swap3A_948], %broadcast_in_dim3A_8 {strides = array<i32>} : memref<32768xf32, #tpu.memory_space<vmem>>, vector<16xf32>,
      %mul3A_950 = arith.constant 32 : i32
      %mul3A_951 = arith.muli %scan3A_718, %mul3A_950 : i32
      %add3A_952 = arith.constant 29 : i32
      %add3A_953 = arith.addi %mul3A_951, %add3A_952 : i32
      %mul3A_954 = arith.constant 16 : i32
      %mul3A_955 = arith.muli %add3A_953, %mul3A_954 : i32
      %swap3A_956 = arith.index_cast %mul3A_955 : i32 to index
      %swap3A_957 = tpu.vector_load %arg8[%swap3A_956] {strides = array<i32>} : memref<32768xf32, #tpu.memory_space<vmem>>, vector<16xf32>,
      tpu.vector_store %arg8[%swap3A_956], %broadcast_in_dim3A_8 {strides = array<i32>} : memref<32768xf32, #tpu.memory_space<vmem>>, vector<16xf32>,
      %mul3A_958 = arith.constant 32 : i32
      %mul3A_959 = arith.muli %scan3A_718, %mul3A_958 : i32
      %add3A_960 = arith.constant 30 : i32
      %add3A_961 = arith.addi %mul3A_959, %add3A_960 : i32
      %mul3A_962 = arith.constant 16 : i32
      %mul3A_963 = arith.muli %add3A_961, %mul3A_962 : i32
      %swap3A_964 = arith.index_cast %mul3A_963 : i32 to index
      %swap3A_965 = tpu.vector_load %arg8[%swap3A_964] {strides = array<i32>} : memref<32768xf32, #tpu.memory_space<vmem>>, vector<16xf32>,
      tpu.vector_store %arg8[%swap3A_964], %broadcast_in_dim3A_8 {strides = array<i32>} : memref<32768xf32, #tpu.memory_space<vmem>>, vector<16xf32>,
      %mul3A_966 = arith.constant 32 : i32
      %mul3A_967 = arith.muli %scan3A_718, %mul3A_966 : i32
      %add3A_968 = arith.constant 31 : i32
      %add3A_969 = arith.addi %mul3A_967, %add3A_968 : i32
      %mul3A_970 = arith.constant 16 : i32
      %mul3A_971 = arith.muli %add3A_969, %mul3A_970 : i32
      %swap3A_972 = arith.index_cast %mul3A_971 : i32 to index
      %swap3A_973 = tpu.vector_load %arg8[%swap3A_972] {strides = array<i32>} : memref<32768xf32, #tpu.memory_space<vmem>>, vector<16xf32>,
      tpu.vector_store %arg8[%swap3A_972], %broadcast_in_dim3A_8 {strides = array<i32>} : memref<32768xf32, #tpu.memory_space<vmem>>, vector<16xf32>,
    }
    %scan3A_362 = arith.constant 64 : i32
    %parallel_loop3A_363 = arith.constant 0 : i32
    %parallel_loop3A_364 = arith.constant 200 : i32
    %parallel_loop3A_365 = arith.constant 1 : i32
    scf.for %parallel_loop3A_718 = %parallel_loop3A_363 to %parallel_loop3A_364 step %parallel_loop3A_365  : i32 {
      %parallel_loop3A_719 = arith.constant 3 : i32
      %parallel_loop3A_720 = arith.andi %parallel_loop3A_718, %parallel_loop3A_719 : i32
      %parallel_loop3A_721 = arith.constant 2 : i32
      %parallel_loop3A_722 = arith.shrui %parallel_loop3A_718, %parallel_loop3A_721 : i32
      %parallel_loop3A_723 = arith.constant 4 : i32
      %parallel_loop3A_724 = arith.shli %parallel_loop3A_720, %parallel_loop3A_723 : i32
      %parallel_loop3A_725 = vector.broadcast %parallel_loop3A_724 : i32 to vector<16xi32>
      %parallel_loop3A_726 = arith.addi %parallel_loop3A_725, %iota3A : vector<16xi32>
      %parallel_loop3A_727 = vector.broadcast %parallel_loop3A_722 : i32 to vector<16xi32>
      %parallel_loop3A_728 = tpu.vector_load_idx %arg5[%parallel_loop3A_726, %parallel_loop3A_727] : memref<64x50xi32, #tpu.memory_space<vmem>>[vector<16xi32>, vector<16xi32>], vector<16xi32>,
      %parallel_loop3A_729 = tpu.vector_load_idx %arg7[%parallel_loop3A_728] : memref<512xi32, #tpu.memory_space<vmem>>[vector<16xi32>], vector<16xi32>,
      %parallel_loop3A_730 = arith.constant 7 : i32
      %parallel_loop3A_731 = vector.broadcast %parallel_loop3A_730 : i32 to vector<16xi32>
      %parallel_loop3A_732 = arith.shrui %parallel_loop3A_729, %parallel_loop3A_731 : vector<16xi32>
      %parallel_loop3A_733 = arith.constant 127 : i32
      %parallel_loop3A_734 = vector.broadcast %parallel_loop3A_733 : i32 to vector<16xi32>
      %parallel_loop3A_735 = arith.andi %parallel_loop3A_729, %parallel_loop3A_734 : vector<16xi32>
      %parallel_loop3A_736 = arith.constant 13 : i32
      %parallel_loop3A_737 = vector.broadcast %parallel_loop3A_736 : i32 to vector<16xi32>
      %parallel_loop3A_738 = arith.shli %parallel_loop3A_732, %parallel_loop3A_737 : vector<16xi32>
      %parallel_loop3A_739 = arith.constant 7 : i32
      %parallel_loop3A_740 = vector.broadcast %parallel_loop3A_739 : i32 to vector<16xi32>
      %parallel_loop3A_741 = arith.shli %parallel_loop3A_726, %parallel_loop3A_740 : vector<16xi32>
      %parallel_loop3A_742 = arith.addi %parallel_loop3A_738, %parallel_loop3A_741 : vector<16xi32>
      %parallel_loop3A_743 = arith.addi %parallel_loop3A_742, %parallel_loop3A_735 : vector<16xi32>
      tpu.vector_store_idx %arg8[%parallel_loop3A_743], %broadcast_in_dim3A_10 {add = true} : memref<32768xf32, #tpu.memory_space<vmem>>[vector<16xi32>], vector<16xf32>,
    } {sc.loop_unroll_factor = 4 : i64, sc.parallel_access}
    %mul3A_366 = arith.constant 512 : i32
    %mul3A_367 = arith.muli %add3A, %mul3A_366 : i32
    %add3A_368 = arith.constant 256 : i32
    %add3A_369 = arith.addi %mul3A_367, %add3A_368 : i32
    %add3A_370 = arith.constant 0 : i32
    %add3A_371 = arith.addi %add3A_370, %add3A_369 : i32
    %mul3A_372 = arith.constant 128 : i32
    %mul3A_373 = arith.muli %add3A_371, %mul3A_372 : i32
    %dma_start3A_374 = arith.constant 0 : i32
    %dma_start3A_375 = tpu.memref_slice %arg8[%dma_start3A_374] : memref<32768xf32, #tpu.memory_space<vmem>> -> memref<8192xf32, #tpu.memory_space<vmem>>
    %dma_start3A_376 = tpu.memref_slice %arg4[%mul3A_373] : memref<8388608xf32, #tpu.memory_space<hbm>> -> memref<8192xf32, #tpu.memory_space<hbm>>
    %dma_start3A_377 = tpu.memref_slice %arg4[%mul3A_373] : memref<8388608xf32, #tpu.memory_space<hbm>> -> memref<8192xf32, #tpu.memory_space<hbm>>
    %dma_start3A_378 = arith.constant 0 : i32
    %dma_start3A_379 = tpu.memref_slice %arg8[%dma_start3A_378] : memref<32768xf32, #tpu.memory_space<vmem>> -> memref<8192xf32, #tpu.memory_space<vmem>>
    tpu.enqueue_dma source(%dma_start3A_379 : memref<8192xf32, #tpu.memory_space<vmem>>) target(%dma_start3A_377 : memref<8192xf32, #tpu.memory_space<hbm>>) target_semaphore(%arg10 : memref<!tpu.dma_semaphore, #tpu.memory_space<semaphore_mem>>)
    %add3A_380 = arith.constant 16384 : i32
    %add3A_381 = arith.addi %add3A_380, %add3A_369 : i32
    %mul3A_382 = arith.constant 128 : i32
    %mul3A_383 = arith.muli %add3A_381, %mul3A_382 : i32
    %dma_start3A_384 = arith.constant 8192 : i32
    %dma_start3A_385 = tpu.memref_slice %arg8[%dma_start3A_384] : memref<32768xf32, #tpu.memory_space<vmem>> -> memref<8192xf32, #tpu.memory_space<vmem>>
    %dma_start3A_386 = tpu.memref_slice %arg4[%mul3A_383] : memref<8388608xf32, #tpu.memory_space<hbm>> -> memref<8192xf32, #tpu.memory_space<hbm>>
    %dma_start3A_387 = tpu.memref_slice %arg4[%mul3A_383] : memref<8388608xf32, #tpu.memory_space<hbm>> -> memref<8192xf32, #tpu.memory_space<hbm>>
    %dma_start3A_388 = arith.constant 8192 : i32
    %dma_start3A_389 = tpu.memref_slice %arg8[%dma_start3A_388] : memref<32768xf32, #tpu.memory_space<vmem>> -> memref<8192xf32, #tpu.memory_space<vmem>>
    tpu.enqueue_dma source(%dma_start3A_389 : memref<8192xf32, #tpu.memory_space<vmem>>) target(%dma_start3A_387 : memref<8192xf32, #tpu.memory_space<hbm>>) target_semaphore(%arg10 : memref<!tpu.dma_semaphore, #tpu.memory_space<semaphore_mem>>)
    %add3A_390 = arith.constant 32768 : i32
    %add3A_391 = arith.addi %add3A_390, %add3A_369 : i32
    %mul3A_392 = arith.constant 128 : i32
    %mul3A_393 = arith.muli %add3A_391, %mul3A_392 : i32
    %dma_start3A_394 = arith.constant 16384 : i32
    %dma_start3A_395 = tpu.memref_slice %arg8[%dma_start3A_394] : memref<32768xf32, #tpu.memory_space<vmem>> -> memref<8192xf32, #tpu.memory_space<vmem>>
    %dma_start3A_396 = tpu.memref_slice %arg4[%mul3A_393] : memref<8388608xf32, #tpu.memory_space<hbm>> -> memref<8192xf32, #tpu.memory_space<hbm>>
    %dma_start3A_397 = tpu.memref_slice %arg4[%mul3A_393] : memref<8388608xf32, #tpu.memory_space<hbm>> -> memref<8192xf32, #tpu.memory_space<hbm>>
    %dma_start3A_398 = arith.constant 16384 : i32
    %dma_start3A_399 = tpu.memref_slice %arg8[%dma_start3A_398] : memref<32768xf32, #tpu.memory_space<vmem>> -> memref<8192xf32, #tpu.memory_space<vmem>>
    tpu.enqueue_dma source(%dma_start3A_399 : memref<8192xf32, #tpu.memory_space<vmem>>) target(%dma_start3A_397 : memref<8192xf32, #tpu.memory_space<hbm>>) target_semaphore(%arg10 : memref<!tpu.dma_semaphore, #tpu.memory_space<semaphore_mem>>)
    %add3A_400 = arith.constant 49152 : i32
    %add3A_401 = arith.addi %add3A_400, %add3A_369 : i32
    %mul3A_402 = arith.constant 128 : i32
    %mul3A_403 = arith.muli %add3A_401, %mul3A_402 : i32
    %dma_start3A_404 = arith.constant 24576 : i32
    %dma_start3A_405 = tpu.memref_slice %arg8[%dma_start3A_404] : memref<32768xf32, #tpu.memory_space<vmem>> -> memref<8192xf32, #tpu.memory_space<vmem>>
    %dma_start3A_406 = tpu.memref_slice %arg4[%mul3A_403] : memref<8388608xf32, #tpu.memory_space<hbm>> -> memref<8192xf32, #tpu.memory_space<hbm>>
    %dma_start3A_407 = tpu.memref_slice %arg4[%mul3A_403] : memref<8388608xf32, #tpu.memory_space<hbm>> -> memref<8192xf32, #tpu.memory_space<hbm>>
    %dma_start3A_408 = arith.constant 24576 : i32
    %dma_start3A_409 = tpu.memref_slice %arg8[%dma_start3A_408] : memref<32768xf32, #tpu.memory_space<vmem>> -> memref<8192xf32, #tpu.memory_space<vmem>>
    tpu.enqueue_dma source(%dma_start3A_409 : memref<8192xf32, #tpu.memory_space<vmem>>) target(%dma_start3A_407 : memref<8192xf32, #tpu.memory_space<hbm>>) target_semaphore(%arg10 : memref<!tpu.dma_semaphore, #tpu.memory_space<semaphore_mem>>)
    %dma_wait3A_410 = arith.constant 0 : i32
    %dma_wait3A_411 = tpu.memref_slice %arg2[%add3A_329, %dma_wait3A_410] : memref<16384x50xi32, #tpu.memory_space<hbm>> -> memref<64x50xi32, #tpu.memory_space<hbm>>
    %dma_wait3A_412 = arith.constant 0 : i32
    %dma_wait3A_413 = tpu.memref_slice %arg2[%add3A_329, %dma_wait3A_412] : memref<16384x50xi32, #tpu.memory_space<hbm>> -> memref<64x50xi32, #tpu.memory_space<hbm>>
    tpu.wait_dma2 semaphore(%arg12 : memref<!tpu.dma_semaphore, #tpu.memory_space<semaphore_mem>>) src(%dma_wait3A_413 : memref<64x50xi32, #tpu.memory_space<hbm>>) dst(%arg6 : memref<64x50xi32, #tpu.memory_space<vmem>>)
    %mul3A_414 = arith.constant 512 : i32
    %mul3A_415 = arith.muli %add3A, %mul3A_414 : i32
    %add3A_416 = arith.constant 0 : i32
    %add3A_417 = arith.addi %add3A_416, %mul3A_415 : i32
    %add3A_418 = arith.constant 384 : i32
    %add3A_419 = arith.addi %add3A_417, %add3A_418 : i32
    %dma_start3A_420 = arith.constant 0 : i32
    %dma_start3A_421 = tpu.memref_slice %arg2[%add3A_419, %dma_start3A_420] : memref<16384x50xi32, #tpu.memory_space<hbm>> -> memref<64x50xi32, #tpu.memory_space<hbm>>
    %dma_start3A_422 = arith.constant 0 : i32
    %dma_start3A_423 = tpu.memref_slice %arg2[%add3A_419, %dma_start3A_422] : memref<16384x50xi32, #tpu.memory_space<hbm>> -> memref<64x50xi32, #tpu.memory_space<hbm>>
    tpu.enqueue_dma source(%dma_start3A_423 : memref<64x50xi32, #tpu.memory_space<hbm>>) target(%arg5 : memref<64x50xi32, #tpu.memory_space<vmem>>) target_semaphore(%arg12 : memref<!tpu.dma_semaphore, #tpu.memory_space<semaphore_mem>>)
    %dma_wait3A_424 = arith.constant 0 : i32
    %dma_wait3A_425 = tpu.memref_slice %arg9[%dma_wait3A_424] : memref<32768xf32, #tpu.memory_space<vmem>> -> memref<8192xf32, #tpu.memory_space<vmem>>
    %dma_wait3A_426 = tpu.memref_slice %arg4[%mul3A_283] : memref<8388608xf32, #tpu.memory_space<hbm>> -> memref<8192xf32, #tpu.memory_space<hbm>>
    %dma_wait3A_427 = tpu.memref_slice %arg4[%mul3A_283] : memref<8388608xf32, #tpu.memory_space<hbm>> -> memref<8192xf32, #tpu.memory_space<hbm>>
    %dma_wait3A_428 = arith.constant 0 : i32
    %dma_wait3A_429 = tpu.memref_slice %arg9[%dma_wait3A_428] : memref<32768xf32, #tpu.memory_space<vmem>> -> memref<8192xf32, #tpu.memory_space<vmem>>
    tpu.wait_dma2 semaphore(%arg11 : memref<!tpu.dma_semaphore, #tpu.memory_space<semaphore_mem>>) src(%dma_wait3A_429 : memref<8192xf32, #tpu.memory_space<vmem>>) dst(%dma_wait3A_427 : memref<8192xf32, #tpu.memory_space<hbm>>)
    %dma_wait3A_430 = arith.constant 8192 : i32
    %dma_wait3A_431 = tpu.memref_slice %arg9[%dma_wait3A_430] : memref<32768xf32, #tpu.memory_space<vmem>> -> memref<8192xf32, #tpu.memory_space<vmem>>
    %dma_wait3A_432 = tpu.memref_slice %arg4[%mul3A_293] : memref<8388608xf32, #tpu.memory_space<hbm>> -> memref<8192xf32, #tpu.memory_space<hbm>>
    %dma_wait3A_433 = tpu.memref_slice %arg4[%mul3A_293] : memref<8388608xf32, #tpu.memory_space<hbm>> -> memref<8192xf32, #tpu.memory_space<hbm>>
    %dma_wait3A_434 = arith.constant 8192 : i32
    %dma_wait3A_435 = tpu.memref_slice %arg9[%dma_wait3A_434] : memref<32768xf32, #tpu.memory_space<vmem>> -> memref<8192xf32, #tpu.memory_space<vmem>>
    tpu.wait_dma2 semaphore(%arg11 : memref<!tpu.dma_semaphore, #tpu.memory_space<semaphore_mem>>) src(%dma_wait3A_435 : memref<8192xf32, #tpu.memory_space<vmem>>) dst(%dma_wait3A_433 : memref<8192xf32, #tpu.memory_space<hbm>>)
    %dma_wait3A_436 = arith.constant 16384 : i32
    %dma_wait3A_437 = tpu.memref_slice %arg9[%dma_wait3A_436] : memref<32768xf32, #tpu.memory_space<vmem>> -> memref<8192xf32, #tpu.memory_space<vmem>>
    %dma_wait3A_438 = tpu.memref_slice %arg4[%mul3A_303] : memref<8388608xf32, #tpu.memory_space<hbm>> -> memref<8192xf32, #tpu.memory_space<hbm>>
    %dma_wait3A_439 = tpu.memref_slice %arg4[%mul3A_303] : memref<8388608xf32, #tpu.memory_space<hbm>> -> memref<8192xf32, #tpu.memory_space<hbm>>
    %dma_wait3A_440 = arith.constant 16384 : i32
    %dma_wait3A_441 = tpu.memref_slice %arg9[%dma_wait3A_440] : memref<32768xf32, #tpu.memory_space<vmem>> -> memref<8192xf32, #tpu.memory_space<vmem>>
    tpu.wait_dma2 semaphore(%arg11 : memref<!tpu.dma_semaphore, #tpu.memory_space<semaphore_mem>>) src(%dma_wait3A_441 : memref<8192xf32, #tpu.memory_space<vmem>>) dst(%dma_wait3A_439 : memref<8192xf32, #tpu.memory_space<hbm>>)
    %dma_wait3A_442 = arith.constant 24576 : i32
    %dma_wait3A_443 = tpu.memref_slice %arg9[%dma_wait3A_442] : memref<32768xf32, #tpu.memory_space<vmem>> -> memref<8192xf32, #tpu.memory_space<vmem>>
    %dma_wait3A_444 = tpu.memref_slice %arg4[%mul3A_313] : memref<8388608xf32, #tpu.memory_space<hbm>> -> memref<8192xf32, #tpu.memory_space<hbm>>
    %dma_wait3A_445 = tpu.memref_slice %arg4[%mul3A_313] : memref<8388608xf32, #tpu.memory_space<hbm>> -> memref<8192xf32, #tpu.memory_space<hbm>>
    %dma_wait3A_446 = arith.constant 24576 : i32
    %dma_wait3A_447 = tpu.memref_slice %arg9[%dma_wait3A_446] : memref<32768xf32, #tpu.memory_space<vmem>> -> memref<8192xf32, #tpu.memory_space<vmem>>
    tpu.wait_dma2 semaphore(%arg11 : memref<!tpu.dma_semaphore, #tpu.memory_space<semaphore_mem>>) src(%dma_wait3A_447 : memref<8192xf32, #tpu.memory_space<vmem>>) dst(%dma_wait3A_445 : memref<8192xf32, #tpu.memory_space<hbm>>)
    %scan3A_448 = arith.constant 0 : i32
    %scan3A_449 = arith.constant 64 : i32
    %scan3A_450 = arith.addi %scan3A_448, %scan3A_449 : i32
    %scan3A_451 = arith.constant 1 : i32
    scf.for %scan3A_718 = %scan3A_448 to %scan3A_450 step %scan3A_451  : i32 {
      %mul3A_719 = arith.constant 32 : i32
      %mul3A_720 = arith.muli %scan3A_718, %mul3A_719 : i32
      %add3A_721 = arith.constant 0 : i32
      %add3A_722 = arith.addi %mul3A_720, %add3A_721 : i32
      %mul3A_723 = arith.constant 16 : i32
      %mul3A_724 = arith.muli %add3A_722, %mul3A_723 : i32
      %swap3A = arith.index_cast %mul3A_724 : i32 to index
      %swap3A_725 = tpu.vector_load %arg9[%swap3A] {strides = array<i32>} : memref<32768xf32, #tpu.memory_space<vmem>>, vector<16xf32>,
      tpu.vector_store %arg9[%swap3A], %broadcast_in_dim3A_8 {strides = array<i32>} : memref<32768xf32, #tpu.memory_space<vmem>>, vector<16xf32>,
      %mul3A_726 = arith.constant 32 : i32
      %mul3A_727 = arith.muli %scan3A_718, %mul3A_726 : i32
      %add3A_728 = arith.constant 1 : i32
      %add3A_729 = arith.addi %mul3A_727, %add3A_728 : i32
      %mul3A_730 = arith.constant 16 : i32
      %mul3A_731 = arith.muli %add3A_729, %mul3A_730 : i32
      %swap3A_732 = arith.index_cast %mul3A_731 : i32 to index
      %swap3A_733 = tpu.vector_load %arg9[%swap3A_732] {strides = array<i32>} : memref<32768xf32, #tpu.memory_space<vmem>>, vector<16xf32>,
      tpu.vector_store %arg9[%swap3A_732], %broadcast_in_dim3A_8 {strides = array<i32>} : memref<32768xf32, #tpu.memory_space<vmem>>, vector<16xf32>,
      %mul3A_734 = arith.constant 32 : i32
      %mul3A_735 = arith.muli %scan3A_718, %mul3A_734 : i32
      %add3A_736 = arith.constant 2 : i32
      %add3A_737 = arith.addi %mul3A_735, %add3A_736 : i32
      %mul3A_738 = arith.constant 16 : i32
      %mul3A_739 = arith.muli %add3A_737, %mul3A_738 : i32
      %swap3A_740 = arith.index_cast %mul3A_739 : i32 to index
      %swap3A_741 = tpu.vector_load %arg9[%swap3A_740] {strides = array<i32>} : memref<32768xf32, #tpu.memory_space<vmem>>, vector<16xf32>,
      tpu.vector_store %arg9[%swap3A_740], %broadcast_in_dim3A_8 {strides = array<i32>} : memref<32768xf32, #tpu.memory_space<vmem>>, vector<16xf32>,
      %mul3A_742 = arith.constant 32 : i32
      %mul3A_743 = arith.muli %scan3A_718, %mul3A_742 : i32
      %add3A_744 = arith.constant 3 : i32
      %add3A_745 = arith.addi %mul3A_743, %add3A_744 : i32
      %mul3A_746 = arith.constant 16 : i32
      %mul3A_747 = arith.muli %add3A_745, %mul3A_746 : i32
      %swap3A_748 = arith.index_cast %mul3A_747 : i32 to index
      %swap3A_749 = tpu.vector_load %arg9[%swap3A_748] {strides = array<i32>} : memref<32768xf32, #tpu.memory_space<vmem>>, vector<16xf32>,
      tpu.vector_store %arg9[%swap3A_748], %broadcast_in_dim3A_8 {strides = array<i32>} : memref<32768xf32, #tpu.memory_space<vmem>>, vector<16xf32>,
      %mul3A_750 = arith.constant 32 : i32
      %mul3A_751 = arith.muli %scan3A_718, %mul3A_750 : i32
      %add3A_752 = arith.constant 4 : i32
      %add3A_753 = arith.addi %mul3A_751, %add3A_752 : i32
      %mul3A_754 = arith.constant 16 : i32
      %mul3A_755 = arith.muli %add3A_753, %mul3A_754 : i32
      %swap3A_756 = arith.index_cast %mul3A_755 : i32 to index
      %swap3A_757 = tpu.vector_load %arg9[%swap3A_756] {strides = array<i32>} : memref<32768xf32, #tpu.memory_space<vmem>>, vector<16xf32>,
      tpu.vector_store %arg9[%swap3A_756], %broadcast_in_dim3A_8 {strides = array<i32>} : memref<32768xf32, #tpu.memory_space<vmem>>, vector<16xf32>,
      %mul3A_758 = arith.constant 32 : i32
      %mul3A_759 = arith.muli %scan3A_718, %mul3A_758 : i32
      %add3A_760 = arith.constant 5 : i32
      %add3A_761 = arith.addi %mul3A_759, %add3A_760 : i32
      %mul3A_762 = arith.constant 16 : i32
      %mul3A_763 = arith.muli %add3A_761, %mul3A_762 : i32
      %swap3A_764 = arith.index_cast %mul3A_763 : i32 to index
      %swap3A_765 = tpu.vector_load %arg9[%swap3A_764] {strides = array<i32>} : memref<32768xf32, #tpu.memory_space<vmem>>, vector<16xf32>,
      tpu.vector_store %arg9[%swap3A_764], %broadcast_in_dim3A_8 {strides = array<i32>} : memref<32768xf32, #tpu.memory_space<vmem>>, vector<16xf32>,
      %mul3A_766 = arith.constant 32 : i32
      %mul3A_767 = arith.muli %scan3A_718, %mul3A_766 : i32
      %add3A_768 = arith.constant 6 : i32
      %add3A_769 = arith.addi %mul3A_767, %add3A_768 : i32
      %mul3A_770 = arith.constant 16 : i32
      %mul3A_771 = arith.muli %add3A_769, %mul3A_770 : i32
      %swap3A_772 = arith.index_cast %mul3A_771 : i32 to index
      %swap3A_773 = tpu.vector_load %arg9[%swap3A_772] {strides = array<i32>} : memref<32768xf32, #tpu.memory_space<vmem>>, vector<16xf32>,
      tpu.vector_store %arg9[%swap3A_772], %broadcast_in_dim3A_8 {strides = array<i32>} : memref<32768xf32, #tpu.memory_space<vmem>>, vector<16xf32>,
      %mul3A_774 = arith.constant 32 : i32
      %mul3A_775 = arith.muli %scan3A_718, %mul3A_774 : i32
      %add3A_776 = arith.constant 7 : i32
      %add3A_777 = arith.addi %mul3A_775, %add3A_776 : i32
      %mul3A_778 = arith.constant 16 : i32
      %mul3A_779 = arith.muli %add3A_777, %mul3A_778 : i32
      %swap3A_780 = arith.index_cast %mul3A_779 : i32 to index
      %swap3A_781 = tpu.vector_load %arg9[%swap3A_780] {strides = array<i32>} : memref<32768xf32, #tpu.memory_space<vmem>>, vector<16xf32>,
      tpu.vector_store %arg9[%swap3A_780], %broadcast_in_dim3A_8 {strides = array<i32>} : memref<32768xf32, #tpu.memory_space<vmem>>, vector<16xf32>,
      %mul3A_782 = arith.constant 32 : i32
      %mul3A_783 = arith.muli %scan3A_718, %mul3A_782 : i32
      %add3A_784 = arith.constant 8 : i32
      %add3A_785 = arith.addi %mul3A_783, %add3A_784 : i32
      %mul3A_786 = arith.constant 16 : i32
      %mul3A_787 = arith.muli %add3A_785, %mul3A_786 : i32
      %swap3A_788 = arith.index_cast %mul3A_787 : i32 to index
      %swap3A_789 = tpu.vector_load %arg9[%swap3A_788] {strides = array<i32>} : memref<32768xf32, #tpu.memory_space<vmem>>, vector<16xf32>,
      tpu.vector_store %arg9[%swap3A_788], %broadcast_in_dim3A_8 {strides = array<i32>} : memref<32768xf32, #tpu.memory_space<vmem>>, vector<16xf32>,
      %mul3A_790 = arith.constant 32 : i32
      %mul3A_791 = arith.muli %scan3A_718, %mul3A_790 : i32
      %add3A_792 = arith.constant 9 : i32
      %add3A_793 = arith.addi %mul3A_791, %add3A_792 : i32
      %mul3A_794 = arith.constant 16 : i32
      %mul3A_795 = arith.muli %add3A_793, %mul3A_794 : i32
      %swap3A_796 = arith.index_cast %mul3A_795 : i32 to index
      %swap3A_797 = tpu.vector_load %arg9[%swap3A_796] {strides = array<i32>} : memref<32768xf32, #tpu.memory_space<vmem>>, vector<16xf32>,
      tpu.vector_store %arg9[%swap3A_796], %broadcast_in_dim3A_8 {strides = array<i32>} : memref<32768xf32, #tpu.memory_space<vmem>>, vector<16xf32>,
      %mul3A_798 = arith.constant 32 : i32
      %mul3A_799 = arith.muli %scan3A_718, %mul3A_798 : i32
      %add3A_800 = arith.constant 10 : i32
      %add3A_801 = arith.addi %mul3A_799, %add3A_800 : i32
      %mul3A_802 = arith.constant 16 : i32
      %mul3A_803 = arith.muli %add3A_801, %mul3A_802 : i32
      %swap3A_804 = arith.index_cast %mul3A_803 : i32 to index
      %swap3A_805 = tpu.vector_load %arg9[%swap3A_804] {strides = array<i32>} : memref<32768xf32, #tpu.memory_space<vmem>>, vector<16xf32>,
      tpu.vector_store %arg9[%swap3A_804], %broadcast_in_dim3A_8 {strides = array<i32>} : memref<32768xf32, #tpu.memory_space<vmem>>, vector<16xf32>,
      %mul3A_806 = arith.constant 32 : i32
      %mul3A_807 = arith.muli %scan3A_718, %mul3A_806 : i32
      %add3A_808 = arith.constant 11 : i32
      %add3A_809 = arith.addi %mul3A_807, %add3A_808 : i32
      %mul3A_810 = arith.constant 16 : i32
      %mul3A_811 = arith.muli %add3A_809, %mul3A_810 : i32
      %swap3A_812 = arith.index_cast %mul3A_811 : i32 to index
      %swap3A_813 = tpu.vector_load %arg9[%swap3A_812] {strides = array<i32>} : memref<32768xf32, #tpu.memory_space<vmem>>, vector<16xf32>,
      tpu.vector_store %arg9[%swap3A_812], %broadcast_in_dim3A_8 {strides = array<i32>} : memref<32768xf32, #tpu.memory_space<vmem>>, vector<16xf32>,
      %mul3A_814 = arith.constant 32 : i32
      %mul3A_815 = arith.muli %scan3A_718, %mul3A_814 : i32
      %add3A_816 = arith.constant 12 : i32
      %add3A_817 = arith.addi %mul3A_815, %add3A_816 : i32
      %mul3A_818 = arith.constant 16 : i32
      %mul3A_819 = arith.muli %add3A_817, %mul3A_818 : i32
      %swap3A_820 = arith.index_cast %mul3A_819 : i32 to index
      %swap3A_821 = tpu.vector_load %arg9[%swap3A_820] {strides = array<i32>} : memref<32768xf32, #tpu.memory_space<vmem>>, vector<16xf32>,
      tpu.vector_store %arg9[%swap3A_820], %broadcast_in_dim3A_8 {strides = array<i32>} : memref<32768xf32, #tpu.memory_space<vmem>>, vector<16xf32>,
      %mul3A_822 = arith.constant 32 : i32
      %mul3A_823 = arith.muli %scan3A_718, %mul3A_822 : i32
      %add3A_824 = arith.constant 13 : i32
      %add3A_825 = arith.addi %mul3A_823, %add3A_824 : i32
      %mul3A_826 = arith.constant 16 : i32
      %mul3A_827 = arith.muli %add3A_825, %mul3A_826 : i32
      %swap3A_828 = arith.index_cast %mul3A_827 : i32 to index
      %swap3A_829 = tpu.vector_load %arg9[%swap3A_828] {strides = array<i32>} : memref<32768xf32, #tpu.memory_space<vmem>>, vector<16xf32>,
      tpu.vector_store %arg9[%swap3A_828], %broadcast_in_dim3A_8 {strides = array<i32>} : memref<32768xf32, #tpu.memory_space<vmem>>, vector<16xf32>,
      %mul3A_830 = arith.constant 32 : i32
      %mul3A_831 = arith.muli %scan3A_718, %mul3A_830 : i32
      %add3A_832 = arith.constant 14 : i32
      %add3A_833 = arith.addi %mul3A_831, %add3A_832 : i32
      %mul3A_834 = arith.constant 16 : i32
      %mul3A_835 = arith.muli %add3A_833, %mul3A_834 : i32
      %swap3A_836 = arith.index_cast %mul3A_835 : i32 to index
      %swap3A_837 = tpu.vector_load %arg9[%swap3A_836] {strides = array<i32>} : memref<32768xf32, #tpu.memory_space<vmem>>, vector<16xf32>,
      tpu.vector_store %arg9[%swap3A_836], %broadcast_in_dim3A_8 {strides = array<i32>} : memref<32768xf32, #tpu.memory_space<vmem>>, vector<16xf32>,
      %mul3A_838 = arith.constant 32 : i32
      %mul3A_839 = arith.muli %scan3A_718, %mul3A_838 : i32
      %add3A_840 = arith.constant 15 : i32
      %add3A_841 = arith.addi %mul3A_839, %add3A_840 : i32
      %mul3A_842 = arith.constant 16 : i32
      %mul3A_843 = arith.muli %add3A_841, %mul3A_842 : i32
      %swap3A_844 = arith.index_cast %mul3A_843 : i32 to index
      %swap3A_845 = tpu.vector_load %arg9[%swap3A_844] {strides = array<i32>} : memref<32768xf32, #tpu.memory_space<vmem>>, vector<16xf32>,
      tpu.vector_store %arg9[%swap3A_844], %broadcast_in_dim3A_8 {strides = array<i32>} : memref<32768xf32, #tpu.memory_space<vmem>>, vector<16xf32>,
      %mul3A_846 = arith.constant 32 : i32
      %mul3A_847 = arith.muli %scan3A_718, %mul3A_846 : i32
      %add3A_848 = arith.constant 16 : i32
      %add3A_849 = arith.addi %mul3A_847, %add3A_848 : i32
      %mul3A_850 = arith.constant 16 : i32
      %mul3A_851 = arith.muli %add3A_849, %mul3A_850 : i32
      %swap3A_852 = arith.index_cast %mul3A_851 : i32 to index
      %swap3A_853 = tpu.vector_load %arg9[%swap3A_852] {strides = array<i32>} : memref<32768xf32, #tpu.memory_space<vmem>>, vector<16xf32>,
      tpu.vector_store %arg9[%swap3A_852], %broadcast_in_dim3A_8 {strides = array<i32>} : memref<32768xf32, #tpu.memory_space<vmem>>, vector<16xf32>,
      %mul3A_854 = arith.constant 32 : i32
      %mul3A_855 = arith.muli %scan3A_718, %mul3A_854 : i32
      %add3A_856 = arith.constant 17 : i32
      %add3A_857 = arith.addi %mul3A_855, %add3A_856 : i32
      %mul3A_858 = arith.constant 16 : i32
      %mul3A_859 = arith.muli %add3A_857, %mul3A_858 : i32
      %swap3A_860 = arith.index_cast %mul3A_859 : i32 to index
      %swap3A_861 = tpu.vector_load %arg9[%swap3A_860] {strides = array<i32>} : memref<32768xf32, #tpu.memory_space<vmem>>, vector<16xf32>,
      tpu.vector_store %arg9[%swap3A_860], %broadcast_in_dim3A_8 {strides = array<i32>} : memref<32768xf32, #tpu.memory_space<vmem>>, vector<16xf32>,
      %mul3A_862 = arith.constant 32 : i32
      %mul3A_863 = arith.muli %scan3A_718, %mul3A_862 : i32
      %add3A_864 = arith.constant 18 : i32
      %add3A_865 = arith.addi %mul3A_863, %add3A_864 : i32
      %mul3A_866 = arith.constant 16 : i32
      %mul3A_867 = arith.muli %add3A_865, %mul3A_866 : i32
      %swap3A_868 = arith.index_cast %mul3A_867 : i32 to index
      %swap3A_869 = tpu.vector_load %arg9[%swap3A_868] {strides = array<i32>} : memref<32768xf32, #tpu.memory_space<vmem>>, vector<16xf32>,
      tpu.vector_store %arg9[%swap3A_868], %broadcast_in_dim3A_8 {strides = array<i32>} : memref<32768xf32, #tpu.memory_space<vmem>>, vector<16xf32>,
      %mul3A_870 = arith.constant 32 : i32
      %mul3A_871 = arith.muli %scan3A_718, %mul3A_870 : i32
      %add3A_872 = arith.constant 19 : i32
      %add3A_873 = arith.addi %mul3A_871, %add3A_872 : i32
      %mul3A_874 = arith.constant 16 : i32
      %mul3A_875 = arith.muli %add3A_873, %mul3A_874 : i32
      %swap3A_876 = arith.index_cast %mul3A_875 : i32 to index
      %swap3A_877 = tpu.vector_load %arg9[%swap3A_876] {strides = array<i32>} : memref<32768xf32, #tpu.memory_space<vmem>>, vector<16xf32>,
      tpu.vector_store %arg9[%swap3A_876], %broadcast_in_dim3A_8 {strides = array<i32>} : memref<32768xf32, #tpu.memory_space<vmem>>, vector<16xf32>,
      %mul3A_878 = arith.constant 32 : i32
      %mul3A_879 = arith.muli %scan3A_718, %mul3A_878 : i32
      %add3A_880 = arith.constant 20 : i32
      %add3A_881 = arith.addi %mul3A_879, %add3A_880 : i32
      %mul3A_882 = arith.constant 16 : i32
      %mul3A_883 = arith.muli %add3A_881, %mul3A_882 : i32
      %swap3A_884 = arith.index_cast %mul3A_883 : i32 to index
      %swap3A_885 = tpu.vector_load %arg9[%swap3A_884] {strides = array<i32>} : memref<32768xf32, #tpu.memory_space<vmem>>, vector<16xf32>,
      tpu.vector_store %arg9[%swap3A_884], %broadcast_in_dim3A_8 {strides = array<i32>} : memref<32768xf32, #tpu.memory_space<vmem>>, vector<16xf32>,
      %mul3A_886 = arith.constant 32 : i32
      %mul3A_887 = arith.muli %scan3A_718, %mul3A_886 : i32
      %add3A_888 = arith.constant 21 : i32
      %add3A_889 = arith.addi %mul3A_887, %add3A_888 : i32
      %mul3A_890 = arith.constant 16 : i32
      %mul3A_891 = arith.muli %add3A_889, %mul3A_890 : i32
      %swap3A_892 = arith.index_cast %mul3A_891 : i32 to index
      %swap3A_893 = tpu.vector_load %arg9[%swap3A_892] {strides = array<i32>} : memref<32768xf32, #tpu.memory_space<vmem>>, vector<16xf32>,
      tpu.vector_store %arg9[%swap3A_892], %broadcast_in_dim3A_8 {strides = array<i32>} : memref<32768xf32, #tpu.memory_space<vmem>>, vector<16xf32>,
      %mul3A_894 = arith.constant 32 : i32
      %mul3A_895 = arith.muli %scan3A_718, %mul3A_894 : i32
      %add3A_896 = arith.constant 22 : i32
      %add3A_897 = arith.addi %mul3A_895, %add3A_896 : i32
      %mul3A_898 = arith.constant 16 : i32
      %mul3A_899 = arith.muli %add3A_897, %mul3A_898 : i32
      %swap3A_900 = arith.index_cast %mul3A_899 : i32 to index
      %swap3A_901 = tpu.vector_load %arg9[%swap3A_900] {strides = array<i32>} : memref<32768xf32, #tpu.memory_space<vmem>>, vector<16xf32>,
      tpu.vector_store %arg9[%swap3A_900], %broadcast_in_dim3A_8 {strides = array<i32>} : memref<32768xf32, #tpu.memory_space<vmem>>, vector<16xf32>,
      %mul3A_902 = arith.constant 32 : i32
      %mul3A_903 = arith.muli %scan3A_718, %mul3A_902 : i32
      %add3A_904 = arith.constant 23 : i32
      %add3A_905 = arith.addi %mul3A_903, %add3A_904 : i32
      %mul3A_906 = arith.constant 16 : i32
      %mul3A_907 = arith.muli %add3A_905, %mul3A_906 : i32
      %swap3A_908 = arith.index_cast %mul3A_907 : i32 to index
      %swap3A_909 = tpu.vector_load %arg9[%swap3A_908] {strides = array<i32>} : memref<32768xf32, #tpu.memory_space<vmem>>, vector<16xf32>,
      tpu.vector_store %arg9[%swap3A_908], %broadcast_in_dim3A_8 {strides = array<i32>} : memref<32768xf32, #tpu.memory_space<vmem>>, vector<16xf32>,
      %mul3A_910 = arith.constant 32 : i32
      %mul3A_911 = arith.muli %scan3A_718, %mul3A_910 : i32
      %add3A_912 = arith.constant 24 : i32
      %add3A_913 = arith.addi %mul3A_911, %add3A_912 : i32
      %mul3A_914 = arith.constant 16 : i32
      %mul3A_915 = arith.muli %add3A_913, %mul3A_914 : i32
      %swap3A_916 = arith.index_cast %mul3A_915 : i32 to index
      %swap3A_917 = tpu.vector_load %arg9[%swap3A_916] {strides = array<i32>} : memref<32768xf32, #tpu.memory_space<vmem>>, vector<16xf32>,
      tpu.vector_store %arg9[%swap3A_916], %broadcast_in_dim3A_8 {strides = array<i32>} : memref<32768xf32, #tpu.memory_space<vmem>>, vector<16xf32>,
      %mul3A_918 = arith.constant 32 : i32
      %mul3A_919 = arith.muli %scan3A_718, %mul3A_918 : i32
      %add3A_920 = arith.constant 25 : i32
      %add3A_921 = arith.addi %mul3A_919, %add3A_920 : i32
      %mul3A_922 = arith.constant 16 : i32
      %mul3A_923 = arith.muli %add3A_921, %mul3A_922 : i32
      %swap3A_924 = arith.index_cast %mul3A_923 : i32 to index
      %swap3A_925 = tpu.vector_load %arg9[%swap3A_924] {strides = array<i32>} : memref<32768xf32, #tpu.memory_space<vmem>>, vector<16xf32>,
      tpu.vector_store %arg9[%swap3A_924], %broadcast_in_dim3A_8 {strides = array<i32>} : memref<32768xf32, #tpu.memory_space<vmem>>, vector<16xf32>,
      %mul3A_926 = arith.constant 32 : i32
      %mul3A_927 = arith.muli %scan3A_718, %mul3A_926 : i32
      %add3A_928 = arith.constant 26 : i32
      %add3A_929 = arith.addi %mul3A_927, %add3A_928 : i32
      %mul3A_930 = arith.constant 16 : i32
      %mul3A_931 = arith.muli %add3A_929, %mul3A_930 : i32
      %swap3A_932 = arith.index_cast %mul3A_931 : i32 to index
      %swap3A_933 = tpu.vector_load %arg9[%swap3A_932] {strides = array<i32>} : memref<32768xf32, #tpu.memory_space<vmem>>, vector<16xf32>,
      tpu.vector_store %arg9[%swap3A_932], %broadcast_in_dim3A_8 {strides = array<i32>} : memref<32768xf32, #tpu.memory_space<vmem>>, vector<16xf32>,
      %mul3A_934 = arith.constant 32 : i32
      %mul3A_935 = arith.muli %scan3A_718, %mul3A_934 : i32
      %add3A_936 = arith.constant 27 : i32
      %add3A_937 = arith.addi %mul3A_935, %add3A_936 : i32
      %mul3A_938 = arith.constant 16 : i32
      %mul3A_939 = arith.muli %add3A_937, %mul3A_938 : i32
      %swap3A_940 = arith.index_cast %mul3A_939 : i32 to index
      %swap3A_941 = tpu.vector_load %arg9[%swap3A_940] {strides = array<i32>} : memref<32768xf32, #tpu.memory_space<vmem>>, vector<16xf32>,
      tpu.vector_store %arg9[%swap3A_940], %broadcast_in_dim3A_8 {strides = array<i32>} : memref<32768xf32, #tpu.memory_space<vmem>>, vector<16xf32>,
      %mul3A_942 = arith.constant 32 : i32
      %mul3A_943 = arith.muli %scan3A_718, %mul3A_942 : i32
      %add3A_944 = arith.constant 28 : i32
      %add3A_945 = arith.addi %mul3A_943, %add3A_944 : i32
      %mul3A_946 = arith.constant 16 : i32
      %mul3A_947 = arith.muli %add3A_945, %mul3A_946 : i32
      %swap3A_948 = arith.index_cast %mul3A_947 : i32 to index
      %swap3A_949 = tpu.vector_load %arg9[%swap3A_948] {strides = array<i32>} : memref<32768xf32, #tpu.memory_space<vmem>>, vector<16xf32>,
      tpu.vector_store %arg9[%swap3A_948], %broadcast_in_dim3A_8 {strides = array<i32>} : memref<32768xf32, #tpu.memory_space<vmem>>, vector<16xf32>,
      %mul3A_950 = arith.constant 32 : i32
      %mul3A_951 = arith.muli %scan3A_718, %mul3A_950 : i32
      %add3A_952 = arith.constant 29 : i32
      %add3A_953 = arith.addi %mul3A_951, %add3A_952 : i32
      %mul3A_954 = arith.constant 16 : i32
      %mul3A_955 = arith.muli %add3A_953, %mul3A_954 : i32
      %swap3A_956 = arith.index_cast %mul3A_955 : i32 to index
      %swap3A_957 = tpu.vector_load %arg9[%swap3A_956] {strides = array<i32>} : memref<32768xf32, #tpu.memory_space<vmem>>, vector<16xf32>,
      tpu.vector_store %arg9[%swap3A_956], %broadcast_in_dim3A_8 {strides = array<i32>} : memref<32768xf32, #tpu.memory_space<vmem>>, vector<16xf32>,
      %mul3A_958 = arith.constant 32 : i32
      %mul3A_959 = arith.muli %scan3A_718, %mul3A_958 : i32
      %add3A_960 = arith.constant 30 : i32
      %add3A_961 = arith.addi %mul3A_959, %add3A_960 : i32
      %mul3A_962 = arith.constant 16 : i32
      %mul3A_963 = arith.muli %add3A_961, %mul3A_962 : i32
      %swap3A_964 = arith.index_cast %mul3A_963 : i32 to index
      %swap3A_965 = tpu.vector_load %arg9[%swap3A_964] {strides = array<i32>} : memref<32768xf32, #tpu.memory_space<vmem>>, vector<16xf32>,
      tpu.vector_store %arg9[%swap3A_964], %broadcast_in_dim3A_8 {strides = array<i32>} : memref<32768xf32, #tpu.memory_space<vmem>>, vector<16xf32>,
      %mul3A_966 = arith.constant 32 : i32
      %mul3A_967 = arith.muli %scan3A_718, %mul3A_966 : i32
      %add3A_968 = arith.constant 31 : i32
      %add3A_969 = arith.addi %mul3A_967, %add3A_968 : i32
      %mul3A_970 = arith.constant 16 : i32
      %mul3A_971 = arith.muli %add3A_969, %mul3A_970 : i32
      %swap3A_972 = arith.index_cast %mul3A_971 : i32 to index
      %swap3A_973 = tpu.vector_load %arg9[%swap3A_972] {strides = array<i32>} : memref<32768xf32, #tpu.memory_space<vmem>>, vector<16xf32>,
      tpu.vector_store %arg9[%swap3A_972], %broadcast_in_dim3A_8 {strides = array<i32>} : memref<32768xf32, #tpu.memory_space<vmem>>, vector<16xf32>,
    }
    %scan3A_452 = arith.constant 64 : i32
    %parallel_loop3A_453 = arith.constant 0 : i32
    %parallel_loop3A_454 = arith.constant 200 : i32
    %parallel_loop3A_455 = arith.constant 1 : i32
    scf.for %parallel_loop3A_718 = %parallel_loop3A_453 to %parallel_loop3A_454 step %parallel_loop3A_455  : i32 {
      %parallel_loop3A_719 = arith.constant 3 : i32
      %parallel_loop3A_720 = arith.andi %parallel_loop3A_718, %parallel_loop3A_719 : i32
      %parallel_loop3A_721 = arith.constant 2 : i32
      %parallel_loop3A_722 = arith.shrui %parallel_loop3A_718, %parallel_loop3A_721 : i32
      %parallel_loop3A_723 = arith.constant 4 : i32
      %parallel_loop3A_724 = arith.shli %parallel_loop3A_720, %parallel_loop3A_723 : i32
      %parallel_loop3A_725 = vector.broadcast %parallel_loop3A_724 : i32 to vector<16xi32>
      %parallel_loop3A_726 = arith.addi %parallel_loop3A_725, %iota3A : vector<16xi32>
      %parallel_loop3A_727 = vector.broadcast %parallel_loop3A_722 : i32 to vector<16xi32>
      %parallel_loop3A_728 = tpu.vector_load_idx %arg6[%parallel_loop3A_726, %parallel_loop3A_727] : memref<64x50xi32, #tpu.memory_space<vmem>>[vector<16xi32>, vector<16xi32>], vector<16xi32>,
      %parallel_loop3A_729 = tpu.vector_load_idx %arg7[%parallel_loop3A_728] : memref<512xi32, #tpu.memory_space<vmem>>[vector<16xi32>], vector<16xi32>,
      %parallel_loop3A_730 = arith.constant 7 : i32
      %parallel_loop3A_731 = vector.broadcast %parallel_loop3A_730 : i32 to vector<16xi32>
      %parallel_loop3A_732 = arith.shrui %parallel_loop3A_729, %parallel_loop3A_731 : vector<16xi32>
      %parallel_loop3A_733 = arith.constant 127 : i32
      %parallel_loop3A_734 = vector.broadcast %parallel_loop3A_733 : i32 to vector<16xi32>
      %parallel_loop3A_735 = arith.andi %parallel_loop3A_729, %parallel_loop3A_734 : vector<16xi32>
      %parallel_loop3A_736 = arith.constant 13 : i32
      %parallel_loop3A_737 = vector.broadcast %parallel_loop3A_736 : i32 to vector<16xi32>
      %parallel_loop3A_738 = arith.shli %parallel_loop3A_732, %parallel_loop3A_737 : vector<16xi32>
      %parallel_loop3A_739 = arith.constant 7 : i32
      %parallel_loop3A_740 = vector.broadcast %parallel_loop3A_739 : i32 to vector<16xi32>
      %parallel_loop3A_741 = arith.shli %parallel_loop3A_726, %parallel_loop3A_740 : vector<16xi32>
      %parallel_loop3A_742 = arith.addi %parallel_loop3A_738, %parallel_loop3A_741 : vector<16xi32>
      %parallel_loop3A_743 = arith.addi %parallel_loop3A_742, %parallel_loop3A_735 : vector<16xi32>
      tpu.vector_store_idx %arg9[%parallel_loop3A_743], %broadcast_in_dim3A_10 {add = true} : memref<32768xf32, #tpu.memory_space<vmem>>[vector<16xi32>], vector<16xf32>,
    } {sc.loop_unroll_factor = 4 : i64, sc.parallel_access}
    %mul3A_456 = arith.constant 512 : i32
    %mul3A_457 = arith.muli %add3A, %mul3A_456 : i32
    %add3A_458 = arith.constant 320 : i32
    %add3A_459 = arith.addi %mul3A_457, %add3A_458 : i32
    %add3A_460 = arith.constant 0 : i32
    %add3A_461 = arith.addi %add3A_460, %add3A_459 : i32
    %mul3A_462 = arith.constant 128 : i32
    %mul3A_463 = arith.muli %add3A_461, %mul3A_462 : i32
    %dma_start3A_464 = arith.constant 0 : i32
    %dma_start3A_465 = tpu.memref_slice %arg9[%dma_start3A_464] : memref<32768xf32, #tpu.memory_space<vmem>> -> memref<8192xf32, #tpu.memory_space<vmem>>
    %dma_start3A_466 = tpu.memref_slice %arg4[%mul3A_463] : memref<8388608xf32, #tpu.memory_space<hbm>> -> memref<8192xf32, #tpu.memory_space<hbm>>
    %dma_start3A_467 = tpu.memref_slice %arg4[%mul3A_463] : memref<8388608xf32, #tpu.memory_space<hbm>> -> memref<8192xf32, #tpu.memory_space<hbm>>
    %dma_start3A_468 = arith.constant 0 : i32
    %dma_start3A_469 = tpu.memref_slice %arg9[%dma_start3A_468] : memref<32768xf32, #tpu.memory_space<vmem>> -> memref<8192xf32, #tpu.memory_space<vmem>>
    tpu.enqueue_dma source(%dma_start3A_469 : memref<8192xf32, #tpu.memory_space<vmem>>) target(%dma_start3A_467 : memref<8192xf32, #tpu.memory_space<hbm>>) target_semaphore(%arg11 : memref<!tpu.dma_semaphore, #tpu.memory_space<semaphore_mem>>)
    %add3A_470 = arith.constant 16384 : i32
    %add3A_471 = arith.addi %add3A_470, %add3A_459 : i32
    %mul3A_472 = arith.constant 128 : i32
    %mul3A_473 = arith.muli %add3A_471, %mul3A_472 : i32
    %dma_start3A_474 = arith.constant 8192 : i32
    %dma_start3A_475 = tpu.memref_slice %arg9[%dma_start3A_474] : memref<32768xf32, #tpu.memory_space<vmem>> -> memref<8192xf32, #tpu.memory_space<vmem>>
    %dma_start3A_476 = tpu.memref_slice %arg4[%mul3A_473] : memref<8388608xf32, #tpu.memory_space<hbm>> -> memref<8192xf32, #tpu.memory_space<hbm>>
    %dma_start3A_477 = tpu.memref_slice %arg4[%mul3A_473] : memref<8388608xf32, #tpu.memory_space<hbm>> -> memref<8192xf32, #tpu.memory_space<hbm>>
    %dma_start3A_478 = arith.constant 8192 : i32
    %dma_start3A_479 = tpu.memref_slice %arg9[%dma_start3A_478] : memref<32768xf32, #tpu.memory_space<vmem>> -> memref<8192xf32, #tpu.memory_space<vmem>>
    tpu.enqueue_dma source(%dma_start3A_479 : memref<8192xf32, #tpu.memory_space<vmem>>) target(%dma_start3A_477 : memref<8192xf32, #tpu.memory_space<hbm>>) target_semaphore(%arg11 : memref<!tpu.dma_semaphore, #tpu.memory_space<semaphore_mem>>)
    %add3A_480 = arith.constant 32768 : i32
    %add3A_481 = arith.addi %add3A_480, %add3A_459 : i32
    %mul3A_482 = arith.constant 128 : i32
    %mul3A_483 = arith.muli %add3A_481, %mul3A_482 : i32
    %dma_start3A_484 = arith.constant 16384 : i32
    %dma_start3A_485 = tpu.memref_slice %arg9[%dma_start3A_484] : memref<32768xf32, #tpu.memory_space<vmem>> -> memref<8192xf32, #tpu.memory_space<vmem>>
    %dma_start3A_486 = tpu.memref_slice %arg4[%mul3A_483] : memref<8388608xf32, #tpu.memory_space<hbm>> -> memref<8192xf32, #tpu.memory_space<hbm>>
    %dma_start3A_487 = tpu.memref_slice %arg4[%mul3A_483] : memref<8388608xf32, #tpu.memory_space<hbm>> -> memref<8192xf32, #tpu.memory_space<hbm>>
    %dma_start3A_488 = arith.constant 16384 : i32
    %dma_start3A_489 = tpu.memref_slice %arg9[%dma_start3A_488] : memref<32768xf32, #tpu.memory_space<vmem>> -> memref<8192xf32, #tpu.memory_space<vmem>>
    tpu.enqueue_dma source(%dma_start3A_489 : memref<8192xf32, #tpu.memory_space<vmem>>) target(%dma_start3A_487 : memref<8192xf32, #tpu.memory_space<hbm>>) target_semaphore(%arg11 : memref<!tpu.dma_semaphore, #tpu.memory_space<semaphore_mem>>)
    %add3A_490 = arith.constant 49152 : i32
    %add3A_491 = arith.addi %add3A_490, %add3A_459 : i32
    %mul3A_492 = arith.constant 128 : i32
    %mul3A_493 = arith.muli %add3A_491, %mul3A_492 : i32
    %dma_start3A_494 = arith.constant 24576 : i32
    %dma_start3A_495 = tpu.memref_slice %arg9[%dma_start3A_494] : memref<32768xf32, #tpu.memory_space<vmem>> -> memref<8192xf32, #tpu.memory_space<vmem>>
    %dma_start3A_496 = tpu.memref_slice %arg4[%mul3A_493] : memref<8388608xf32, #tpu.memory_space<hbm>> -> memref<8192xf32, #tpu.memory_space<hbm>>
    %dma_start3A_497 = tpu.memref_slice %arg4[%mul3A_493] : memref<8388608xf32, #tpu.memory_space<hbm>> -> memref<8192xf32, #tpu.memory_space<hbm>>
    %dma_start3A_498 = arith.constant 24576 : i32
    %dma_start3A_499 = tpu.memref_slice %arg9[%dma_start3A_498] : memref<32768xf32, #tpu.memory_space<vmem>> -> memref<8192xf32, #tpu.memory_space<vmem>>
    tpu.enqueue_dma source(%dma_start3A_499 : memref<8192xf32, #tpu.memory_space<vmem>>) target(%dma_start3A_497 : memref<8192xf32, #tpu.memory_space<hbm>>) target_semaphore(%arg11 : memref<!tpu.dma_semaphore, #tpu.memory_space<semaphore_mem>>)
    %dma_wait3A_500 = arith.constant 0 : i32
    %dma_wait3A_501 = tpu.memref_slice %arg2[%add3A_419, %dma_wait3A_500] : memref<16384x50xi32, #tpu.memory_space<hbm>> -> memref<64x50xi32, #tpu.memory_space<hbm>>
    %dma_wait3A_502 = arith.constant 0 : i32
    %dma_wait3A_503 = tpu.memref_slice %arg2[%add3A_419, %dma_wait3A_502] : memref<16384x50xi32, #tpu.memory_space<hbm>> -> memref<64x50xi32, #tpu.memory_space<hbm>>
    tpu.wait_dma2 semaphore(%arg12 : memref<!tpu.dma_semaphore, #tpu.memory_space<semaphore_mem>>) src(%dma_wait3A_503 : memref<64x50xi32, #tpu.memory_space<hbm>>) dst(%arg5 : memref<64x50xi32, #tpu.memory_space<vmem>>)
    %mul3A_504 = arith.constant 512 : i32
    %mul3A_505 = arith.muli %add3A, %mul3A_504 : i32
    %add3A_506 = arith.constant 0 : i32
    %add3A_507 = arith.addi %add3A_506, %mul3A_505 : i32
    %add3A_508 = arith.constant 448 : i32
    %add3A_509 = arith.addi %add3A_507, %add3A_508 : i32
    %dma_start3A_510 = arith.constant 0 : i32
    %dma_start3A_511 = tpu.memref_slice %arg2[%add3A_509, %dma_start3A_510] : memref<16384x50xi32, #tpu.memory_space<hbm>> -> memref<64x50xi32, #tpu.memory_space<hbm>>
    %dma_start3A_512 = arith.constant 0 : i32
    %dma_start3A_513 = tpu.memref_slice %arg2[%add3A_509, %dma_start3A_512] : memref<16384x50xi32, #tpu.memory_space<hbm>> -> memref<64x50xi32, #tpu.memory_space<hbm>>
    tpu.enqueue_dma source(%dma_start3A_513 : memref<64x50xi32, #tpu.memory_space<hbm>>) target(%arg6 : memref<64x50xi32, #tpu.memory_space<vmem>>) target_semaphore(%arg12 : memref<!tpu.dma_semaphore, #tpu.memory_space<semaphore_mem>>)
    %dma_wait3A_514 = arith.constant 0 : i32
    %dma_wait3A_515 = tpu.memref_slice %arg8[%dma_wait3A_514] : memref<32768xf32, #tpu.memory_space<vmem>> -> memref<8192xf32, #tpu.memory_space<vmem>>
    %dma_wait3A_516 = tpu.memref_slice %arg4[%mul3A_373] : memref<8388608xf32, #tpu.memory_space<hbm>> -> memref<8192xf32, #tpu.memory_space<hbm>>
    %dma_wait3A_517 = tpu.memref_slice %arg4[%mul3A_373] : memref<8388608xf32, #tpu.memory_space<hbm>> -> memref<8192xf32, #tpu.memory_space<hbm>>
    %dma_wait3A_518 = arith.constant 0 : i32
    %dma_wait3A_519 = tpu.memref_slice %arg8[%dma_wait3A_518] : memref<32768xf32, #tpu.memory_space<vmem>> -> memref<8192xf32, #tpu.memory_space<vmem>>
    tpu.wait_dma2 semaphore(%arg10 : memref<!tpu.dma_semaphore, #tpu.memory_space<semaphore_mem>>) src(%dma_wait3A_519 : memref<8192xf32, #tpu.memory_space<vmem>>) dst(%dma_wait3A_517 : memref<8192xf32, #tpu.memory_space<hbm>>)
    %dma_wait3A_520 = arith.constant 8192 : i32
    %dma_wait3A_521 = tpu.memref_slice %arg8[%dma_wait3A_520] : memref<32768xf32, #tpu.memory_space<vmem>> -> memref<8192xf32, #tpu.memory_space<vmem>>
    %dma_wait3A_522 = tpu.memref_slice %arg4[%mul3A_383] : memref<8388608xf32, #tpu.memory_space<hbm>> -> memref<8192xf32, #tpu.memory_space<hbm>>
    %dma_wait3A_523 = tpu.memref_slice %arg4[%mul3A_383] : memref<8388608xf32, #tpu.memory_space<hbm>> -> memref<8192xf32, #tpu.memory_space<hbm>>
    %dma_wait3A_524 = arith.constant 8192 : i32
    %dma_wait3A_525 = tpu.memref_slice %arg8[%dma_wait3A_524] : memref<32768xf32, #tpu.memory_space<vmem>> -> memref<8192xf32, #tpu.memory_space<vmem>>
    tpu.wait_dma2 semaphore(%arg10 : memref<!tpu.dma_semaphore, #tpu.memory_space<semaphore_mem>>) src(%dma_wait3A_525 : memref<8192xf32, #tpu.memory_space<vmem>>) dst(%dma_wait3A_523 : memref<8192xf32, #tpu.memory_space<hbm>>)
    %dma_wait3A_526 = arith.constant 16384 : i32
    %dma_wait3A_527 = tpu.memref_slice %arg8[%dma_wait3A_526] : memref<32768xf32, #tpu.memory_space<vmem>> -> memref<8192xf32, #tpu.memory_space<vmem>>
    %dma_wait3A_528 = tpu.memref_slice %arg4[%mul3A_393] : memref<8388608xf32, #tpu.memory_space<hbm>> -> memref<8192xf32, #tpu.memory_space<hbm>>
    %dma_wait3A_529 = tpu.memref_slice %arg4[%mul3A_393] : memref<8388608xf32, #tpu.memory_space<hbm>> -> memref<8192xf32, #tpu.memory_space<hbm>>
    %dma_wait3A_530 = arith.constant 16384 : i32
    %dma_wait3A_531 = tpu.memref_slice %arg8[%dma_wait3A_530] : memref<32768xf32, #tpu.memory_space<vmem>> -> memref<8192xf32, #tpu.memory_space<vmem>>
    tpu.wait_dma2 semaphore(%arg10 : memref<!tpu.dma_semaphore, #tpu.memory_space<semaphore_mem>>) src(%dma_wait3A_531 : memref<8192xf32, #tpu.memory_space<vmem>>) dst(%dma_wait3A_529 : memref<8192xf32, #tpu.memory_space<hbm>>)
    %dma_wait3A_532 = arith.constant 24576 : i32
    %dma_wait3A_533 = tpu.memref_slice %arg8[%dma_wait3A_532] : memref<32768xf32, #tpu.memory_space<vmem>> -> memref<8192xf32, #tpu.memory_space<vmem>>
    %dma_wait3A_534 = tpu.memref_slice %arg4[%mul3A_403] : memref<8388608xf32, #tpu.memory_space<hbm>> -> memref<8192xf32, #tpu.memory_space<hbm>>
    %dma_wait3A_535 = tpu.memref_slice %arg4[%mul3A_403] : memref<8388608xf32, #tpu.memory_space<hbm>> -> memref<8192xf32, #tpu.memory_space<hbm>>
    %dma_wait3A_536 = arith.constant 24576 : i32
    %dma_wait3A_537 = tpu.memref_slice %arg8[%dma_wait3A_536] : memref<32768xf32, #tpu.memory_space<vmem>> -> memref<8192xf32, #tpu.memory_space<vmem>>
    tpu.wait_dma2 semaphore(%arg10 : memref<!tpu.dma_semaphore, #tpu.memory_space<semaphore_mem>>) src(%dma_wait3A_537 : memref<8192xf32, #tpu.memory_space<vmem>>) dst(%dma_wait3A_535 : memref<8192xf32, #tpu.memory_space<hbm>>)
    %scan3A_538 = arith.constant 0 : i32
    %scan3A_539 = arith.constant 64 : i32
    %scan3A_540 = arith.addi %scan3A_538, %scan3A_539 : i32
    %scan3A_541 = arith.constant 1 : i32
    scf.for %scan3A_718 = %scan3A_538 to %scan3A_540 step %scan3A_541  : i32 {
      %mul3A_719 = arith.constant 32 : i32
      %mul3A_720 = arith.muli %scan3A_718, %mul3A_719 : i32
      %add3A_721 = arith.constant 0 : i32
      %add3A_722 = arith.addi %mul3A_720, %add3A_721 : i32
      %mul3A_723 = arith.constant 16 : i32
      %mul3A_724 = arith.muli %add3A_722, %mul3A_723 : i32
      %swap3A = arith.index_cast %mul3A_724 : i32 to index
      %swap3A_725 = tpu.vector_load %arg8[%swap3A] {strides = array<i32>} : memref<32768xf32, #tpu.memory_space<vmem>>, vector<16xf32>,
      tpu.vector_store %arg8[%swap3A], %broadcast_in_dim3A_8 {strides = array<i32>} : memref<32768xf32, #tpu.memory_space<vmem>>, vector<16xf32>,
      %mul3A_726 = arith.constant 32 : i32
      %mul3A_727 = arith.muli %scan3A_718, %mul3A_726 : i32
      %add3A_728 = arith.constant 1 : i32
      %add3A_729 = arith.addi %mul3A_727, %add3A_728 : i32
      %mul3A_730 = arith.constant 16 : i32
      %mul3A_731 = arith.muli %add3A_729, %mul3A_730 : i32
      %swap3A_732 = arith.index_cast %mul3A_731 : i32 to index
      %swap3A_733 = tpu.vector_load %arg8[%swap3A_732] {strides = array<i32>} : memref<32768xf32, #tpu.memory_space<vmem>>, vector<16xf32>,
      tpu.vector_store %arg8[%swap3A_732], %broadcast_in_dim3A_8 {strides = array<i32>} : memref<32768xf32, #tpu.memory_space<vmem>>, vector<16xf32>,
      %mul3A_734 = arith.constant 32 : i32
      %mul3A_735 = arith.muli %scan3A_718, %mul3A_734 : i32
      %add3A_736 = arith.constant 2 : i32
      %add3A_737 = arith.addi %mul3A_735, %add3A_736 : i32
      %mul3A_738 = arith.constant 16 : i32
      %mul3A_739 = arith.muli %add3A_737, %mul3A_738 : i32
      %swap3A_740 = arith.index_cast %mul3A_739 : i32 to index
      %swap3A_741 = tpu.vector_load %arg8[%swap3A_740] {strides = array<i32>} : memref<32768xf32, #tpu.memory_space<vmem>>, vector<16xf32>,
      tpu.vector_store %arg8[%swap3A_740], %broadcast_in_dim3A_8 {strides = array<i32>} : memref<32768xf32, #tpu.memory_space<vmem>>, vector<16xf32>,
      %mul3A_742 = arith.constant 32 : i32
      %mul3A_743 = arith.muli %scan3A_718, %mul3A_742 : i32
      %add3A_744 = arith.constant 3 : i32
      %add3A_745 = arith.addi %mul3A_743, %add3A_744 : i32
      %mul3A_746 = arith.constant 16 : i32
      %mul3A_747 = arith.muli %add3A_745, %mul3A_746 : i32
      %swap3A_748 = arith.index_cast %mul3A_747 : i32 to index
      %swap3A_749 = tpu.vector_load %arg8[%swap3A_748] {strides = array<i32>} : memref<32768xf32, #tpu.memory_space<vmem>>, vector<16xf32>,
      tpu.vector_store %arg8[%swap3A_748], %broadcast_in_dim3A_8 {strides = array<i32>} : memref<32768xf32, #tpu.memory_space<vmem>>, vector<16xf32>,
      %mul3A_750 = arith.constant 32 : i32
      %mul3A_751 = arith.muli %scan3A_718, %mul3A_750 : i32
      %add3A_752 = arith.constant 4 : i32
      %add3A_753 = arith.addi %mul3A_751, %add3A_752 : i32
      %mul3A_754 = arith.constant 16 : i32
      %mul3A_755 = arith.muli %add3A_753, %mul3A_754 : i32
      %swap3A_756 = arith.index_cast %mul3A_755 : i32 to index
      %swap3A_757 = tpu.vector_load %arg8[%swap3A_756] {strides = array<i32>} : memref<32768xf32, #tpu.memory_space<vmem>>, vector<16xf32>,
      tpu.vector_store %arg8[%swap3A_756], %broadcast_in_dim3A_8 {strides = array<i32>} : memref<32768xf32, #tpu.memory_space<vmem>>, vector<16xf32>,
      %mul3A_758 = arith.constant 32 : i32
      %mul3A_759 = arith.muli %scan3A_718, %mul3A_758 : i32
      %add3A_760 = arith.constant 5 : i32
      %add3A_761 = arith.addi %mul3A_759, %add3A_760 : i32
      %mul3A_762 = arith.constant 16 : i32
      %mul3A_763 = arith.muli %add3A_761, %mul3A_762 : i32
      %swap3A_764 = arith.index_cast %mul3A_763 : i32 to index
      %swap3A_765 = tpu.vector_load %arg8[%swap3A_764] {strides = array<i32>} : memref<32768xf32, #tpu.memory_space<vmem>>, vector<16xf32>,
      tpu.vector_store %arg8[%swap3A_764], %broadcast_in_dim3A_8 {strides = array<i32>} : memref<32768xf32, #tpu.memory_space<vmem>>, vector<16xf32>,
      %mul3A_766 = arith.constant 32 : i32
      %mul3A_767 = arith.muli %scan3A_718, %mul3A_766 : i32
      %add3A_768 = arith.constant 6 : i32
      %add3A_769 = arith.addi %mul3A_767, %add3A_768 : i32
      %mul3A_770 = arith.constant 16 : i32
      %mul3A_771 = arith.muli %add3A_769, %mul3A_770 : i32
      %swap3A_772 = arith.index_cast %mul3A_771 : i32 to index
      %swap3A_773 = tpu.vector_load %arg8[%swap3A_772] {strides = array<i32>} : memref<32768xf32, #tpu.memory_space<vmem>>, vector<16xf32>,
      tpu.vector_store %arg8[%swap3A_772], %broadcast_in_dim3A_8 {strides = array<i32>} : memref<32768xf32, #tpu.memory_space<vmem>>, vector<16xf32>,
      %mul3A_774 = arith.constant 32 : i32
      %mul3A_775 = arith.muli %scan3A_718, %mul3A_774 : i32
      %add3A_776 = arith.constant 7 : i32
      %add3A_777 = arith.addi %mul3A_775, %add3A_776 : i32
      %mul3A_778 = arith.constant 16 : i32
      %mul3A_779 = arith.muli %add3A_777, %mul3A_778 : i32
      %swap3A_780 = arith.index_cast %mul3A_779 : i32 to index
      %swap3A_781 = tpu.vector_load %arg8[%swap3A_780] {strides = array<i32>} : memref<32768xf32, #tpu.memory_space<vmem>>, vector<16xf32>,
      tpu.vector_store %arg8[%swap3A_780], %broadcast_in_dim3A_8 {strides = array<i32>} : memref<32768xf32, #tpu.memory_space<vmem>>, vector<16xf32>,
      %mul3A_782 = arith.constant 32 : i32
      %mul3A_783 = arith.muli %scan3A_718, %mul3A_782 : i32
      %add3A_784 = arith.constant 8 : i32
      %add3A_785 = arith.addi %mul3A_783, %add3A_784 : i32
      %mul3A_786 = arith.constant 16 : i32
      %mul3A_787 = arith.muli %add3A_785, %mul3A_786 : i32
      %swap3A_788 = arith.index_cast %mul3A_787 : i32 to index
      %swap3A_789 = tpu.vector_load %arg8[%swap3A_788] {strides = array<i32>} : memref<32768xf32, #tpu.memory_space<vmem>>, vector<16xf32>,
      tpu.vector_store %arg8[%swap3A_788], %broadcast_in_dim3A_8 {strides = array<i32>} : memref<32768xf32, #tpu.memory_space<vmem>>, vector<16xf32>,
      %mul3A_790 = arith.constant 32 : i32
      %mul3A_791 = arith.muli %scan3A_718, %mul3A_790 : i32
      %add3A_792 = arith.constant 9 : i32
      %add3A_793 = arith.addi %mul3A_791, %add3A_792 : i32
      %mul3A_794 = arith.constant 16 : i32
      %mul3A_795 = arith.muli %add3A_793, %mul3A_794 : i32
      %swap3A_796 = arith.index_cast %mul3A_795 : i32 to index
      %swap3A_797 = tpu.vector_load %arg8[%swap3A_796] {strides = array<i32>} : memref<32768xf32, #tpu.memory_space<vmem>>, vector<16xf32>,
      tpu.vector_store %arg8[%swap3A_796], %broadcast_in_dim3A_8 {strides = array<i32>} : memref<32768xf32, #tpu.memory_space<vmem>>, vector<16xf32>,
      %mul3A_798 = arith.constant 32 : i32
      %mul3A_799 = arith.muli %scan3A_718, %mul3A_798 : i32
      %add3A_800 = arith.constant 10 : i32
      %add3A_801 = arith.addi %mul3A_799, %add3A_800 : i32
      %mul3A_802 = arith.constant 16 : i32
      %mul3A_803 = arith.muli %add3A_801, %mul3A_802 : i32
      %swap3A_804 = arith.index_cast %mul3A_803 : i32 to index
      %swap3A_805 = tpu.vector_load %arg8[%swap3A_804] {strides = array<i32>} : memref<32768xf32, #tpu.memory_space<vmem>>, vector<16xf32>,
      tpu.vector_store %arg8[%swap3A_804], %broadcast_in_dim3A_8 {strides = array<i32>} : memref<32768xf32, #tpu.memory_space<vmem>>, vector<16xf32>,
      %mul3A_806 = arith.constant 32 : i32
      %mul3A_807 = arith.muli %scan3A_718, %mul3A_806 : i32
      %add3A_808 = arith.constant 11 : i32
      %add3A_809 = arith.addi %mul3A_807, %add3A_808 : i32
      %mul3A_810 = arith.constant 16 : i32
      %mul3A_811 = arith.muli %add3A_809, %mul3A_810 : i32
      %swap3A_812 = arith.index_cast %mul3A_811 : i32 to index
      %swap3A_813 = tpu.vector_load %arg8[%swap3A_812] {strides = array<i32>} : memref<32768xf32, #tpu.memory_space<vmem>>, vector<16xf32>,
      tpu.vector_store %arg8[%swap3A_812], %broadcast_in_dim3A_8 {strides = array<i32>} : memref<32768xf32, #tpu.memory_space<vmem>>, vector<16xf32>,
      %mul3A_814 = arith.constant 32 : i32
      %mul3A_815 = arith.muli %scan3A_718, %mul3A_814 : i32
      %add3A_816 = arith.constant 12 : i32
      %add3A_817 = arith.addi %mul3A_815, %add3A_816 : i32
      %mul3A_818 = arith.constant 16 : i32
      %mul3A_819 = arith.muli %add3A_817, %mul3A_818 : i32
      %swap3A_820 = arith.index_cast %mul3A_819 : i32 to index
      %swap3A_821 = tpu.vector_load %arg8[%swap3A_820] {strides = array<i32>} : memref<32768xf32, #tpu.memory_space<vmem>>, vector<16xf32>,
      tpu.vector_store %arg8[%swap3A_820], %broadcast_in_dim3A_8 {strides = array<i32>} : memref<32768xf32, #tpu.memory_space<vmem>>, vector<16xf32>,
      %mul3A_822 = arith.constant 32 : i32
      %mul3A_823 = arith.muli %scan3A_718, %mul3A_822 : i32
      %add3A_824 = arith.constant 13 : i32
      %add3A_825 = arith.addi %mul3A_823, %add3A_824 : i32
      %mul3A_826 = arith.constant 16 : i32
      %mul3A_827 = arith.muli %add3A_825, %mul3A_826 : i32
      %swap3A_828 = arith.index_cast %mul3A_827 : i32 to index
      %swap3A_829 = tpu.vector_load %arg8[%swap3A_828] {strides = array<i32>} : memref<32768xf32, #tpu.memory_space<vmem>>, vector<16xf32>,
      tpu.vector_store %arg8[%swap3A_828], %broadcast_in_dim3A_8 {strides = array<i32>} : memref<32768xf32, #tpu.memory_space<vmem>>, vector<16xf32>,
      %mul3A_830 = arith.constant 32 : i32
      %mul3A_831 = arith.muli %scan3A_718, %mul3A_830 : i32
      %add3A_832 = arith.constant 14 : i32
      %add3A_833 = arith.addi %mul3A_831, %add3A_832 : i32
      %mul3A_834 = arith.constant 16 : i32
      %mul3A_835 = arith.muli %add3A_833, %mul3A_834 : i32
      %swap3A_836 = arith.index_cast %mul3A_835 : i32 to index
      %swap3A_837 = tpu.vector_load %arg8[%swap3A_836] {strides = array<i32>} : memref<32768xf32, #tpu.memory_space<vmem>>, vector<16xf32>,
      tpu.vector_store %arg8[%swap3A_836], %broadcast_in_dim3A_8 {strides = array<i32>} : memref<32768xf32, #tpu.memory_space<vmem>>, vector<16xf32>,
      %mul3A_838 = arith.constant 32 : i32
      %mul3A_839 = arith.muli %scan3A_718, %mul3A_838 : i32
      %add3A_840 = arith.constant 15 : i32
      %add3A_841 = arith.addi %mul3A_839, %add3A_840 : i32
      %mul3A_842 = arith.constant 16 : i32
      %mul3A_843 = arith.muli %add3A_841, %mul3A_842 : i32
      %swap3A_844 = arith.index_cast %mul3A_843 : i32 to index
      %swap3A_845 = tpu.vector_load %arg8[%swap3A_844] {strides = array<i32>} : memref<32768xf32, #tpu.memory_space<vmem>>, vector<16xf32>,
      tpu.vector_store %arg8[%swap3A_844], %broadcast_in_dim3A_8 {strides = array<i32>} : memref<32768xf32, #tpu.memory_space<vmem>>, vector<16xf32>,
      %mul3A_846 = arith.constant 32 : i32
      %mul3A_847 = arith.muli %scan3A_718, %mul3A_846 : i32
      %add3A_848 = arith.constant 16 : i32
      %add3A_849 = arith.addi %mul3A_847, %add3A_848 : i32
      %mul3A_850 = arith.constant 16 : i32
      %mul3A_851 = arith.muli %add3A_849, %mul3A_850 : i32
      %swap3A_852 = arith.index_cast %mul3A_851 : i32 to index
      %swap3A_853 = tpu.vector_load %arg8[%swap3A_852] {strides = array<i32>} : memref<32768xf32, #tpu.memory_space<vmem>>, vector<16xf32>,
      tpu.vector_store %arg8[%swap3A_852], %broadcast_in_dim3A_8 {strides = array<i32>} : memref<32768xf32, #tpu.memory_space<vmem>>, vector<16xf32>,
      %mul3A_854 = arith.constant 32 : i32
      %mul3A_855 = arith.muli %scan3A_718, %mul3A_854 : i32
      %add3A_856 = arith.constant 17 : i32
      %add3A_857 = arith.addi %mul3A_855, %add3A_856 : i32
      %mul3A_858 = arith.constant 16 : i32
      %mul3A_859 = arith.muli %add3A_857, %mul3A_858 : i32
      %swap3A_860 = arith.index_cast %mul3A_859 : i32 to index
      %swap3A_861 = tpu.vector_load %arg8[%swap3A_860] {strides = array<i32>} : memref<32768xf32, #tpu.memory_space<vmem>>, vector<16xf32>,
      tpu.vector_store %arg8[%swap3A_860], %broadcast_in_dim3A_8 {strides = array<i32>} : memref<32768xf32, #tpu.memory_space<vmem>>, vector<16xf32>,
      %mul3A_862 = arith.constant 32 : i32
      %mul3A_863 = arith.muli %scan3A_718, %mul3A_862 : i32
      %add3A_864 = arith.constant 18 : i32
      %add3A_865 = arith.addi %mul3A_863, %add3A_864 : i32
      %mul3A_866 = arith.constant 16 : i32
      %mul3A_867 = arith.muli %add3A_865, %mul3A_866 : i32
      %swap3A_868 = arith.index_cast %mul3A_867 : i32 to index
      %swap3A_869 = tpu.vector_load %arg8[%swap3A_868] {strides = array<i32>} : memref<32768xf32, #tpu.memory_space<vmem>>, vector<16xf32>,
      tpu.vector_store %arg8[%swap3A_868], %broadcast_in_dim3A_8 {strides = array<i32>} : memref<32768xf32, #tpu.memory_space<vmem>>, vector<16xf32>,
      %mul3A_870 = arith.constant 32 : i32
      %mul3A_871 = arith.muli %scan3A_718, %mul3A_870 : i32
      %add3A_872 = arith.constant 19 : i32
      %add3A_873 = arith.addi %mul3A_871, %add3A_872 : i32
      %mul3A_874 = arith.constant 16 : i32
      %mul3A_875 = arith.muli %add3A_873, %mul3A_874 : i32
      %swap3A_876 = arith.index_cast %mul3A_875 : i32 to index
      %swap3A_877 = tpu.vector_load %arg8[%swap3A_876] {strides = array<i32>} : memref<32768xf32, #tpu.memory_space<vmem>>, vector<16xf32>,
      tpu.vector_store %arg8[%swap3A_876], %broadcast_in_dim3A_8 {strides = array<i32>} : memref<32768xf32, #tpu.memory_space<vmem>>, vector<16xf32>,
      %mul3A_878 = arith.constant 32 : i32
      %mul3A_879 = arith.muli %scan3A_718, %mul3A_878 : i32
      %add3A_880 = arith.constant 20 : i32
      %add3A_881 = arith.addi %mul3A_879, %add3A_880 : i32
      %mul3A_882 = arith.constant 16 : i32
      %mul3A_883 = arith.muli %add3A_881, %mul3A_882 : i32
      %swap3A_884 = arith.index_cast %mul3A_883 : i32 to index
      %swap3A_885 = tpu.vector_load %arg8[%swap3A_884] {strides = array<i32>} : memref<32768xf32, #tpu.memory_space<vmem>>, vector<16xf32>,
      tpu.vector_store %arg8[%swap3A_884], %broadcast_in_dim3A_8 {strides = array<i32>} : memref<32768xf32, #tpu.memory_space<vmem>>, vector<16xf32>,
      %mul3A_886 = arith.constant 32 : i32
      %mul3A_887 = arith.muli %scan3A_718, %mul3A_886 : i32
      %add3A_888 = arith.constant 21 : i32
      %add3A_889 = arith.addi %mul3A_887, %add3A_888 : i32
      %mul3A_890 = arith.constant 16 : i32
      %mul3A_891 = arith.muli %add3A_889, %mul3A_890 : i32
      %swap3A_892 = arith.index_cast %mul3A_891 : i32 to index
      %swap3A_893 = tpu.vector_load %arg8[%swap3A_892] {strides = array<i32>} : memref<32768xf32, #tpu.memory_space<vmem>>, vector<16xf32>,
      tpu.vector_store %arg8[%swap3A_892], %broadcast_in_dim3A_8 {strides = array<i32>} : memref<32768xf32, #tpu.memory_space<vmem>>, vector<16xf32>,
      %mul3A_894 = arith.constant 32 : i32
      %mul3A_895 = arith.muli %scan3A_718, %mul3A_894 : i32
      %add3A_896 = arith.constant 22 : i32
      %add3A_897 = arith.addi %mul3A_895, %add3A_896 : i32
      %mul3A_898 = arith.constant 16 : i32
      %mul3A_899 = arith.muli %add3A_897, %mul3A_898 : i32
      %swap3A_900 = arith.index_cast %mul3A_899 : i32 to index
      %swap3A_901 = tpu.vector_load %arg8[%swap3A_900] {strides = array<i32>} : memref<32768xf32, #tpu.memory_space<vmem>>, vector<16xf32>,
      tpu.vector_store %arg8[%swap3A_900], %broadcast_in_dim3A_8 {strides = array<i32>} : memref<32768xf32, #tpu.memory_space<vmem>>, vector<16xf32>,
      %mul3A_902 = arith.constant 32 : i32
      %mul3A_903 = arith.muli %scan3A_718, %mul3A_902 : i32
      %add3A_904 = arith.constant 23 : i32
      %add3A_905 = arith.addi %mul3A_903, %add3A_904 : i32
      %mul3A_906 = arith.constant 16 : i32
      %mul3A_907 = arith.muli %add3A_905, %mul3A_906 : i32
      %swap3A_908 = arith.index_cast %mul3A_907 : i32 to index
      %swap3A_909 = tpu.vector_load %arg8[%swap3A_908] {strides = array<i32>} : memref<32768xf32, #tpu.memory_space<vmem>>, vector<16xf32>,
      tpu.vector_store %arg8[%swap3A_908], %broadcast_in_dim3A_8 {strides = array<i32>} : memref<32768xf32, #tpu.memory_space<vmem>>, vector<16xf32>,
      %mul3A_910 = arith.constant 32 : i32
      %mul3A_911 = arith.muli %scan3A_718, %mul3A_910 : i32
      %add3A_912 = arith.constant 24 : i32
      %add3A_913 = arith.addi %mul3A_911, %add3A_912 : i32
      %mul3A_914 = arith.constant 16 : i32
      %mul3A_915 = arith.muli %add3A_913, %mul3A_914 : i32
      %swap3A_916 = arith.index_cast %mul3A_915 : i32 to index
      %swap3A_917 = tpu.vector_load %arg8[%swap3A_916] {strides = array<i32>} : memref<32768xf32, #tpu.memory_space<vmem>>, vector<16xf32>,
      tpu.vector_store %arg8[%swap3A_916], %broadcast_in_dim3A_8 {strides = array<i32>} : memref<32768xf32, #tpu.memory_space<vmem>>, vector<16xf32>,
      %mul3A_918 = arith.constant 32 : i32
      %mul3A_919 = arith.muli %scan3A_718, %mul3A_918 : i32
      %add3A_920 = arith.constant 25 : i32
      %add3A_921 = arith.addi %mul3A_919, %add3A_920 : i32
      %mul3A_922 = arith.constant 16 : i32
      %mul3A_923 = arith.muli %add3A_921, %mul3A_922 : i32
      %swap3A_924 = arith.index_cast %mul3A_923 : i32 to index
      %swap3A_925 = tpu.vector_load %arg8[%swap3A_924] {strides = array<i32>} : memref<32768xf32, #tpu.memory_space<vmem>>, vector<16xf32>,
      tpu.vector_store %arg8[%swap3A_924], %broadcast_in_dim3A_8 {strides = array<i32>} : memref<32768xf32, #tpu.memory_space<vmem>>, vector<16xf32>,
      %mul3A_926 = arith.constant 32 : i32
      %mul3A_927 = arith.muli %scan3A_718, %mul3A_926 : i32
      %add3A_928 = arith.constant 26 : i32
      %add3A_929 = arith.addi %mul3A_927, %add3A_928 : i32
      %mul3A_930 = arith.constant 16 : i32
      %mul3A_931 = arith.muli %add3A_929, %mul3A_930 : i32
      %swap3A_932 = arith.index_cast %mul3A_931 : i32 to index
      %swap3A_933 = tpu.vector_load %arg8[%swap3A_932] {strides = array<i32>} : memref<32768xf32, #tpu.memory_space<vmem>>, vector<16xf32>,
      tpu.vector_store %arg8[%swap3A_932], %broadcast_in_dim3A_8 {strides = array<i32>} : memref<32768xf32, #tpu.memory_space<vmem>>, vector<16xf32>,
      %mul3A_934 = arith.constant 32 : i32
      %mul3A_935 = arith.muli %scan3A_718, %mul3A_934 : i32
      %add3A_936 = arith.constant 27 : i32
      %add3A_937 = arith.addi %mul3A_935, %add3A_936 : i32
      %mul3A_938 = arith.constant 16 : i32
      %mul3A_939 = arith.muli %add3A_937, %mul3A_938 : i32
      %swap3A_940 = arith.index_cast %mul3A_939 : i32 to index
      %swap3A_941 = tpu.vector_load %arg8[%swap3A_940] {strides = array<i32>} : memref<32768xf32, #tpu.memory_space<vmem>>, vector<16xf32>,
      tpu.vector_store %arg8[%swap3A_940], %broadcast_in_dim3A_8 {strides = array<i32>} : memref<32768xf32, #tpu.memory_space<vmem>>, vector<16xf32>,
      %mul3A_942 = arith.constant 32 : i32
      %mul3A_943 = arith.muli %scan3A_718, %mul3A_942 : i32
      %add3A_944 = arith.constant 28 : i32
      %add3A_945 = arith.addi %mul3A_943, %add3A_944 : i32
      %mul3A_946 = arith.constant 16 : i32
      %mul3A_947 = arith.muli %add3A_945, %mul3A_946 : i32
      %swap3A_948 = arith.index_cast %mul3A_947 : i32 to index
      %swap3A_949 = tpu.vector_load %arg8[%swap3A_948] {strides = array<i32>} : memref<32768xf32, #tpu.memory_space<vmem>>, vector<16xf32>,
      tpu.vector_store %arg8[%swap3A_948], %broadcast_in_dim3A_8 {strides = array<i32>} : memref<32768xf32, #tpu.memory_space<vmem>>, vector<16xf32>,
      %mul3A_950 = arith.constant 32 : i32
      %mul3A_951 = arith.muli %scan3A_718, %mul3A_950 : i32
      %add3A_952 = arith.constant 29 : i32
      %add3A_953 = arith.addi %mul3A_951, %add3A_952 : i32
      %mul3A_954 = arith.constant 16 : i32
      %mul3A_955 = arith.muli %add3A_953, %mul3A_954 : i32
      %swap3A_956 = arith.index_cast %mul3A_955 : i32 to index
      %swap3A_957 = tpu.vector_load %arg8[%swap3A_956] {strides = array<i32>} : memref<32768xf32, #tpu.memory_space<vmem>>, vector<16xf32>,
      tpu.vector_store %arg8[%swap3A_956], %broadcast_in_dim3A_8 {strides = array<i32>} : memref<32768xf32, #tpu.memory_space<vmem>>, vector<16xf32>,
      %mul3A_958 = arith.constant 32 : i32
      %mul3A_959 = arith.muli %scan3A_718, %mul3A_958 : i32
      %add3A_960 = arith.constant 30 : i32
      %add3A_961 = arith.addi %mul3A_959, %add3A_960 : i32
      %mul3A_962 = arith.constant 16 : i32
      %mul3A_963 = arith.muli %add3A_961, %mul3A_962 : i32
      %swap3A_964 = arith.index_cast %mul3A_963 : i32 to index
      %swap3A_965 = tpu.vector_load %arg8[%swap3A_964] {strides = array<i32>} : memref<32768xf32, #tpu.memory_space<vmem>>, vector<16xf32>,
      tpu.vector_store %arg8[%swap3A_964], %broadcast_in_dim3A_8 {strides = array<i32>} : memref<32768xf32, #tpu.memory_space<vmem>>, vector<16xf32>,
      %mul3A_966 = arith.constant 32 : i32
      %mul3A_967 = arith.muli %scan3A_718, %mul3A_966 : i32
      %add3A_968 = arith.constant 31 : i32
      %add3A_969 = arith.addi %mul3A_967, %add3A_968 : i32
      %mul3A_970 = arith.constant 16 : i32
      %mul3A_971 = arith.muli %add3A_969, %mul3A_970 : i32
      %swap3A_972 = arith.index_cast %mul3A_971 : i32 to index
      %swap3A_973 = tpu.vector_load %arg8[%swap3A_972] {strides = array<i32>} : memref<32768xf32, #tpu.memory_space<vmem>>, vector<16xf32>,
      tpu.vector_store %arg8[%swap3A_972], %broadcast_in_dim3A_8 {strides = array<i32>} : memref<32768xf32, #tpu.memory_space<vmem>>, vector<16xf32>,
    }
    %scan3A_542 = arith.constant 64 : i32
    %parallel_loop3A_543 = arith.constant 0 : i32
    %parallel_loop3A_544 = arith.constant 200 : i32
    %parallel_loop3A_545 = arith.constant 1 : i32
    scf.for %parallel_loop3A_718 = %parallel_loop3A_543 to %parallel_loop3A_544 step %parallel_loop3A_545  : i32 {
      %parallel_loop3A_719 = arith.constant 3 : i32
      %parallel_loop3A_720 = arith.andi %parallel_loop3A_718, %parallel_loop3A_719 : i32
      %parallel_loop3A_721 = arith.constant 2 : i32
      %parallel_loop3A_722 = arith.shrui %parallel_loop3A_718, %parallel_loop3A_721 : i32
      %parallel_loop3A_723 = arith.constant 4 : i32
      %parallel_loop3A_724 = arith.shli %parallel_loop3A_720, %parallel_loop3A_723 : i32
      %parallel_loop3A_725 = vector.broadcast %parallel_loop3A_724 : i32 to vector<16xi32>
      %parallel_loop3A_726 = arith.addi %parallel_loop3A_725, %iota3A : vector<16xi32>
      %parallel_loop3A_727 = vector.broadcast %parallel_loop3A_722 : i32 to vector<16xi32>
      %parallel_loop3A_728 = tpu.vector_load_idx %arg5[%parallel_loop3A_726, %parallel_loop3A_727] : memref<64x50xi32, #tpu.memory_space<vmem>>[vector<16xi32>, vector<16xi32>], vector<16xi32>,
      %parallel_loop3A_729 = tpu.vector_load_idx %arg7[%parallel_loop3A_728] : memref<512xi32, #tpu.memory_space<vmem>>[vector<16xi32>], vector<16xi32>,
      %parallel_loop3A_730 = arith.constant 7 : i32
      %parallel_loop3A_731 = vector.broadcast %parallel_loop3A_730 : i32 to vector<16xi32>
      %parallel_loop3A_732 = arith.shrui %parallel_loop3A_729, %parallel_loop3A_731 : vector<16xi32>
      %parallel_loop3A_733 = arith.constant 127 : i32
      %parallel_loop3A_734 = vector.broadcast %parallel_loop3A_733 : i32 to vector<16xi32>
      %parallel_loop3A_735 = arith.andi %parallel_loop3A_729, %parallel_loop3A_734 : vector<16xi32>
      %parallel_loop3A_736 = arith.constant 13 : i32
      %parallel_loop3A_737 = vector.broadcast %parallel_loop3A_736 : i32 to vector<16xi32>
      %parallel_loop3A_738 = arith.shli %parallel_loop3A_732, %parallel_loop3A_737 : vector<16xi32>
      %parallel_loop3A_739 = arith.constant 7 : i32
      %parallel_loop3A_740 = vector.broadcast %parallel_loop3A_739 : i32 to vector<16xi32>
      %parallel_loop3A_741 = arith.shli %parallel_loop3A_726, %parallel_loop3A_740 : vector<16xi32>
      %parallel_loop3A_742 = arith.addi %parallel_loop3A_738, %parallel_loop3A_741 : vector<16xi32>
      %parallel_loop3A_743 = arith.addi %parallel_loop3A_742, %parallel_loop3A_735 : vector<16xi32>
      tpu.vector_store_idx %arg8[%parallel_loop3A_743], %broadcast_in_dim3A_10 {add = true} : memref<32768xf32, #tpu.memory_space<vmem>>[vector<16xi32>], vector<16xf32>,
    } {sc.loop_unroll_factor = 4 : i64, sc.parallel_access}
    %mul3A_546 = arith.constant 512 : i32
    %mul3A_547 = arith.muli %add3A, %mul3A_546 : i32
    %add3A_548 = arith.constant 384 : i32
    %add3A_549 = arith.addi %mul3A_547, %add3A_548 : i32
    %add3A_550 = arith.constant 0 : i32
    %add3A_551 = arith.addi %add3A_550, %add3A_549 : i32
    %mul3A_552 = arith.constant 128 : i32
    %mul3A_553 = arith.muli %add3A_551, %mul3A_552 : i32
    %dma_start3A_554 = arith.constant 0 : i32
    %dma_start3A_555 = tpu.memref_slice %arg8[%dma_start3A_554] : memref<32768xf32, #tpu.memory_space<vmem>> -> memref<8192xf32, #tpu.memory_space<vmem>>
    %dma_start3A_556 = tpu.memref_slice %arg4[%mul3A_553] : memref<8388608xf32, #tpu.memory_space<hbm>> -> memref<8192xf32, #tpu.memory_space<hbm>>
    %dma_start3A_557 = tpu.memref_slice %arg4[%mul3A_553] : memref<8388608xf32, #tpu.memory_space<hbm>> -> memref<8192xf32, #tpu.memory_space<hbm>>
    %dma_start3A_558 = arith.constant 0 : i32
    %dma_start3A_559 = tpu.memref_slice %arg8[%dma_start3A_558] : memref<32768xf32, #tpu.memory_space<vmem>> -> memref<8192xf32, #tpu.memory_space<vmem>>
    tpu.enqueue_dma source(%dma_start3A_559 : memref<8192xf32, #tpu.memory_space<vmem>>) target(%dma_start3A_557 : memref<8192xf32, #tpu.memory_space<hbm>>) target_semaphore(%arg10 : memref<!tpu.dma_semaphore, #tpu.memory_space<semaphore_mem>>)
    %add3A_560 = arith.constant 16384 : i32
    %add3A_561 = arith.addi %add3A_560, %add3A_549 : i32
    %mul3A_562 = arith.constant 128 : i32
    %mul3A_563 = arith.muli %add3A_561, %mul3A_562 : i32
    %dma_start3A_564 = arith.constant 8192 : i32
    %dma_start3A_565 = tpu.memref_slice %arg8[%dma_start3A_564] : memref<32768xf32, #tpu.memory_space<vmem>> -> memref<8192xf32, #tpu.memory_space<vmem>>
    %dma_start3A_566 = tpu.memref_slice %arg4[%mul3A_563] : memref<8388608xf32, #tpu.memory_space<hbm>> -> memref<8192xf32, #tpu.memory_space<hbm>>
    %dma_start3A_567 = tpu.memref_slice %arg4[%mul3A_563] : memref<8388608xf32, #tpu.memory_space<hbm>> -> memref<8192xf32, #tpu.memory_space<hbm>>
    %dma_start3A_568 = arith.constant 8192 : i32
    %dma_start3A_569 = tpu.memref_slice %arg8[%dma_start3A_568] : memref<32768xf32, #tpu.memory_space<vmem>> -> memref<8192xf32, #tpu.memory_space<vmem>>
    tpu.enqueue_dma source(%dma_start3A_569 : memref<8192xf32, #tpu.memory_space<vmem>>) target(%dma_start3A_567 : memref<8192xf32, #tpu.memory_space<hbm>>) target_semaphore(%arg10 : memref<!tpu.dma_semaphore, #tpu.memory_space<semaphore_mem>>)
    %add3A_570 = arith.constant 32768 : i32
    %add3A_571 = arith.addi %add3A_570, %add3A_549 : i32
    %mul3A_572 = arith.constant 128 : i32
    %mul3A_573 = arith.muli %add3A_571, %mul3A_572 : i32
    %dma_start3A_574 = arith.constant 16384 : i32
    %dma_start3A_575 = tpu.memref_slice %arg8[%dma_start3A_574] : memref<32768xf32, #tpu.memory_space<vmem>> -> memref<8192xf32, #tpu.memory_space<vmem>>
    %dma_start3A_576 = tpu.memref_slice %arg4[%mul3A_573] : memref<8388608xf32, #tpu.memory_space<hbm>> -> memref<8192xf32, #tpu.memory_space<hbm>>
    %dma_start3A_577 = tpu.memref_slice %arg4[%mul3A_573] : memref<8388608xf32, #tpu.memory_space<hbm>> -> memref<8192xf32, #tpu.memory_space<hbm>>
    %dma_start3A_578 = arith.constant 16384 : i32
    %dma_start3A_579 = tpu.memref_slice %arg8[%dma_start3A_578] : memref<32768xf32, #tpu.memory_space<vmem>> -> memref<8192xf32, #tpu.memory_space<vmem>>
    tpu.enqueue_dma source(%dma_start3A_579 : memref<8192xf32, #tpu.memory_space<vmem>>) target(%dma_start3A_577 : memref<8192xf32, #tpu.memory_space<hbm>>) target_semaphore(%arg10 : memref<!tpu.dma_semaphore, #tpu.memory_space<semaphore_mem>>)
    %add3A_580 = arith.constant 49152 : i32
    %add3A_581 = arith.addi %add3A_580, %add3A_549 : i32
    %mul3A_582 = arith.constant 128 : i32
    %mul3A_583 = arith.muli %add3A_581, %mul3A_582 : i32
    %dma_start3A_584 = arith.constant 24576 : i32
    %dma_start3A_585 = tpu.memref_slice %arg8[%dma_start3A_584] : memref<32768xf32, #tpu.memory_space<vmem>> -> memref<8192xf32, #tpu.memory_space<vmem>>
    %dma_start3A_586 = tpu.memref_slice %arg4[%mul3A_583] : memref<8388608xf32, #tpu.memory_space<hbm>> -> memref<8192xf32, #tpu.memory_space<hbm>>
    %dma_start3A_587 = tpu.memref_slice %arg4[%mul3A_583] : memref<8388608xf32, #tpu.memory_space<hbm>> -> memref<8192xf32, #tpu.memory_space<hbm>>
    %dma_start3A_588 = arith.constant 24576 : i32
    %dma_start3A_589 = tpu.memref_slice %arg8[%dma_start3A_588] : memref<32768xf32, #tpu.memory_space<vmem>> -> memref<8192xf32, #tpu.memory_space<vmem>>
    tpu.enqueue_dma source(%dma_start3A_589 : memref<8192xf32, #tpu.memory_space<vmem>>) target(%dma_start3A_587 : memref<8192xf32, #tpu.memory_space<hbm>>) target_semaphore(%arg10 : memref<!tpu.dma_semaphore, #tpu.memory_space<semaphore_mem>>)
    %dma_wait3A_590 = arith.constant 0 : i32
    %dma_wait3A_591 = tpu.memref_slice %arg2[%add3A_509, %dma_wait3A_590] : memref<16384x50xi32, #tpu.memory_space<hbm>> -> memref<64x50xi32, #tpu.memory_space<hbm>>
    %dma_wait3A_592 = arith.constant 0 : i32
    %dma_wait3A_593 = tpu.memref_slice %arg2[%add3A_509, %dma_wait3A_592] : memref<16384x50xi32, #tpu.memory_space<hbm>> -> memref<64x50xi32, #tpu.memory_space<hbm>>
    tpu.wait_dma2 semaphore(%arg12 : memref<!tpu.dma_semaphore, #tpu.memory_space<semaphore_mem>>) src(%dma_wait3A_593 : memref<64x50xi32, #tpu.memory_space<hbm>>) dst(%arg6 : memref<64x50xi32, #tpu.memory_space<vmem>>)
    %dma_wait3A_594 = arith.constant 0 : i32
    %dma_wait3A_595 = tpu.memref_slice %arg9[%dma_wait3A_594] : memref<32768xf32, #tpu.memory_space<vmem>> -> memref<8192xf32, #tpu.memory_space<vmem>>
    %dma_wait3A_596 = tpu.memref_slice %arg4[%mul3A_463] : memref<8388608xf32, #tpu.memory_space<hbm>> -> memref<8192xf32, #tpu.memory_space<hbm>>
    %dma_wait3A_597 = tpu.memref_slice %arg4[%mul3A_463] : memref<8388608xf32, #tpu.memory_space<hbm>> -> memref<8192xf32, #tpu.memory_space<hbm>>
    %dma_wait3A_598 = arith.constant 0 : i32
    %dma_wait3A_599 = tpu.memref_slice %arg9[%dma_wait3A_598] : memref<32768xf32, #tpu.memory_space<vmem>> -> memref<8192xf32, #tpu.memory_space<vmem>>
    tpu.wait_dma2 semaphore(%arg11 : memref<!tpu.dma_semaphore, #tpu.memory_space<semaphore_mem>>) src(%dma_wait3A_599 : memref<8192xf32, #tpu.memory_space<vmem>>) dst(%dma_wait3A_597 : memref<8192xf32, #tpu.memory_space<hbm>>)
    %dma_wait3A_600 = arith.constant 8192 : i32
    %dma_wait3A_601 = tpu.memref_slice %arg9[%dma_wait3A_600] : memref<32768xf32, #tpu.memory_space<vmem>> -> memref<8192xf32, #tpu.memory_space<vmem>>
    %dma_wait3A_602 = tpu.memref_slice %arg4[%mul3A_473] : memref<8388608xf32, #tpu.memory_space<hbm>> -> memref<8192xf32, #tpu.memory_space<hbm>>
    %dma_wait3A_603 = tpu.memref_slice %arg4[%mul3A_473] : memref<8388608xf32, #tpu.memory_space<hbm>> -> memref<8192xf32, #tpu.memory_space<hbm>>
    %dma_wait3A_604 = arith.constant 8192 : i32
    %dma_wait3A_605 = tpu.memref_slice %arg9[%dma_wait3A_604] : memref<32768xf32, #tpu.memory_space<vmem>> -> memref<8192xf32, #tpu.memory_space<vmem>>
    tpu.wait_dma2 semaphore(%arg11 : memref<!tpu.dma_semaphore, #tpu.memory_space<semaphore_mem>>) src(%dma_wait3A_605 : memref<8192xf32, #tpu.memory_space<vmem>>) dst(%dma_wait3A_603 : memref<8192xf32, #tpu.memory_space<hbm>>)
    %dma_wait3A_606 = arith.constant 16384 : i32
    %dma_wait3A_607 = tpu.memref_slice %arg9[%dma_wait3A_606] : memref<32768xf32, #tpu.memory_space<vmem>> -> memref<8192xf32, #tpu.memory_space<vmem>>
    %dma_wait3A_608 = tpu.memref_slice %arg4[%mul3A_483] : memref<8388608xf32, #tpu.memory_space<hbm>> -> memref<8192xf32, #tpu.memory_space<hbm>>
    %dma_wait3A_609 = tpu.memref_slice %arg4[%mul3A_483] : memref<8388608xf32, #tpu.memory_space<hbm>> -> memref<8192xf32, #tpu.memory_space<hbm>>
    %dma_wait3A_610 = arith.constant 16384 : i32
    %dma_wait3A_611 = tpu.memref_slice %arg9[%dma_wait3A_610] : memref<32768xf32, #tpu.memory_space<vmem>> -> memref<8192xf32, #tpu.memory_space<vmem>>
    tpu.wait_dma2 semaphore(%arg11 : memref<!tpu.dma_semaphore, #tpu.memory_space<semaphore_mem>>) src(%dma_wait3A_611 : memref<8192xf32, #tpu.memory_space<vmem>>) dst(%dma_wait3A_609 : memref<8192xf32, #tpu.memory_space<hbm>>)
    %dma_wait3A_612 = arith.constant 24576 : i32
    %dma_wait3A_613 = tpu.memref_slice %arg9[%dma_wait3A_612] : memref<32768xf32, #tpu.memory_space<vmem>> -> memref<8192xf32, #tpu.memory_space<vmem>>
    %dma_wait3A_614 = tpu.memref_slice %arg4[%mul3A_493] : memref<8388608xf32, #tpu.memory_space<hbm>> -> memref<8192xf32, #tpu.memory_space<hbm>>
    %dma_wait3A_615 = tpu.memref_slice %arg4[%mul3A_493] : memref<8388608xf32, #tpu.memory_space<hbm>> -> memref<8192xf32, #tpu.memory_space<hbm>>
    %dma_wait3A_616 = arith.constant 24576 : i32
    %dma_wait3A_617 = tpu.memref_slice %arg9[%dma_wait3A_616] : memref<32768xf32, #tpu.memory_space<vmem>> -> memref<8192xf32, #tpu.memory_space<vmem>>
    tpu.wait_dma2 semaphore(%arg11 : memref<!tpu.dma_semaphore, #tpu.memory_space<semaphore_mem>>) src(%dma_wait3A_617 : memref<8192xf32, #tpu.memory_space<vmem>>) dst(%dma_wait3A_615 : memref<8192xf32, #tpu.memory_space<hbm>>)
    %scan3A_618 = arith.constant 0 : i32
    %scan3A_619 = arith.constant 64 : i32
    %scan3A_620 = arith.addi %scan3A_618, %scan3A_619 : i32
    %scan3A_621 = arith.constant 1 : i32
    scf.for %scan3A_718 = %scan3A_618 to %scan3A_620 step %scan3A_621  : i32 {
      %mul3A_719 = arith.constant 32 : i32
      %mul3A_720 = arith.muli %scan3A_718, %mul3A_719 : i32
      %add3A_721 = arith.constant 0 : i32
      %add3A_722 = arith.addi %mul3A_720, %add3A_721 : i32
      %mul3A_723 = arith.constant 16 : i32
      %mul3A_724 = arith.muli %add3A_722, %mul3A_723 : i32
      %swap3A = arith.index_cast %mul3A_724 : i32 to index
      %swap3A_725 = tpu.vector_load %arg9[%swap3A] {strides = array<i32>} : memref<32768xf32, #tpu.memory_space<vmem>>, vector<16xf32>,
      tpu.vector_store %arg9[%swap3A], %broadcast_in_dim3A_8 {strides = array<i32>} : memref<32768xf32, #tpu.memory_space<vmem>>, vector<16xf32>,
      %mul3A_726 = arith.constant 32 : i32
      %mul3A_727 = arith.muli %scan3A_718, %mul3A_726 : i32
      %add3A_728 = arith.constant 1 : i32
      %add3A_729 = arith.addi %mul3A_727, %add3A_728 : i32
      %mul3A_730 = arith.constant 16 : i32
      %mul3A_731 = arith.muli %add3A_729, %mul3A_730 : i32
      %swap3A_732 = arith.index_cast %mul3A_731 : i32 to index
      %swap3A_733 = tpu.vector_load %arg9[%swap3A_732] {strides = array<i32>} : memref<32768xf32, #tpu.memory_space<vmem>>, vector<16xf32>,
      tpu.vector_store %arg9[%swap3A_732], %broadcast_in_dim3A_8 {strides = array<i32>} : memref<32768xf32, #tpu.memory_space<vmem>>, vector<16xf32>,
      %mul3A_734 = arith.constant 32 : i32
      %mul3A_735 = arith.muli %scan3A_718, %mul3A_734 : i32
      %add3A_736 = arith.constant 2 : i32
      %add3A_737 = arith.addi %mul3A_735, %add3A_736 : i32
      %mul3A_738 = arith.constant 16 : i32
      %mul3A_739 = arith.muli %add3A_737, %mul3A_738 : i32
      %swap3A_740 = arith.index_cast %mul3A_739 : i32 to index
      %swap3A_741 = tpu.vector_load %arg9[%swap3A_740] {strides = array<i32>} : memref<32768xf32, #tpu.memory_space<vmem>>, vector<16xf32>,
      tpu.vector_store %arg9[%swap3A_740], %broadcast_in_dim3A_8 {strides = array<i32>} : memref<32768xf32, #tpu.memory_space<vmem>>, vector<16xf32>,
      %mul3A_742 = arith.constant 32 : i32
      %mul3A_743 = arith.muli %scan3A_718, %mul3A_742 : i32
      %add3A_744 = arith.constant 3 : i32
      %add3A_745 = arith.addi %mul3A_743, %add3A_744 : i32
      %mul3A_746 = arith.constant 16 : i32
      %mul3A_747 = arith.muli %add3A_745, %mul3A_746 : i32
      %swap3A_748 = arith.index_cast %mul3A_747 : i32 to index
      %swap3A_749 = tpu.vector_load %arg9[%swap3A_748] {strides = array<i32>} : memref<32768xf32, #tpu.memory_space<vmem>>, vector<16xf32>,
      tpu.vector_store %arg9[%swap3A_748], %broadcast_in_dim3A_8 {strides = array<i32>} : memref<32768xf32, #tpu.memory_space<vmem>>, vector<16xf32>,
      %mul3A_750 = arith.constant 32 : i32
      %mul3A_751 = arith.muli %scan3A_718, %mul3A_750 : i32
      %add3A_752 = arith.constant 4 : i32
      %add3A_753 = arith.addi %mul3A_751, %add3A_752 : i32
      %mul3A_754 = arith.constant 16 : i32
      %mul3A_755 = arith.muli %add3A_753, %mul3A_754 : i32
      %swap3A_756 = arith.index_cast %mul3A_755 : i32 to index
      %swap3A_757 = tpu.vector_load %arg9[%swap3A_756] {strides = array<i32>} : memref<32768xf32, #tpu.memory_space<vmem>>, vector<16xf32>,
      tpu.vector_store %arg9[%swap3A_756], %broadcast_in_dim3A_8 {strides = array<i32>} : memref<32768xf32, #tpu.memory_space<vmem>>, vector<16xf32>,
      %mul3A_758 = arith.constant 32 : i32
      %mul3A_759 = arith.muli %scan3A_718, %mul3A_758 : i32
      %add3A_760 = arith.constant 5 : i32
      %add3A_761 = arith.addi %mul3A_759, %add3A_760 : i32
      %mul3A_762 = arith.constant 16 : i32
      %mul3A_763 = arith.muli %add3A_761, %mul3A_762 : i32
      %swap3A_764 = arith.index_cast %mul3A_763 : i32 to index
      %swap3A_765 = tpu.vector_load %arg9[%swap3A_764] {strides = array<i32>} : memref<32768xf32, #tpu.memory_space<vmem>>, vector<16xf32>,
      tpu.vector_store %arg9[%swap3A_764], %broadcast_in_dim3A_8 {strides = array<i32>} : memref<32768xf32, #tpu.memory_space<vmem>>, vector<16xf32>,
      %mul3A_766 = arith.constant 32 : i32
      %mul3A_767 = arith.muli %scan3A_718, %mul3A_766 : i32
      %add3A_768 = arith.constant 6 : i32
      %add3A_769 = arith.addi %mul3A_767, %add3A_768 : i32
      %mul3A_770 = arith.constant 16 : i32
      %mul3A_771 = arith.muli %add3A_769, %mul3A_770 : i32
      %swap3A_772 = arith.index_cast %mul3A_771 : i32 to index
      %swap3A_773 = tpu.vector_load %arg9[%swap3A_772] {strides = array<i32>} : memref<32768xf32, #tpu.memory_space<vmem>>, vector<16xf32>,
      tpu.vector_store %arg9[%swap3A_772], %broadcast_in_dim3A_8 {strides = array<i32>} : memref<32768xf32, #tpu.memory_space<vmem>>, vector<16xf32>,
      %mul3A_774 = arith.constant 32 : i32
      %mul3A_775 = arith.muli %scan3A_718, %mul3A_774 : i32
      %add3A_776 = arith.constant 7 : i32
      %add3A_777 = arith.addi %mul3A_775, %add3A_776 : i32
      %mul3A_778 = arith.constant 16 : i32
      %mul3A_779 = arith.muli %add3A_777, %mul3A_778 : i32
      %swap3A_780 = arith.index_cast %mul3A_779 : i32 to index
      %swap3A_781 = tpu.vector_load %arg9[%swap3A_780] {strides = array<i32>} : memref<32768xf32, #tpu.memory_space<vmem>>, vector<16xf32>,
      tpu.vector_store %arg9[%swap3A_780], %broadcast_in_dim3A_8 {strides = array<i32>} : memref<32768xf32, #tpu.memory_space<vmem>>, vector<16xf32>,
      %mul3A_782 = arith.constant 32 : i32
      %mul3A_783 = arith.muli %scan3A_718, %mul3A_782 : i32
      %add3A_784 = arith.constant 8 : i32
      %add3A_785 = arith.addi %mul3A_783, %add3A_784 : i32
      %mul3A_786 = arith.constant 16 : i32
      %mul3A_787 = arith.muli %add3A_785, %mul3A_786 : i32
      %swap3A_788 = arith.index_cast %mul3A_787 : i32 to index
      %swap3A_789 = tpu.vector_load %arg9[%swap3A_788] {strides = array<i32>} : memref<32768xf32, #tpu.memory_space<vmem>>, vector<16xf32>,
      tpu.vector_store %arg9[%swap3A_788], %broadcast_in_dim3A_8 {strides = array<i32>} : memref<32768xf32, #tpu.memory_space<vmem>>, vector<16xf32>,
      %mul3A_790 = arith.constant 32 : i32
      %mul3A_791 = arith.muli %scan3A_718, %mul3A_790 : i32
      %add3A_792 = arith.constant 9 : i32
      %add3A_793 = arith.addi %mul3A_791, %add3A_792 : i32
      %mul3A_794 = arith.constant 16 : i32
      %mul3A_795 = arith.muli %add3A_793, %mul3A_794 : i32
      %swap3A_796 = arith.index_cast %mul3A_795 : i32 to index
      %swap3A_797 = tpu.vector_load %arg9[%swap3A_796] {strides = array<i32>} : memref<32768xf32, #tpu.memory_space<vmem>>, vector<16xf32>,
      tpu.vector_store %arg9[%swap3A_796], %broadcast_in_dim3A_8 {strides = array<i32>} : memref<32768xf32, #tpu.memory_space<vmem>>, vector<16xf32>,
      %mul3A_798 = arith.constant 32 : i32
      %mul3A_799 = arith.muli %scan3A_718, %mul3A_798 : i32
      %add3A_800 = arith.constant 10 : i32
      %add3A_801 = arith.addi %mul3A_799, %add3A_800 : i32
      %mul3A_802 = arith.constant 16 : i32
      %mul3A_803 = arith.muli %add3A_801, %mul3A_802 : i32
      %swap3A_804 = arith.index_cast %mul3A_803 : i32 to index
      %swap3A_805 = tpu.vector_load %arg9[%swap3A_804] {strides = array<i32>} : memref<32768xf32, #tpu.memory_space<vmem>>, vector<16xf32>,
      tpu.vector_store %arg9[%swap3A_804], %broadcast_in_dim3A_8 {strides = array<i32>} : memref<32768xf32, #tpu.memory_space<vmem>>, vector<16xf32>,
      %mul3A_806 = arith.constant 32 : i32
      %mul3A_807 = arith.muli %scan3A_718, %mul3A_806 : i32
      %add3A_808 = arith.constant 11 : i32
      %add3A_809 = arith.addi %mul3A_807, %add3A_808 : i32
      %mul3A_810 = arith.constant 16 : i32
      %mul3A_811 = arith.muli %add3A_809, %mul3A_810 : i32
      %swap3A_812 = arith.index_cast %mul3A_811 : i32 to index
      %swap3A_813 = tpu.vector_load %arg9[%swap3A_812] {strides = array<i32>} : memref<32768xf32, #tpu.memory_space<vmem>>, vector<16xf32>,
      tpu.vector_store %arg9[%swap3A_812], %broadcast_in_dim3A_8 {strides = array<i32>} : memref<32768xf32, #tpu.memory_space<vmem>>, vector<16xf32>,
      %mul3A_814 = arith.constant 32 : i32
      %mul3A_815 = arith.muli %scan3A_718, %mul3A_814 : i32
      %add3A_816 = arith.constant 12 : i32
      %add3A_817 = arith.addi %mul3A_815, %add3A_816 : i32
      %mul3A_818 = arith.constant 16 : i32
      %mul3A_819 = arith.muli %add3A_817, %mul3A_818 : i32
      %swap3A_820 = arith.index_cast %mul3A_819 : i32 to index
      %swap3A_821 = tpu.vector_load %arg9[%swap3A_820] {strides = array<i32>} : memref<32768xf32, #tpu.memory_space<vmem>>, vector<16xf32>,
      tpu.vector_store %arg9[%swap3A_820], %broadcast_in_dim3A_8 {strides = array<i32>} : memref<32768xf32, #tpu.memory_space<vmem>>, vector<16xf32>,
      %mul3A_822 = arith.constant 32 : i32
      %mul3A_823 = arith.muli %scan3A_718, %mul3A_822 : i32
      %add3A_824 = arith.constant 13 : i32
      %add3A_825 = arith.addi %mul3A_823, %add3A_824 : i32
      %mul3A_826 = arith.constant 16 : i32
      %mul3A_827 = arith.muli %add3A_825, %mul3A_826 : i32
      %swap3A_828 = arith.index_cast %mul3A_827 : i32 to index
      %swap3A_829 = tpu.vector_load %arg9[%swap3A_828] {strides = array<i32>} : memref<32768xf32, #tpu.memory_space<vmem>>, vector<16xf32>,
      tpu.vector_store %arg9[%swap3A_828], %broadcast_in_dim3A_8 {strides = array<i32>} : memref<32768xf32, #tpu.memory_space<vmem>>, vector<16xf32>,
      %mul3A_830 = arith.constant 32 : i32
      %mul3A_831 = arith.muli %scan3A_718, %mul3A_830 : i32
      %add3A_832 = arith.constant 14 : i32
      %add3A_833 = arith.addi %mul3A_831, %add3A_832 : i32
      %mul3A_834 = arith.constant 16 : i32
      %mul3A_835 = arith.muli %add3A_833, %mul3A_834 : i32
      %swap3A_836 = arith.index_cast %mul3A_835 : i32 to index
      %swap3A_837 = tpu.vector_load %arg9[%swap3A_836] {strides = array<i32>} : memref<32768xf32, #tpu.memory_space<vmem>>, vector<16xf32>,
      tpu.vector_store %arg9[%swap3A_836], %broadcast_in_dim3A_8 {strides = array<i32>} : memref<32768xf32, #tpu.memory_space<vmem>>, vector<16xf32>,
      %mul3A_838 = arith.constant 32 : i32
      %mul3A_839 = arith.muli %scan3A_718, %mul3A_838 : i32
      %add3A_840 = arith.constant 15 : i32
      %add3A_841 = arith.addi %mul3A_839, %add3A_840 : i32
      %mul3A_842 = arith.constant 16 : i32
      %mul3A_843 = arith.muli %add3A_841, %mul3A_842 : i32
      %swap3A_844 = arith.index_cast %mul3A_843 : i32 to index
      %swap3A_845 = tpu.vector_load %arg9[%swap3A_844] {strides = array<i32>} : memref<32768xf32, #tpu.memory_space<vmem>>, vector<16xf32>,
      tpu.vector_store %arg9[%swap3A_844], %broadcast_in_dim3A_8 {strides = array<i32>} : memref<32768xf32, #tpu.memory_space<vmem>>, vector<16xf32>,
      %mul3A_846 = arith.constant 32 : i32
      %mul3A_847 = arith.muli %scan3A_718, %mul3A_846 : i32
      %add3A_848 = arith.constant 16 : i32
      %add3A_849 = arith.addi %mul3A_847, %add3A_848 : i32
      %mul3A_850 = arith.constant 16 : i32
      %mul3A_851 = arith.muli %add3A_849, %mul3A_850 : i32
      %swap3A_852 = arith.index_cast %mul3A_851 : i32 to index
      %swap3A_853 = tpu.vector_load %arg9[%swap3A_852] {strides = array<i32>} : memref<32768xf32, #tpu.memory_space<vmem>>, vector<16xf32>,
      tpu.vector_store %arg9[%swap3A_852], %broadcast_in_dim3A_8 {strides = array<i32>} : memref<32768xf32, #tpu.memory_space<vmem>>, vector<16xf32>,
      %mul3A_854 = arith.constant 32 : i32
      %mul3A_855 = arith.muli %scan3A_718, %mul3A_854 : i32
      %add3A_856 = arith.constant 17 : i32
      %add3A_857 = arith.addi %mul3A_855, %add3A_856 : i32
      %mul3A_858 = arith.constant 16 : i32
      %mul3A_859 = arith.muli %add3A_857, %mul3A_858 : i32
      %swap3A_860 = arith.index_cast %mul3A_859 : i32 to index
      %swap3A_861 = tpu.vector_load %arg9[%swap3A_860] {strides = array<i32>} : memref<32768xf32, #tpu.memory_space<vmem>>, vector<16xf32>,
      tpu.vector_store %arg9[%swap3A_860], %broadcast_in_dim3A_8 {strides = array<i32>} : memref<32768xf32, #tpu.memory_space<vmem>>, vector<16xf32>,
      %mul3A_862 = arith.constant 32 : i32
      %mul3A_863 = arith.muli %scan3A_718, %mul3A_862 : i32
      %add3A_864 = arith.constant 18 : i32
      %add3A_865 = arith.addi %mul3A_863, %add3A_864 : i32
      %mul3A_866 = arith.constant 16 : i32
      %mul3A_867 = arith.muli %add3A_865, %mul3A_866 : i32
      %swap3A_868 = arith.index_cast %mul3A_867 : i32 to index
      %swap3A_869 = tpu.vector_load %arg9[%swap3A_868] {strides = array<i32>} : memref<32768xf32, #tpu.memory_space<vmem>>, vector<16xf32>,
      tpu.vector_store %arg9[%swap3A_868], %broadcast_in_dim3A_8 {strides = array<i32>} : memref<32768xf32, #tpu.memory_space<vmem>>, vector<16xf32>,
      %mul3A_870 = arith.constant 32 : i32
      %mul3A_871 = arith.muli %scan3A_718, %mul3A_870 : i32
      %add3A_872 = arith.constant 19 : i32
      %add3A_873 = arith.addi %mul3A_871, %add3A_872 : i32
      %mul3A_874 = arith.constant 16 : i32
      %mul3A_875 = arith.muli %add3A_873, %mul3A_874 : i32
      %swap3A_876 = arith.index_cast %mul3A_875 : i32 to index
      %swap3A_877 = tpu.vector_load %arg9[%swap3A_876] {strides = array<i32>} : memref<32768xf32, #tpu.memory_space<vmem>>, vector<16xf32>,
      tpu.vector_store %arg9[%swap3A_876], %broadcast_in_dim3A_8 {strides = array<i32>} : memref<32768xf32, #tpu.memory_space<vmem>>, vector<16xf32>,
      %mul3A_878 = arith.constant 32 : i32
      %mul3A_879 = arith.muli %scan3A_718, %mul3A_878 : i32
      %add3A_880 = arith.constant 20 : i32
      %add3A_881 = arith.addi %mul3A_879, %add3A_880 : i32
      %mul3A_882 = arith.constant 16 : i32
      %mul3A_883 = arith.muli %add3A_881, %mul3A_882 : i32
      %swap3A_884 = arith.index_cast %mul3A_883 : i32 to index
      %swap3A_885 = tpu.vector_load %arg9[%swap3A_884] {strides = array<i32>} : memref<32768xf32, #tpu.memory_space<vmem>>, vector<16xf32>,
      tpu.vector_store %arg9[%swap3A_884], %broadcast_in_dim3A_8 {strides = array<i32>} : memref<32768xf32, #tpu.memory_space<vmem>>, vector<16xf32>,
      %mul3A_886 = arith.constant 32 : i32
      %mul3A_887 = arith.muli %scan3A_718, %mul3A_886 : i32
      %add3A_888 = arith.constant 21 : i32
      %add3A_889 = arith.addi %mul3A_887, %add3A_888 : i32
      %mul3A_890 = arith.constant 16 : i32
      %mul3A_891 = arith.muli %add3A_889, %mul3A_890 : i32
      %swap3A_892 = arith.index_cast %mul3A_891 : i32 to index
      %swap3A_893 = tpu.vector_load %arg9[%swap3A_892] {strides = array<i32>} : memref<32768xf32, #tpu.memory_space<vmem>>, vector<16xf32>,
      tpu.vector_store %arg9[%swap3A_892], %broadcast_in_dim3A_8 {strides = array<i32>} : memref<32768xf32, #tpu.memory_space<vmem>>, vector<16xf32>,
      %mul3A_894 = arith.constant 32 : i32
      %mul3A_895 = arith.muli %scan3A_718, %mul3A_894 : i32
      %add3A_896 = arith.constant 22 : i32
      %add3A_897 = arith.addi %mul3A_895, %add3A_896 : i32
      %mul3A_898 = arith.constant 16 : i32
      %mul3A_899 = arith.muli %add3A_897, %mul3A_898 : i32
      %swap3A_900 = arith.index_cast %mul3A_899 : i32 to index
      %swap3A_901 = tpu.vector_load %arg9[%swap3A_900] {strides = array<i32>} : memref<32768xf32, #tpu.memory_space<vmem>>, vector<16xf32>,
      tpu.vector_store %arg9[%swap3A_900], %broadcast_in_dim3A_8 {strides = array<i32>} : memref<32768xf32, #tpu.memory_space<vmem>>, vector<16xf32>,
      %mul3A_902 = arith.constant 32 : i32
      %mul3A_903 = arith.muli %scan3A_718, %mul3A_902 : i32
      %add3A_904 = arith.constant 23 : i32
      %add3A_905 = arith.addi %mul3A_903, %add3A_904 : i32
      %mul3A_906 = arith.constant 16 : i32
      %mul3A_907 = arith.muli %add3A_905, %mul3A_906 : i32
      %swap3A_908 = arith.index_cast %mul3A_907 : i32 to index
      %swap3A_909 = tpu.vector_load %arg9[%swap3A_908] {strides = array<i32>} : memref<32768xf32, #tpu.memory_space<vmem>>, vector<16xf32>,
      tpu.vector_store %arg9[%swap3A_908], %broadcast_in_dim3A_8 {strides = array<i32>} : memref<32768xf32, #tpu.memory_space<vmem>>, vector<16xf32>,
      %mul3A_910 = arith.constant 32 : i32
      %mul3A_911 = arith.muli %scan3A_718, %mul3A_910 : i32
      %add3A_912 = arith.constant 24 : i32
      %add3A_913 = arith.addi %mul3A_911, %add3A_912 : i32
      %mul3A_914 = arith.constant 16 : i32
      %mul3A_915 = arith.muli %add3A_913, %mul3A_914 : i32
      %swap3A_916 = arith.index_cast %mul3A_915 : i32 to index
      %swap3A_917 = tpu.vector_load %arg9[%swap3A_916] {strides = array<i32>} : memref<32768xf32, #tpu.memory_space<vmem>>, vector<16xf32>,
      tpu.vector_store %arg9[%swap3A_916], %broadcast_in_dim3A_8 {strides = array<i32>} : memref<32768xf32, #tpu.memory_space<vmem>>, vector<16xf32>,
      %mul3A_918 = arith.constant 32 : i32
      %mul3A_919 = arith.muli %scan3A_718, %mul3A_918 : i32
      %add3A_920 = arith.constant 25 : i32
      %add3A_921 = arith.addi %mul3A_919, %add3A_920 : i32
      %mul3A_922 = arith.constant 16 : i32
      %mul3A_923 = arith.muli %add3A_921, %mul3A_922 : i32
      %swap3A_924 = arith.index_cast %mul3A_923 : i32 to index
      %swap3A_925 = tpu.vector_load %arg9[%swap3A_924] {strides = array<i32>} : memref<32768xf32, #tpu.memory_space<vmem>>, vector<16xf32>,
      tpu.vector_store %arg9[%swap3A_924], %broadcast_in_dim3A_8 {strides = array<i32>} : memref<32768xf32, #tpu.memory_space<vmem>>, vector<16xf32>,
      %mul3A_926 = arith.constant 32 : i32
      %mul3A_927 = arith.muli %scan3A_718, %mul3A_926 : i32
      %add3A_928 = arith.constant 26 : i32
      %add3A_929 = arith.addi %mul3A_927, %add3A_928 : i32
      %mul3A_930 = arith.constant 16 : i32
      %mul3A_931 = arith.muli %add3A_929, %mul3A_930 : i32
      %swap3A_932 = arith.index_cast %mul3A_931 : i32 to index
      %swap3A_933 = tpu.vector_load %arg9[%swap3A_932] {strides = array<i32>} : memref<32768xf32, #tpu.memory_space<vmem>>, vector<16xf32>,
      tpu.vector_store %arg9[%swap3A_932], %broadcast_in_dim3A_8 {strides = array<i32>} : memref<32768xf32, #tpu.memory_space<vmem>>, vector<16xf32>,
      %mul3A_934 = arith.constant 32 : i32
      %mul3A_935 = arith.muli %scan3A_718, %mul3A_934 : i32
      %add3A_936 = arith.constant 27 : i32
      %add3A_937 = arith.addi %mul3A_935, %add3A_936 : i32
      %mul3A_938 = arith.constant 16 : i32
      %mul3A_939 = arith.muli %add3A_937, %mul3A_938 : i32
      %swap3A_940 = arith.index_cast %mul3A_939 : i32 to index
      %swap3A_941 = tpu.vector_load %arg9[%swap3A_940] {strides = array<i32>} : memref<32768xf32, #tpu.memory_space<vmem>>, vector<16xf32>,
      tpu.vector_store %arg9[%swap3A_940], %broadcast_in_dim3A_8 {strides = array<i32>} : memref<32768xf32, #tpu.memory_space<vmem>>, vector<16xf32>,
      %mul3A_942 = arith.constant 32 : i32
      %mul3A_943 = arith.muli %scan3A_718, %mul3A_942 : i32
      %add3A_944 = arith.constant 28 : i32
      %add3A_945 = arith.addi %mul3A_943, %add3A_944 : i32
      %mul3A_946 = arith.constant 16 : i32
      %mul3A_947 = arith.muli %add3A_945, %mul3A_946 : i32
      %swap3A_948 = arith.index_cast %mul3A_947 : i32 to index
      %swap3A_949 = tpu.vector_load %arg9[%swap3A_948] {strides = array<i32>} : memref<32768xf32, #tpu.memory_space<vmem>>, vector<16xf32>,
      tpu.vector_store %arg9[%swap3A_948], %broadcast_in_dim3A_8 {strides = array<i32>} : memref<32768xf32, #tpu.memory_space<vmem>>, vector<16xf32>,
      %mul3A_950 = arith.constant 32 : i32
      %mul3A_951 = arith.muli %scan3A_718, %mul3A_950 : i32
      %add3A_952 = arith.constant 29 : i32
      %add3A_953 = arith.addi %mul3A_951, %add3A_952 : i32
      %mul3A_954 = arith.constant 16 : i32
      %mul3A_955 = arith.muli %add3A_953, %mul3A_954 : i32
      %swap3A_956 = arith.index_cast %mul3A_955 : i32 to index
      %swap3A_957 = tpu.vector_load %arg9[%swap3A_956] {strides = array<i32>} : memref<32768xf32, #tpu.memory_space<vmem>>, vector<16xf32>,
      tpu.vector_store %arg9[%swap3A_956], %broadcast_in_dim3A_8 {strides = array<i32>} : memref<32768xf32, #tpu.memory_space<vmem>>, vector<16xf32>,
      %mul3A_958 = arith.constant 32 : i32
      %mul3A_959 = arith.muli %scan3A_718, %mul3A_958 : i32
      %add3A_960 = arith.constant 30 : i32
      %add3A_961 = arith.addi %mul3A_959, %add3A_960 : i32
      %mul3A_962 = arith.constant 16 : i32
      %mul3A_963 = arith.muli %add3A_961, %mul3A_962 : i32
      %swap3A_964 = arith.index_cast %mul3A_963 : i32 to index
      %swap3A_965 = tpu.vector_load %arg9[%swap3A_964] {strides = array<i32>} : memref<32768xf32, #tpu.memory_space<vmem>>, vector<16xf32>,
      tpu.vector_store %arg9[%swap3A_964], %broadcast_in_dim3A_8 {strides = array<i32>} : memref<32768xf32, #tpu.memory_space<vmem>>, vector<16xf32>,
      %mul3A_966 = arith.constant 32 : i32
      %mul3A_967 = arith.muli %scan3A_718, %mul3A_966 : i32
      %add3A_968 = arith.constant 31 : i32
      %add3A_969 = arith.addi %mul3A_967, %add3A_968 : i32
      %mul3A_970 = arith.constant 16 : i32
      %mul3A_971 = arith.muli %add3A_969, %mul3A_970 : i32
      %swap3A_972 = arith.index_cast %mul3A_971 : i32 to index
      %swap3A_973 = tpu.vector_load %arg9[%swap3A_972] {strides = array<i32>} : memref<32768xf32, #tpu.memory_space<vmem>>, vector<16xf32>,
      tpu.vector_store %arg9[%swap3A_972], %broadcast_in_dim3A_8 {strides = array<i32>} : memref<32768xf32, #tpu.memory_space<vmem>>, vector<16xf32>,
    }
    %scan3A_622 = arith.constant 64 : i32
    %parallel_loop3A_623 = arith.constant 0 : i32
    %parallel_loop3A_624 = arith.constant 200 : i32
    %parallel_loop3A_625 = arith.constant 1 : i32
    scf.for %parallel_loop3A_718 = %parallel_loop3A_623 to %parallel_loop3A_624 step %parallel_loop3A_625  : i32 {
      %parallel_loop3A_719 = arith.constant 3 : i32
      %parallel_loop3A_720 = arith.andi %parallel_loop3A_718, %parallel_loop3A_719 : i32
      %parallel_loop3A_721 = arith.constant 2 : i32
      %parallel_loop3A_722 = arith.shrui %parallel_loop3A_718, %parallel_loop3A_721 : i32
      %parallel_loop3A_723 = arith.constant 4 : i32
      %parallel_loop3A_724 = arith.shli %parallel_loop3A_720, %parallel_loop3A_723 : i32
      %parallel_loop3A_725 = vector.broadcast %parallel_loop3A_724 : i32 to vector<16xi32>
      %parallel_loop3A_726 = arith.addi %parallel_loop3A_725, %iota3A : vector<16xi32>
      %parallel_loop3A_727 = vector.broadcast %parallel_loop3A_722 : i32 to vector<16xi32>
      %parallel_loop3A_728 = tpu.vector_load_idx %arg6[%parallel_loop3A_726, %parallel_loop3A_727] : memref<64x50xi32, #tpu.memory_space<vmem>>[vector<16xi32>, vector<16xi32>], vector<16xi32>,
      %parallel_loop3A_729 = tpu.vector_load_idx %arg7[%parallel_loop3A_728] : memref<512xi32, #tpu.memory_space<vmem>>[vector<16xi32>], vector<16xi32>,
      %parallel_loop3A_730 = arith.constant 7 : i32
      %parallel_loop3A_731 = vector.broadcast %parallel_loop3A_730 : i32 to vector<16xi32>
      %parallel_loop3A_732 = arith.shrui %parallel_loop3A_729, %parallel_loop3A_731 : vector<16xi32>
      %parallel_loop3A_733 = arith.constant 127 : i32
      %parallel_loop3A_734 = vector.broadcast %parallel_loop3A_733 : i32 to vector<16xi32>
      %parallel_loop3A_735 = arith.andi %parallel_loop3A_729, %parallel_loop3A_734 : vector<16xi32>
      %parallel_loop3A_736 = arith.constant 13 : i32
      %parallel_loop3A_737 = vector.broadcast %parallel_loop3A_736 : i32 to vector<16xi32>
      %parallel_loop3A_738 = arith.shli %parallel_loop3A_732, %parallel_loop3A_737 : vector<16xi32>
      %parallel_loop3A_739 = arith.constant 7 : i32
      %parallel_loop3A_740 = vector.broadcast %parallel_loop3A_739 : i32 to vector<16xi32>
      %parallel_loop3A_741 = arith.shli %parallel_loop3A_726, %parallel_loop3A_740 : vector<16xi32>
      %parallel_loop3A_742 = arith.addi %parallel_loop3A_738, %parallel_loop3A_741 : vector<16xi32>
      %parallel_loop3A_743 = arith.addi %parallel_loop3A_742, %parallel_loop3A_735 : vector<16xi32>
      tpu.vector_store_idx %arg9[%parallel_loop3A_743], %broadcast_in_dim3A_10 {add = true} : memref<32768xf32, #tpu.memory_space<vmem>>[vector<16xi32>], vector<16xf32>,
    } {sc.loop_unroll_factor = 4 : i64, sc.parallel_access}
    %mul3A_626 = arith.constant 512 : i32
    %mul3A_627 = arith.muli %add3A, %mul3A_626 : i32
    %add3A_628 = arith.constant 448 : i32
    %add3A_629 = arith.addi %mul3A_627, %add3A_628 : i32
    %add3A_630 = arith.constant 0 : i32
    %add3A_631 = arith.addi %add3A_630, %add3A_629 : i32
    %mul3A_632 = arith.constant 128 : i32
    %mul3A_633 = arith.muli %add3A_631, %mul3A_632 : i32
    %dma_start3A_634 = arith.constant 0 : i32
    %dma_start3A_635 = tpu.memref_slice %arg9[%dma_start3A_634] : memref<32768xf32, #tpu.memory_space<vmem>> -> memref<8192xf32, #tpu.memory_space<vmem>>
    %dma_start3A_636 = tpu.memref_slice %arg4[%mul3A_633] : memref<8388608xf32, #tpu.memory_space<hbm>> -> memref<8192xf32, #tpu.memory_space<hbm>>
    %dma_start3A_637 = tpu.memref_slice %arg4[%mul3A_633] : memref<8388608xf32, #tpu.memory_space<hbm>> -> memref<8192xf32, #tpu.memory_space<hbm>>
    %dma_start3A_638 = arith.constant 0 : i32
    %dma_start3A_639 = tpu.memref_slice %arg9[%dma_start3A_638] : memref<32768xf32, #tpu.memory_space<vmem>> -> memref<8192xf32, #tpu.memory_space<vmem>>
    tpu.enqueue_dma source(%dma_start3A_639 : memref<8192xf32, #tpu.memory_space<vmem>>) target(%dma_start3A_637 : memref<8192xf32, #tpu.memory_space<hbm>>) target_semaphore(%arg11 : memref<!tpu.dma_semaphore, #tpu.memory_space<semaphore_mem>>)
    %add3A_640 = arith.constant 16384 : i32
    %add3A_641 = arith.addi %add3A_640, %add3A_629 : i32
    %mul3A_642 = arith.constant 128 : i32
    %mul3A_643 = arith.muli %add3A_641, %mul3A_642 : i32
    %dma_start3A_644 = arith.constant 8192 : i32
    %dma_start3A_645 = tpu.memref_slice %arg9[%dma_start3A_644] : memref<32768xf32, #tpu.memory_space<vmem>> -> memref<8192xf32, #tpu.memory_space<vmem>>
    %dma_start3A_646 = tpu.memref_slice %arg4[%mul3A_643] : memref<8388608xf32, #tpu.memory_space<hbm>> -> memref<8192xf32, #tpu.memory_space<hbm>>
    %dma_start3A_647 = tpu.memref_slice %arg4[%mul3A_643] : memref<8388608xf32, #tpu.memory_space<hbm>> -> memref<8192xf32, #tpu.memory_space<hbm>>
    %dma_start3A_648 = arith.constant 8192 : i32
    %dma_start3A_649 = tpu.memref_slice %arg9[%dma_start3A_648] : memref<32768xf32, #tpu.memory_space<vmem>> -> memref<8192xf32, #tpu.memory_space<vmem>>
    tpu.enqueue_dma source(%dma_start3A_649 : memref<8192xf32, #tpu.memory_space<vmem>>) target(%dma_start3A_647 : memref<8192xf32, #tpu.memory_space<hbm>>) target_semaphore(%arg11 : memref<!tpu.dma_semaphore, #tpu.memory_space<semaphore_mem>>)
    %add3A_650 = arith.constant 32768 : i32
    %add3A_651 = arith.addi %add3A_650, %add3A_629 : i32
    %mul3A_652 = arith.constant 128 : i32
    %mul3A_653 = arith.muli %add3A_651, %mul3A_652 : i32
    %dma_start3A_654 = arith.constant 16384 : i32
    %dma_start3A_655 = tpu.memref_slice %arg9[%dma_start3A_654] : memref<32768xf32, #tpu.memory_space<vmem>> -> memref<8192xf32, #tpu.memory_space<vmem>>
    %dma_start3A_656 = tpu.memref_slice %arg4[%mul3A_653] : memref<8388608xf32, #tpu.memory_space<hbm>> -> memref<8192xf32, #tpu.memory_space<hbm>>
    %dma_start3A_657 = tpu.memref_slice %arg4[%mul3A_653] : memref<8388608xf32, #tpu.memory_space<hbm>> -> memref<8192xf32, #tpu.memory_space<hbm>>
    %dma_start3A_658 = arith.constant 16384 : i32
    %dma_start3A_659 = tpu.memref_slice %arg9[%dma_start3A_658] : memref<32768xf32, #tpu.memory_space<vmem>> -> memref<8192xf32, #tpu.memory_space<vmem>>
    tpu.enqueue_dma source(%dma_start3A_659 : memref<8192xf32, #tpu.memory_space<vmem>>) target(%dma_start3A_657 : memref<8192xf32, #tpu.memory_space<hbm>>) target_semaphore(%arg11 : memref<!tpu.dma_semaphore, #tpu.memory_space<semaphore_mem>>)
    %add3A_660 = arith.constant 49152 : i32
    %add3A_661 = arith.addi %add3A_660, %add3A_629 : i32
    %mul3A_662 = arith.constant 128 : i32
    %mul3A_663 = arith.muli %add3A_661, %mul3A_662 : i32
    %dma_start3A_664 = arith.constant 24576 : i32
    %dma_start3A_665 = tpu.memref_slice %arg9[%dma_start3A_664] : memref<32768xf32, #tpu.memory_space<vmem>> -> memref<8192xf32, #tpu.memory_space<vmem>>
    %dma_start3A_666 = tpu.memref_slice %arg4[%mul3A_663] : memref<8388608xf32, #tpu.memory_space<hbm>> -> memref<8192xf32, #tpu.memory_space<hbm>>
    %dma_start3A_667 = tpu.memref_slice %arg4[%mul3A_663] : memref<8388608xf32, #tpu.memory_space<hbm>> -> memref<8192xf32, #tpu.memory_space<hbm>>
    %dma_start3A_668 = arith.constant 24576 : i32
    %dma_start3A_669 = tpu.memref_slice %arg9[%dma_start3A_668] : memref<32768xf32, #tpu.memory_space<vmem>> -> memref<8192xf32, #tpu.memory_space<vmem>>
    tpu.enqueue_dma source(%dma_start3A_669 : memref<8192xf32, #tpu.memory_space<vmem>>) target(%dma_start3A_667 : memref<8192xf32, #tpu.memory_space<hbm>>) target_semaphore(%arg11 : memref<!tpu.dma_semaphore, #tpu.memory_space<semaphore_mem>>)
    %dma_wait3A_670 = arith.constant 0 : i32
    %dma_wait3A_671 = tpu.memref_slice %arg8[%dma_wait3A_670] : memref<32768xf32, #tpu.memory_space<vmem>> -> memref<8192xf32, #tpu.memory_space<vmem>>
    %dma_wait3A_672 = tpu.memref_slice %arg4[%mul3A_553] : memref<8388608xf32, #tpu.memory_space<hbm>> -> memref<8192xf32, #tpu.memory_space<hbm>>
    %dma_wait3A_673 = tpu.memref_slice %arg4[%mul3A_553] : memref<8388608xf32, #tpu.memory_space<hbm>> -> memref<8192xf32, #tpu.memory_space<hbm>>
    %dma_wait3A_674 = arith.constant 0 : i32
    %dma_wait3A_675 = tpu.memref_slice %arg8[%dma_wait3A_674] : memref<32768xf32, #tpu.memory_space<vmem>> -> memref<8192xf32, #tpu.memory_space<vmem>>
    tpu.wait_dma2 semaphore(%arg10 : memref<!tpu.dma_semaphore, #tpu.memory_space<semaphore_mem>>) src(%dma_wait3A_675 : memref<8192xf32, #tpu.memory_space<vmem>>) dst(%dma_wait3A_673 : memref<8192xf32, #tpu.memory_space<hbm>>)
    %dma_wait3A_676 = arith.constant 8192 : i32
    %dma_wait3A_677 = tpu.memref_slice %arg8[%dma_wait3A_676] : memref<32768xf32, #tpu.memory_space<vmem>> -> memref<8192xf32, #tpu.memory_space<vmem>>
    %dma_wait3A_678 = tpu.memref_slice %arg4[%mul3A_563] : memref<8388608xf32, #tpu.memory_space<hbm>> -> memref<8192xf32, #tpu.memory_space<hbm>>
    %dma_wait3A_679 = tpu.memref_slice %arg4[%mul3A_563] : memref<8388608xf32, #tpu.memory_space<hbm>> -> memref<8192xf32, #tpu.memory_space<hbm>>
    %dma_wait3A_680 = arith.constant 8192 : i32
    %dma_wait3A_681 = tpu.memref_slice %arg8[%dma_wait3A_680] : memref<32768xf32, #tpu.memory_space<vmem>> -> memref<8192xf32, #tpu.memory_space<vmem>>
    tpu.wait_dma2 semaphore(%arg10 : memref<!tpu.dma_semaphore, #tpu.memory_space<semaphore_mem>>) src(%dma_wait3A_681 : memref<8192xf32, #tpu.memory_space<vmem>>) dst(%dma_wait3A_679 : memref<8192xf32, #tpu.memory_space<hbm>>)
    %dma_wait3A_682 = arith.constant 16384 : i32
    %dma_wait3A_683 = tpu.memref_slice %arg8[%dma_wait3A_682] : memref<32768xf32, #tpu.memory_space<vmem>> -> memref<8192xf32, #tpu.memory_space<vmem>>
    %dma_wait3A_684 = tpu.memref_slice %arg4[%mul3A_573] : memref<8388608xf32, #tpu.memory_space<hbm>> -> memref<8192xf32, #tpu.memory_space<hbm>>
    %dma_wait3A_685 = tpu.memref_slice %arg4[%mul3A_573] : memref<8388608xf32, #tpu.memory_space<hbm>> -> memref<8192xf32, #tpu.memory_space<hbm>>
    %dma_wait3A_686 = arith.constant 16384 : i32
    %dma_wait3A_687 = tpu.memref_slice %arg8[%dma_wait3A_686] : memref<32768xf32, #tpu.memory_space<vmem>> -> memref<8192xf32, #tpu.memory_space<vmem>>
    tpu.wait_dma2 semaphore(%arg10 : memref<!tpu.dma_semaphore, #tpu.memory_space<semaphore_mem>>) src(%dma_wait3A_687 : memref<8192xf32, #tpu.memory_space<vmem>>) dst(%dma_wait3A_685 : memref<8192xf32, #tpu.memory_space<hbm>>)
    %dma_wait3A_688 = arith.constant 24576 : i32
    %dma_wait3A_689 = tpu.memref_slice %arg8[%dma_wait3A_688] : memref<32768xf32, #tpu.memory_space<vmem>> -> memref<8192xf32, #tpu.memory_space<vmem>>
    %dma_wait3A_690 = tpu.memref_slice %arg4[%mul3A_583] : memref<8388608xf32, #tpu.memory_space<hbm>> -> memref<8192xf32, #tpu.memory_space<hbm>>
    %dma_wait3A_691 = tpu.memref_slice %arg4[%mul3A_583] : memref<8388608xf32, #tpu.memory_space<hbm>> -> memref<8192xf32, #tpu.memory_space<hbm>>
    %dma_wait3A_692 = arith.constant 24576 : i32
    %dma_wait3A_693 = tpu.memref_slice %arg8[%dma_wait3A_692] : memref<32768xf32, #tpu.memory_space<vmem>> -> memref<8192xf32, #tpu.memory_space<vmem>>
    tpu.wait_dma2 semaphore(%arg10 : memref<!tpu.dma_semaphore, #tpu.memory_space<semaphore_mem>>) src(%dma_wait3A_693 : memref<8192xf32, #tpu.memory_space<vmem>>) dst(%dma_wait3A_691 : memref<8192xf32, #tpu.memory_space<hbm>>)
    %dma_wait3A_694 = arith.constant 0 : i32
    %dma_wait3A_695 = tpu.memref_slice %arg9[%dma_wait3A_694] : memref<32768xf32, #tpu.memory_space<vmem>> -> memref<8192xf32, #tpu.memory_space<vmem>>
    %dma_wait3A_696 = tpu.memref_slice %arg4[%mul3A_633] : memref<8388608xf32, #tpu.memory_space<hbm>> -> memref<8192xf32, #tpu.memory_space<hbm>>
    %dma_wait3A_697 = tpu.memref_slice %arg4[%mul3A_633] : memref<8388608xf32, #tpu.memory_space<hbm>> -> memref<8192xf32, #tpu.memory_space<hbm>>
    %dma_wait3A_698 = arith.constant 0 : i32
    %dma_wait3A_699 = tpu.memref_slice %arg9[%dma_wait3A_698] : memref<32768xf32, #tpu.memory_space<vmem>> -> memref<8192xf32, #tpu.memory_space<vmem>>
    tpu.wait_dma2 semaphore(%arg11 : memref<!tpu.dma_semaphore, #tpu.memory_space<semaphore_mem>>) src(%dma_wait3A_699 : memref<8192xf32, #tpu.memory_space<vmem>>) dst(%dma_wait3A_697 : memref<8192xf32, #tpu.memory_space<hbm>>)
    %dma_wait3A_700 = arith.constant 8192 : i32
    %dma_wait3A_701 = tpu.memref_slice %arg9[%dma_wait3A_700] : memref<32768xf32, #tpu.memory_space<vmem>> -> memref<8192xf32, #tpu.memory_space<vmem>>
    %dma_wait3A_702 = tpu.memref_slice %arg4[%mul3A_643] : memref<8388608xf32, #tpu.memory_space<hbm>> -> memref<8192xf32, #tpu.memory_space<hbm>>
    %dma_wait3A_703 = tpu.memref_slice %arg4[%mul3A_643] : memref<8388608xf32, #tpu.memory_space<hbm>> -> memref<8192xf32, #tpu.memory_space<hbm>>
    %dma_wait3A_704 = arith.constant 8192 : i32
    %dma_wait3A_705 = tpu.memref_slice %arg9[%dma_wait3A_704] : memref<32768xf32, #tpu.memory_space<vmem>> -> memref<8192xf32, #tpu.memory_space<vmem>>
    tpu.wait_dma2 semaphore(%arg11 : memref<!tpu.dma_semaphore, #tpu.memory_space<semaphore_mem>>) src(%dma_wait3A_705 : memref<8192xf32, #tpu.memory_space<vmem>>) dst(%dma_wait3A_703 : memref<8192xf32, #tpu.memory_space<hbm>>)
    %dma_wait3A_706 = arith.constant 16384 : i32
    %dma_wait3A_707 = tpu.memref_slice %arg9[%dma_wait3A_706] : memref<32768xf32, #tpu.memory_space<vmem>> -> memref<8192xf32, #tpu.memory_space<vmem>>
    %dma_wait3A_708 = tpu.memref_slice %arg4[%mul3A_653] : memref<8388608xf32, #tpu.memory_space<hbm>> -> memref<8192xf32, #tpu.memory_space<hbm>>
    %dma_wait3A_709 = tpu.memref_slice %arg4[%mul3A_653] : memref<8388608xf32, #tpu.memory_space<hbm>> -> memref<8192xf32, #tpu.memory_space<hbm>>
    %dma_wait3A_710 = arith.constant 16384 : i32
    %dma_wait3A_711 = tpu.memref_slice %arg9[%dma_wait3A_710] : memref<32768xf32, #tpu.memory_space<vmem>> -> memref<8192xf32, #tpu.memory_space<vmem>>
    tpu.wait_dma2 semaphore(%arg11 : memref<!tpu.dma_semaphore, #tpu.memory_space<semaphore_mem>>) src(%dma_wait3A_711 : memref<8192xf32, #tpu.memory_space<vmem>>) dst(%dma_wait3A_709 : memref<8192xf32, #tpu.memory_space<hbm>>)
    %dma_wait3A_712 = arith.constant 24576 : i32
    %dma_wait3A_713 = tpu.memref_slice %arg9[%dma_wait3A_712] : memref<32768xf32, #tpu.memory_space<vmem>> -> memref<8192xf32, #tpu.memory_space<vmem>>
    %dma_wait3A_714 = tpu.memref_slice %arg4[%mul3A_663] : memref<8388608xf32, #tpu.memory_space<hbm>> -> memref<8192xf32, #tpu.memory_space<hbm>>
    %dma_wait3A_715 = tpu.memref_slice %arg4[%mul3A_663] : memref<8388608xf32, #tpu.memory_space<hbm>> -> memref<8192xf32, #tpu.memory_space<hbm>>
    %dma_wait3A_716 = arith.constant 24576 : i32
    %dma_wait3A_717 = tpu.memref_slice %arg9[%dma_wait3A_716] : memref<32768xf32, #tpu.memory_space<vmem>> -> memref<8192xf32, #tpu.memory_space<vmem>>
    tpu.wait_dma2 semaphore(%arg11 : memref<!tpu.dma_semaphore, #tpu.memory_space<semaphore_mem>>) src(%dma_wait3A_717 : memref<8192xf32, #tpu.memory_space<vmem>>) dst(%dma_wait3A_715 : memref<8192xf32, #tpu.memory_space<hbm>>)
    return
  }
}

module attributes {stable_mosaic.version = 14 : i64} {
  func.func @body(%arg0: i32, %arg1: memref<4x2048x128xf32, #tpu.memory_space<vmem>>, %arg2: memref<4x128x64xf32, #tpu.memory_space<vmem>>, %arg3: memref<2048x64xf32, #tpu.memory_space<vmem>>) attributes {dimension_semantics = [#tpu.dimension_semantics<arbitrary>], iteration_bounds = array<i64: 8>, scalar_prefetch = 0 : i64, scratch_operands = 0 : i64, tpu.core_type = #tpu.core_type<tc>, window_params = [{transform_indices = @transform_0, window_bounds = array<i64: 4, 2048, 128>}, {pipeline_mode = #tpu.pipeline_mode<synchronous>, transform_indices = @transform_1, window_bounds = array<i64: 4, 128, 64>}, {transform_indices = @transform_2, window_bounds = array<i64: 2048, 64>}]} {
    %get3A = arith.constant 0 : index
    %get3A_0 = arith.constant 0 : index
    %get3A_1 = arith.constant 0 : index
    %get3A_2 = vector.load %arg1[%get3A, %get3A_0, %get3A_1] : memref<4x2048x128xf32, #tpu.memory_space<vmem>>, vector<1x2048x128xf32>
    %get3A_3 = vector.shape_cast %get3A_2 : vector<1x2048x128xf32> to vector<2048x128xf32>
    %get3A_4 = arith.constant 0 : index
    %get3A_5 = arith.constant 0 : index
    %get3A_6 = arith.constant 0 : index
    %get3A_7 = vector.load %arg2[%get3A_4, %get3A_5, %get3A_6] : memref<4x128x64xf32, #tpu.memory_space<vmem>>, vector<1x128x64xf32>
    %get3A_8 = vector.shape_cast %get3A_7 : vector<1x128x64xf32> to vector<128x64xf32>
    %dot_general3A = arith.constant dense<0.000000e+00> : vector<2048x64xf32>
    %dot_general3A_9 = tpu.matmul %get3A_3, %get3A_8, %dot_general3A {dimension_numbers = #tpu.dot_dimension_numbers<[1], [0], [0], [1], [0, 0, 1, 1], [], []>, transpose_lhs_hint = false} : vector<2048x128xf32>, vector<128x64xf32>, vector<2048x64xf32> -> vector<2048x64xf32>
    %get3A_10 = arith.constant 1 : index
    %get3A_11 = arith.constant 0 : index
    %get3A_12 = arith.constant 0 : index
    %get3A_13 = vector.load %arg1[%get3A_10, %get3A_11, %get3A_12] : memref<4x2048x128xf32, #tpu.memory_space<vmem>>, vector<1x2048x128xf32>
    %get3A_14 = vector.shape_cast %get3A_13 : vector<1x2048x128xf32> to vector<2048x128xf32>
    %get3A_15 = arith.constant 1 : index
    %get3A_16 = arith.constant 0 : index
    %get3A_17 = arith.constant 0 : index
    %get3A_18 = vector.load %arg2[%get3A_15, %get3A_16, %get3A_17] : memref<4x128x64xf32, #tpu.memory_space<vmem>>, vector<1x128x64xf32>
    %get3A_19 = vector.shape_cast %get3A_18 : vector<1x128x64xf32> to vector<128x64xf32>
    %dot_general3A_20 = arith.constant dense<0.000000e+00> : vector<2048x64xf32>
    %dot_general3A_21 = tpu.matmul %get3A_14, %get3A_19, %dot_general3A_20 {dimension_numbers = #tpu.dot_dimension_numbers<[1], [0], [0], [1], [0, 0, 1, 1], [], []>, transpose_lhs_hint = false} : vector<2048x128xf32>, vector<128x64xf32>, vector<2048x64xf32> -> vector<2048x64xf32>
    %add3A = arith.addf %dot_general3A_9, %dot_general3A_21 : vector<2048x64xf32>
    %get3A_22 = arith.constant 2 : index
    %get3A_23 = arith.constant 0 : index
    %get3A_24 = arith.constant 0 : index
    %get3A_25 = vector.load %arg1[%get3A_22, %get3A_23, %get3A_24] : memref<4x2048x128xf32, #tpu.memory_space<vmem>>, vector<1x2048x128xf32>
    %get3A_26 = vector.shape_cast %get3A_25 : vector<1x2048x128xf32> to vector<2048x128xf32>
    %get3A_27 = arith.constant 2 : index
    %get3A_28 = arith.constant 0 : index
    %get3A_29 = arith.constant 0 : index
    %get3A_30 = vector.load %arg2[%get3A_27, %get3A_28, %get3A_29] : memref<4x128x64xf32, #tpu.memory_space<vmem>>, vector<1x128x64xf32>
    %get3A_31 = vector.shape_cast %get3A_30 : vector<1x128x64xf32> to vector<128x64xf32>
    %dot_general3A_32 = arith.constant dense<0.000000e+00> : vector<2048x64xf32>
    %dot_general3A_33 = tpu.matmul %get3A_26, %get3A_31, %dot_general3A_32 {dimension_numbers = #tpu.dot_dimension_numbers<[1], [0], [0], [1], [0, 0, 1, 1], [], []>, transpose_lhs_hint = false} : vector<2048x128xf32>, vector<128x64xf32>, vector<2048x64xf32> -> vector<2048x64xf32>
    %add3A_34 = arith.addf %add3A, %dot_general3A_33 : vector<2048x64xf32>
    %get3A_35 = arith.constant 3 : index
    %get3A_36 = arith.constant 0 : index
    %get3A_37 = arith.constant 0 : index
    %get3A_38 = vector.load %arg1[%get3A_35, %get3A_36, %get3A_37] : memref<4x2048x128xf32, #tpu.memory_space<vmem>>, vector<1x2048x128xf32>
    %get3A_39 = vector.shape_cast %get3A_38 : vector<1x2048x128xf32> to vector<2048x128xf32>
    %get3A_40 = arith.constant 3 : index
    %get3A_41 = arith.constant 0 : index
    %get3A_42 = arith.constant 0 : index
    %get3A_43 = vector.load %arg2[%get3A_40, %get3A_41, %get3A_42] : memref<4x128x64xf32, #tpu.memory_space<vmem>>, vector<1x128x64xf32>
    %get3A_44 = vector.shape_cast %get3A_43 : vector<1x128x64xf32> to vector<128x64xf32>
    %dot_general3A_45 = arith.constant dense<0.000000e+00> : vector<2048x64xf32>
    %dot_general3A_46 = tpu.matmul %get3A_39, %get3A_44, %dot_general3A_45 {dimension_numbers = #tpu.dot_dimension_numbers<[1], [0], [0], [1], [0, 0, 1, 1], [], []>, transpose_lhs_hint = false} : vector<2048x128xf32>, vector<128x64xf32>, vector<2048x64xf32> -> vector<2048x64xf32>
    %add3A_47 = arith.addf %add3A_34, %dot_general3A_46 : vector<2048x64xf32>
    %swap3A = arith.constant 0 : index
    %swap3A_48 = arith.constant 0 : index
    %swap3A_49 = vector.load %arg3[%swap3A, %swap3A_48] : memref<2048x64xf32, #tpu.memory_space<vmem>>, vector<2048x64xf32>
    tpu.vector_store %arg3[%swap3A, %swap3A_48], %add3A_47 {strides = array<i32>} : memref<2048x64xf32, #tpu.memory_space<vmem>>, vector<2048x64xf32>,
    return
  }
  func.func @transform_0(%arg0: i32) -> (i32, i32, i32) {
    %c0_i32 = arith.constant 0 : i32
    %c0_i32_0 = arith.constant 0 : i32
    %c0_i32_1 = arith.constant 0 : i32
    return %c0_i32, %arg0, %c0_i32_0 : i32, i32, i32
  }
  func.func @transform_1(%arg0: i32) -> (i32, i32, i32) {
    %c0_i32 = arith.constant 0 : i32
    %c0_i32_0 = arith.constant 0 : i32
    %c0_i32_1 = arith.constant 0 : i32
    %c0_i32_2 = arith.constant 0 : i32
    return %c0_i32, %c0_i32_0, %c0_i32_1 : i32, i32, i32
  }
  func.func @transform_2(%arg0: i32) -> (i32, i32) {
    %c0_i32 = arith.constant 0 : i32
    %c0_i32_0 = arith.constant 0 : i32
    return %arg0, %c0_i32 : i32, i32
  }
}

</mosaic_0001>

<sc_bundles>
// kernel: kernel.4.cloned.1.call-start
scs
__scs_entry_jumppad:
0x0: {  	(pc) =	sbr.rel $0x88, $3  }
0x1: {  	(tag) =	ssettag $0x0;
	lr =	simm.s32 $0x1  }
0x2: {  	[smem:$0x3F9F] =	sst lr;
	_ =	strace $0xD0000000  }
0x3: {  	_ = 	snop  }
0x4: {  	_ = 	snop  }
0x5: {  	_ = 	snop  }
0x6: {  	_ = 	snop  }
0x7: {  	_ = 	snop  }
__scs_overlays_trampoline_lowered:
0x8: {  	[smem:$0x3FAE] =	sst s0  }
0x9: {  	[smem:$0x3FAF] =	sst s1  }
0xa: {  	[smem:$0x3FB0] =	sst s2  }
0xb: {  	[smem:$0x3FB1] =	sst s3  }
0xc: {  	[smem:$0x3FB2] =	sst s4  }
0xd: {  	[smem:$0x3FB3] =	sst s5  }
0xe: {  	[smem:$0x3FB4] =	sst s6  }
0xf: {  	[smem:$0x3FB5] =	sst s7  }
0x10: {  	[smem:$0x3FB6] =	sst s8  }
0x11: {  	[smem:$0x3FB7] =	sst s9;
	s0 =	simm.s32 @!p0 $0x0  }
0x12: {  	s1 =	sld [smem:$0x3F9D];
	s0 =	simm.s32 @p0 $0x1  }
0x13: {  	[smem:$0x3FB8] =	sst s0;
	s0 =	simm.s32 @!p1 $0x0  }
0x14: {  	s2 =	sld [smem:$0x3F9C];
	s0 =	simm.s32 @p1 $0x1  }
0x15: {  	[smem:$0x3FB9] =	sst s0;
	s0 =	simm.s32 @!p2 $0x0  }
0x16: {  	s3 =	sld [smem:$0x3FDB];
	s0 =	simm.s32 @p2 $0x1  }
0x17: {  	s4 =	simm.s32 $0x1BF5;
	[smem:$0x3FBB] =	sst s0  }
0x18: {  	s0 =	sld [smem:$0x3F9E];
	_ =	swait.ge [sflag:s4], $0x0  }
0x19: {  	s7 =	sld [smem:$0x3F9F]  }
0x1a: {  	s8 =	sadd.s32 $0xFFFFE003, lr  }
0x1b: {  	s9 =	sadd.s32 $0xFFFFFEF7, lr;
	s5 =	simm.s32 $0xFFFFFFFF;
	p2 =	slt.u32 s8, $0xFFFFF086  }
0x1c: {  	p1 =	slt.u32 s9, $0xF7A;
	s5 =	simm.s32 @!p2 $0x0  }
0x1d: {  	s5 =	simm.s32 @p1 $0x1;
	p0 =	seq.s32 s7, s2  }
0x1e: {  	s7 =	smul.u32 @!p0 $0xF7A, s2;
	p2 =	seq.s32 @!p0 s5, $0x0  }
0x1f: {  	s9 =	smul.u32 $0xF7A, s1;
	s8 =	simm.s32 @!p0 $0x1BF5;
	p2 =	por !p2, p0  }
0x20: {  	[sflag:s8] =	ssyncset.s32 @!p0 $0xFFFFF086;
	s6 =	sadd.s32 @!p0 s3, s7;
	s7 =	simm.s32 @!p0 $0x108  }
0x21: {  	s3 =	sadd.s32 s3, s9;
	s6 =	sadd.s32 @!p0 $0x88, s6;
	s7 =	simm.s32 @p2 $0x1082  }
0x22: {  	[simem:s7], [sflag:s8] =	dma.local @!p0 [hbm:s6], $0xF7A  }
0x23: {  	s9 =	sor.u32 $0xD0000000, s2;
	s6 =	simm.s32 $0x108;
	_ =	swait.ge @!p0 [sflag:s8], $0x0  }
0x24: {  	s3 =	sadd.s32 $0x88, s3;
	s6 =	simm.s32 @!p1 $0x1082;
	[sflag:s4] =	ssyncset.s32 $0xFFFFF086  }
0x25: {  	[simem:s6], [sflag:s4] =	dma.local [hbm:s3], $0xF7A  }
0x26: {  	[smem:$0x3F9F] =	sst s1;
	(tag) =	ssettag s2;
	_ =	strace s9  }
0x27: {  	s1 =	sld [smem:$0x3FAF]  }
0x28: {  	s2 =	sld [smem:$0x3FB0]  }
0x29: {  	s4 =	sld [smem:$0x3FB2]  }
0x2a: {  	p0 =	seq.s32 s5, $0x0;
	s5 =	sld [smem:$0x3FB3]  }
0x2b: {  	s6 =	sld [smem:$0x3FB4]  }
0x2c: {  	s7 =	sld [smem:$0x3FB5]  }
0x2d: {  	s3 =	simm.s32 $0x108;
	s8 =	sld [smem:$0x3FB6]  }
0x2e: {  	s3 =	simm.s32 @!p0 $0x1082;
	s9 =	sld [smem:$0x3FB7]  }
0x2f: {  	lr =	sadd.s32 s0, s3;
	s0 =	sld [smem:$0x3FAE]  }
0x30: {  	s3 =	sld [smem:$0x3FB1]  }
0x31: {  	[smem:$0x3FBA] =	sst s10  }
0x32: {  	s10 =	sld [smem:$0x3FB8];
	_ =	sdelay $0x3  }
0x33: {  	p0 =	seq.s32 s10, $0x1;
	s10 =	sld [smem:$0x3FBA];
	_ =	sdelay $0x3  }
0x34: {  	[smem:$0x3FBA] =	sst s10  }
0x35: {  	s10 =	sld [smem:$0x3FB9];
	_ =	sdelay $0x3  }
0x36: {  	p1 =	seq.s32 s10, $0x1;
	s10 =	sld [smem:$0x3FBA];
	_ =	sdelay $0x3  }
0x37: {  	[smem:$0x3FBA] =	sst s10  }
0x38: {  	s10 =	sld [smem:$0x3FBB]  }
0x39: {  	_ = 	snop;
	(pc) =	sbr.ind lr, $3  }
0x3a: {  	_ = 	snop  }
0x3b: {  	_ = 	snop  }
0x3c: {  	p2 =	seq.s32 s10, $0x1;
	s10 =	sld [smem:$0x3FBA]  }
0x3d: {  	_ =	shalt  }
0x3e: {  	_ =	shalt  }
0x3f: {  	_ =	shalt  }
0x40: {  	_ =	shalt  }
0x41: {  	_ =	shalt  }
0x42: {  	_ =	shalt  }
0x43: {  	_ =	shalt  }
0x44: {  	_ =	shalt  }
0x45: {  	_ =	shalt  }
0x46: {  	_ =	shalt  }
0x47: {  	_ =	shalt  }
0x48: {  	_ =	shalt  }
0x49: {  	_ =	shalt  }
0x4a: {  	_ =	shalt  }
0x4b: {  	_ =	shalt  }
0x4c: {  	_ =	shalt  }
0x4d: {  	_ =	shalt  }
0x4e: {  	_ =	shalt  }
0x4f: {  	_ =	shalt  }
0x50: {  	_ =	shalt  }
0x51: {  	_ =	shalt  }
0x52: {  	_ =	shalt  }
0x53: {  	_ =	shalt  }
0x54: {  	_ =	shalt  }
0x55: {  	_ =	shalt  }
0x56: {  	_ =	shalt  }
0x57: {  	_ =	shalt  }
0x58: {  	_ =	shalt  }
0x59: {  	_ =	shalt  }
0x5a: {  	_ =	shalt  }
0x5b: {  	_ =	shalt  }
0x5c: {  	_ =	shalt  }
0x5d: {  	_ =	shalt  }
0x5e: {  	_ =	shalt  }
0x5f: {  	_ =	shalt  }
0x60: {  	_ =	shalt  }
0x61: {  	_ =	shalt  }
0x62: {  	_ =	shalt  }
0x63: {  	_ =	shalt  }
0x64: {  	_ =	shalt  }
0x65: {  	_ =	shalt  }
0x66: {  	_ =	shalt  }
0x67: {  	_ =	shalt  }
0x68: {  	_ =	shalt  }
0x69: {  	_ =	shalt  }
0x6a: {  	_ =	shalt  }
0x6b: {  	_ =	shalt  }
0x6c: {  	_ =	shalt  }
0x6d: {  	_ =	shalt  }
0x6e: {  	_ =	shalt  }
0x6f: {  	_ =	shalt  }
0x70: {  	_ =	shalt  }
0x71: {  	_ =	shalt  }
0x72: {  	_ =	shalt  }
0x73: {  	_ =	shalt  }
0x74: {  	_ =	shalt  }
0x75: {  	_ =	shalt  }
0x76: {  	_ =	shalt  }
0x77: {  	_ =	shalt  }
0x78: {  	_ =	shalt  }
0x79: {  	_ =	shalt  }
0x7a: {  	_ =	shalt  }
0x7b: {  	_ =	shalt  }
0x7c: {  	_ =	shalt  }
0x7d: {  	_ =	shalt  }
0x7e: {  	_ =	shalt  }
0x7f: {  	_ =	shalt  }
0x80: {  	_ =	shalt  }
0x81: {  	_ =	shalt  }
0x82: {  	_ =	shalt  }
0x83: {  	_ =	shalt  }
0x84: {  	_ =	shalt  }
0x85: {  	_ =	shalt  }
0x86: {  	_ =	shalt  }
0x87: {  	_ =	shalt  }
.Lfunc_end0:
.L_simem_size_0:
called_computation_lowered:
.L_overlay_start_0:
0x88: {  	s2 =	sld [smem:$0x3FD9]  }
0x89: {  	s3 =	sld [smem:$0x3FFE];
	_ =	sdelay $0x1  }
0x8a: {  	s1 =	srdreg.scid  }
0x8b: {  	s0 =	sand.u32 $0x1, s1  }
0x8c: {  	s17 =	sshll.u32 s0, $0xA;
	s2 =	sadd.s32 s3, s2  }
0x8d: {  	s2 =	sadd.s32 s2, s17  }
0x8e: {  	[smem:$0x3FC6] =	sst s2  }
0x8f: {  	_ = 	snop  }
0x90: {  	s2 =	sld [smem:$0x3FD0];
	(tm) =	ssettm $0x1  }
0x91: {  	s18 =	sld [smem:$0x3FFB];
	_ =	sdelay $0x3  }
0x92: {  	_ =	strace s18  }
0x93: {  	s3 =	sld [smem:$0x3FFC];
	_ =	sdelay $0x3  }
0x94: {  	_ =	strace s3  }
0x95: {  	s3 =	sld [smem:$0x3FFD];
	_ =	sdelay $0x3  }
0x96: {  	_ =	strace s3  }
0x97: {  	_ =	strace $0x8FFFFFFF  }
0x98: {  	s19 =	sld [smem:$0x3FDB];
	_ =	sdelay $0x1  }
0x99: {  	s4 =	simm.s32 $_scs_section_size  }
0x9a: {  	s5 =	simm.s32 $_size__tile_overlayer_lowered;
	s6 =	simm.s32 $_tile_overlayer_lowered  }
0x9b: {  	s22 =	simm.s32 $0x1BFF;
	s21 =	sshll.u32 s6, $0x1;
	s3 =	sadd.s32 s4, s19  }
0x9c: {  	s7 =	simm.s32 $0x0;
	s20 =	sshll.u32 s5, $0x1;
	s5 =	sadd.s32 s21, s3  }
0x9d: {  	[timem:s7], [sflag:s22] =	dma.local [hbm:s5], s20  }
0x9e: {  	_ =	swait.ge [sflag:s22], s20  }
0x9f: {  	s4 =	ssub.s32 $0x0, s20;
	[sflag:s22] =	ssyncset.done $0x0  }
0xa0: {  	[sflag:s22] =	ssyncadd.s32 s4;
	_ =	sdelay $0x1  }
0xa1: {  	s23 =	simm.s32 $0x1B8B  }
0xa2: {  	_ =	swait.ge [sflag:s23], $0x1  }
0xa3: {  	[sflag:s23] =	ssyncset.done $0x0  }
0xa4: {  	s25 =	simm.s32 $0x1B8E;
	s24 =	sld [smem:$0x3FFE];
	[sflag:s23] =	ssyncadd.s32 $0xFFFFFFFF  }
0xa5: {  	s26 =	simm.s32 $execute0_lowered;
	[smem:$0x3FD2] =	sst s25  }
0xa6: {  	s5 =	sshll.u32 s26, $0x1;
	_ =	strace $0x80000046;
	[dreg:$0x1] =	wrdreg $0xFFFFFFFF  }
0xa7: {  	s28 =	simm.s32 $_size_execute0_lowered;
	s3 =	sadd.s32 s3, s5;
	[dreg:$0x0] =	wrdreg $0x0  }
0xa8: {  	s5 =	sshll.u32 s28, $0x1;
	[dreg:$0x2] =	wrdreg s3  }
0xa9: {  	[dreg:$0x3] =	wrdreg s5  }
0xaa: {  	[dreg:$0x4] =	wrdreg $0xC0  }
0xab: {  	_ =	task [dreg:s7], $0x5FFFF  }
0xac: {  	[dreg:$0x1] =	wrdreg $0xFFFFFFFF  }
0xad: {  	[dreg:$0x0] =	wrdreg $0x60  }
0xae: {  	[dreg:$0x2] =	wrdreg s24  }
0xaf: {  	[dreg:$0x3] =	wrdreg s2  }
0xb0: {  	[dreg:$0x4] =	wrdreg $0x9  }
0xb1: {  	_ =	task.clear_ibuf [dreg:s7], $0x5FFFF;
	_ =	strace $0x90000046  }
0xb2: {  	s29 =	simm.s32 $0x9;
	_ =	strace $0x80000048  }
0xb3: {  	_ =	swait.ge [sflag:s29], $0x1  }
0xb4: {  	[sflag:s29] =	ssyncadd.s32 $0xFFFFFFFF  }
0xb5: {  	_ =	strace $0x90000048  }
0xb6: {  	_ =	sfence  }
0xb7: {  	s30 =	sld [smem:$0x0];
	_ =	sdelay $0x2  }
0xb8: {  	s31 =	sshll.u32 s1, $0xD;
	s1 =	sshrl.u32 s1, $0x2  }
0xb9: {  	s3 =	sand.u32 $0x4000, s31;
	s1 =	sadd.s32 s1, s30  }
0xba: {  	s0 =	sor.u32 s3, s0;
	s1 =	sshll.u32 s1, $0x11  }
0xbb: {  	s0 =	sor.u32 s1, s0  }
0xbc: {  	s0 =	sadd.s32 $0x8F2B, s0  }
0xbd: {  	[sflag:s0] =	ssyncadd.remote.s32 $0x1  }
0xbe: {  	_ =	sfence.sel $0xFFFF  }
0xbf: {  	[dreg:$0x0] =	wrdreg $0xFFFFFFFF;
	(pc) =	sbr.abs _section_cstart, $3  }
0xc0: {  	[dreg:$0x1] =	wrdreg $0xFFFFFFFF  }
0xc1: {  	_ =	task.clear_ibuf [dreg:s7], $0x2FFFF;
	_ =	strace $0x9FFFFFFF  }
0xc2: {  	(tm) =	ssettm $0x7FFFFFFF  }
0xc3: {  	_ =	shalt  }
tec
execute0_lowered:
.L_overlay_start_1:
0x0: {  	(tag) =	ssettag $0x1  }
0x1: {  	s0 =	rddreg [dreg:$0x0];
	s2 =	simm.s32 $0x0;
	s1 =	srdreg.scid  }
0x2: {  	s6 =	stileid.u32;
	[smem:$0x7FF] =	sst s2  }
0x3: {  	s1 =	sand.u32 $0x1, s1;
	s3 =	sadd.s32 $0x800, s0;
	s6 =	sshll.u32 s6, $0xE  }
0x4: {  	s0 =	sadd.s32 $0x40800, s0;
	s4 =	ssub.s32 $0x2, s1;
	s1 =	sshll.u32 s1, $0xD  }
0x5: {  	_ =	strace $0x80000047;
	s5 =	sshrl.u32 s4, $0x1;
	s1 =	sor.u32 s1, s6  }
0x6: {  	s4 =	ssub.s32 s4, s5;
	s20 =	sadd.s32 s3, s1;
	s6 =	sor.u32 $0x400, s1  }
0x7: {  	s5 =	sadd.s32 s0, s1;
	[dreg:$0x3] =	wrdreg s20;
	s7 =	sadd.s32 s3, s6  }
0x8: {  	s21 =	sadd.s32 $0x40000, s5;
	[dreg:$0x4] =	wrdreg s7  }
0x9: {  	s8 =	sadd.s32 $0x80000, s5;
	[dreg:$0x5] =	wrdreg s21  }
0xa: {  	s22 =	sor.u32 $0x800, s1;
	s23 =	sadd.s32 $0xC0000, s5;
	[dreg:$0x6] =	wrdreg s8  }
0xb: {  	s24 =	sadd.s32 s3, s22;
	[dreg:$0x7] =	wrdreg s23  }
0xc: {  	s28 =	simm.s32 $0x12200;
	s6 =	sadd.s32 s0, s6;
	[dreg:$0x8] =	wrdreg s24  }
0xd: {  	s26 =	sor.u32 $0xC00, s1;
	s25 =	sadd.s32 $0x40400, s5;
	[dreg:$0x9] =	wrdreg s6  }
0xe: {  	s10 =	sor.u32 $0x1000, s1;
	s9 =	sadd.s32 s3, s26;
	[dreg:$0xa] =	wrdreg s25  }
0xf: {  	s12 =	sor.u32 $0x1400, s1;
	s11 =	sadd.s32 s3, s10;
	[dreg:$0xb] =	wrdreg s9  }
0x10: {  	s14 =	sor.u32 $0x1800, s1;
	s13 =	sadd.s32 s3, s12;
	[dreg:$0xd] =	wrdreg s11  }
0x11: {  	s1 =	sor.u32 $0x1C00, s1;
	s15 =	sadd.s32 s3, s14;
	[dreg:$0xf] =	wrdreg s13  }
0x12: {  	s29 =	simm.s32 $0x1;
	s3 =	sadd.s32 s3, s1;
	[dreg:$0x11] =	wrdreg s15  }
0x13: {  	s30 =	simm.s32 $0x2;
	s16 =	sadd.s32 s0, s14;
	[dreg:$0x13] =	wrdreg s3  }
0x14: {  	s31 =	simm.s32 $0x0;
	s17 =	sadd.s32 $0x80400, s5;
	[dreg:$0x14] =	wrdreg s16  }
0x15: {  	s18 =	smax.u32 s4, $0x1;
	s19 =	sadd.s32 $0xC0400, s5;
	[dreg:$0x16] =	wrdreg s17  }
0x16: {  	s20 =	sadd.s32 $0x40800, s5;
	s4 =	sadd.s32 $0x81000, s5;
	[dreg:$0x17] =	wrdreg s18  }
0x17: {  	s14 =	sadd.s32 $0x81C00, s5;
	s7 =	sadd.s32 s0, s22;
	[dreg:$0x18] =	wrdreg s19  }
0x18: {  	s6 =	sadd.s32 s0, s26;
	[dreg:$0x19] =	wrdreg s20;
	s21 =	sadd.s32 $0x80800, s5  }
0x19: {  	s22 =	sadd.s32 $0xC0800, s5;
	s23 =	sadd.s32 $0x40C00, s5;
	s24 =	sadd.s32 $0x80C00, s5  }
0x1a: {  	s25 =	sadd.s32 $0xC0C00, s5;
	s26 =	sadd.s32 $0x41000, s5;
	[dreg:$0xc] =	wrdreg s7  }
0x1b: {  	s8 =	sadd.s32 $0x81400, s5;
	s9 =	sadd.s32 $0xC1400, s5;
	[dreg:$0xe] =	wrdreg s6  }
0x1c: {  	s11 =	sadd.s32 $0x81800, s5;
	s13 =	sadd.s32 $0x41C00, s5;
	[dreg:$0x1a] =	wrdreg s21  }
0x1d: {  	s15 =	sadd.s32 $0xC1C00, s5;
	s16 =	simm.s32 $0x4000;
	[dreg:$0x1b] =	wrdreg s22  }
0x1e: {  	s17 =	simm.s32 $0x4;
	s18 =	simm.s32 $0x3;
	[dreg:$0x1c] =	wrdreg s23  }
0x1f: {  	s19 =	simm.s32 $0x2000;
	s20 =	simm.s32 $0x4200;
	[dreg:$0x1d] =	wrdreg s24  }
0x20: {  	s7 =	sadd.s32 s0, s10;
	s6 =	sadd.s32 s0, s12;
	[dreg:$0x1e] =	wrdreg s25  }
0x21: {  	s0 =	sadd.s32 s0, s1;
	[dreg:$0x1f] =	wrdreg s26;
	s10 =	sadd.s32 $0x41800, s5  }
0x22: {  	v0 =	vlaneseq.u32;
	s12 =	sadd.s32 $0xC1800, s5;
	s21 =	simm.s32 $0x6200;
	s22 =	simm.s32 $0x8200  }
0x23: {  	v0 =	vmul.u32 $0x80, v0;
	s23 =	simm.s32 $0xA200;
	s24 =	simm.s32 $0xC200;
	[dreg:$0x10] =	wrdreg s7  }
0x24: {  	v1 =	vimm.f32 $0.0e+00;
	v2 =	vimm.f32 $1.000000000e+00;
	s25 =	simm.s32 $0xE200;
	s26 =	simm.s32 $0x10200;
	[dreg:$0x12] =	wrdreg s6  }
0x25: {  	v3 =	vor.u32 $0x800, v0;
	v4 =	vor.u32 $0x1000, v0;
	v5 =	vor.u32 $0x1800, v0;
	[dreg:$0x15] =	wrdreg s0;
	s6 =	sadd.s32 $0xC1000, s5;
	s7 =	sadd.s32 $0x41400, s5  }
.LBB2_1:
0x26: {  	s0 =	rddreg [dreg:$0x1]  }
0x27: {  	[tilespmem:s16], [sflag:$0x4] =	stream.linear.gather [hbm4b:s0+s2], $0x200, $0x38;
	[tilespmem:$0x14200] =	vst v63  }
0x28: {  	_ =	swait.ge [sflag:s17], $0x200  }
0x29: {  	[sflag:s17] =	ssyncset.done $0x0  }
0x2a: {  	s1 =	rddreg [dreg:$0x3];
	[sflag:s17] =	ssyncadd.s32 $0xFFFFFE00  }
0x2b: {  	[tilespmem:s2], [sflag:$0x3] =	stream.linear.gather [hbm4b:s1+s2], $0x2000, $0x38;
	[tilespmem:$0x14200] =	vst v63  }
0x2c: {  	_ =	swait.ge [sflag:s18], $0x2000  }
0x2d: {  	[sflag:s18] =	ssyncset.done $0x0  }
0x2e: {  	s3 =	rddreg [dreg:$0x4];
	[sflag:s18] =	ssyncadd.s32 $0xFFFFE000  }
0x2f: {  	[tilespmem:s19], [sflag:$0x3] =	stream.linear.gather [hbm4b:s3+s2], $0x2000, $0x38;
	[tilespmem:$0x14200] =	vst v63  }
0x30: {  	s0 =	simm.s32 $0x0;
	s3 =	simm.s32 $0x800  }
.LBB2_2:
0x31: {  	p0 =	sne.s32 s3, $0x1F800;
	[tilespmem:s0+$0x43F0] =	vst v1  }
0x32: {  	[tilespmem:s0+$0x4200] =	vst v1  }
0x33: {  	[tilespmem:s0+$0x4210] =	vst v1  }
0x34: {  	[tilespmem:s0+$0x4220] =	vst v1  }
0x35: {  	[tilespmem:s0+$0x4230] =	vst v1  }
0x36: {  	[tilespmem:s0+$0x4240] =	vst v1  }
0x37: {  	[tilespmem:s0+$0x4250] =	vst v1  }
0x38: {  	[tilespmem:s0+$0x4260] =	vst v1  }
0x39: {  	[tilespmem:s0+$0x4270] =	vst v1  }
0x3a: {  	[tilespmem:s0+$0x4280] =	vst v1  }
0x3b: {  	[tilespmem:s0+$0x4290] =	vst v1  }
0x3c: {  	[tilespmem:s0+$0x42A0] =	vst v1  }
0x3d: {  	[tilespmem:s0+$0x42B0] =	vst v1  }
0x3e: {  	[tilespmem:s0+$0x42C0] =	vst v1  }
0x3f: {  	[tilespmem:s0+$0x42D0] =	vst v1  }
0x40: {  	[tilespmem:s0+$0x42E0] =	vst v1  }
0x41: {  	[tilespmem:s0+$0x42F0] =	vst v1  }
0x42: {  	[tilespmem:s0+$0x4300] =	vst v1  }
0x43: {  	[tilespmem:s0+$0x4310] =	vst v1  }
0x44: {  	[tilespmem:s0+$0x4320] =	vst v1  }
0x45: {  	[tilespmem:s0+$0x4330] =	vst v1  }
0x46: {  	[tilespmem:s0+$0x4340] =	vst v1  }
0x47: {  	[tilespmem:s0+$0x4350] =	vst v1  }
0x48: {  	[tilespmem:s0+$0x4360] =	vst v1  }
0x49: {  	[tilespmem:s0+$0x4370] =	vst v1  }
0x4a: {  	[tilespmem:s0+$0x4380] =	vst v1  }
0x4b: {  	[tilespmem:s0+$0x4390] =	vst v1  }
.Ltmp0:
0x4c: {  	[tilespmem:s0+$0x43A0] =	vst v1;
	(pc) =	sbr.rel @p0 .LBB2_2-.Ltmp0, $4  }
0x4d: {  	[tilespmem:s0+$0x43B0] =	vst v1  }
0x4e: {  	[tilespmem:s0+$0x43C0] =	vst v1  }
0x4f: {  	[tilespmem:s0+$0x43D0] =	vst v1  }
0x50: {  	[tilespmem:s0+$0x43E0] =	vst v1;
	s0 =	sshra.s32 s3, $0x2;
	s3 =	sadd.s32 $0x800, s3  }
0x51: {  	[tilespmem:s0+$0x43F0] =	vst v1  }
0x52: {  	[tilespmem:s0+$0x4200] =	vst v1  }
0x53: {  	[tilespmem:s0+$0x4210] =	vst v1  }
0x54: {  	[tilespmem:s0+$0x4220] =	vst v1  }
0x55: {  	[tilespmem:s0+$0x4230] =	vst v1  }
0x56: {  	[tilespmem:s0+$0x4240] =	vst v1  }
0x57: {  	[tilespmem:s0+$0x4250] =	vst v1  }
0x58: {  	[tilespmem:s0+$0x4260] =	vst v1  }
0x59: {  	[tilespmem:s0+$0x4270] =	vst v1  }
0x5a: {  	[tilespmem:s0+$0x4280] =	vst v1  }
0x5b: {  	[tilespmem:s0+$0x4290] =	vst v1  }
0x5c: {  	[tilespmem:s0+$0x42A0] =	vst v1  }
0x5d: {  	[tilespmem:s0+$0x42B0] =	vst v1  }
0x5e: {  	[tilespmem:s0+$0x42C0] =	vst v1  }
0x5f: {  	[tilespmem:s0+$0x42D0] =	vst v1  }
0x60: {  	[tilespmem:s0+$0x42E0] =	vst v1  }
0x61: {  	[tilespmem:s0+$0x42F0] =	vst v1  }
0x62: {  	[tilespmem:s0+$0x4300] =	vst v1  }
0x63: {  	[tilespmem:s0+$0x4310] =	vst v1  }
0x64: {  	[tilespmem:s0+$0x4320] =	vst v1  }
0x65: {  	[tilespmem:s0+$0x4330] =	vst v1  }
0x66: {  	[tilespmem:s0+$0x4340] =	vst v1  }
0x67: {  	[tilespmem:s0+$0x4350] =	vst v1;
	s1 =	simm.s32 $0x0  }
0x68: {  	[tilespmem:s0+$0x4360] =	vst v1;
	v6 =	vmov s1  }
0x69: {  	[tilespmem:s0+$0x4370] =	vst v1;
	v6 =	vand.u32 $0x7F, v6  }
0x6a: {  	[tilespmem:s0+$0x4380] =	vst v1;
	v6 =	vbroadcast v6, $0x0  }
0x6b: {  	[tilespmem:s0+$0x4390] =	vst v1  }
0x6c: {  	[tilespmem:s0+$0x43A0] =	vst v1;
	v7 =	vor.u32 v0, v6  }
0x6d: {  	[tilespmem:s0+$0x43B0] =	vst v1;
	v8 =	vor.u32 v3, v6  }
0x6e: {  	[tilespmem:s0+$0x43C0] =	vst v1;
	s1 =	simm.s32 $0x1  }
0x6f: {  	[tilespmem:s0+$0x43D0] =	vst v1;
	v10 =	vmov s1  }
0x70: {  	[tilespmem:s0+$0x43E0] =	vst v1;
	v10 =	vand.u32 $0x7F, v10;
	v9 =	vor.u32 v5, v6  }
0x71: {  	v10 =	vbroadcast v10, $0x0;
	v7 =	vld.idx.msk [tilespmem:v7+s2+$0x0], $0xffff  }
0x72: {  	v6 =	vor.u32 v4, v6;
	v8 =	vld.idx.msk [tilespmem:v8+s2+$0x0], $0xffff  }
0x73: {  	v13 =	vor.u32 v5, v10;
	_ =	sdelay $0x1  }
0x74: {  	v9 =	vld.idx.msk [tilespmem:v9+s2+$0x0], $0xffff  }
0x75: {  	v11 =	vor.u32 v0, v10  }
0x76: {  	v12 =	vor.u32 v3, v10;
	v6 =	vld.idx.msk [tilespmem:v6+s2+$0x0], $0xffff  }
0x77: {  	v13 =	vld.idx.msk [tilespmem:v13+s2+$0x0], $0xffff  }
0x78: {  	v7 =	vld.idx.msk [tilespmem:v7+s16+$0x0], $0xffff  }
0x79: {  	v14 =	vld.idx.msk [tilespmem:v8+s16+$0x0], $0xffff  }
0x7a: {  	v8 =	vor.u32 v4, v10;
	v10 =	vld.idx.msk [tilespmem:v11+s2+$0x0], $0xffff  }
0x7b: {  	s3 =	simm.s32 $0x2;
	v11 =	vld.idx.msk [tilespmem:v12+s2+$0x0], $0xffff  }
0x7c: {  	v12 =	vmov s3;
	v9 =	vld.idx.msk [tilespmem:v9+s16+$0x0], $0xffff  }
0x7d: {  	v12 =	vand.u32 $0x7F, v12  }
0x7e: {  	v17 =	vld.idx.msk [tilespmem:v6+s16+$0x0], $0xffff;
	v12 =	vbroadcast v12, $0x0;
	_ =	sdelay $0x1  }
0x7f: {  	v19 =	vor.u32 v0, v12;
	v15 =	vor.u32 v5, v12;
	v6 =	vshll.u32 v7, $0x6;
	v18 =	vld.idx.msk [tilespmem:v8+s2+$0x0], $0xffff  }
0x80: {  	v7 =	vand.u32 $0x7F, v7;
	v8 =	vshll.u32 v9, $0x6;
	v6 =	vand.u32 $0xFFFFE000, v6  }
0x81: {  	v20 =	vand.u32 $0x7F, v14;
	v6 =	vor.u32 v6, v7;
	v7 =	vor.u32 v3, v12;
	v16 =	vld.idx.msk [tilespmem:v10+s16+$0x0], $0xffff  }
0x82: {  	v9 =	vand.u32 $0x7F, v9;
	v22 =	vshll.u32 v17, $0x6;
	v10 =	vand.u32 $0xFFFFE000, v8;
	v8 =	vld.idx.msk [tilespmem:v11+s16+$0x0], $0xffff  }
0x83: {  	v17 =	vand.u32 $0x7F, v17;
	v63 =	vand.u32 $0xFFFFE000, v22;
	v11 =	vld.idx.msk [tilespmem:v13+s16+$0x0], $0xffff;
	v9 =	vor.u32 v10, v9  }
0x84: {  	v21 =	vshll.u32 v14, $0x6;
	v13 =	vld.idx.msk [tilespmem:v19+s2+$0x0], $0xffff;
	v19 =	vor.u32 v63, v17;
	v17 =	vor.u32 v5, v9  }
0x85: {  	v14 =	vor.u32 v4, v12;
	v12 =	vand.u32 $0xFFFFE000, v21;
	v6 =	vor.u32 v0, v6  }
0x86: {  	v12 =	vor.u32 v12, v20;
	v10 =	vld.idx.msk [tilespmem:v7+s2+$0x0], $0xffff  }
0x87: {  	s0 =	simm.s32 $0x8;
	s1 =	simm.s32 $0x3;
	v9 =	vor.u32 v4, v19;
	v7 =	vor.u32 v3, v12;
	v12 =	vld.idx.msk [tilespmem:v18+s16+$0x0], $0xffff  }
.LBB2_4:
0x88: {  	v18 =	vmov s1;
	s0 =	sadd.s32 $0x4, s0;
	v19 =	vld.idx.msk [tilespmem:v15+s2+$0x0], $0xffff;
	v15 =	vshll.u32 v16, $0x6  }
0x89: {  	v16 =	vand.u32 $0x7F, v16;
	v18 =	vand.u32 $0x7F, v18;
	p0 =	slt.u32 s0, $0xC4;
	v15 =	vand.u32 $0xFFFFE000, v15;
	[tilespmem:v17+s20+$0x0] =	vst.idx.add.f32.msk $0xffff, v2  }
0x8a: {  	v17 =	vbroadcast v18, $0x0;
	v15 =	vor.u32 v15, v16;
	v16 =	vshll.u32 v11, $0x6;
	[tilespmem:v6+s20+$0x0] =	vst.idx.add.f32.msk $0xffff, v2  }
0x8b: {  	v20 =	vand.u32 $0x7F, v8;
	v18 =	vld.idx.msk [tilespmem:v14+s2+$0x0], $0xffff;
	v6 =	vor.u32 v0, v15;
	v21 =	vand.u32 $0xFFFFE000, v16  }
0x8c: {  	v11 =	vand.u32 $0x7F, v11;
	v22 =	vor.u32 v0, v17;
	v15 =	vor.u32 v5, v17;
	[tilespmem:v9+s20+$0x0] =	vst.idx.add.f32.msk $0xffff, v2  }
0x8d: {  	v8 =	vshll.u32 v8, $0x6;
	v23 =	vor.u32 v3, v17;
	v9 =	vshll.u32 v12, $0x6;
	[tilespmem:v7+s20+$0x0] =	vst.idx.add.f32.msk $0xffff, v2  }
0x8e: {  	v14 =	vor.u32 v4, v17;
	v7 =	vand.u32 $0xFFFFE000, v8;
	v9 =	vand.u32 $0xFFFFE000, v9;
	v16 =	vld.idx.msk [tilespmem:v13+s16+$0x0], $0xffff  }
.Ltmp1:
0x8f: {  	v7 =	vor.u32 v7, v20;
	v8 =	vld.idx.msk [tilespmem:v10+s16+$0x0], $0xffff;
	v10 =	vand.u32 $0x7F, v12;
	v12 =	vor.u32 v21, v11;
	(pc) =	sbr.rel @p0 .LBB2_4-.Ltmp1, $4  }
0x90: {  	v7 =	vor.u32 v3, v7;
	v11 =	vld.idx.msk [tilespmem:v19+s16+$0x0], $0xffff;
	v9 =	vor.u32 v9, v10;
	v17 =	vor.u32 v5, v12  }
0x91: {  	v13 =	vld.idx.msk [tilespmem:v22+s2+$0x0], $0xffff;
	v9 =	vor.u32 v4, v9  }
0x92: {  	v10 =	vld.idx.msk [tilespmem:v23+s2+$0x0], $0xffff  }
0x93: {  	s1 =	sadd.s32 $0x1, s1;
	v12 =	vld.idx.msk [tilespmem:v18+s16+$0x0], $0xffff  }
0x94: {  	_ =	sdelay $0x3  }
0x95: {  	v15 =	vld.idx.msk [tilespmem:v15+s2+$0x0], $0xffff  }
0x96: {  	v14 =	vld.idx.msk [tilespmem:v14+s2+$0x0], $0xffff;
	_ =	sdelay $0x1  }
0x97: {  	v18 =	vshll.u32 v16, $0x6  }
0x98: {  	v53 =	vand.u32 $0x7F, v16;
	v19 =	vand.u32 $0x7F, v8;
	v55 =	vshll.u32 v8, $0x6;
	v13 =	vld.idx.msk [tilespmem:v13+s16+$0x0], $0xffff  }
0x99: {  	v18 =	vand.u32 $0xFFFFE000, v18;
	v54 =	vshll.u32 v11, $0x6;
	v56 =	vand.u32 $0x7F, v11;
	v10 =	vld.idx.msk [tilespmem:v10+s16+$0x0], $0xffff  }
0x9a: {  	v8 =	vand.u32 $0xFFFFE000, v55;
	v16 =	vor.u32 v18, v53;
	v18 =	vand.u32 $0xFFFFE000, v54  }
0x9b: {  	v8 =	vor.u32 v8, v19;
	v11 =	vor.u32 v18, v56;
	v57 =	vshll.u32 v12, $0x6  }
0x9c: {  	v16 =	vor.u32 v0, v16;
	v58 =	vand.u32 $0x7F, v12;
	v18 =	vand.u32 $0xFFFFE000, v57;
	v15 =	vld.idx.msk [tilespmem:v15+s16+$0x0], $0xffff  }
0x9d: {  	v8 =	vor.u32 v3, v8;
	v11 =	vor.u32 v5, v11;
	v12 =	vor.u32 v18, v58;
	v14 =	vld.idx.msk [tilespmem:v14+s16+$0x0], $0xffff  }
0x9e: {  	[tilespmem:v17+s20+$0x0] =	vst.idx.add.f32.msk $0xffff, v2;
	v59 =	vshll.u32 v13, $0x6;
	v13 =	vand.u32 $0x7F, v13;
	v62 =	vshll.u32 v10, $0x6  }
0x9f: {  	[tilespmem:v9+s20+$0x0] =	vst.idx.add.f32.msk $0xffff, v2;
	v18 =	vand.u32 $0xFFFFE000, v59;
	v10 =	vand.u32 $0x7F, v10;
	v9 =	vand.u32 $0xFFFFE000, v62  }
0xa0: {  	v12 =	vor.u32 v4, v12;
	v13 =	vor.u32 v18, v13;
	v9 =	vor.u32 v9, v10  }
0xa1: {  	[tilespmem:v6+s20+$0x0] =	vst.idx.add.f32.msk $0xffff, v2;
	v6 =	vor.u32 v0, v13;
	v9 =	vor.u32 v3, v9;
	v60 =	vshll.u32 v15, $0x6  }
0xa2: {  	[tilespmem:v7+s20+$0x0] =	vst.idx.add.f32.msk $0xffff, v2;
	v15 =	vand.u32 $0x7F, v15;
	v63 =	vshll.u32 v14, $0x6;
	v61 =	vand.u32 $0xFFFFE000, v60  }
0xa3: {  	[tilespmem:v16+s20+$0x0] =	vst.idx.add.f32.msk $0xffff, v2;
	v14 =	vand.u32 $0x7F, v14;
	v7 =	vand.u32 $0xFFFFE000, v63;
	v13 =	vor.u32 v61, v15  }
0xa4: {  	[tilespmem:v8+s20+$0x0] =	vst.idx.add.f32.msk $0xffff, v2;
	v7 =	vor.u32 v7, v14;
	v13 =	vor.u32 v5, v13  }
0xa5: {  	[tilespmem:v11+s20+$0x0] =	vst.idx.add.f32.msk $0xffff, v2;
	v7 =	vor.u32 v4, v7  }
0xa6: {  	[tilespmem:v12+s20+$0x0] =	vst.idx.add.f32.msk $0xffff, v2  }
0xa7: {  	[tilespmem:v6+s20+$0x0] =	vst.idx.add.f32.msk $0xffff, v2  }
0xa8: {  	[tilespmem:v9+s20+$0x0] =	vst.idx.add.f32.msk $0xffff, v2  }
0xa9: {  	[tilespmem:v13+s20+$0x0] =	vst.idx.add.f32.msk $0xffff, v2  }
0xaa: {  	s3 =	simm.s32 $0x0;
	[tilespmem:v7+s20+$0x0] =	vst.idx.add.f32.msk $0xffff, v2  }
0xab: {  	[hbm4b:s5+s3] =	stream.linear.scatter [tilespmem:s20], [sflag:$0x1], $0x2000, $0x38;
	[tilespmem:$0x14200] =	vst v63  }
0xac: {  	s0 =	rddreg [dreg:$0x5]  }
0xad: {  	[hbm4b:s0+s3] =	stream.linear.scatter [tilespmem:s21], [sflag:$0x1], $0x2000, $0x38;
	[tilespmem:$0x14200] =	vst v63  }
0xae: {  	s1 =	rddreg [dreg:$0x6]  }
0xaf: {  	[hbm4b:s1+s3] =	stream.linear.scatter [tilespmem:s22], [sflag:$0x1], $0x2000, $0x38;
	[tilespmem:$0x14200] =	vst v63  }
0xb0: {  	s1 =	rddreg [dreg:$0x7]  }
0xb1: {  	[hbm4b:s1+s3] =	stream.linear.scatter [tilespmem:s23], [sflag:$0x1], $0x2000, $0x38;
	[tilespmem:$0x14200] =	vst v63  }
0xb2: {  	_ =	swait.ge [sflag:s18], $0x2000  }
0xb3: {  	[sflag:s18] =	ssyncset.done $0x0  }
0xb4: {  	s1 =	rddreg [dreg:$0x8];
	[sflag:s18] =	ssyncadd.s32 $0xFFFFE000  }
0xb5: {  	[tilespmem:s3], [sflag:$0x3] =	stream.linear.gather [hbm4b:s1+s3], $0x2000, $0x38;
	[tilespmem:$0x14200] =	vst v63  }
0xb6: {  	s0 =	simm.s32 $0x0;
	s1 =	simm.s32 $0x800  }
.LBB2_6:
0xb7: {  	p0 =	sne.s32 s1, $0x1F800;
	[tilespmem:s0+$0xC3F0] =	vst v1  }
0xb8: {  	[tilespmem:s0+$0xC200] =	vst v1  }
0xb9: {  	[tilespmem:s0+$0xC210] =	vst v1  }
0xba: {  	[tilespmem:s0+$0xC220] =	vst v1  }
0xbb: {  	[tilespmem:s0+$0xC230] =	vst v1  }
0xbc: {  	[tilespmem:s0+$0xC240] =	vst v1  }
0xbd: {  	[tilespmem:s0+$0xC250] =	vst v1  }
0xbe: {  	[tilespmem:s0+$0xC260] =	vst v1  }
0xbf: {  	[tilespmem:s0+$0xC270] =	vst v1  }
0xc0: {  	[tilespmem:s0+$0xC280] =	vst v1  }
0xc1: {  	[tilespmem:s0+$0xC290] =	vst v1  }
0xc2: {  	[tilespmem:s0+$0xC2A0] =	vst v1  }
0xc3: {  	[tilespmem:s0+$0xC2B0] =	vst v1  }
0xc4: {  	[tilespmem:s0+$0xC2C0] =	vst v1  }
0xc5: {  	[tilespmem:s0+$0xC2D0] =	vst v1  }
0xc6: {  	[tilespmem:s0+$0xC2E0] =	vst v1  }
0xc7: {  	[tilespmem:s0+$0xC2F0] =	vst v1  }
0xc8: {  	[tilespmem:s0+$0xC300] =	vst v1  }
0xc9: {  	[tilespmem:s0+$0xC310] =	vst v1  }
0xca: {  	[tilespmem:s0+$0xC320] =	vst v1  }
0xcb: {  	[tilespmem:s0+$0xC330] =	vst v1  }
0xcc: {  	[tilespmem:s0+$0xC340] =	vst v1  }
0xcd: {  	[tilespmem:s0+$0xC350] =	vst v1  }
0xce: {  	[tilespmem:s0+$0xC360] =	vst v1  }
0xcf: {  	[tilespmem:s0+$0xC370] =	vst v1  }
0xd0: {  	[tilespmem:s0+$0xC380] =	vst v1  }
0xd1: {  	[tilespmem:s0+$0xC390] =	vst v1  }
.Ltmp2:
0xd2: {  	[tilespmem:s0+$0xC3A0] =	vst v1;
	(pc) =	sbr.rel @p0 .LBB2_6-.Ltmp2, $4  }
0xd3: {  	[tilespmem:s0+$0xC3B0] =	vst v1  }
0xd4: {  	[tilespmem:s0+$0xC3C0] =	vst v1  }
0xd5: {  	[tilespmem:s0+$0xC3D0] =	vst v1  }
0xd6: {  	[tilespmem:s0+$0xC3E0] =	vst v1;
	s0 =	sshra.s32 s1, $0x2;
	s1 =	sadd.s32 $0x800, s1  }
0xd7: {  	[tilespmem:s0+$0xC3F0] =	vst v1  }
0xd8: {  	[tilespmem:s0+$0xC200] =	vst v1  }
0xd9: {  	[tilespmem:s0+$0xC210] =	vst v1  }
0xda: {  	[tilespmem:s0+$0xC220] =	vst v1  }
0xdb: {  	[tilespmem:s0+$0xC230] =	vst v1  }
0xdc: {  	[tilespmem:s0+$0xC240] =	vst v1  }
0xdd: {  	[tilespmem:s0+$0xC250] =	vst v1  }
0xde: {  	[tilespmem:s0+$0xC260] =	vst v1  }
0xdf: {  	[tilespmem:s0+$0xC270] =	vst v1  }
0xe0: {  	[tilespmem:s0+$0xC280] =	vst v1  }
0xe1: {  	[tilespmem:s0+$0xC290] =	vst v1  }
0xe2: {  	[tilespmem:s0+$0xC2A0] =	vst v1  }
0xe3: {  	[tilespmem:s0+$0xC2B0] =	vst v1  }
0xe4: {  	[tilespmem:s0+$0xC2C0] =	vst v1  }
0xe5: {  	[tilespmem:s0+$0xC2D0] =	vst v1  }
0xe6: {  	[tilespmem:s0+$0xC2E0] =	vst v1  }
0xe7: {  	[tilespmem:s0+$0xC2F0] =	vst v1  }
0xe8: {  	[tilespmem:s0+$0xC300] =	vst v1  }
0xe9: {  	[tilespmem:s0+$0xC310] =	vst v1  }
0xea: {  	[tilespmem:s0+$0xC320] =	vst v1  }
0xeb: {  	[tilespmem:s0+$0xC330] =	vst v1  }
0xec: {  	[tilespmem:s0+$0xC340] =	vst v1  }
0xed: {  	[tilespmem:s0+$0xC350] =	vst v1  }
0xee: {  	[tilespmem:s0+$0xC360] =	vst v1;
	v6 =	vmov s3  }
0xef: {  	[tilespmem:s0+$0xC370] =	vst v1;
	v6 =	vand.u32 $0x7F, v6  }
0xf0: {  	[tilespmem:s0+$0xC380] =	vst v1;
	v6 =	vbroadcast v6, $0x0  }
0xf1: {  	[tilespmem:s0+$0xC390] =	vst v1  }
0xf2: {  	[tilespmem:s0+$0xC3A0] =	vst v1;
	v7 =	vor.u32 v0, v6  }
0xf3: {  	[tilespmem:s0+$0xC3B0] =	vst v1;
	v8 =	vor.u32 v3, v6  }
0xf4: {  	[tilespmem:s0+$0xC3C0] =	vst v1;
	s1 =	simm.s32 $0x1  }
0xf5: {  	[tilespmem:s0+$0xC3D0] =	vst v1;
	v10 =	vmov s1  }
0xf6: {  	[tilespmem:s0+$0xC3E0] =	vst v1;
	v10 =	vand.u32 $0x7F, v10;
	v9 =	vor.u32 v5, v6  }
0xf7: {  	v10 =	vbroadcast v10, $0x0;
	v7 =	vld.idx.msk [tilespmem:v7+s19+$0x0], $0xffff  }
0xf8: {  	v6 =	vor.u32 v4, v6;
	v8 =	vld.idx.msk [tilespmem:v8+s19+$0x0], $0xffff  }
0xf9: {  	v13 =	vor.u32 v5, v10;
	_ =	sdelay $0x1  }
0xfa: {  	v9 =	vld.idx.msk [tilespmem:v9+s19+$0x0], $0xffff  }
0xfb: {  	v11 =	vor.u32 v0, v10  }
0xfc: {  	v12 =	vor.u32 v3, v10;
	v6 =	vld.idx.msk [tilespmem:v6+s19+$0x0], $0xffff  }
0xfd: {  	v13 =	vld.idx.msk [tilespmem:v13+s19+$0x0], $0xffff  }
0xfe: {  	v7 =	vld.idx.msk [tilespmem:v7+s16+$0x0], $0xffff  }
0xff: {  	v14 =	vld.idx.msk [tilespmem:v8+s16+$0x0], $0xffff  }
0x100: {  	v8 =	vor.u32 v4, v10;
	v10 =	vld.idx.msk [tilespmem:v11+s19+$0x0], $0xffff  }
0x101: {  	s3 =	simm.s32 $0x2;
	v11 =	vld.idx.msk [tilespmem:v12+s19+$0x0], $0xffff  }
0x102: {  	v12 =	vmov s3;
	v9 =	vld.idx.msk [tilespmem:v9+s16+$0x0], $0xffff  }
0x103: {  	v12 =	vand.u32 $0x7F, v12  }
0x104: {  	v17 =	vld.idx.msk [tilespmem:v6+s16+$0x0], $0xffff;
	v12 =	vbroadcast v12, $0x0;
	_ =	sdelay $0x1  }
0x105: {  	v19 =	vor.u32 v0, v12;
	v15 =	vor.u32 v5, v12;
	v6 =	vshll.u32 v7, $0x6;
	v18 =	vld.idx.msk [tilespmem:v8+s19+$0x0], $0xffff  }
0x106: {  	v7 =	vand.u32 $0x7F, v7;
	v8 =	vshll.u32 v9, $0x6;
	v6 =	vand.u32 $0xFFFFE000, v6  }
0x107: {  	v20 =	vand.u32 $0x7F, v14;
	v6 =	vor.u32 v6, v7;
	v7 =	vor.u32 v3, v12;
	v16 =	vld.idx.msk [tilespmem:v10+s16+$0x0], $0xffff  }
0x108: {  	v9 =	vand.u32 $0x7F, v9;
	v22 =	vshll.u32 v17, $0x6;
	v10 =	vand.u32 $0xFFFFE000, v8;
	v8 =	vld.idx.msk [tilespmem:v11+s16+$0x0], $0xffff  }
0x109: {  	v17 =	vand.u32 $0x7F, v17;
	v63 =	vand.u32 $0xFFFFE000, v22;
	v11 =	vld.idx.msk [tilespmem:v13+s16+$0x0], $0xffff;
	v9 =	vor.u32 v10, v9  }
0x10a: {  	v21 =	vshll.u32 v14, $0x6;
	v13 =	vld.idx.msk [tilespmem:v19+s19+$0x0], $0xffff;
	v19 =	vor.u32 v63, v17;
	v17 =	vor.u32 v5, v9  }
0x10b: {  	v14 =	vor.u32 v4, v12;
	v12 =	vand.u32 $0xFFFFE000, v21;
	v6 =	vor.u32 v0, v6  }
0x10c: {  	v12 =	vor.u32 v12, v20;
	v10 =	vld.idx.msk [tilespmem:v7+s19+$0x0], $0xffff  }
0x10d: {  	s0 =	simm.s32 $0x8;
	s1 =	simm.s32 $0x3;
	v9 =	vor.u32 v4, v19;
	v7 =	vor.u32 v3, v12;
	v12 =	vld.idx.msk [tilespmem:v18+s16+$0x0], $0xffff  }
.LBB2_8:
0x10e: {  	v18 =	vmov s1;
	s0 =	sadd.s32 $0x4, s0;
	v19 =	vld.idx.msk [tilespmem:v15+s19+$0x0], $0xffff;
	v15 =	vshll.u32 v16, $0x6  }
0x10f: {  	v16 =	vand.u32 $0x7F, v16;
	v18 =	vand.u32 $0x7F, v18;
	p0 =	slt.u32 s0, $0xC4;
	v15 =	vand.u32 $0xFFFFE000, v15;
	[tilespmem:v17+s24+$0x0] =	vst.idx.add.f32.msk $0xffff, v2  }
0x110: {  	v17 =	vbroadcast v18, $0x0;
	v15 =	vor.u32 v15, v16;
	v16 =	vshll.u32 v11, $0x6;
	[tilespmem:v6+s24+$0x0] =	vst.idx.add.f32.msk $0xffff, v2  }
0x111: {  	v20 =	vand.u32 $0x7F, v8;
	v18 =	vld.idx.msk [tilespmem:v14+s19+$0x0], $0xffff;
	v6 =	vor.u32 v0, v15;
	v21 =	vand.u32 $0xFFFFE000, v16  }
0x112: {  	v11 =	vand.u32 $0x7F, v11;
	v22 =	vor.u32 v0, v17;
	v15 =	vor.u32 v5, v17;
	[tilespmem:v9+s24+$0x0] =	vst.idx.add.f32.msk $0xffff, v2  }
0x113: {  	v8 =	vshll.u32 v8, $0x6;
	v23 =	vor.u32 v3, v17;
	v9 =	vshll.u32 v12, $0x6;
	[tilespmem:v7+s24+$0x0] =	vst.idx.add.f32.msk $0xffff, v2  }
0x114: {  	v14 =	vor.u32 v4, v17;
	v7 =	vand.u32 $0xFFFFE000, v8;
	v9 =	vand.u32 $0xFFFFE000, v9;
	v16 =	vld.idx.msk [tilespmem:v13+s16+$0x0], $0xffff  }
.Ltmp3:
0x115: {  	v7 =	vor.u32 v7, v20;
	v8 =	vld.idx.msk [tilespmem:v10+s16+$0x0], $0xffff;
	v10 =	vand.u32 $0x7F, v12;
	v12 =	vor.u32 v21, v11;
	(pc) =	sbr.rel @p0 .LBB2_8-.Ltmp3, $4  }
0x116: {  	v7 =	vor.u32 v3, v7;
	v11 =	vld.idx.msk [tilespmem:v19+s16+$0x0], $0xffff;
	v9 =	vor.u32 v9, v10;
	v17 =	vor.u32 v5, v12  }
0x117: {  	v13 =	vld.idx.msk [tilespmem:v22+s19+$0x0], $0xffff;
	v9 =	vor.u32 v4, v9  }
0x118: {  	v10 =	vld.idx.msk [tilespmem:v23+s19+$0x0], $0xffff  }
0x119: {  	s1 =	sadd.s32 $0x1, s1;
	v12 =	vld.idx.msk [tilespmem:v18+s16+$0x0], $0xffff  }
0x11a: {  	_ =	sdelay $0x3  }
0x11b: {  	v15 =	vld.idx.msk [tilespmem:v15+s19+$0x0], $0xffff  }
0x11c: {  	v14 =	vld.idx.msk [tilespmem:v14+s19+$0x0], $0xffff;
	_ =	sdelay $0x1  }
0x11d: {  	v18 =	vshll.u32 v16, $0x6  }
0x11e: {  	v53 =	vand.u32 $0x7F, v16;
	v19 =	vand.u32 $0x7F, v8;
	v55 =	vshll.u32 v8, $0x6;
	v13 =	vld.idx.msk [tilespmem:v13+s16+$0x0], $0xffff  }
0x11f: {  	v18 =	vand.u32 $0xFFFFE000, v18;
	v54 =	vshll.u32 v11, $0x6;
	v56 =	vand.u32 $0x7F, v11;
	v10 =	vld.idx.msk [tilespmem:v10+s16+$0x0], $0xffff  }
0x120: {  	v8 =	vand.u32 $0xFFFFE000, v55;
	v16 =	vor.u32 v18, v53;
	v18 =	vand.u32 $0xFFFFE000, v54  }
0x121: {  	v8 =	vor.u32 v8, v19;
	v11 =	vor.u32 v18, v56;
	v57 =	vshll.u32 v12, $0x6  }
0x122: {  	v16 =	vor.u32 v0, v16;
	v58 =	vand.u32 $0x7F, v12;
	v18 =	vand.u32 $0xFFFFE000, v57;
	v15 =	vld.idx.msk [tilespmem:v15+s16+$0x0], $0xffff  }
0x123: {  	v8 =	vor.u32 v3, v8;
	v11 =	vor.u32 v5, v11;
	v12 =	vor.u32 v18, v58;
	v14 =	vld.idx.msk [tilespmem:v14+s16+$0x0], $0xffff  }
0x124: {  	[tilespmem:v17+s24+$0x0] =	vst.idx.add.f32.msk $0xffff, v2;
	v59 =	vshll.u32 v13, $0x6;
	v13 =	vand.u32 $0x7F, v13;
	v62 =	vshll.u32 v10, $0x6  }
0x125: {  	[tilespmem:v9+s24+$0x0] =	vst.idx.add.f32.msk $0xffff, v2;
	v18 =	vand.u32 $0xFFFFE000, v59;
	v10 =	vand.u32 $0x7F, v10;
	v9 =	vand.u32 $0xFFFFE000, v62  }
0x126: {  	v12 =	vor.u32 v4, v12;
	v13 =	vor.u32 v18, v13;
	v9 =	vor.u32 v9, v10  }
0x127: {  	[tilespmem:v6+s24+$0x0] =	vst.idx.add.f32.msk $0xffff, v2;
	v6 =	vor.u32 v0, v13;
	v9 =	vor.u32 v3, v9;
	v60 =	vshll.u32 v15, $0x6  }
0x128: {  	[tilespmem:v7+s24+$0x0] =	vst.idx.add.f32.msk $0xffff, v2;
	v15 =	vand.u32 $0x7F, v15;
	v63 =	vshll.u32 v14, $0x6;
	v61 =	vand.u32 $0xFFFFE000, v60  }
0x129: {  	[tilespmem:v16+s24+$0x0] =	vst.idx.add.f32.msk $0xffff, v2;
	v14 =	vand.u32 $0x7F, v14;
	v7 =	vand.u32 $0xFFFFE000, v63;
	v13 =	vor.u32 v61, v15  }
0x12a: {  	[tilespmem:v8+s24+$0x0] =	vst.idx.add.f32.msk $0xffff, v2;
	v7 =	vor.u32 v7, v14;
	v13 =	vor.u32 v5, v13  }
0x12b: {  	[tilespmem:v11+s24+$0x0] =	vst.idx.add.f32.msk $0xffff, v2;
	v7 =	vor.u32 v4, v7  }
0x12c: {  	[tilespmem:v12+s24+$0x0] =	vst.idx.add.f32.msk $0xffff, v2  }
0x12d: {  	[tilespmem:v6+s24+$0x0] =	vst.idx.add.f32.msk $0xffff, v2  }
0x12e: {  	[tilespmem:v9+s24+$0x0] =	vst.idx.add.f32.msk $0xffff, v2  }
0x12f: {  	[tilespmem:v13+s24+$0x0] =	vst.idx.add.f32.msk $0xffff, v2  }
0x130: {  	[tilespmem:v7+s24+$0x0] =	vst.idx.add.f32.msk $0xffff, v2  }
0x131: {  	s0 =	simm.s32 $0x0;
	s1 =	rddreg [dreg:$0x9]  }
0x132: {  	[hbm4b:s1+s0] =	stream.linear.scatter [tilespmem:s24], [sflag:$0x2], $0x2000, $0x38;
	[tilespmem:$0x14200] =	vst v63  }
0x133: {  	s3 =	rddreg [dreg:$0xa]  }
0x134: {  	[hbm4b:s3+s0] =	stream.linear.scatter [tilespmem:s25], [sflag:$0x2], $0x2000, $0x38;
	[tilespmem:$0x14200] =	vst v63  }
0x135: {  	s3 =	rddreg [dreg:$0x16]  }
0x136: {  	[hbm4b:s3+s0] =	stream.linear.scatter [tilespmem:s26], [sflag:$0x2], $0x2000, $0x38;
	[tilespmem:$0x14200] =	vst v63  }
0x137: {  	s3 =	rddreg [dreg:$0x18]  }
0x138: {  	[hbm4b:s3+s0] =	stream.linear.scatter [tilespmem:s28], [sflag:$0x2], $0x2000, $0x38;
	[tilespmem:$0x14200] =	vst v63  }
0x139: {  	_ =	swait.ge [sflag:s18], $0x2000  }
0x13a: {  	[sflag:s18] =	ssyncset.done $0x0  }
0x13b: {  	s3 =	rddreg [dreg:$0xb];
	[sflag:s18] =	ssyncadd.s32 $0xFFFFE000  }
0x13c: {  	[tilespmem:s19], [sflag:$0x3] =	stream.linear.gather [hbm4b:s3+s0], $0x2000, $0x38;
	[tilespmem:$0x14200] =	vst v63  }
0x13d: {  	_ =	swait.ge [sflag:s29], $0x2000  }
0x13e: {  	[sflag:s29] =	ssyncset.done $0x0  }
0x13f: {  	[sflag:s29] =	ssyncadd.s32 $0xFFFFE000  }
0x140: {  	_ =	swait.ge [sflag:s29], $0x2000  }
0x141: {  	[sflag:s29] =	ssyncset.done $0x0  }
0x142: {  	[sflag:s29] =	ssyncadd.s32 $0xFFFFE000  }
0x143: {  	_ =	swait.ge [sflag:s29], $0x2000  }
0x144: {  	[sflag:s29] =	ssyncset.done $0x0  }
0x145: {  	[sflag:s29] =	ssyncadd.s32 $0xFFFFE000  }
0x146: {  	_ =	swait.ge [sflag:s29], $0x2000  }
0x147: {  	[sflag:s29] =	ssyncset.done $0x0  }
0x148: {  	s1 =	simm.s32 $0x800;
	s3 =	simm.s32 $0x0;
	[sflag:s29] =	ssyncadd.s32 $0xFFFFE000  }
.LBB2_10:
0x149: {  	p0 =	sne.s32 s1, $0x1F800;
	[tilespmem:s3+$0x43F0] =	vst v1  }
0x14a: {  	[tilespmem:s3+$0x4200] =	vst v1  }
0x14b: {  	[tilespmem:s3+$0x4210] =	vst v1  }
0x14c: {  	[tilespmem:s3+$0x4220] =	vst v1  }
0x14d: {  	[tilespmem:s3+$0x4230] =	vst v1  }
0x14e: {  	[tilespmem:s3+$0x4240] =	vst v1  }
0x14f: {  	[tilespmem:s3+$0x4250] =	vst v1  }
0x150: {  	[tilespmem:s3+$0x4260] =	vst v1  }
0x151: {  	[tilespmem:s3+$0x4270] =	vst v1  }
0x152: {  	[tilespmem:s3+$0x4280] =	vst v1  }
0x153: {  	[tilespmem:s3+$0x4290] =	vst v1  }
0x154: {  	[tilespmem:s3+$0x42A0] =	vst v1  }
0x155: {  	[tilespmem:s3+$0x42B0] =	vst v1  }
0x156: {  	[tilespmem:s3+$0x42C0] =	vst v1  }
0x157: {  	[tilespmem:s3+$0x42D0] =	vst v1  }
0x158: {  	[tilespmem:s3+$0x42E0] =	vst v1  }
0x159: {  	[tilespmem:s3+$0x42F0] =	vst v1  }
0x15a: {  	[tilespmem:s3+$0x4300] =	vst v1  }
0x15b: {  	[tilespmem:s3+$0x4310] =	vst v1  }
0x15c: {  	[tilespmem:s3+$0x4320] =	vst v1  }
0x15d: {  	[tilespmem:s3+$0x4330] =	vst v1  }
0x15e: {  	[tilespmem:s3+$0x4340] =	vst v1  }
0x15f: {  	[tilespmem:s3+$0x4350] =	vst v1  }
0x160: {  	[tilespmem:s3+$0x4360] =	vst v1  }
0x161: {  	[tilespmem:s3+$0x4370] =	vst v1  }
0x162: {  	[tilespmem:s3+$0x4380] =	vst v1  }
0x163: {  	[tilespmem:s3+$0x4390] =	vst v1  }
.Ltmp4:
0x164: {  	[tilespmem:s3+$0x43A0] =	vst v1;
	(pc) =	sbr.rel @p0 .LBB2_10-.Ltmp4, $4  }
0x165: {  	[tilespmem:s3+$0x43B0] =	vst v1  }
0x166: {  	[tilespmem:s3+$0x43C0] =	vst v1  }
0x167: {  	[tilespmem:s3+$0x43D0] =	vst v1  }
0x168: {  	[tilespmem:s3+$0x43E0] =	vst v1;
	s3 =	sshra.s32 s1, $0x2;
	s1 =	sadd.s32 $0x800, s1  }
0x169: {  	[tilespmem:s3+$0x43F0] =	vst v1  }
0x16a: {  	[tilespmem:s3+$0x4200] =	vst v1  }
0x16b: {  	[tilespmem:s3+$0x4210] =	vst v1  }
0x16c: {  	[tilespmem:s3+$0x4220] =	vst v1  }
0x16d: {  	[tilespmem:s3+$0x4230] =	vst v1  }
0x16e: {  	[tilespmem:s3+$0x4240] =	vst v1  }
0x16f: {  	[tilespmem:s3+$0x4250] =	vst v1  }
0x170: {  	[tilespmem:s3+$0x4260] =	vst v1  }
0x171: {  	[tilespmem:s3+$0x4270] =	vst v1  }
0x172: {  	[tilespmem:s3+$0x4280] =	vst v1  }
0x173: {  	[tilespmem:s3+$0x4290] =	vst v1  }
0x174: {  	[tilespmem:s3+$0x42A0] =	vst v1  }
0x175: {  	[tilespmem:s3+$0x42B0] =	vst v1  }
0x176: {  	[tilespmem:s3+$0x42C0] =	vst v1  }
0x177: {  	[tilespmem:s3+$0x42D0] =	vst v1  }
0x178: {  	[tilespmem:s3+$0x42E0] =	vst v1  }
0x179: {  	[tilespmem:s3+$0x42F0] =	vst v1  }
0x17a: {  	[tilespmem:s3+$0x4300] =	vst v1  }
0x17b: {  	[tilespmem:s3+$0x4310] =	vst v1  }
0x17c: {  	[tilespmem:s3+$0x4320] =	vst v1  }
0x17d: {  	[tilespmem:s3+$0x4330] =	vst v1  }
0x17e: {  	[tilespmem:s3+$0x4340] =	vst v1  }
0x17f: {  	[tilespmem:s3+$0x4350] =	vst v1  }
0x180: {  	[tilespmem:s3+$0x4360] =	vst v1;
	v6 =	vmov s0  }
0x181: {  	[tilespmem:s3+$0x4370] =	vst v1;
	v6 =	vand.u32 $0x7F, v6  }
0x182: {  	[tilespmem:s3+$0x4380] =	vst v1;
	v6 =	vbroadcast v6, $0x0  }
0x183: {  	[tilespmem:s3+$0x4390] =	vst v1  }
0x184: {  	[tilespmem:s3+$0x43A0] =	vst v1;
	v7 =	vor.u32 v0, v6  }
0x185: {  	[tilespmem:s3+$0x43B0] =	vst v1;
	v8 =	vor.u32 v3, v6  }
0x186: {  	[tilespmem:s3+$0x43C0] =	vst v1;
	s1 =	simm.s32 $0x1  }
0x187: {  	[tilespmem:s3+$0x43D0] =	vst v1;
	v10 =	vmov s1  }
0x188: {  	[tilespmem:s3+$0x43E0] =	vst v1;
	v10 =	vand.u32 $0x7F, v10;
	v9 =	vor.u32 v5, v6  }
0x189: {  	v10 =	vbroadcast v10, $0x0;
	v7 =	vld.idx.msk [tilespmem:v7+s2+$0x0], $0xffff  }
0x18a: {  	v6 =	vor.u32 v4, v6;
	v8 =	vld.idx.msk [tilespmem:v8+s2+$0x0], $0xffff  }
0x18b: {  	v13 =	vor.u32 v5, v10;
	_ =	sdelay $0x1  }
0x18c: {  	v9 =	vld.idx.msk [tilespmem:v9+s2+$0x0], $0xffff  }
0x18d: {  	v11 =	vor.u32 v0, v10  }
0x18e: {  	v12 =	vor.u32 v3, v10;
	v6 =	vld.idx.msk [tilespmem:v6+s2+$0x0], $0xffff  }
0x18f: {  	v13 =	vld.idx.msk [tilespmem:v13+s2+$0x0], $0xffff  }
0x190: {  	v7 =	vld.idx.msk [tilespmem:v7+s16+$0x0], $0xffff  }
0x191: {  	v14 =	vld.idx.msk [tilespmem:v8+s16+$0x0], $0xffff  }
0x192: {  	v8 =	vor.u32 v4, v10;
	v10 =	vld.idx.msk [tilespmem:v11+s2+$0x0], $0xffff  }
0x193: {  	s3 =	simm.s32 $0x2;
	v11 =	vld.idx.msk [tilespmem:v12+s2+$0x0], $0xffff  }
0x194: {  	v12 =	vmov s3;
	v9 =	vld.idx.msk [tilespmem:v9+s16+$0x0], $0xffff  }
0x195: {  	v12 =	vand.u32 $0x7F, v12  }
0x196: {  	v17 =	vld.idx.msk [tilespmem:v6+s16+$0x0], $0xffff;
	v12 =	vbroadcast v12, $0x0;
	_ =	sdelay $0x1  }
0x197: {  	v19 =	vor.u32 v0, v12;
	v15 =	vor.u32 v5, v12;
	v6 =	vshll.u32 v7, $0x6;
	v18 =	vld.idx.msk [tilespmem:v8+s2+$0x0], $0xffff  }
0x198: {  	v7 =	vand.u32 $0x7F, v7;
	v8 =	vshll.u32 v9, $0x6;
	v6 =	vand.u32 $0xFFFFE000, v6  }
0x199: {  	v20 =	vand.u32 $0x7F, v14;
	v6 =	vor.u32 v6, v7;
	v7 =	vor.u32 v3, v12;
	v16 =	vld.idx.msk [tilespmem:v10+s16+$0x0], $0xffff  }
0x19a: {  	v9 =	vand.u32 $0x7F, v9;
	v22 =	vshll.u32 v17, $0x6;
	v10 =	vand.u32 $0xFFFFE000, v8;
	v8 =	vld.idx.msk [tilespmem:v11+s16+$0x0], $0xffff  }
0x19b: {  	v17 =	vand.u32 $0x7F, v17;
	v63 =	vand.u32 $0xFFFFE000, v22;
	v11 =	vld.idx.msk [tilespmem:v13+s16+$0x0], $0xffff;
	v9 =	vor.u32 v10, v9  }
0x19c: {  	v21 =	vshll.u32 v14, $0x6;
	v13 =	vld.idx.msk [tilespmem:v19+s2+$0x0], $0xffff;
	v19 =	vor.u32 v63, v17;
	v17 =	vor.u32 v5, v9  }
0x19d: {  	v14 =	vor.u32 v4, v12;
	v12 =	vand.u32 $0xFFFFE000, v21;
	v6 =	vor.u32 v0, v6  }
0x19e: {  	v12 =	vor.u32 v12, v20;
	v10 =	vld.idx.msk [tilespmem:v7+s2+$0x0], $0xffff  }
0x19f: {  	s0 =	simm.s32 $0x8;
	s1 =	simm.s32 $0x3;
	v9 =	vor.u32 v4, v19;
	v7 =	vor.u32 v3, v12;
	v12 =	vld.idx.msk [tilespmem:v18+s16+$0x0], $0xffff  }
.LBB2_12:
0x1a0: {  	v18 =	vmov s1;
	s0 =	sadd.s32 $0x4, s0;
	v19 =	vld.idx.msk [tilespmem:v15+s2+$0x0], $0xffff;
	v15 =	vshll.u32 v16, $0x6  }
0x1a1: {  	v16 =	vand.u32 $0x7F, v16;
	v18 =	vand.u32 $0x7F, v18;
	p0 =	slt.u32 s0, $0xC4;
	v15 =	vand.u32 $0xFFFFE000, v15;
	[tilespmem:v17+s20+$0x0] =	vst.idx.add.f32.msk $0xffff, v2  }
0x1a2: {  	v17 =	vbroadcast v18, $0x0;
	v15 =	vor.u32 v15, v16;
	v16 =	vshll.u32 v11, $0x6;
	[tilespmem:v6+s20+$0x0] =	vst.idx.add.f32.msk $0xffff, v2  }
0x1a3: {  	v20 =	vand.u32 $0x7F, v8;
	v18 =	vld.idx.msk [tilespmem:v14+s2+$0x0], $0xffff;
	v6 =	vor.u32 v0, v15;
	v21 =	vand.u32 $0xFFFFE000, v16  }
0x1a4: {  	v11 =	vand.u32 $0x7F, v11;
	v22 =	vor.u32 v0, v17;
	v15 =	vor.u32 v5, v17;
	[tilespmem:v9+s20+$0x0] =	vst.idx.add.f32.msk $0xffff, v2  }
0x1a5: {  	v8 =	vshll.u32 v8, $0x6;
	v23 =	vor.u32 v3, v17;
	v9 =	vshll.u32 v12, $0x6;
	[tilespmem:v7+s20+$0x0] =	vst.idx.add.f32.msk $0xffff, v2  }
0x1a6: {  	v14 =	vor.u32 v4, v17;
	v7 =	vand.u32 $0xFFFFE000, v8;
	v9 =	vand.u32 $0xFFFFE000, v9;
	v16 =	vld.idx.msk [tilespmem:v13+s16+$0x0], $0xffff  }
.Ltmp5:
0x1a7: {  	v7 =	vor.u32 v7, v20;
	v8 =	vld.idx.msk [tilespmem:v10+s16+$0x0], $0xffff;
	v10 =	vand.u32 $0x7F, v12;
	v12 =	vor.u32 v21, v11;
	(pc) =	sbr.rel @p0 .LBB2_12-.Ltmp5, $4  }
0x1a8: {  	v7 =	vor.u32 v3, v7;
	v11 =	vld.idx.msk [tilespmem:v19+s16+$0x0], $0xffff;
	v9 =	vor.u32 v9, v10;
	v17 =	vor.u32 v5, v12  }
0x1a9: {  	v13 =	vld.idx.msk [tilespmem:v22+s2+$0x0], $0xffff;
	v9 =	vor.u32 v4, v9  }
0x1aa: {  	v10 =	vld.idx.msk [tilespmem:v23+s2+$0x0], $0xffff  }
0x1ab: {  	s1 =	sadd.s32 $0x1, s1;
	v12 =	vld.idx.msk [tilespmem:v18+s16+$0x0], $0xffff  }
0x1ac: {  	_ =	sdelay $0x3  }
0x1ad: {  	v15 =	vld.idx.msk [tilespmem:v15+s2+$0x0], $0xffff  }
0x1ae: {  	v14 =	vld.idx.msk [tilespmem:v14+s2+$0x0], $0xffff;
	_ =	sdelay $0x1  }
0x1af: {  	v18 =	vshll.u32 v16, $0x6  }
0x1b0: {  	v53 =	vand.u32 $0x7F, v16;
	v19 =	vand.u32 $0x7F, v8;
	v55 =	vshll.u32 v8, $0x6;
	v13 =	vld.idx.msk [tilespmem:v13+s16+$0x0], $0xffff  }
0x1b1: {  	v18 =	vand.u32 $0xFFFFE000, v18;
	v54 =	vshll.u32 v11, $0x6;
	v56 =	vand.u32 $0x7F, v11;
	v10 =	vld.idx.msk [tilespmem:v10+s16+$0x0], $0xffff  }
0x1b2: {  	v8 =	vand.u32 $0xFFFFE000, v55;
	v16 =	vor.u32 v18, v53;
	v18 =	vand.u32 $0xFFFFE000, v54  }
0x1b3: {  	v8 =	vor.u32 v8, v19;
	v11 =	vor.u32 v18, v56;
	v57 =	vshll.u32 v12, $0x6  }
0x1b4: {  	v16 =	vor.u32 v0, v16;
	v58 =	vand.u32 $0x7F, v12;
	v18 =	vand.u32 $0xFFFFE000, v57;
	v15 =	vld.idx.msk [tilespmem:v15+s16+$0x0], $0xffff  }
0x1b5: {  	v8 =	vor.u32 v3, v8;
	v11 =	vor.u32 v5, v11;
	v12 =	vor.u32 v18, v58;
	v14 =	vld.idx.msk [tilespmem:v14+s16+$0x0], $0xffff  }
0x1b6: {  	[tilespmem:v17+s20+$0x0] =	vst.idx.add.f32.msk $0xffff, v2;
	v59 =	vshll.u32 v13, $0x6;
	v13 =	vand.u32 $0x7F, v13;
	v62 =	vshll.u32 v10, $0x6  }
0x1b7: {  	[tilespmem:v9+s20+$0x0] =	vst.idx.add.f32.msk $0xffff, v2;
	v18 =	vand.u32 $0xFFFFE000, v59;
	v10 =	vand.u32 $0x7F, v10;
	v9 =	vand.u32 $0xFFFFE000, v62  }
0x1b8: {  	v12 =	vor.u32 v4, v12;
	v13 =	vor.u32 v18, v13;
	v9 =	vor.u32 v9, v10  }
0x1b9: {  	[tilespmem:v6+s20+$0x0] =	vst.idx.add.f32.msk $0xffff, v2;
	v6 =	vor.u32 v0, v13;
	v9 =	vor.u32 v3, v9;
	v60 =	vshll.u32 v15, $0x6  }
0x1ba: {  	[tilespmem:v7+s20+$0x0] =	vst.idx.add.f32.msk $0xffff, v2;
	v15 =	vand.u32 $0x7F, v15;
	v63 =	vshll.u32 v14, $0x6;
	v61 =	vand.u32 $0xFFFFE000, v60  }
0x1bb: {  	[tilespmem:v16+s20+$0x0] =	vst.idx.add.f32.msk $0xffff, v2;
	v14 =	vand.u32 $0x7F, v14;
	v7 =	vand.u32 $0xFFFFE000, v63;
	v13 =	vor.u32 v61, v15  }
0x1bc: {  	[tilespmem:v8+s20+$0x0] =	vst.idx.add.f32.msk $0xffff, v2;
	v7 =	vor.u32 v7, v14;
	v13 =	vor.u32 v5, v13  }
0x1bd: {  	[tilespmem:v11+s20+$0x0] =	vst.idx.add.f32.msk $0xffff, v2;
	v7 =	vor.u32 v4, v7  }
0x1be: {  	[tilespmem:v12+s20+$0x0] =	vst.idx.add.f32.msk $0xffff, v2  }
0x1bf: {  	[tilespmem:v6+s20+$0x0] =	vst.idx.add.f32.msk $0xffff, v2  }
0x1c0: {  	[tilespmem:v9+s20+$0x0] =	vst.idx.add.f32.msk $0xffff, v2  }
0x1c1: {  	[tilespmem:v13+s20+$0x0] =	vst.idx.add.f32.msk $0xffff, v2  }
0x1c2: {  	[tilespmem:v7+s20+$0x0] =	vst.idx.add.f32.msk $0xffff, v2  }
0x1c3: {  	s0 =	simm.s32 $0x0;
	s1 =	rddreg [dreg:$0xc]  }
0x1c4: {  	[hbm4b:s1+s0] =	stream.linear.scatter [tilespmem:s20], [sflag:$0x1], $0x2000, $0x38;
	[tilespmem:$0x14200] =	vst v63  }
0x1c5: {  	s3 =	rddreg [dreg:$0x19]  }
0x1c6: {  	[hbm4b:s3+s0] =	stream.linear.scatter [tilespmem:s21], [sflag:$0x1], $0x2000, $0x38;
	[tilespmem:$0x14200] =	vst v63  }
0x1c7: {  	s3 =	rddreg [dreg:$0x1a]  }
0x1c8: {  	[hbm4b:s3+s0] =	stream.linear.scatter [tilespmem:s22], [sflag:$0x1], $0x2000, $0x38;
	[tilespmem:$0x14200] =	vst v63  }
0x1c9: {  	s3 =	rddreg [dreg:$0x1b]  }
0x1ca: {  	[hbm4b:s3+s0] =	stream.linear.scatter [tilespmem:s23], [sflag:$0x1], $0x2000, $0x38;
	[tilespmem:$0x14200] =	vst v63  }
0x1cb: {  	_ =	swait.ge [sflag:s18], $0x2000  }
0x1cc: {  	[sflag:s18] =	ssyncset.done $0x0  }
0x1cd: {  	s3 =	rddreg [dreg:$0xd];
	[sflag:s18] =	ssyncadd.s32 $0xFFFFE000  }
0x1ce: {  	[tilespmem:s0], [sflag:$0x3] =	stream.linear.gather [hbm4b:s3+s0], $0x2000, $0x38;
	[tilespmem:$0x14200] =	vst v63  }
0x1cf: {  	_ =	swait.ge [sflag:s30], $0x2000  }
0x1d0: {  	[sflag:s30] =	ssyncset.done $0x0  }
0x1d1: {  	[sflag:s30] =	ssyncadd.s32 $0xFFFFE000  }
0x1d2: {  	_ =	swait.ge [sflag:s30], $0x2000  }
0x1d3: {  	[sflag:s30] =	ssyncset.done $0x0  }
0x1d4: {  	[sflag:s30] =	ssyncadd.s32 $0xFFFFE000  }
0x1d5: {  	_ =	swait.ge [sflag:s30], $0x2000  }
0x1d6: {  	[sflag:s30] =	ssyncset.done $0x0  }
0x1d7: {  	[sflag:s30] =	ssyncadd.s32 $0xFFFFE000  }
0x1d8: {  	_ =	swait.ge [sflag:s30], $0x2000  }
0x1d9: {  	[sflag:s30] =	ssyncset.done $0x0  }
0x1da: {  	s1 =	simm.s32 $0x800;
	s3 =	simm.s32 $0x0;
	[sflag:s30] =	ssyncadd.s32 $0xFFFFE000  }
.LBB2_14:
0x1db: {  	p0 =	sne.s32 s1, $0x1F800;
	[tilespmem:s3+$0xC3F0] =	vst v1  }
0x1dc: {  	[tilespmem:s3+$0xC200] =	vst v1  }
0x1dd: {  	[tilespmem:s3+$0xC210] =	vst v1  }
0x1de: {  	[tilespmem:s3+$0xC220] =	vst v1  }
0x1df: {  	[tilespmem:s3+$0xC230] =	vst v1  }
0x1e0: {  	[tilespmem:s3+$0xC240] =	vst v1  }
0x1e1: {  	[tilespmem:s3+$0xC250] =	vst v1  }
0x1e2: {  	[tilespmem:s3+$0xC260] =	vst v1  }
0x1e3: {  	[tilespmem:s3+$0xC270] =	vst v1  }
0x1e4: {  	[tilespmem:s3+$0xC280] =	vst v1  }
0x1e5: {  	[tilespmem:s3+$0xC290] =	vst v1  }
0x1e6: {  	[tilespmem:s3+$0xC2A0] =	vst v1  }
0x1e7: {  	[tilespmem:s3+$0xC2B0] =	vst v1  }
0x1e8: {  	[tilespmem:s3+$0xC2C0] =	vst v1  }
0x1e9: {  	[tilespmem:s3+$0xC2D0] =	vst v1  }
0x1ea: {  	[tilespmem:s3+$0xC2E0] =	vst v1  }
0x1eb: {  	[tilespmem:s3+$0xC2F0] =	vst v1  }
0x1ec: {  	[tilespmem:s3+$0xC300] =	vst v1  }
0x1ed: {  	[tilespmem:s3+$0xC310] =	vst v1  }
0x1ee: {  	[tilespmem:s3+$0xC320] =	vst v1  }
0x1ef: {  	[tilespmem:s3+$0xC330] =	vst v1  }
0x1f0: {  	[tilespmem:s3+$0xC340] =	vst v1  }
0x1f1: {  	[tilespmem:s3+$0xC350] =	vst v1  }
0x1f2: {  	[tilespmem:s3+$0xC360] =	vst v1  }
0x1f3: {  	[tilespmem:s3+$0xC370] =	vst v1  }
0x1f4: {  	[tilespmem:s3+$0xC380] =	vst v1  }
0x1f5: {  	[tilespmem:s3+$0xC390] =	vst v1  }
.Ltmp6:
0x1f6: {  	[tilespmem:s3+$0xC3A0] =	vst v1;
	(pc) =	sbr.rel @p0 .LBB2_14-.Ltmp6, $4  }
0x1f7: {  	[tilespmem:s3+$0xC3B0] =	vst v1  }
0x1f8: {  	[tilespmem:s3+$0xC3C0] =	vst v1  }
0x1f9: {  	[tilespmem:s3+$0xC3D0] =	vst v1  }
0x1fa: {  	[tilespmem:s3+$0xC3E0] =	vst v1;
	s3 =	sshra.s32 s1, $0x2;
	s1 =	sadd.s32 $0x800, s1  }
0x1fb: {  	[tilespmem:s3+$0xC3F0] =	vst v1  }
0x1fc: {  	[tilespmem:s3+$0xC200] =	vst v1  }
0x1fd: {  	[tilespmem:s3+$0xC210] =	vst v1  }
0x1fe: {  	[tilespmem:s3+$0xC220] =	vst v1  }
0x1ff: {  	[tilespmem:s3+$0xC230] =	vst v1  }
0x200: {  	[tilespmem:s3+$0xC240] =	vst v1  }
0x201: {  	[tilespmem:s3+$0xC250] =	vst v1  }
0x202: {  	[tilespmem:s3+$0xC260] =	vst v1  }
0x203: {  	[tilespmem:s3+$0xC270] =	vst v1  }
0x204: {  	[tilespmem:s3+$0xC280] =	vst v1  }
0x205: {  	[tilespmem:s3+$0xC290] =	vst v1  }
0x206: {  	[tilespmem:s3+$0xC2A0] =	vst v1  }
0x207: {  	[tilespmem:s3+$0xC2B0] =	vst v1  }
0x208: {  	[tilespmem:s3+$0xC2C0] =	vst v1  }
0x209: {  	[tilespmem:s3+$0xC2D0] =	vst v1  }
0x20a: {  	[tilespmem:s3+$0xC2E0] =	vst v1  }
0x20b: {  	[tilespmem:s3+$0xC2F0] =	vst v1  }
0x20c: {  	[tilespmem:s3+$0xC300] =	vst v1  }
0x20d: {  	[tilespmem:s3+$0xC310] =	vst v1  }
0x20e: {  	[tilespmem:s3+$0xC320] =	vst v1  }
0x20f: {  	[tilespmem:s3+$0xC330] =	vst v1  }
0x210: {  	[tilespmem:s3+$0xC340] =	vst v1  }
0x211: {  	[tilespmem:s3+$0xC350] =	vst v1  }
0x212: {  	[tilespmem:s3+$0xC360] =	vst v1;
	v6 =	vmov s0  }
0x213: {  	[tilespmem:s3+$0xC370] =	vst v1;
	v6 =	vand.u32 $0x7F, v6  }
0x214: {  	[tilespmem:s3+$0xC380] =	vst v1;
	v6 =	vbroadcast v6, $0x0  }
0x215: {  	[tilespmem:s3+$0xC390] =	vst v1  }
0x216: {  	[tilespmem:s3+$0xC3A0] =	vst v1;
	v7 =	vor.u32 v0, v6  }
0x217: {  	[tilespmem:s3+$0xC3B0] =	vst v1;
	v8 =	vor.u32 v3, v6  }
0x218: {  	[tilespmem:s3+$0xC3C0] =	vst v1;
	s1 =	simm.s32 $0x1  }
0x219: {  	[tilespmem:s3+$0xC3D0] =	vst v1;
	v10 =	vmov s1  }
0x21a: {  	[tilespmem:s3+$0xC3E0] =	vst v1;
	v10 =	vand.u32 $0x7F, v10;
	v9 =	vor.u32 v5, v6  }
0x21b: {  	v10 =	vbroadcast v10, $0x0;
	v7 =	vld.idx.msk [tilespmem:v7+s19+$0x0], $0xffff  }
0x21c: {  	v6 =	vor.u32 v4, v6;
	v8 =	vld.idx.msk [tilespmem:v8+s19+$0x0], $0xffff  }
0x21d: {  	v13 =	vor.u32 v5, v10;
	_ =	sdelay $0x1  }
0x21e: {  	v9 =	vld.idx.msk [tilespmem:v9+s19+$0x0], $0xffff  }
0x21f: {  	v11 =	vor.u32 v0, v10  }
0x220: {  	v12 =	vor.u32 v3, v10;
	v6 =	vld.idx.msk [tilespmem:v6+s19+$0x0], $0xffff  }
0x221: {  	v13 =	vld.idx.msk [tilespmem:v13+s19+$0x0], $0xffff  }
0x222: {  	v7 =	vld.idx.msk [tilespmem:v7+s16+$0x0], $0xffff  }
0x223: {  	v14 =	vld.idx.msk [tilespmem:v8+s16+$0x0], $0xffff  }
0x224: {  	v8 =	vor.u32 v4, v10;
	v10 =	vld.idx.msk [tilespmem:v11+s19+$0x0], $0xffff  }
0x225: {  	s3 =	simm.s32 $0x2;
	v11 =	vld.idx.msk [tilespmem:v12+s19+$0x0], $0xffff  }
0x226: {  	v12 =	vmov s3;
	v9 =	vld.idx.msk [tilespmem:v9+s16+$0x0], $0xffff  }
0x227: {  	v12 =	vand.u32 $0x7F, v12  }
0x228: {  	v17 =	vld.idx.msk [tilespmem:v6+s16+$0x0], $0xffff;
	v12 =	vbroadcast v12, $0x0;
	_ =	sdelay $0x1  }
0x229: {  	v19 =	vor.u32 v0, v12;
	v15 =	vor.u32 v5, v12;
	v6 =	vshll.u32 v7, $0x6;
	v18 =	vld.idx.msk [tilespmem:v8+s19+$0x0], $0xffff  }
0x22a: {  	v7 =	vand.u32 $0x7F, v7;
	v8 =	vshll.u32 v9, $0x6;
	v6 =	vand.u32 $0xFFFFE000, v6  }
0x22b: {  	v20 =	vand.u32 $0x7F, v14;
	v6 =	vor.u32 v6, v7;
	v7 =	vor.u32 v3, v12;
	v16 =	vld.idx.msk [tilespmem:v10+s16+$0x0], $0xffff  }
0x22c: {  	v9 =	vand.u32 $0x7F, v9;
	v22 =	vshll.u32 v17, $0x6;
	v10 =	vand.u32 $0xFFFFE000, v8;
	v8 =	vld.idx.msk [tilespmem:v11+s16+$0x0], $0xffff  }
0x22d: {  	v17 =	vand.u32 $0x7F, v17;
	v63 =	vand.u32 $0xFFFFE000, v22;
	v11 =	vld.idx.msk [tilespmem:v13+s16+$0x0], $0xffff;
	v9 =	vor.u32 v10, v9  }
0x22e: {  	v21 =	vshll.u32 v14, $0x6;
	v13 =	vld.idx.msk [tilespmem:v19+s19+$0x0], $0xffff;
	v19 =	vor.u32 v63, v17;
	v17 =	vor.u32 v5, v9  }
0x22f: {  	v14 =	vor.u32 v4, v12;
	v12 =	vand.u32 $0xFFFFE000, v21;
	v6 =	vor.u32 v0, v6  }
0x230: {  	v12 =	vor.u32 v12, v20;
	v10 =	vld.idx.msk [tilespmem:v7+s19+$0x0], $0xffff  }
0x231: {  	s0 =	simm.s32 $0x8;
	s1 =	simm.s32 $0x3;
	v9 =	vor.u32 v4, v19;
	v7 =	vor.u32 v3, v12;
	v12 =	vld.idx.msk [tilespmem:v18+s16+$0x0], $0xffff  }
.LBB2_16:
0x232: {  	v18 =	vmov s1;
	s0 =	sadd.s32 $0x4, s0;
	v19 =	vld.idx.msk [tilespmem:v15+s19+$0x0], $0xffff;
	v15 =	vshll.u32 v16, $0x6  }
0x233: {  	v16 =	vand.u32 $0x7F, v16;
	v18 =	vand.u32 $0x7F, v18;
	p0 =	slt.u32 s0, $0xC4;
	v15 =	vand.u32 $0xFFFFE000, v15;
	[tilespmem:v17+s24+$0x0] =	vst.idx.add.f32.msk $0xffff, v2  }
0x234: {  	v17 =	vbroadcast v18, $0x0;
	v15 =	vor.u32 v15, v16;
	v16 =	vshll.u32 v11, $0x6;
	[tilespmem:v6+s24+$0x0] =	vst.idx.add.f32.msk $0xffff, v2  }
0x235: {  	v20 =	vand.u32 $0x7F, v8;
	v18 =	vld.idx.msk [tilespmem:v14+s19+$0x0], $0xffff;
	v6 =	vor.u32 v0, v15;
	v21 =	vand.u32 $0xFFFFE000, v16  }
0x236: {  	v11 =	vand.u32 $0x7F, v11;
	v22 =	vor.u32 v0, v17;
	v15 =	vor.u32 v5, v17;
	[tilespmem:v9+s24+$0x0] =	vst.idx.add.f32.msk $0xffff, v2  }
0x237: {  	v8 =	vshll.u32 v8, $0x6;
	v23 =	vor.u32 v3, v17;
	v9 =	vshll.u32 v12, $0x6;
	[tilespmem:v7+s24+$0x0] =	vst.idx.add.f32.msk $0xffff, v2  }
0x238: {  	v14 =	vor.u32 v4, v17;
	v7 =	vand.u32 $0xFFFFE000, v8;
	v9 =	vand.u32 $0xFFFFE000, v9;
	v16 =	vld.idx.msk [tilespmem:v13+s16+$0x0], $0xffff  }
.Ltmp7:
0x239: {  	v7 =	vor.u32 v7, v20;
	v8 =	vld.idx.msk [tilespmem:v10+s16+$0x0], $0xffff;
	v10 =	vand.u32 $0x7F, v12;
	v12 =	vor.u32 v21, v11;
	(pc) =	sbr.rel @p0 .LBB2_16-.Ltmp7, $4  }
0x23a: {  	v7 =	vor.u32 v3, v7;
	v11 =	vld.idx.msk [tilespmem:v19+s16+$0x0], $0xffff;
	v9 =	vor.u32 v9, v10;
	v17 =	vor.u32 v5, v12  }
0x23b: {  	v13 =	vld.idx.msk [tilespmem:v22+s19+$0x0], $0xffff;
	v9 =	vor.u32 v4, v9  }
0x23c: {  	v10 =	vld.idx.msk [tilespmem:v23+s19+$0x0], $0xffff  }
0x23d: {  	s1 =	sadd.s32 $0x1, s1;
	v12 =	vld.idx.msk [tilespmem:v18+s16+$0x0], $0xffff  }
0x23e: {  	_ =	sdelay $0x3  }
0x23f: {  	v15 =	vld.idx.msk [tilespmem:v15+s19+$0x0], $0xffff  }
0x240: {  	v14 =	vld.idx.msk [tilespmem:v14+s19+$0x0], $0xffff;
	_ =	sdelay $0x1  }
0x241: {  	v18 =	vshll.u32 v16, $0x6  }
0x242: {  	v53 =	vand.u32 $0x7F, v16;
	v19 =	vand.u32 $0x7F, v8;
	v55 =	vshll.u32 v8, $0x6;
	v13 =	vld.idx.msk [tilespmem:v13+s16+$0x0], $0xffff  }
0x243: {  	v18 =	vand.u32 $0xFFFFE000, v18;
	v54 =	vshll.u32 v11, $0x6;
	v56 =	vand.u32 $0x7F, v11;
	v10 =	vld.idx.msk [tilespmem:v10+s16+$0x0], $0xffff  }
0x244: {  	v8 =	vand.u32 $0xFFFFE000, v55;
	v16 =	vor.u32 v18, v53;
	v18 =	vand.u32 $0xFFFFE000, v54  }
0x245: {  	v8 =	vor.u32 v8, v19;
	v11 =	vor.u32 v18, v56;
	v57 =	vshll.u32 v12, $0x6  }
0x246: {  	v16 =	vor.u32 v0, v16;
	v58 =	vand.u32 $0x7F, v12;
	v18 =	vand.u32 $0xFFFFE000, v57;
	v15 =	vld.idx.msk [tilespmem:v15+s16+$0x0], $0xffff  }
0x247: {  	v8 =	vor.u32 v3, v8;
	v11 =	vor.u32 v5, v11;
	v12 =	vor.u32 v18, v58;
	v14 =	vld.idx.msk [tilespmem:v14+s16+$0x0], $0xffff  }
0x248: {  	[tilespmem:v17+s24+$0x0] =	vst.idx.add.f32.msk $0xffff, v2;
	v59 =	vshll.u32 v13, $0x6;
	v13 =	vand.u32 $0x7F, v13;
	v62 =	vshll.u32 v10, $0x6  }
0x249: {  	[tilespmem:v9+s24+$0x0] =	vst.idx.add.f32.msk $0xffff, v2;
	v18 =	vand.u32 $0xFFFFE000, v59;
	v10 =	vand.u32 $0x7F, v10;
	v9 =	vand.u32 $0xFFFFE000, v62  }
0x24a: {  	v12 =	vor.u32 v4, v12;
	v13 =	vor.u32 v18, v13;
	v9 =	vor.u32 v9, v10  }
0x24b: {  	[tilespmem:v6+s24+$0x0] =	vst.idx.add.f32.msk $0xffff, v2;
	v6 =	vor.u32 v0, v13;
	v9 =	vor.u32 v3, v9;
	v60 =	vshll.u32 v15, $0x6  }
0x24c: {  	[tilespmem:v7+s24+$0x0] =	vst.idx.add.f32.msk $0xffff, v2;
	v15 =	vand.u32 $0x7F, v15;
	v63 =	vshll.u32 v14, $0x6;
	v61 =	vand.u32 $0xFFFFE000, v60  }
0x24d: {  	[tilespmem:v16+s24+$0x0] =	vst.idx.add.f32.msk $0xffff, v2;
	v14 =	vand.u32 $0x7F, v14;
	v7 =	vand.u32 $0xFFFFE000, v63;
	v13 =	vor.u32 v61, v15  }
0x24e: {  	[tilespmem:v8+s24+$0x0] =	vst.idx.add.f32.msk $0xffff, v2;
	v7 =	vor.u32 v7, v14;
	v13 =	vor.u32 v5, v13  }
0x24f: {  	[tilespmem:v11+s24+$0x0] =	vst.idx.add.f32.msk $0xffff, v2;
	v7 =	vor.u32 v4, v7  }
0x250: {  	[tilespmem:v12+s24+$0x0] =	vst.idx.add.f32.msk $0xffff, v2  }
0x251: {  	[tilespmem:v6+s24+$0x0] =	vst.idx.add.f32.msk $0xffff, v2  }
0x252: {  	[tilespmem:v9+s24+$0x0] =	vst.idx.add.f32.msk $0xffff, v2  }
0x253: {  	[tilespmem:v13+s24+$0x0] =	vst.idx.add.f32.msk $0xffff, v2  }
0x254: {  	[tilespmem:v7+s24+$0x0] =	vst.idx.add.f32.msk $0xffff, v2  }
0x255: {  	s0 =	simm.s32 $0x0;
	s1 =	rddreg [dreg:$0xe]  }
0x256: {  	[hbm4b:s1+s0] =	stream.linear.scatter [tilespmem:s24], [sflag:$0x2], $0x2000, $0x38;
	[tilespmem:$0x14200] =	vst v63  }
0x257: {  	s3 =	rddreg [dreg:$0x1c]  }
0x258: {  	[hbm4b:s3+s0] =	stream.linear.scatter [tilespmem:s25], [sflag:$0x2], $0x2000, $0x38;
	[tilespmem:$0x14200] =	vst v63  }
0x259: {  	s3 =	rddreg [dreg:$0x1d]  }
0x25a: {  	[hbm4b:s3+s0] =	stream.linear.scatter [tilespmem:s26], [sflag:$0x2], $0x2000, $0x38;
	[tilespmem:$0x14200] =	vst v63  }
0x25b: {  	s3 =	rddreg [dreg:$0x1e]  }
0x25c: {  	[hbm4b:s3+s0] =	stream.linear.scatter [tilespmem:s28], [sflag:$0x2], $0x2000, $0x38;
	[tilespmem:$0x14200] =	vst v63  }
0x25d: {  	_ =	swait.ge [sflag:s18], $0x2000  }
0x25e: {  	[sflag:s18] =	ssyncset.done $0x0  }
0x25f: {  	s3 =	rddreg [dreg:$0xf];
	[sflag:s18] =	ssyncadd.s32 $0xFFFFE000  }
0x260: {  	[tilespmem:s19], [sflag:$0x3] =	stream.linear.gather [hbm4b:s3+s0], $0x2000, $0x38;
	[tilespmem:$0x14200] =	vst v63  }
0x261: {  	_ =	swait.ge [sflag:s29], $0x2000  }
0x262: {  	[sflag:s29] =	ssyncset.done $0x0  }
0x263: {  	[sflag:s29] =	ssyncadd.s32 $0xFFFFE000  }
0x264: {  	_ =	swait.ge [sflag:s29], $0x2000  }
0x265: {  	[sflag:s29] =	ssyncset.done $0x0  }
0x266: {  	[sflag:s29] =	ssyncadd.s32 $0xFFFFE000  }
0x267: {  	_ =	swait.ge [sflag:s29], $0x2000  }
0x268: {  	[sflag:s29] =	ssyncset.done $0x0  }
0x269: {  	[sflag:s29] =	ssyncadd.s32 $0xFFFFE000  }
0x26a: {  	_ =	swait.ge [sflag:s29], $0x2000  }
0x26b: {  	[sflag:s29] =	ssyncset.done $0x0  }
0x26c: {  	s1 =	simm.s32 $0x800;
	s3 =	simm.s32 $0x0;
	[sflag:s29] =	ssyncadd.s32 $0xFFFFE000  }
.LBB2_18:
0x26d: {  	p0 =	sne.s32 s1, $0x1F800;
	[tilespmem:s3+$0x43F0] =	vst v1  }
0x26e: {  	[tilespmem:s3+$0x4200] =	vst v1  }
0x26f: {  	[tilespmem:s3+$0x4210] =	vst v1  }
0x270: {  	[tilespmem:s3+$0x4220] =	vst v1  }
0x271: {  	[tilespmem:s3+$0x4230] =	vst v1  }
0x272: {  	[tilespmem:s3+$0x4240] =	vst v1  }
0x273: {  	[tilespmem:s3+$0x4250] =	vst v1  }
0x274: {  	[tilespmem:s3+$0x4260] =	vst v1  }
0x275: {  	[tilespmem:s3+$0x4270] =	vst v1  }
0x276: {  	[tilespmem:s3+$0x4280] =	vst v1  }
0x277: {  	[tilespmem:s3+$0x4290] =	vst v1  }
0x278: {  	[tilespmem:s3+$0x42A0] =	vst v1  }
0x279: {  	[tilespmem:s3+$0x42B0] =	vst v1  }
0x27a: {  	[tilespmem:s3+$0x42C0] =	vst v1  }
0x27b: {  	[tilespmem:s3+$0x42D0] =	vst v1  }
0x27c: {  	[tilespmem:s3+$0x42E0] =	vst v1  }
0x27d: {  	[tilespmem:s3+$0x42F0] =	vst v1  }
0x27e: {  	[tilespmem:s3+$0x4300] =	vst v1  }
0x27f: {  	[tilespmem:s3+$0x4310] =	vst v1  }
0x280: {  	[tilespmem:s3+$0x4320] =	vst v1  }
0x281: {  	[tilespmem:s3+$0x4330] =	vst v1  }
0x282: {  	[tilespmem:s3+$0x4340] =	vst v1  }
0x283: {  	[tilespmem:s3+$0x4350] =	vst v1  }
0x284: {  	[tilespmem:s3+$0x4360] =	vst v1  }
0x285: {  	[tilespmem:s3+$0x4370] =	vst v1  }
0x286: {  	[tilespmem:s3+$0x4380] =	vst v1  }
0x287: {  	[tilespmem:s3+$0x4390] =	vst v1  }
.Ltmp8:
0x288: {  	[tilespmem:s3+$0x43A0] =	vst v1;
	(pc) =	sbr.rel @p0 .LBB2_18-.Ltmp8, $4  }
0x289: {  	[tilespmem:s3+$0x43B0] =	vst v1  }
0x28a: {  	[tilespmem:s3+$0x43C0] =	vst v1  }
0x28b: {  	[tilespmem:s3+$0x43D0] =	vst v1  }
0x28c: {  	[tilespmem:s3+$0x43E0] =	vst v1;
	s3 =	sshra.s32 s1, $0x2;
	s1 =	sadd.s32 $0x800, s1  }
0x28d: {  	[tilespmem:s3+$0x43F0] =	vst v1  }
0x28e: {  	[tilespmem:s3+$0x4200] =	vst v1  }
0x28f: {  	[tilespmem:s3+$0x4210] =	vst v1  }
0x290: {  	[tilespmem:s3+$0x4220] =	vst v1  }
0x291: {  	[tilespmem:s3+$0x4230] =	vst v1  }
0x292: {  	[tilespmem:s3+$0x4240] =	vst v1  }
0x293: {  	[tilespmem:s3+$0x4250] =	vst v1  }
0x294: {  	[tilespmem:s3+$0x4260] =	vst v1  }
0x295: {  	[tilespmem:s3+$0x4270] =	vst v1  }
0x296: {  	[tilespmem:s3+$0x4280] =	vst v1  }
0x297: {  	[tilespmem:s3+$0x4290] =	vst v1  }
0x298: {  	[tilespmem:s3+$0x42A0] =	vst v1  }
0x299: {  	[tilespmem:s3+$0x42B0] =	vst v1  }
0x29a: {  	[tilespmem:s3+$0x42C0] =	vst v1  }
0x29b: {  	[tilespmem:s3+$0x42D0] =	vst v1  }
0x29c: {  	[tilespmem:s3+$0x42E0] =	vst v1  }
0x29d: {  	[tilespmem:s3+$0x42F0] =	vst v1  }
0x29e: {  	[tilespmem:s3+$0x4300] =	vst v1  }
0x29f: {  	[tilespmem:s3+$0x4310] =	vst v1  }
0x2a0: {  	[tilespmem:s3+$0x4320] =	vst v1  }
0x2a1: {  	[tilespmem:s3+$0x4330] =	vst v1  }
0x2a2: {  	[tilespmem:s3+$0x4340] =	vst v1  }
0x2a3: {  	[tilespmem:s3+$0x4350] =	vst v1  }
0x2a4: {  	[tilespmem:s3+$0x4360] =	vst v1;
	v6 =	vmov s0  }
0x2a5: {  	[tilespmem:s3+$0x4370] =	vst v1;
	v6 =	vand.u32 $0x7F, v6  }
0x2a6: {  	[tilespmem:s3+$0x4380] =	vst v1;
	v6 =	vbroadcast v6, $0x0  }
0x2a7: {  	[tilespmem:s3+$0x4390] =	vst v1  }
0x2a8: {  	[tilespmem:s3+$0x43A0] =	vst v1;
	v7 =	vor.u32 v0, v6  }
0x2a9: {  	[tilespmem:s3+$0x43B0] =	vst v1;
	v8 =	vor.u32 v3, v6  }
0x2aa: {  	[tilespmem:s3+$0x43C0] =	vst v1;
	s1 =	simm.s32 $0x1  }
0x2ab: {  	[tilespmem:s3+$0x43D0] =	vst v1;
	v10 =	vmov s1  }
0x2ac: {  	[tilespmem:s3+$0x43E0] =	vst v1;
	v10 =	vand.u32 $0x7F, v10;
	v9 =	vor.u32 v5, v6  }
0x2ad: {  	v10 =	vbroadcast v10, $0x0;
	v7 =	vld.idx.msk [tilespmem:v7+s2+$0x0], $0xffff  }
0x2ae: {  	v6 =	vor.u32 v4, v6;
	v8 =	vld.idx.msk [tilespmem:v8+s2+$0x0], $0xffff  }
0x2af: {  	v13 =	vor.u32 v5, v10;
	_ =	sdelay $0x1  }
0x2b0: {  	v9 =	vld.idx.msk [tilespmem:v9+s2+$0x0], $0xffff  }
0x2b1: {  	v11 =	vor.u32 v0, v10  }
0x2b2: {  	v12 =	vor.u32 v3, v10;
	v6 =	vld.idx.msk [tilespmem:v6+s2+$0x0], $0xffff  }
0x2b3: {  	v13 =	vld.idx.msk [tilespmem:v13+s2+$0x0], $0xffff  }
0x2b4: {  	v7 =	vld.idx.msk [tilespmem:v7+s16+$0x0], $0xffff  }
0x2b5: {  	v14 =	vld.idx.msk [tilespmem:v8+s16+$0x0], $0xffff  }
0x2b6: {  	v8 =	vor.u32 v4, v10;
	v10 =	vld.idx.msk [tilespmem:v11+s2+$0x0], $0xffff  }
0x2b7: {  	s3 =	simm.s32 $0x2;
	v11 =	vld.idx.msk [tilespmem:v12+s2+$0x0], $0xffff  }
0x2b8: {  	v12 =	vmov s3;
	v9 =	vld.idx.msk [tilespmem:v9+s16+$0x0], $0xffff  }
0x2b9: {  	v12 =	vand.u32 $0x7F, v12  }
0x2ba: {  	v17 =	vld.idx.msk [tilespmem:v6+s16+$0x0], $0xffff;
	v12 =	vbroadcast v12, $0x0;
	_ =	sdelay $0x1  }
0x2bb: {  	v19 =	vor.u32 v0, v12;
	v15 =	vor.u32 v5, v12;
	v6 =	vshll.u32 v7, $0x6;
	v18 =	vld.idx.msk [tilespmem:v8+s2+$0x0], $0xffff  }
0x2bc: {  	v7 =	vand.u32 $0x7F, v7;
	v8 =	vshll.u32 v9, $0x6;
	v6 =	vand.u32 $0xFFFFE000, v6  }
0x2bd: {  	v20 =	vand.u32 $0x7F, v14;
	v6 =	vor.u32 v6, v7;
	v7 =	vor.u32 v3, v12;
	v16 =	vld.idx.msk [tilespmem:v10+s16+$0x0], $0xffff  }
0x2be: {  	v9 =	vand.u32 $0x7F, v9;
	v22 =	vshll.u32 v17, $0x6;
	v10 =	vand.u32 $0xFFFFE000, v8;
	v8 =	vld.idx.msk [tilespmem:v11+s16+$0x0], $0xffff  }
0x2bf: {  	v17 =	vand.u32 $0x7F, v17;
	v63 =	vand.u32 $0xFFFFE000, v22;
	v11 =	vld.idx.msk [tilespmem:v13+s16+$0x0], $0xffff;
	v9 =	vor.u32 v10, v9  }
0x2c0: {  	v21 =	vshll.u32 v14, $0x6;
	v13 =	vld.idx.msk [tilespmem:v19+s2+$0x0], $0xffff;
	v19 =	vor.u32 v63, v17;
	v17 =	vor.u32 v5, v9  }
0x2c1: {  	v14 =	vor.u32 v4, v12;
	v12 =	vand.u32 $0xFFFFE000, v21;
	v6 =	vor.u32 v0, v6  }
0x2c2: {  	v12 =	vor.u32 v12, v20;
	v10 =	vld.idx.msk [tilespmem:v7+s2+$0x0], $0xffff  }
0x2c3: {  	s0 =	simm.s32 $0x8;
	s1 =	simm.s32 $0x3;
	v9 =	vor.u32 v4, v19;
	v7 =	vor.u32 v3, v12;
	v12 =	vld.idx.msk [tilespmem:v18+s16+$0x0], $0xffff  }
.LBB2_20:
0x2c4: {  	v18 =	vmov s1;
	s0 =	sadd.s32 $0x4, s0;
	v19 =	vld.idx.msk [tilespmem:v15+s2+$0x0], $0xffff;
	v15 =	vshll.u32 v16, $0x6  }
0x2c5: {  	v16 =	vand.u32 $0x7F, v16;
	v18 =	vand.u32 $0x7F, v18;
	p0 =	slt.u32 s0, $0xC4;
	v15 =	vand.u32 $0xFFFFE000, v15;
	[tilespmem:v17+s20+$0x0] =	vst.idx.add.f32.msk $0xffff, v2  }
0x2c6: {  	v17 =	vbroadcast v18, $0x0;
	v15 =	vor.u32 v15, v16;
	v16 =	vshll.u32 v11, $0x6;
	[tilespmem:v6+s20+$0x0] =	vst.idx.add.f32.msk $0xffff, v2  }
0x2c7: {  	v20 =	vand.u32 $0x7F, v8;
	v18 =	vld.idx.msk [tilespmem:v14+s2+$0x0], $0xffff;
	v6 =	vor.u32 v0, v15;
	v21 =	vand.u32 $0xFFFFE000, v16  }
0x2c8: {  	v11 =	vand.u32 $0x7F, v11;
	v22 =	vor.u32 v0, v17;
	v15 =	vor.u32 v5, v17;
	[tilespmem:v9+s20+$0x0] =	vst.idx.add.f32.msk $0xffff, v2  }
0x2c9: {  	v8 =	vshll.u32 v8, $0x6;
	v23 =	vor.u32 v3, v17;
	v9 =	vshll.u32 v12, $0x6;
	[tilespmem:v7+s20+$0x0] =	vst.idx.add.f32.msk $0xffff, v2  }
0x2ca: {  	v14 =	vor.u32 v4, v17;
	v7 =	vand.u32 $0xFFFFE000, v8;
	v9 =	vand.u32 $0xFFFFE000, v9;
	v16 =	vld.idx.msk [tilespmem:v13+s16+$0x0], $0xffff  }
.Ltmp9:
0x2cb: {  	v7 =	vor.u32 v7, v20;
	v8 =	vld.idx.msk [tilespmem:v10+s16+$0x0], $0xffff;
	v10 =	vand.u32 $0x7F, v12;
	v12 =	vor.u32 v21, v11;
	(pc) =	sbr.rel @p0 .LBB2_20-.Ltmp9, $4  }
0x2cc: {  	v7 =	vor.u32 v3, v7;
	v11 =	vld.idx.msk [tilespmem:v19+s16+$0x0], $0xffff;
	v9 =	vor.u32 v9, v10;
	v17 =	vor.u32 v5, v12  }
0x2cd: {  	v13 =	vld.idx.msk [tilespmem:v22+s2+$0x0], $0xffff;
	v9 =	vor.u32 v4, v9  }
0x2ce: {  	v10 =	vld.idx.msk [tilespmem:v23+s2+$0x0], $0xffff  }
0x2cf: {  	s1 =	sadd.s32 $0x1, s1;
	v12 =	vld.idx.msk [tilespmem:v18+s16+$0x0], $0xffff  }
0x2d0: {  	_ =	sdelay $0x3  }
0x2d1: {  	v15 =	vld.idx.msk [tilespmem:v15+s2+$0x0], $0xffff  }
0x2d2: {  	v14 =	vld.idx.msk [tilespmem:v14+s2+$0x0], $0xffff;
	_ =	sdelay $0x1  }
0x2d3: {  	v18 =	vshll.u32 v16, $0x6  }
0x2d4: {  	v53 =	vand.u32 $0x7F, v16;
	v19 =	vand.u32 $0x7F, v8;
	v55 =	vshll.u32 v8, $0x6;
	v13 =	vld.idx.msk [tilespmem:v13+s16+$0x0], $0xffff  }
0x2d5: {  	v18 =	vand.u32 $0xFFFFE000, v18;
	v54 =	vshll.u32 v11, $0x6;
	v56 =	vand.u32 $0x7F, v11;
	v10 =	vld.idx.msk [tilespmem:v10+s16+$0x0], $0xffff  }
0x2d6: {  	v8 =	vand.u32 $0xFFFFE000, v55;
	v16 =	vor.u32 v18, v53;
	v18 =	vand.u32 $0xFFFFE000, v54  }
0x2d7: {  	v8 =	vor.u32 v8, v19;
	v11 =	vor.u32 v18, v56;
	v57 =	vshll.u32 v12, $0x6  }
0x2d8: {  	v16 =	vor.u32 v0, v16;
	v58 =	vand.u32 $0x7F, v12;
	v18 =	vand.u32 $0xFFFFE000, v57;
	v15 =	vld.idx.msk [tilespmem:v15+s16+$0x0], $0xffff  }
0x2d9: {  	v8 =	vor.u32 v3, v8;
	v11 =	vor.u32 v5, v11;
	v12 =	vor.u32 v18, v58;
	v14 =	vld.idx.msk [tilespmem:v14+s16+$0x0], $0xffff  }
0x2da: {  	[tilespmem:v17+s20+$0x0] =	vst.idx.add.f32.msk $0xffff, v2;
	v59 =	vshll.u32 v13, $0x6;
	v13 =	vand.u32 $0x7F, v13;
	v62 =	vshll.u32 v10, $0x6  }
0x2db: {  	[tilespmem:v9+s20+$0x0] =	vst.idx.add.f32.msk $0xffff, v2;
	v18 =	vand.u32 $0xFFFFE000, v59;
	v10 =	vand.u32 $0x7F, v10;
	v9 =	vand.u32 $0xFFFFE000, v62  }
0x2dc: {  	v12 =	vor.u32 v4, v12;
	v13 =	vor.u32 v18, v13;
	v9 =	vor.u32 v9, v10  }
0x2dd: {  	[tilespmem:v6+s20+$0x0] =	vst.idx.add.f32.msk $0xffff, v2;
	v6 =	vor.u32 v0, v13;
	v9 =	vor.u32 v3, v9;
	v60 =	vshll.u32 v15, $0x6  }
0x2de: {  	[tilespmem:v7+s20+$0x0] =	vst.idx.add.f32.msk $0xffff, v2;
	v15 =	vand.u32 $0x7F, v15;
	v63 =	vshll.u32 v14, $0x6;
	v61 =	vand.u32 $0xFFFFE000, v60  }
0x2df: {  	[tilespmem:v16+s20+$0x0] =	vst.idx.add.f32.msk $0xffff, v2;
	v14 =	vand.u32 $0x7F, v14;
	v7 =	vand.u32 $0xFFFFE000, v63;
	v13 =	vor.u32 v61, v15  }
0x2e0: {  	[tilespmem:v8+s20+$0x0] =	vst.idx.add.f32.msk $0xffff, v2;
	v7 =	vor.u32 v7, v14;
	v13 =	vor.u32 v5, v13  }
0x2e1: {  	[tilespmem:v11+s20+$0x0] =	vst.idx.add.f32.msk $0xffff, v2;
	v7 =	vor.u32 v4, v7  }
0x2e2: {  	[tilespmem:v12+s20+$0x0] =	vst.idx.add.f32.msk $0xffff, v2  }
0x2e3: {  	[tilespmem:v6+s20+$0x0] =	vst.idx.add.f32.msk $0xffff, v2  }
0x2e4: {  	[tilespmem:v9+s20+$0x0] =	vst.idx.add.f32.msk $0xffff, v2  }
0x2e5: {  	[tilespmem:v13+s20+$0x0] =	vst.idx.add.f32.msk $0xffff, v2  }
0x2e6: {  	[tilespmem:v7+s20+$0x0] =	vst.idx.add.f32.msk $0xffff, v2  }
0x2e7: {  	s0 =	simm.s32 $0x0;
	s1 =	rddreg [dreg:$0x10]  }
0x2e8: {  	[hbm4b:s1+s0] =	stream.linear.scatter [tilespmem:s20], [sflag:$0x1], $0x2000, $0x38;
	[tilespmem:$0x14200] =	vst v63  }
0x2e9: {  	s3 =	rddreg [dreg:$0x1f]  }
0x2ea: {  	[hbm4b:s3+s0] =	stream.linear.scatter [tilespmem:s21], [sflag:$0x1], $0x2000, $0x38;
	[tilespmem:$0x14200] =	vst v63  }
0x2eb: {  	_ = 	snop  }
0x2ec: {  	[hbm4b:s4+s0] =	stream.linear.scatter [tilespmem:s22], [sflag:$0x1], $0x2000, $0x38;
	[tilespmem:$0x14200] =	vst v63  }
0x2ed: {  	_ = 	snop  }
0x2ee: {  	[hbm4b:s6+s0] =	stream.linear.scatter [tilespmem:s23], [sflag:$0x1], $0x2000, $0x38;
	[tilespmem:$0x14200] =	vst v63  }
0x2ef: {  	_ =	swait.ge [sflag:s18], $0x2000  }
0x2f0: {  	[sflag:s18] =	ssyncset.done $0x0  }
0x2f1: {  	s3 =	rddreg [dreg:$0x11];
	[sflag:s18] =	ssyncadd.s32 $0xFFFFE000  }
0x2f2: {  	[tilespmem:s0], [sflag:$0x3] =	stream.linear.gather [hbm4b:s3+s0], $0x2000, $0x38;
	[tilespmem:$0x14200] =	vst v63  }
0x2f3: {  	_ =	swait.ge [sflag:s30], $0x2000  }
0x2f4: {  	[sflag:s30] =	ssyncset.done $0x0  }
0x2f5: {  	[sflag:s30] =	ssyncadd.s32 $0xFFFFE000  }
0x2f6: {  	_ =	swait.ge [sflag:s30], $0x2000  }
0x2f7: {  	[sflag:s30] =	ssyncset.done $0x0  }
0x2f8: {  	[sflag:s30] =	ssyncadd.s32 $0xFFFFE000  }
0x2f9: {  	_ =	swait.ge [sflag:s30], $0x2000  }
0x2fa: {  	[sflag:s30] =	ssyncset.done $0x0  }
0x2fb: {  	[sflag:s30] =	ssyncadd.s32 $0xFFFFE000  }
0x2fc: {  	_ =	swait.ge [sflag:s30], $0x2000  }
0x2fd: {  	[sflag:s30] =	ssyncset.done $0x0  }
0x2fe: {  	s1 =	simm.s32 $0x800;
	s3 =	simm.s32 $0x0;
	[sflag:s30] =	ssyncadd.s32 $0xFFFFE000  }
.LBB2_22:
0x2ff: {  	p0 =	sne.s32 s1, $0x1F800;
	[tilespmem:s3+$0xC3F0] =	vst v1  }
0x300: {  	[tilespmem:s3+$0xC200] =	vst v1  }
0x301: {  	[tilespmem:s3+$0xC210] =	vst v1  }
0x302: {  	[tilespmem:s3+$0xC220] =	vst v1  }
0x303: {  	[tilespmem:s3+$0xC230] =	vst v1  }
0x304: {  	[tilespmem:s3+$0xC240] =	vst v1  }
0x305: {  	[tilespmem:s3+$0xC250] =	vst v1  }
0x306: {  	[tilespmem:s3+$0xC260] =	vst v1  }
0x307: {  	[tilespmem:s3+$0xC270] =	vst v1  }
0x308: {  	[tilespmem:s3+$0xC280] =	vst v1  }
0x309: {  	[tilespmem:s3+$0xC290] =	vst v1  }
0x30a: {  	[tilespmem:s3+$0xC2A0] =	vst v1  }
0x30b: {  	[tilespmem:s3+$0xC2B0] =	vst v1  }
0x30c: {  	[tilespmem:s3+$0xC2C0] =	vst v1  }
0x30d: {  	[tilespmem:s3+$0xC2D0] =	vst v1  }
0x30e: {  	[tilespmem:s3+$0xC2E0] =	vst v1  }
0x30f: {  	[tilespmem:s3+$0xC2F0] =	vst v1  }
0x310: {  	[tilespmem:s3+$0xC300] =	vst v1  }
0x311: {  	[tilespmem:s3+$0xC310] =	vst v1  }
0x312: {  	[tilespmem:s3+$0xC320] =	vst v1  }
0x313: {  	[tilespmem:s3+$0xC330] =	vst v1  }
0x314: {  	[tilespmem:s3+$0xC340] =	vst v1  }
0x315: {  	[tilespmem:s3+$0xC350] =	vst v1  }
0x316: {  	[tilespmem:s3+$0xC360] =	vst v1  }
0x317: {  	[tilespmem:s3+$0xC370] =	vst v1  }
0x318: {  	[tilespmem:s3+$0xC380] =	vst v1  }
0x319: {  	[tilespmem:s3+$0xC390] =	vst v1  }
.Ltmp10:
0x31a: {  	[tilespmem:s3+$0xC3A0] =	vst v1;
	(pc) =	sbr.rel @p0 .LBB2_22-.Ltmp10, $4  }
0x31b: {  	[tilespmem:s3+$0xC3B0] =	vst v1  }
0x31c: {  	[tilespmem:s3+$0xC3C0] =	vst v1  }
0x31d: {  	[tilespmem:s3+$0xC3D0] =	vst v1  }
0x31e: {  	[tilespmem:s3+$0xC3E0] =	vst v1;
	s3 =	sshra.s32 s1, $0x2;
	s1 =	sadd.s32 $0x800, s1  }
0x31f: {  	[tilespmem:s3+$0xC3F0] =	vst v1  }
0x320: {  	[tilespmem:s3+$0xC200] =	vst v1  }
0x321: {  	[tilespmem:s3+$0xC210] =	vst v1  }
0x322: {  	[tilespmem:s3+$0xC220] =	vst v1  }
0x323: {  	[tilespmem:s3+$0xC230] =	vst v1  }
0x324: {  	[tilespmem:s3+$0xC240] =	vst v1  }
0x325: {  	[tilespmem:s3+$0xC250] =	vst v1  }
0x326: {  	[tilespmem:s3+$0xC260] =	vst v1  }
0x327: {  	[tilespmem:s3+$0xC270] =	vst v1  }
0x328: {  	[tilespmem:s3+$0xC280] =	vst v1  }
0x329: {  	[tilespmem:s3+$0xC290] =	vst v1  }
0x32a: {  	[tilespmem:s3+$0xC2A0] =	vst v1  }
0x32b: {  	[tilespmem:s3+$0xC2B0] =	vst v1  }
0x32c: {  	[tilespmem:s3+$0xC2C0] =	vst v1  }
0x32d: {  	[tilespmem:s3+$0xC2D0] =	vst v1  }
0x32e: {  	[tilespmem:s3+$0xC2E0] =	vst v1  }
0x32f: {  	[tilespmem:s3+$0xC2F0] =	vst v1  }
0x330: {  	[tilespmem:s3+$0xC300] =	vst v1  }
0x331: {  	[tilespmem:s3+$0xC310] =	vst v1  }
0x332: {  	[tilespmem:s3+$0xC320] =	vst v1  }
0x333: {  	[tilespmem:s3+$0xC330] =	vst v1  }
0x334: {  	[tilespmem:s3+$0xC340] =	vst v1  }
0x335: {  	[tilespmem:s3+$0xC350] =	vst v1  }
0x336: {  	[tilespmem:s3+$0xC360] =	vst v1;
	v6 =	vmov s0  }
0x337: {  	[tilespmem:s3+$0xC370] =	vst v1;
	v6 =	vand.u32 $0x7F, v6  }
0x338: {  	[tilespmem:s3+$0xC380] =	vst v1;
	v6 =	vbroadcast v6, $0x0  }
0x339: {  	[tilespmem:s3+$0xC390] =	vst v1  }
0x33a: {  	[tilespmem:s3+$0xC3A0] =	vst v1;
	v7 =	vor.u32 v0, v6  }
0x33b: {  	[tilespmem:s3+$0xC3B0] =	vst v1;
	v8 =	vor.u32 v3, v6  }
0x33c: {  	[tilespmem:s3+$0xC3C0] =	vst v1;
	s1 =	simm.s32 $0x1  }
0x33d: {  	[tilespmem:s3+$0xC3D0] =	vst v1;
	v10 =	vmov s1  }
0x33e: {  	[tilespmem:s3+$0xC3E0] =	vst v1;
	v10 =	vand.u32 $0x7F, v10;
	v9 =	vor.u32 v5, v6  }
0x33f: {  	v10 =	vbroadcast v10, $0x0;
	v7 =	vld.idx.msk [tilespmem:v7+s19+$0x0], $0xffff  }
0x340: {  	v6 =	vor.u32 v4, v6;
	v8 =	vld.idx.msk [tilespmem:v8+s19+$0x0], $0xffff  }
0x341: {  	v13 =	vor.u32 v5, v10;
	_ =	sdelay $0x1  }
0x342: {  	v9 =	vld.idx.msk [tilespmem:v9+s19+$0x0], $0xffff  }
0x343: {  	v11 =	vor.u32 v0, v10  }
0x344: {  	v12 =	vor.u32 v3, v10;
	v6 =	vld.idx.msk [tilespmem:v6+s19+$0x0], $0xffff  }
0x345: {  	v13 =	vld.idx.msk [tilespmem:v13+s19+$0x0], $0xffff  }
0x346: {  	v7 =	vld.idx.msk [tilespmem:v7+s16+$0x0], $0xffff  }
0x347: {  	v14 =	vld.idx.msk [tilespmem:v8+s16+$0x0], $0xffff  }
0x348: {  	v8 =	vor.u32 v4, v10;
	v10 =	vld.idx.msk [tilespmem:v11+s19+$0x0], $0xffff  }
0x349: {  	s3 =	simm.s32 $0x2;
	v11 =	vld.idx.msk [tilespmem:v12+s19+$0x0], $0xffff  }
0x34a: {  	v12 =	vmov s3;
	v9 =	vld.idx.msk [tilespmem:v9+s16+$0x0], $0xffff  }
0x34b: {  	v12 =	vand.u32 $0x7F, v12  }
0x34c: {  	v17 =	vld.idx.msk [tilespmem:v6+s16+$0x0], $0xffff;
	v12 =	vbroadcast v12, $0x0;
	_ =	sdelay $0x1  }
0x34d: {  	v19 =	vor.u32 v0, v12;
	v15 =	vor.u32 v5, v12;
	v6 =	vshll.u32 v7, $0x6;
	v18 =	vld.idx.msk [tilespmem:v8+s19+$0x0], $0xffff  }
0x34e: {  	v7 =	vand.u32 $0x7F, v7;
	v8 =	vshll.u32 v9, $0x6;
	v6 =	vand.u32 $0xFFFFE000, v6  }
0x34f: {  	v20 =	vand.u32 $0x7F, v14;
	v6 =	vor.u32 v6, v7;
	v7 =	vor.u32 v3, v12;
	v16 =	vld.idx.msk [tilespmem:v10+s16+$0x0], $0xffff  }
0x350: {  	v9 =	vand.u32 $0x7F, v9;
	v22 =	vshll.u32 v17, $0x6;
	v10 =	vand.u32 $0xFFFFE000, v8;
	v8 =	vld.idx.msk [tilespmem:v11+s16+$0x0], $0xffff  }
0x351: {  	v17 =	vand.u32 $0x7F, v17;
	v63 =	vand.u32 $0xFFFFE000, v22;
	v11 =	vld.idx.msk [tilespmem:v13+s16+$0x0], $0xffff;
	v9 =	vor.u32 v10, v9  }
0x352: {  	v21 =	vshll.u32 v14, $0x6;
	v13 =	vld.idx.msk [tilespmem:v19+s19+$0x0], $0xffff;
	v19 =	vor.u32 v63, v17;
	v17 =	vor.u32 v5, v9  }
0x353: {  	v14 =	vor.u32 v4, v12;
	v12 =	vand.u32 $0xFFFFE000, v21;
	v6 =	vor.u32 v0, v6  }
0x354: {  	v12 =	vor.u32 v12, v20;
	v10 =	vld.idx.msk [tilespmem:v7+s19+$0x0], $0xffff  }
0x355: {  	s0 =	simm.s32 $0x8;
	s1 =	simm.s32 $0x3;
	v9 =	vor.u32 v4, v19;
	v7 =	vor.u32 v3, v12;
	v12 =	vld.idx.msk [tilespmem:v18+s16+$0x0], $0xffff  }
.LBB2_24:
0x356: {  	v18 =	vmov s1;
	s0 =	sadd.s32 $0x4, s0;
	v19 =	vld.idx.msk [tilespmem:v15+s19+$0x0], $0xffff;
	v15 =	vshll.u32 v16, $0x6  }
0x357: {  	v16 =	vand.u32 $0x7F, v16;
	v18 =	vand.u32 $0x7F, v18;
	p0 =	slt.u32 s0, $0xC4;
	v15 =	vand.u32 $0xFFFFE000, v15;
	[tilespmem:v17+s24+$0x0] =	vst.idx.add.f32.msk $0xffff, v2  }
0x358: {  	v17 =	vbroadcast v18, $0x0;
	v15 =	vor.u32 v15, v16;
	v16 =	vshll.u32 v11, $0x6;
	[tilespmem:v6+s24+$0x0] =	vst.idx.add.f32.msk $0xffff, v2  }
0x359: {  	v20 =	vand.u32 $0x7F, v8;
	v18 =	vld.idx.msk [tilespmem:v14+s19+$0x0], $0xffff;
	v6 =	vor.u32 v0, v15;
	v21 =	vand.u32 $0xFFFFE000, v16  }
0x35a: {  	v11 =	vand.u32 $0x7F, v11;
	v22 =	vor.u32 v0, v17;
	v15 =	vor.u32 v5, v17;
	[tilespmem:v9+s24+$0x0] =	vst.idx.add.f32.msk $0xffff, v2  }
0x35b: {  	v8 =	vshll.u32 v8, $0x6;
	v23 =	vor.u32 v3, v17;
	v9 =	vshll.u32 v12, $0x6;
	[tilespmem:v7+s24+$0x0] =	vst.idx.add.f32.msk $0xffff, v2  }
0x35c: {  	v14 =	vor.u32 v4, v17;
	v7 =	vand.u32 $0xFFFFE000, v8;
	v9 =	vand.u32 $0xFFFFE000, v9;
	v16 =	vld.idx.msk [tilespmem:v13+s16+$0x0], $0xffff  }
.Ltmp11:
0x35d: {  	v7 =	vor.u32 v7, v20;
	v8 =	vld.idx.msk [tilespmem:v10+s16+$0x0], $0xffff;
	v10 =	vand.u32 $0x7F, v12;
	v12 =	vor.u32 v21, v11;
	(pc) =	sbr.rel @p0 .LBB2_24-.Ltmp11, $4  }
0x35e: {  	v7 =	vor.u32 v3, v7;
	v11 =	vld.idx.msk [tilespmem:v19+s16+$0x0], $0xffff;
	v9 =	vor.u32 v9, v10;
	v17 =	vor.u32 v5, v12  }
0x35f: {  	v13 =	vld.idx.msk [tilespmem:v22+s19+$0x0], $0xffff;
	v9 =	vor.u32 v4, v9  }
0x360: {  	v10 =	vld.idx.msk [tilespmem:v23+s19+$0x0], $0xffff  }
0x361: {  	s1 =	sadd.s32 $0x1, s1;
	v12 =	vld.idx.msk [tilespmem:v18+s16+$0x0], $0xffff  }
0x362: {  	_ =	sdelay $0x3  }
0x363: {  	v15 =	vld.idx.msk [tilespmem:v15+s19+$0x0], $0xffff  }
0x364: {  	v14 =	vld.idx.msk [tilespmem:v14+s19+$0x0], $0xffff;
	_ =	sdelay $0x1  }
0x365: {  	v18 =	vshll.u32 v16, $0x6  }
0x366: {  	v53 =	vand.u32 $0x7F, v16;
	v19 =	vand.u32 $0x7F, v8;
	v55 =	vshll.u32 v8, $0x6;
	v13 =	vld.idx.msk [tilespmem:v13+s16+$0x0], $0xffff  }
0x367: {  	v18 =	vand.u32 $0xFFFFE000, v18;
	v54 =	vshll.u32 v11, $0x6;
	v56 =	vand.u32 $0x7F, v11;
	v10 =	vld.idx.msk [tilespmem:v10+s16+$0x0], $0xffff  }
0x368: {  	v8 =	vand.u32 $0xFFFFE000, v55;
	v16 =	vor.u32 v18, v53;
	v18 =	vand.u32 $0xFFFFE000, v54  }
0x369: {  	v8 =	vor.u32 v8, v19;
	v11 =	vor.u32 v18, v56;
	v57 =	vshll.u32 v12, $0x6  }
0x36a: {  	v16 =	vor.u32 v0, v16;
	v58 =	vand.u32 $0x7F, v12;
	v18 =	vand.u32 $0xFFFFE000, v57;
	v15 =	vld.idx.msk [tilespmem:v15+s16+$0x0], $0xffff  }
0x36b: {  	v8 =	vor.u32 v3, v8;
	v11 =	vor.u32 v5, v11;
	v12 =	vor.u32 v18, v58;
	v14 =	vld.idx.msk [tilespmem:v14+s16+$0x0], $0xffff  }
0x36c: {  	[tilespmem:v17+s24+$0x0] =	vst.idx.add.f32.msk $0xffff, v2;
	v59 =	vshll.u32 v13, $0x6;
	v13 =	vand.u32 $0x7F, v13;
	v62 =	vshll.u32 v10, $0x6  }
0x36d: {  	[tilespmem:v9+s24+$0x0] =	vst.idx.add.f32.msk $0xffff, v2;
	v18 =	vand.u32 $0xFFFFE000, v59;
	v10 =	vand.u32 $0x7F, v10;
	v9 =	vand.u32 $0xFFFFE000, v62  }
0x36e: {  	v12 =	vor.u32 v4, v12;
	v13 =	vor.u32 v18, v13;
	v9 =	vor.u32 v9, v10  }
0x36f: {  	[tilespmem:v6+s24+$0x0] =	vst.idx.add.f32.msk $0xffff, v2;
	v6 =	vor.u32 v0, v13;
	v9 =	vor.u32 v3, v9;
	v60 =	vshll.u32 v15, $0x6  }
0x370: {  	[tilespmem:v7+s24+$0x0] =	vst.idx.add.f32.msk $0xffff, v2;
	v15 =	vand.u32 $0x7F, v15;
	v63 =	vshll.u32 v14, $0x6;
	v61 =	vand.u32 $0xFFFFE000, v60  }
0x371: {  	[tilespmem:v16+s24+$0x0] =	vst.idx.add.f32.msk $0xffff, v2;
	v14 =	vand.u32 $0x7F, v14;
	v7 =	vand.u32 $0xFFFFE000, v63;
	v13 =	vor.u32 v61, v15  }
0x372: {  	[tilespmem:v8+s24+$0x0] =	vst.idx.add.f32.msk $0xffff, v2;
	v7 =	vor.u32 v7, v14;
	v13 =	vor.u32 v5, v13  }
0x373: {  	[tilespmem:v11+s24+$0x0] =	vst.idx.add.f32.msk $0xffff, v2;
	v7 =	vor.u32 v4, v7  }
0x374: {  	[tilespmem:v12+s24+$0x0] =	vst.idx.add.f32.msk $0xffff, v2  }
0x375: {  	[tilespmem:v6+s24+$0x0] =	vst.idx.add.f32.msk $0xffff, v2  }
0x376: {  	[tilespmem:v9+s24+$0x0] =	vst.idx.add.f32.msk $0xffff, v2  }
0x377: {  	[tilespmem:v13+s24+$0x0] =	vst.idx.add.f32.msk $0xffff, v2  }
0x378: {  	[tilespmem:v7+s24+$0x0] =	vst.idx.add.f32.msk $0xffff, v2  }
0x379: {  	s0 =	simm.s32 $0x0;
	s1 =	rddreg [dreg:$0x12]  }
0x37a: {  	[hbm4b:s1+s0] =	stream.linear.scatter [tilespmem:s24], [sflag:$0x2], $0x2000, $0x38;
	[tilespmem:$0x14200] =	vst v63  }
0x37b: {  	_ = 	snop  }
0x37c: {  	[hbm4b:s7+s0] =	stream.linear.scatter [tilespmem:s25], [sflag:$0x2], $0x2000, $0x38;
	[tilespmem:$0x14200] =	vst v63  }
0x37d: {  	_ = 	snop  }
0x37e: {  	[hbm4b:s8+s0] =	stream.linear.scatter [tilespmem:s26], [sflag:$0x2], $0x2000, $0x38;
	[tilespmem:$0x14200] =	vst v63  }
0x37f: {  	_ = 	snop  }
0x380: {  	[hbm4b:s9+s0] =	stream.linear.scatter [tilespmem:s28], [sflag:$0x2], $0x2000, $0x38;
	[tilespmem:$0x14200] =	vst v63  }
0x381: {  	_ =	swait.ge [sflag:s18], $0x2000  }
0x382: {  	[sflag:s18] =	ssyncset.done $0x0  }
0x383: {  	s3 =	rddreg [dreg:$0x13];
	[sflag:s18] =	ssyncadd.s32 $0xFFFFE000  }
0x384: {  	[tilespmem:s19], [sflag:$0x3] =	stream.linear.gather [hbm4b:s3+s0], $0x2000, $0x38;
	[tilespmem:$0x14200] =	vst v63  }
0x385: {  	_ =	swait.ge [sflag:s29], $0x2000  }
0x386: {  	[sflag:s29] =	ssyncset.done $0x0  }
0x387: {  	[sflag:s29] =	ssyncadd.s32 $0xFFFFE000  }
0x388: {  	_ =	swait.ge [sflag:s29], $0x2000  }
0x389: {  	[sflag:s29] =	ssyncset.done $0x0  }
0x38a: {  	[sflag:s29] =	ssyncadd.s32 $0xFFFFE000  }
0x38b: {  	_ =	swait.ge [sflag:s29], $0x2000  }
0x38c: {  	[sflag:s29] =	ssyncset.done $0x0  }
0x38d: {  	[sflag:s29] =	ssyncadd.s32 $0xFFFFE000  }
0x38e: {  	_ =	swait.ge [sflag:s29], $0x2000  }
0x38f: {  	[sflag:s29] =	ssyncset.done $0x0  }
0x390: {  	s1 =	simm.s32 $0x800;
	s3 =	simm.s32 $0x0;
	[sflag:s29] =	ssyncadd.s32 $0xFFFFE000  }
.LBB2_26:
0x391: {  	p0 =	sne.s32 s1, $0x1F800;
	[tilespmem:s3+$0x43F0] =	vst v1  }
0x392: {  	[tilespmem:s3+$0x4200] =	vst v1  }
0x393: {  	[tilespmem:s3+$0x4210] =	vst v1  }
0x394: {  	[tilespmem:s3+$0x4220] =	vst v1  }
0x395: {  	[tilespmem:s3+$0x4230] =	vst v1  }
0x396: {  	[tilespmem:s3+$0x4240] =	vst v1  }
0x397: {  	[tilespmem:s3+$0x4250] =	vst v1  }
0x398: {  	[tilespmem:s3+$0x4260] =	vst v1  }
0x399: {  	[tilespmem:s3+$0x4270] =	vst v1  }
0x39a: {  	[tilespmem:s3+$0x4280] =	vst v1  }
0x39b: {  	[tilespmem:s3+$0x4290] =	vst v1  }
0x39c: {  	[tilespmem:s3+$0x42A0] =	vst v1  }
0x39d: {  	[tilespmem:s3+$0x42B0] =	vst v1  }
0x39e: {  	[tilespmem:s3+$0x42C0] =	vst v1  }
0x39f: {  	[tilespmem:s3+$0x42D0] =	vst v1  }
0x3a0: {  	[tilespmem:s3+$0x42E0] =	vst v1  }
0x3a1: {  	[tilespmem:s3+$0x42F0] =	vst v1  }
0x3a2: {  	[tilespmem:s3+$0x4300] =	vst v1  }
0x3a3: {  	[tilespmem:s3+$0x4310] =	vst v1  }
0x3a4: {  	[tilespmem:s3+$0x4320] =	vst v1  }
0x3a5: {  	[tilespmem:s3+$0x4330] =	vst v1  }
0x3a6: {  	[tilespmem:s3+$0x4340] =	vst v1  }
0x3a7: {  	[tilespmem:s3+$0x4350] =	vst v1  }
0x3a8: {  	[tilespmem:s3+$0x4360] =	vst v1  }
0x3a9: {  	[tilespmem:s3+$0x4370] =	vst v1  }
0x3aa: {  	[tilespmem:s3+$0x4380] =	vst v1  }
0x3ab: {  	[tilespmem:s3+$0x4390] =	vst v1  }
.Ltmp12:
0x3ac: {  	[tilespmem:s3+$0x43A0] =	vst v1;
	(pc) =	sbr.rel @p0 .LBB2_26-.Ltmp12, $4  }
0x3ad: {  	[tilespmem:s3+$0x43B0] =	vst v1  }
0x3ae: {  	[tilespmem:s3+$0x43C0] =	vst v1  }
0x3af: {  	[tilespmem:s3+$0x43D0] =	vst v1  }
0x3b0: {  	[tilespmem:s3+$0x43E0] =	vst v1;
	s3 =	sshra.s32 s1, $0x2;
	s1 =	sadd.s32 $0x800, s1  }
0x3b1: {  	[tilespmem:s3+$0x43F0] =	vst v1  }
0x3b2: {  	[tilespmem:s3+$0x4200] =	vst v1  }
0x3b3: {  	[tilespmem:s3+$0x4210] =	vst v1  }
0x3b4: {  	[tilespmem:s3+$0x4220] =	vst v1  }
0x3b5: {  	[tilespmem:s3+$0x4230] =	vst v1  }
0x3b6: {  	[tilespmem:s3+$0x4240] =	vst v1  }
0x3b7: {  	[tilespmem:s3+$0x4250] =	vst v1  }
0x3b8: {  	[tilespmem:s3+$0x4260] =	vst v1  }
0x3b9: {  	[tilespmem:s3+$0x4270] =	vst v1  }
0x3ba: {  	[tilespmem:s3+$0x4280] =	vst v1  }
0x3bb: {  	[tilespmem:s3+$0x4290] =	vst v1  }
0x3bc: {  	[tilespmem:s3+$0x42A0] =	vst v1  }
0x3bd: {  	[tilespmem:s3+$0x42B0] =	vst v1  }
0x3be: {  	[tilespmem:s3+$0x42C0] =	vst v1  }
0x3bf: {  	[tilespmem:s3+$0x42D0] =	vst v1  }
0x3c0: {  	[tilespmem:s3+$0x42E0] =	vst v1  }
0x3c1: {  	[tilespmem:s3+$0x42F0] =	vst v1  }
0x3c2: {  	[tilespmem:s3+$0x4300] =	vst v1  }
0x3c3: {  	[tilespmem:s3+$0x4310] =	vst v1  }
0x3c4: {  	[tilespmem:s3+$0x4320] =	vst v1  }
0x3c5: {  	[tilespmem:s3+$0x4330] =	vst v1  }
0x3c6: {  	[tilespmem:s3+$0x4340] =	vst v1  }
0x3c7: {  	[tilespmem:s3+$0x4350] =	vst v1  }
0x3c8: {  	[tilespmem:s3+$0x4360] =	vst v1;
	v6 =	vmov s0  }
0x3c9: {  	[tilespmem:s3+$0x4370] =	vst v1;
	v6 =	vand.u32 $0x7F, v6  }
0x3ca: {  	[tilespmem:s3+$0x4380] =	vst v1;
	v6 =	vbroadcast v6, $0x0  }
0x3cb: {  	[tilespmem:s3+$0x4390] =	vst v1  }
0x3cc: {  	[tilespmem:s3+$0x43A0] =	vst v1;
	v7 =	vor.u32 v0, v6  }
0x3cd: {  	[tilespmem:s3+$0x43B0] =	vst v1;
	v8 =	vor.u32 v3, v6  }
0x3ce: {  	[tilespmem:s3+$0x43C0] =	vst v1;
	s1 =	simm.s32 $0x1  }
0x3cf: {  	[tilespmem:s3+$0x43D0] =	vst v1;
	v10 =	vmov s1  }
0x3d0: {  	[tilespmem:s3+$0x43E0] =	vst v1;
	v10 =	vand.u32 $0x7F, v10;
	v9 =	vor.u32 v5, v6  }
0x3d1: {  	v10 =	vbroadcast v10, $0x0;
	v7 =	vld.idx.msk [tilespmem:v7+s2+$0x0], $0xffff  }
0x3d2: {  	v6 =	vor.u32 v4, v6;
	v8 =	vld.idx.msk [tilespmem:v8+s2+$0x0], $0xffff  }
0x3d3: {  	v13 =	vor.u32 v5, v10;
	_ =	sdelay $0x1  }
0x3d4: {  	v9 =	vld.idx.msk [tilespmem:v9+s2+$0x0], $0xffff  }
0x3d5: {  	v11 =	vor.u32 v0, v10  }
0x3d6: {  	v12 =	vor.u32 v3, v10;
	v6 =	vld.idx.msk [tilespmem:v6+s2+$0x0], $0xffff  }
0x3d7: {  	v13 =	vld.idx.msk [tilespmem:v13+s2+$0x0], $0xffff  }
0x3d8: {  	v7 =	vld.idx.msk [tilespmem:v7+s16+$0x0], $0xffff  }
0x3d9: {  	v14 =	vld.idx.msk [tilespmem:v8+s16+$0x0], $0xffff  }
0x3da: {  	v8 =	vor.u32 v4, v10;
	v10 =	vld.idx.msk [tilespmem:v11+s2+$0x0], $0xffff  }
0x3db: {  	s3 =	simm.s32 $0x2;
	v11 =	vld.idx.msk [tilespmem:v12+s2+$0x0], $0xffff  }
0x3dc: {  	v12 =	vmov s3;
	v9 =	vld.idx.msk [tilespmem:v9+s16+$0x0], $0xffff  }
0x3dd: {  	v12 =	vand.u32 $0x7F, v12  }
0x3de: {  	v17 =	vld.idx.msk [tilespmem:v6+s16+$0x0], $0xffff;
	v12 =	vbroadcast v12, $0x0;
	_ =	sdelay $0x1  }
0x3df: {  	v19 =	vor.u32 v0, v12;
	v15 =	vor.u32 v5, v12;
	v6 =	vshll.u32 v7, $0x6;
	v18 =	vld.idx.msk [tilespmem:v8+s2+$0x0], $0xffff  }
0x3e0: {  	v7 =	vand.u32 $0x7F, v7;
	v8 =	vshll.u32 v9, $0x6;
	v6 =	vand.u32 $0xFFFFE000, v6  }
0x3e1: {  	v20 =	vand.u32 $0x7F, v14;
	v6 =	vor.u32 v6, v7;
	v7 =	vor.u32 v3, v12;
	v16 =	vld.idx.msk [tilespmem:v10+s16+$0x0], $0xffff  }
0x3e2: {  	v9 =	vand.u32 $0x7F, v9;
	v22 =	vshll.u32 v17, $0x6;
	v10 =	vand.u32 $0xFFFFE000, v8;
	v8 =	vld.idx.msk [tilespmem:v11+s16+$0x0], $0xffff  }
0x3e3: {  	v17 =	vand.u32 $0x7F, v17;
	v63 =	vand.u32 $0xFFFFE000, v22;
	v11 =	vld.idx.msk [tilespmem:v13+s16+$0x0], $0xffff;
	v9 =	vor.u32 v10, v9  }
0x3e4: {  	v21 =	vshll.u32 v14, $0x6;
	v13 =	vld.idx.msk [tilespmem:v19+s2+$0x0], $0xffff;
	v19 =	vor.u32 v63, v17;
	v17 =	vor.u32 v5, v9  }
0x3e5: {  	v14 =	vor.u32 v4, v12;
	v12 =	vand.u32 $0xFFFFE000, v21;
	v6 =	vor.u32 v0, v6  }
0x3e6: {  	v12 =	vor.u32 v12, v20;
	v10 =	vld.idx.msk [tilespmem:v7+s2+$0x0], $0xffff  }
0x3e7: {  	s0 =	simm.s32 $0x8;
	s1 =	simm.s32 $0x3;
	v9 =	vor.u32 v4, v19;
	v7 =	vor.u32 v3, v12;
	v12 =	vld.idx.msk [tilespmem:v18+s16+$0x0], $0xffff  }
.LBB2_28:
0x3e8: {  	v18 =	vmov s1;
	s0 =	sadd.s32 $0x4, s0;
	v19 =	vld.idx.msk [tilespmem:v15+s2+$0x0], $0xffff;
	v15 =	vshll.u32 v16, $0x6  }
0x3e9: {  	v16 =	vand.u32 $0x7F, v16;
	v18 =	vand.u32 $0x7F, v18;
	p0 =	slt.u32 s0, $0xC4;
	v15 =	vand.u32 $0xFFFFE000, v15;
	[tilespmem:v17+s20+$0x0] =	vst.idx.add.f32.msk $0xffff, v2  }
0x3ea: {  	v17 =	vbroadcast v18, $0x0;
	v15 =	vor.u32 v15, v16;
	v16 =	vshll.u32 v11, $0x6;
	[tilespmem:v6+s20+$0x0] =	vst.idx.add.f32.msk $0xffff, v2  }
0x3eb: {  	v20 =	vand.u32 $0x7F, v8;
	v18 =	vld.idx.msk [tilespmem:v14+s2+$0x0], $0xffff;
	v6 =	vor.u32 v0, v15;
	v21 =	vand.u32 $0xFFFFE000, v16  }
0x3ec: {  	v11 =	vand.u32 $0x7F, v11;
	v22 =	vor.u32 v0, v17;
	v15 =	vor.u32 v5, v17;
	[tilespmem:v9+s20+$0x0] =	vst.idx.add.f32.msk $0xffff, v2  }
0x3ed: {  	v8 =	vshll.u32 v8, $0x6;
	v23 =	vor.u32 v3, v17;
	v9 =	vshll.u32 v12, $0x6;
	[tilespmem:v7+s20+$0x0] =	vst.idx.add.f32.msk $0xffff, v2  }
0x3ee: {  	v14 =	vor.u32 v4, v17;
	v7 =	vand.u32 $0xFFFFE000, v8;
	v9 =	vand.u32 $0xFFFFE000, v9;
	v16 =	vld.idx.msk [tilespmem:v13+s16+$0x0], $0xffff  }
.Ltmp13:
0x3ef: {  	v7 =	vor.u32 v7, v20;
	v8 =	vld.idx.msk [tilespmem:v10+s16+$0x0], $0xffff;
	v10 =	vand.u32 $0x7F, v12;
	v12 =	vor.u32 v21, v11;
	(pc) =	sbr.rel @p0 .LBB2_28-.Ltmp13, $4  }
0x3f0: {  	v7 =	vor.u32 v3, v7;
	v11 =	vld.idx.msk [tilespmem:v19+s16+$0x0], $0xffff;
	v9 =	vor.u32 v9, v10;
	v17 =	vor.u32 v5, v12  }
0x3f1: {  	v13 =	vld.idx.msk [tilespmem:v22+s2+$0x0], $0xffff;
	v9 =	vor.u32 v4, v9  }
0x3f2: {  	v10 =	vld.idx.msk [tilespmem:v23+s2+$0x0], $0xffff  }
0x3f3: {  	s1 =	sadd.s32 $0x1, s1;
	v12 =	vld.idx.msk [tilespmem:v18+s16+$0x0], $0xffff  }
0x3f4: {  	_ =	sdelay $0x3  }
0x3f5: {  	v15 =	vld.idx.msk [tilespmem:v15+s2+$0x0], $0xffff  }
0x3f6: {  	v14 =	vld.idx.msk [tilespmem:v14+s2+$0x0], $0xffff;
	_ =	sdelay $0x1  }
0x3f7: {  	v18 =	vshll.u32 v16, $0x6  }
0x3f8: {  	v53 =	vand.u32 $0x7F, v16;
	v19 =	vand.u32 $0x7F, v8;
	v55 =	vshll.u32 v8, $0x6;
	v13 =	vld.idx.msk [tilespmem:v13+s16+$0x0], $0xffff  }
0x3f9: {  	v18 =	vand.u32 $0xFFFFE000, v18;
	v54 =	vshll.u32 v11, $0x6;
	v56 =	vand.u32 $0x7F, v11;
	v10 =	vld.idx.msk [tilespmem:v10+s16+$0x0], $0xffff  }
0x3fa: {  	v8 =	vand.u32 $0xFFFFE000, v55;
	v16 =	vor.u32 v18, v53;
	v18 =	vand.u32 $0xFFFFE000, v54  }
0x3fb: {  	v8 =	vor.u32 v8, v19;
	v11 =	vor.u32 v18, v56;
	v57 =	vshll.u32 v12, $0x6  }
0x3fc: {  	v16 =	vor.u32 v0, v16;
	v58 =	vand.u32 $0x7F, v12;
	v18 =	vand.u32 $0xFFFFE000, v57;
	v15 =	vld.idx.msk [tilespmem:v15+s16+$0x0], $0xffff  }
0x3fd: {  	v8 =	vor.u32 v3, v8;
	v11 =	vor.u32 v5, v11;
	v12 =	vor.u32 v18, v58;
	v14 =	vld.idx.msk [tilespmem:v14+s16+$0x0], $0xffff  }
0x3fe: {  	[tilespmem:v17+s20+$0x0] =	vst.idx.add.f32.msk $0xffff, v2;
	v59 =	vshll.u32 v13, $0x6;
	v13 =	vand.u32 $0x7F, v13;
	v62 =	vshll.u32 v10, $0x6  }
0x3ff: {  	[tilespmem:v9+s20+$0x0] =	vst.idx.add.f32.msk $0xffff, v2;
	v18 =	vand.u32 $0xFFFFE000, v59;
	v10 =	vand.u32 $0x7F, v10;
	v9 =	vand.u32 $0xFFFFE000, v62  }
0x400: {  	v12 =	vor.u32 v4, v12;
	v13 =	vor.u32 v18, v13;
	v9 =	vor.u32 v9, v10  }
0x401: {  	[tilespmem:v6+s20+$0x0] =	vst.idx.add.f32.msk $0xffff, v2;
	v6 =	vor.u32 v0, v13;
	v9 =	vor.u32 v3, v9;
	v60 =	vshll.u32 v15, $0x6  }
0x402: {  	[tilespmem:v7+s20+$0x0] =	vst.idx.add.f32.msk $0xffff, v2;
	v15 =	vand.u32 $0x7F, v15;
	v63 =	vshll.u32 v14, $0x6;
	v61 =	vand.u32 $0xFFFFE000, v60  }
0x403: {  	[tilespmem:v16+s20+$0x0] =	vst.idx.add.f32.msk $0xffff, v2;
	v14 =	vand.u32 $0x7F, v14;
	v7 =	vand.u32 $0xFFFFE000, v63;
	v13 =	vor.u32 v61, v15  }
0x404: {  	[tilespmem:v8+s20+$0x0] =	vst.idx.add.f32.msk $0xffff, v2;
	v7 =	vor.u32 v7, v14;
	v13 =	vor.u32 v5, v13  }
0x405: {  	[tilespmem:v11+s20+$0x0] =	vst.idx.add.f32.msk $0xffff, v2;
	v7 =	vor.u32 v4, v7  }
0x406: {  	[tilespmem:v12+s20+$0x0] =	vst.idx.add.f32.msk $0xffff, v2  }
0x407: {  	[tilespmem:v6+s20+$0x0] =	vst.idx.add.f32.msk $0xffff, v2  }
0x408: {  	[tilespmem:v9+s20+$0x0] =	vst.idx.add.f32.msk $0xffff, v2  }
0x409: {  	[tilespmem:v13+s20+$0x0] =	vst.idx.add.f32.msk $0xffff, v2  }
0x40a: {  	[tilespmem:v7+s20+$0x0] =	vst.idx.add.f32.msk $0xffff, v2  }
0x40b: {  	s0 =	simm.s32 $0x0;
	s1 =	rddreg [dreg:$0x14]  }
0x40c: {  	[hbm4b:s1+s0] =	stream.linear.scatter [tilespmem:s20], [sflag:$0x1], $0x2000, $0x38;
	[tilespmem:$0x14200] =	vst v63  }
0x40d: {  	_ = 	snop  }
0x40e: {  	[hbm4b:s10+s0] =	stream.linear.scatter [tilespmem:s21], [sflag:$0x1], $0x2000, $0x38;
	[tilespmem:$0x14200] =	vst v63  }
0x40f: {  	_ = 	snop  }
0x410: {  	[hbm4b:s11+s0] =	stream.linear.scatter [tilespmem:s22], [sflag:$0x1], $0x2000, $0x38;
	[tilespmem:$0x14200] =	vst v63  }
0x411: {  	_ = 	snop  }
0x412: {  	[hbm4b:s12+s0] =	stream.linear.scatter [tilespmem:s23], [sflag:$0x1], $0x2000, $0x38;
	[tilespmem:$0x14200] =	vst v63  }
0x413: {  	_ =	swait.ge [sflag:s18], $0x2000  }
0x414: {  	[sflag:s18] =	ssyncset.done $0x0  }
0x415: {  	[sflag:s18] =	ssyncadd.s32 $0xFFFFE000  }
0x416: {  	_ =	swait.ge [sflag:s30], $0x2000  }
0x417: {  	[sflag:s30] =	ssyncset.done $0x0  }
0x418: {  	[sflag:s30] =	ssyncadd.s32 $0xFFFFE000  }
0x419: {  	_ =	swait.ge [sflag:s30], $0x2000  }
0x41a: {  	[sflag:s30] =	ssyncset.done $0x0  }
0x41b: {  	[sflag:s30] =	ssyncadd.s32 $0xFFFFE000  }
0x41c: {  	_ =	swait.ge [sflag:s30], $0x2000  }
0x41d: {  	[sflag:s30] =	ssyncset.done $0x0  }
0x41e: {  	[sflag:s30] =	ssyncadd.s32 $0xFFFFE000  }
0x41f: {  	_ =	swait.ge [sflag:s30], $0x2000  }
0x420: {  	[sflag:s30] =	ssyncset.done $0x0  }
0x421: {  	s3 =	simm.s32 $0x0;
	s1 =	simm.s32 $0x800;
	[sflag:s30] =	ssyncadd.s32 $0xFFFFE000  }
.LBB2_30:
0x422: {  	p0 =	sne.s32 s1, $0x1F800;
	[tilespmem:s3+$0xC3F0] =	vst v1  }
0x423: {  	[tilespmem:s3+$0xC200] =	vst v1  }
0x424: {  	[tilespmem:s3+$0xC210] =	vst v1  }
0x425: {  	[tilespmem:s3+$0xC220] =	vst v1  }
0x426: {  	[tilespmem:s3+$0xC230] =	vst v1  }
0x427: {  	[tilespmem:s3+$0xC240] =	vst v1  }
0x428: {  	[tilespmem:s3+$0xC250] =	vst v1  }
0x429: {  	[tilespmem:s3+$0xC260] =	vst v1  }
0x42a: {  	[tilespmem:s3+$0xC270] =	vst v1  }
0x42b: {  	[tilespmem:s3+$0xC280] =	vst v1  }
0x42c: {  	[tilespmem:s3+$0xC290] =	vst v1  }
0x42d: {  	[tilespmem:s3+$0xC2A0] =	vst v1  }
0x42e: {  	[tilespmem:s3+$0xC2B0] =	vst v1  }
0x42f: {  	[tilespmem:s3+$0xC2C0] =	vst v1  }
0x430: {  	[tilespmem:s3+$0xC2D0] =	vst v1  }
0x431: {  	[tilespmem:s3+$0xC2E0] =	vst v1  }
0x432: {  	[tilespmem:s3+$0xC2F0] =	vst v1  }
0x433: {  	[tilespmem:s3+$0xC300] =	vst v1  }
0x434: {  	[tilespmem:s3+$0xC310] =	vst v1  }
0x435: {  	[tilespmem:s3+$0xC320] =	vst v1  }
0x436: {  	[tilespmem:s3+$0xC330] =	vst v1  }
0x437: {  	[tilespmem:s3+$0xC340] =	vst v1  }
0x438: {  	[tilespmem:s3+$0xC350] =	vst v1  }
0x439: {  	[tilespmem:s3+$0xC360] =	vst v1  }
0x43a: {  	[tilespmem:s3+$0xC370] =	vst v1  }
0x43b: {  	[tilespmem:s3+$0xC380] =	vst v1  }
0x43c: {  	[tilespmem:s3+$0xC390] =	vst v1  }
.Ltmp14:
0x43d: {  	[tilespmem:s3+$0xC3A0] =	vst v1;
	(pc) =	sbr.rel @p0 .LBB2_30-.Ltmp14, $4  }
0x43e: {  	[tilespmem:s3+$0xC3B0] =	vst v1  }
0x43f: {  	[tilespmem:s3+$0xC3C0] =	vst v1  }
0x440: {  	[tilespmem:s3+$0xC3D0] =	vst v1  }
0x441: {  	[tilespmem:s3+$0xC3E0] =	vst v1;
	s3 =	sshra.s32 s1, $0x2;
	s1 =	sadd.s32 $0x800, s1  }
0x442: {  	[tilespmem:s3+$0xC3F0] =	vst v1  }
0x443: {  	[tilespmem:s3+$0xC200] =	vst v1  }
0x444: {  	[tilespmem:s3+$0xC210] =	vst v1  }
0x445: {  	[tilespmem:s3+$0xC220] =	vst v1  }
0x446: {  	[tilespmem:s3+$0xC230] =	vst v1  }
0x447: {  	[tilespmem:s3+$0xC240] =	vst v1  }
0x448: {  	[tilespmem:s3+$0xC250] =	vst v1  }
0x449: {  	[tilespmem:s3+$0xC260] =	vst v1  }
0x44a: {  	[tilespmem:s3+$0xC270] =	vst v1  }
0x44b: {  	[tilespmem:s3+$0xC280] =	vst v1  }
0x44c: {  	[tilespmem:s3+$0xC290] =	vst v1  }
0x44d: {  	[tilespmem:s3+$0xC2A0] =	vst v1  }
0x44e: {  	[tilespmem:s3+$0xC2B0] =	vst v1  }
0x44f: {  	[tilespmem:s3+$0xC2C0] =	vst v1  }
0x450: {  	[tilespmem:s3+$0xC2D0] =	vst v1  }
0x451: {  	[tilespmem:s3+$0xC2E0] =	vst v1  }
0x452: {  	[tilespmem:s3+$0xC2F0] =	vst v1  }
0x453: {  	[tilespmem:s3+$0xC300] =	vst v1  }
0x454: {  	[tilespmem:s3+$0xC310] =	vst v1  }
0x455: {  	[tilespmem:s3+$0xC320] =	vst v1  }
0x456: {  	[tilespmem:s3+$0xC330] =	vst v1  }
0x457: {  	[tilespmem:s3+$0xC340] =	vst v1  }
0x458: {  	[tilespmem:s3+$0xC350] =	vst v1  }
0x459: {  	[tilespmem:s3+$0xC360] =	vst v1;
	v6 =	vmov s0  }
0x45a: {  	[tilespmem:s3+$0xC370] =	vst v1;
	v6 =	vand.u32 $0x7F, v6  }
0x45b: {  	[tilespmem:s3+$0xC380] =	vst v1;
	v6 =	vbroadcast v6, $0x0  }
0x45c: {  	[tilespmem:s3+$0xC390] =	vst v1  }
0x45d: {  	[tilespmem:s3+$0xC3A0] =	vst v1;
	v7 =	vor.u32 v0, v6  }
0x45e: {  	[tilespmem:s3+$0xC3B0] =	vst v1;
	v8 =	vor.u32 v3, v6  }
0x45f: {  	[tilespmem:s3+$0xC3C0] =	vst v1;
	s1 =	simm.s32 $0x1  }
0x460: {  	[tilespmem:s3+$0xC3D0] =	vst v1;
	v10 =	vmov s1  }
0x461: {  	[tilespmem:s3+$0xC3E0] =	vst v1;
	v10 =	vand.u32 $0x7F, v10;
	v9 =	vor.u32 v5, v6  }
0x462: {  	v10 =	vbroadcast v10, $0x0;
	v7 =	vld.idx.msk [tilespmem:v7+s19+$0x0], $0xffff  }
0x463: {  	v6 =	vor.u32 v4, v6;
	v8 =	vld.idx.msk [tilespmem:v8+s19+$0x0], $0xffff  }
0x464: {  	v13 =	vor.u32 v5, v10;
	_ =	sdelay $0x1  }
0x465: {  	v9 =	vld.idx.msk [tilespmem:v9+s19+$0x0], $0xffff  }
0x466: {  	v11 =	vor.u32 v0, v10  }
0x467: {  	v12 =	vor.u32 v3, v10;
	v6 =	vld.idx.msk [tilespmem:v6+s19+$0x0], $0xffff  }
0x468: {  	v13 =	vld.idx.msk [tilespmem:v13+s19+$0x0], $0xffff  }
0x469: {  	v7 =	vld.idx.msk [tilespmem:v7+s16+$0x0], $0xffff  }
0x46a: {  	v14 =	vld.idx.msk [tilespmem:v8+s16+$0x0], $0xffff  }
0x46b: {  	v8 =	vor.u32 v4, v10;
	v10 =	vld.idx.msk [tilespmem:v11+s19+$0x0], $0xffff  }
0x46c: {  	s3 =	simm.s32 $0x2;
	v11 =	vld.idx.msk [tilespmem:v12+s19+$0x0], $0xffff  }
0x46d: {  	v12 =	vmov s3;
	v9 =	vld.idx.msk [tilespmem:v9+s16+$0x0], $0xffff  }
0x46e: {  	v12 =	vand.u32 $0x7F, v12  }
0x46f: {  	v17 =	vld.idx.msk [tilespmem:v6+s16+$0x0], $0xffff;
	v12 =	vbroadcast v12, $0x0;
	_ =	sdelay $0x1  }
0x470: {  	v19 =	vor.u32 v0, v12;
	v15 =	vor.u32 v5, v12;
	v6 =	vshll.u32 v7, $0x6;
	v18 =	vld.idx.msk [tilespmem:v8+s19+$0x0], $0xffff  }
0x471: {  	v7 =	vand.u32 $0x7F, v7;
	v8 =	vshll.u32 v9, $0x6;
	v6 =	vand.u32 $0xFFFFE000, v6  }
0x472: {  	v20 =	vand.u32 $0x7F, v14;
	v6 =	vor.u32 v6, v7;
	v7 =	vor.u32 v3, v12;
	v16 =	vld.idx.msk [tilespmem:v10+s16+$0x0], $0xffff  }
0x473: {  	v9 =	vand.u32 $0x7F, v9;
	v22 =	vshll.u32 v17, $0x6;
	v10 =	vand.u32 $0xFFFFE000, v8;
	v8 =	vld.idx.msk [tilespmem:v11+s16+$0x0], $0xffff  }
0x474: {  	v17 =	vand.u32 $0x7F, v17;
	v63 =	vand.u32 $0xFFFFE000, v22;
	v11 =	vld.idx.msk [tilespmem:v13+s16+$0x0], $0xffff;
	v9 =	vor.u32 v10, v9  }
0x475: {  	v21 =	vshll.u32 v14, $0x6;
	v13 =	vld.idx.msk [tilespmem:v19+s19+$0x0], $0xffff;
	v19 =	vor.u32 v63, v17;
	v17 =	vor.u32 v5, v9  }
0x476: {  	v14 =	vor.u32 v4, v12;
	v12 =	vand.u32 $0xFFFFE000, v21;
	v6 =	vor.u32 v0, v6  }
0x477: {  	v12 =	vor.u32 v12, v20;
	v10 =	vld.idx.msk [tilespmem:v7+s19+$0x0], $0xffff  }
0x478: {  	s0 =	simm.s32 $0x8;
	s1 =	simm.s32 $0x3;
	v9 =	vor.u32 v4, v19;
	v7 =	vor.u32 v3, v12;
	v12 =	vld.idx.msk [tilespmem:v18+s16+$0x0], $0xffff  }
.LBB2_32:
0x479: {  	v18 =	vmov s1;
	s0 =	sadd.s32 $0x4, s0;
	v19 =	vld.idx.msk [tilespmem:v15+s19+$0x0], $0xffff;
	v15 =	vshll.u32 v16, $0x6  }
0x47a: {  	v16 =	vand.u32 $0x7F, v16;
	v18 =	vand.u32 $0x7F, v18;
	p0 =	slt.u32 s0, $0xC4;
	v15 =	vand.u32 $0xFFFFE000, v15;
	[tilespmem:v17+s24+$0x0] =	vst.idx.add.f32.msk $0xffff, v2  }
0x47b: {  	v17 =	vbroadcast v18, $0x0;
	v15 =	vor.u32 v15, v16;
	v16 =	vshll.u32 v11, $0x6;
	[tilespmem:v6+s24+$0x0] =	vst.idx.add.f32.msk $0xffff, v2  }
0x47c: {  	v20 =	vand.u32 $0x7F, v8;
	v18 =	vld.idx.msk [tilespmem:v14+s19+$0x0], $0xffff;
	v6 =	vor.u32 v0, v15;
	v21 =	vand.u32 $0xFFFFE000, v16  }
0x47d: {  	v11 =	vand.u32 $0x7F, v11;
	v22 =	vor.u32 v0, v17;
	v15 =	vor.u32 v5, v17;
	[tilespmem:v9+s24+$0x0] =	vst.idx.add.f32.msk $0xffff, v2  }
0x47e: {  	v8 =	vshll.u32 v8, $0x6;
	v23 =	vor.u32 v3, v17;
	v9 =	vshll.u32 v12, $0x6;
	[tilespmem:v7+s24+$0x0] =	vst.idx.add.f32.msk $0xffff, v2  }
0x47f: {  	v14 =	vor.u32 v4, v17;
	v7 =	vand.u32 $0xFFFFE000, v8;
	v9 =	vand.u32 $0xFFFFE000, v9;
	v16 =	vld.idx.msk [tilespmem:v13+s16+$0x0], $0xffff  }
.Ltmp15:
0x480: {  	v7 =	vor.u32 v7, v20;
	v8 =	vld.idx.msk [tilespmem:v10+s16+$0x0], $0xffff;
	v10 =	vand.u32 $0x7F, v12;
	v12 =	vor.u32 v21, v11;
	(pc) =	sbr.rel @p0 .LBB2_32-.Ltmp15, $4  }
0x481: {  	v7 =	vor.u32 v3, v7;
	v11 =	vld.idx.msk [tilespmem:v19+s16+$0x0], $0xffff;
	v9 =	vor.u32 v9, v10;
	v17 =	vor.u32 v5, v12  }
0x482: {  	v13 =	vld.idx.msk [tilespmem:v22+s19+$0x0], $0xffff;
	v9 =	vor.u32 v4, v9  }
0x483: {  	v10 =	vld.idx.msk [tilespmem:v23+s19+$0x0], $0xffff  }
0x484: {  	s1 =	sadd.s32 $0x1, s1;
	v12 =	vld.idx.msk [tilespmem:v18+s16+$0x0], $0xffff  }
0x485: {  	_ =	sdelay $0x3  }
0x486: {  	v15 =	vld.idx.msk [tilespmem:v15+s19+$0x0], $0xffff  }
0x487: {  	v14 =	vld.idx.msk [tilespmem:v14+s19+$0x0], $0xffff;
	_ =	sdelay $0x1  }
0x488: {  	v18 =	vshll.u32 v16, $0x6  }
0x489: {  	v53 =	vand.u32 $0x7F, v16;
	v19 =	vand.u32 $0x7F, v8;
	v55 =	vshll.u32 v8, $0x6;
	v13 =	vld.idx.msk [tilespmem:v13+s16+$0x0], $0xffff  }
0x48a: {  	v18 =	vand.u32 $0xFFFFE000, v18;
	v54 =	vshll.u32 v11, $0x6;
	v56 =	vand.u32 $0x7F, v11;
	v10 =	vld.idx.msk [tilespmem:v10+s16+$0x0], $0xffff  }
0x48b: {  	v8 =	vand.u32 $0xFFFFE000, v55;
	v16 =	vor.u32 v18, v53;
	v18 =	vand.u32 $0xFFFFE000, v54  }
0x48c: {  	v8 =	vor.u32 v8, v19;
	v11 =	vor.u32 v18, v56;
	v57 =	vshll.u32 v12, $0x6  }
0x48d: {  	v16 =	vor.u32 v0, v16;
	v58 =	vand.u32 $0x7F, v12;
	v18 =	vand.u32 $0xFFFFE000, v57;
	v15 =	vld.idx.msk [tilespmem:v15+s16+$0x0], $0xffff  }
0x48e: {  	v8 =	vor.u32 v3, v8;
	v11 =	vor.u32 v5, v11;
	v12 =	vor.u32 v18, v58;
	v14 =	vld.idx.msk [tilespmem:v14+s16+$0x0], $0xffff  }
0x48f: {  	[tilespmem:v17+s24+$0x0] =	vst.idx.add.f32.msk $0xffff, v2;
	v59 =	vshll.u32 v13, $0x6;
	v13 =	vand.u32 $0x7F, v13;
	v62 =	vshll.u32 v10, $0x6  }
0x490: {  	[tilespmem:v9+s24+$0x0] =	vst.idx.add.f32.msk $0xffff, v2;
	v18 =	vand.u32 $0xFFFFE000, v59;
	v10 =	vand.u32 $0x7F, v10;
	v9 =	vand.u32 $0xFFFFE000, v62  }
0x491: {  	v12 =	vor.u32 v4, v12;
	v13 =	vor.u32 v18, v13;
	v9 =	vor.u32 v9, v10  }
0x492: {  	[tilespmem:v6+s24+$0x0] =	vst.idx.add.f32.msk $0xffff, v2;
	v6 =	vor.u32 v0, v13;
	v9 =	vor.u32 v3, v9;
	v60 =	vshll.u32 v15, $0x6  }
0x493: {  	[tilespmem:v7+s24+$0x0] =	vst.idx.add.f32.msk $0xffff, v2;
	v15 =	vand.u32 $0x7F, v15;
	v63 =	vshll.u32 v14, $0x6;
	v61 =	vand.u32 $0xFFFFE000, v60  }
0x494: {  	[tilespmem:v16+s24+$0x0] =	vst.idx.add.f32.msk $0xffff, v2;
	v14 =	vand.u32 $0x7F, v14;
	v7 =	vand.u32 $0xFFFFE000, v63;
	v13 =	vor.u32 v61, v15  }
0x495: {  	[tilespmem:v8+s24+$0x0] =	vst.idx.add.f32.msk $0xffff, v2;
	v7 =	vor.u32 v7, v14;
	v13 =	vor.u32 v5, v13  }
0x496: {  	[tilespmem:v11+s24+$0x0] =	vst.idx.add.f32.msk $0xffff, v2;
	v7 =	vor.u32 v4, v7  }
0x497: {  	[tilespmem:v12+s24+$0x0] =	vst.idx.add.f32.msk $0xffff, v2  }
0x498: {  	[tilespmem:v6+s24+$0x0] =	vst.idx.add.f32.msk $0xffff, v2  }
0x499: {  	[tilespmem:v9+s24+$0x0] =	vst.idx.add.f32.msk $0xffff, v2  }
0x49a: {  	[tilespmem:v13+s24+$0x0] =	vst.idx.add.f32.msk $0xffff, v2  }
0x49b: {  	[tilespmem:v7+s24+$0x0] =	vst.idx.add.f32.msk $0xffff, v2  }
0x49c: {  	s0 =	rddreg [dreg:$0x15]  }
0x49d: {  	[hbm4b:s0+s2] =	stream.linear.scatter [tilespmem:s24], [sflag:$0x2], $0x2000, $0x38;
	[tilespmem:$0x14200] =	vst v63  }
0x49e: {  	_ = 	snop  }
0x49f: {  	[hbm4b:s13+s2] =	stream.linear.scatter [tilespmem:s25], [sflag:$0x2], $0x2000, $0x38;
	[tilespmem:$0x14200] =	vst v63  }
0x4a0: {  	_ = 	snop  }
0x4a1: {  	[hbm4b:s14+s2] =	stream.linear.scatter [tilespmem:s26], [sflag:$0x2], $0x2000, $0x38;
	[tilespmem:$0x14200] =	vst v63  }
0x4a2: {  	_ = 	snop  }
0x4a3: {  	[hbm4b:s15+s2] =	stream.linear.scatter [tilespmem:s28], [sflag:$0x2], $0x2000, $0x38;
	[tilespmem:$0x14200] =	vst v63  }
0x4a4: {  	_ =	swait.ge [sflag:s29], $0x2000  }
0x4a5: {  	[sflag:s29] =	ssyncset.done $0x0  }
0x4a6: {  	[sflag:s29] =	ssyncadd.s32 $0xFFFFE000  }
0x4a7: {  	_ =	swait.ge [sflag:s29], $0x2000  }
0x4a8: {  	[sflag:s29] =	ssyncset.done $0x0  }
0x4a9: {  	[sflag:s29] =	ssyncadd.s32 $0xFFFFE000  }
0x4aa: {  	_ =	swait.ge [sflag:s29], $0x2000  }
0x4ab: {  	[sflag:s29] =	ssyncset.done $0x0  }
0x4ac: {  	[sflag:s29] =	ssyncadd.s32 $0xFFFFE000  }
0x4ad: {  	_ =	swait.ge [sflag:s29], $0x2000  }
0x4ae: {  	[sflag:s29] =	ssyncset.done $0x0  }
0x4af: {  	[sflag:s29] =	ssyncadd.s32 $0xFFFFE000  }
0x4b0: {  	_ =	swait.ge [sflag:s30], $0x2000  }
0x4b1: {  	[sflag:s30] =	ssyncset.done $0x0  }
0x4b2: {  	[sflag:s30] =	ssyncadd.s32 $0xFFFFE000  }
0x4b3: {  	_ =	swait.ge [sflag:s30], $0x2000  }
0x4b4: {  	[sflag:s30] =	ssyncset.done $0x0  }
0x4b5: {  	[sflag:s30] =	ssyncadd.s32 $0xFFFFE000  }
0x4b6: {  	_ =	swait.ge [sflag:s30], $0x2000  }
0x4b7: {  	[sflag:s30] =	ssyncset.done $0x0  }
0x4b8: {  	[sflag:s30] =	ssyncadd.s32 $0xFFFFE000  }
0x4b9: {  	_ =	swait.ge [sflag:s30], $0x2000  }
0x4ba: {  	s31 =	sadd.s32 $0x1, s31;
	s3 =	rddreg [dreg:$0x17]  }
0x4bb: {  	p0 =	sne.s32 s31, s3  }
.Ltmp16:
0x4bc: {  	_ = 	snop;
	(pc) =	sbr.rel @p0 .LBB2_1-.Ltmp16, $3  }
0x4bd: {  	_ =	sdelay $0x1  }
0x4be: {  	[sflag:s30] =	ssyncset.done $0x0  }
0x4bf: {  	[sflag:s30] =	ssyncadd.s32 $0xFFFFE000  }
0x4c0: {  	_ =	sfence.sel $0x180000  }
0x4c1: {  	[bflag:$0x0] =	sbarrier.arrive $0xFFFF  }
0x4c2: {  	_ =	strace $0x90000047  }
0x4c3: {  	s0 =	stileid.u32;
	[bflag:$0x2] =	sbarrier.arrive $0xFFFF  }
0x4c4: {  	p0 =	sne.s32 s0, $0x0;
	s0 =	rddreg [dreg:$0x2]  }
0x4c5: {  	s0 =	sadd.s32 @!p0 $0x100000, s0  }
0x4c6: {  	[sflag:s0] =	ssyncadd.tile.s32 @!p0 $0x1;
	_ =	shalt  }
.Lfunc_end2:
_tile_overlayer_lowered:
.L_overlay_start_2:
0x4c7: {  	(tag) =	ssettag $0x2  }
0x4c8: {  	s0 =	rddreg [dreg:$0x0];
	s2 =	stileid.u32  }
0x4c9: {  	s1 =	rddreg [dreg:$0x1];
	p0 =	sne.s32 s2, $0x0  }
0x4ca: {  	s3 =	rddreg [dreg:$0x2];
	[bflag:$0x3] =	sbarrier.arrive $0xFFFF;
	s2 =	simm.s32 @!p0 $0x1C04  }
0x4cb: {  	[timem:s3], [sflag:s2] =	dma.local @!p0 [hbm:s0], s1  }
0x4cc: {  	s0 =	simm.s32 @!p0 $0x4  }
0x4cd: {  	_ =	swait.ge @!p0 [sflag:s0], s1  }
0x4ce: {  	s1 =	ssub.s32 @!p0 $0x0, s1;
	[sflag:s0] =	ssyncset.done @!p0 $0x0  }
0x4cf: {  	[sflag:s0] =	ssyncadd.s32 @!p0 s1  }
0x4d0: {  	[bflag:$0x3] =	sbarrier.arrive $0xFFFF  }
0x4d1: {  	_ =	shalt  }

</sc_bundles>
